<compile_context>
chip_gen: v7x
topology: tpu7x:2x2x1
jax: 0.10.2.dev20260603
libtpu: 0.0.44.dev20260713+nightly
codegen_flags: <defaults>
</compile_context>

<pallas_src>
import functools

import jax
import jax.numpy as jnp
import numpy as np
from jax import lax
from jax.experimental import pallas as pl
from jax.experimental.pallas import tpu as pltpu
from jax.experimental.pallas import tpu_sc as plsc

N = 10000
F = 128
FO = 64
E = 320000
AVG_LOG = float(np.log(np.arange(4) + 1.0).sum() / 4.0)
EPS = 1e-5
ECHUNK = 8000
NEG = -3.0e38


def _bn_kernel(o_ref, g_ref, b_ref, out_ref, *, do_tanh):
    o = o_ref[...]
    mu = jnp.mean(o, axis=0, keepdims=True)
    var = jnp.mean(o * o, axis=0, keepdims=True) - mu * mu
    r = (o - mu) * jax.lax.rsqrt(var + EPS) * g_ref[...] + b_ref[...]
    if do_tanh:
        r = jnp.tanh(r)
    out_ref[...] = r


def _bn(o, gamma, beta, do_tanh):
    f = o.shape[1]
    return pl.pallas_call(
        functools.partial(_bn_kernel, do_tanh=do_tanh),
        out_shape=jax.ShapeDtypeStruct(o.shape, jnp.float32),
    )(o, gamma.reshape(1, f), beta.reshape(1, f))


def _mm_kernel(x_ref, w_ref, b_ref, o_ref):
    o_ref[...] = (
        jnp.dot(x_ref[...], w_ref[...], preferred_element_type=jnp.float32)
        + b_ref[...]
    )


def _mm(x, w, b):
    k, m = w.shape
    blk = 2000
    return pl.pallas_call(
        _mm_kernel,
        grid=(N // blk,),
        in_specs=[
            pl.BlockSpec((blk, k), lambda i: (i, 0)),
            pl.BlockSpec((k, m), lambda i: (0, 0)),
            pl.BlockSpec((1, m), lambda i: (0, 0)),
        ],
        out_specs=pl.BlockSpec((blk, m), lambda i: (i, 0)),
        out_shape=jax.ShapeDtypeStruct((x.shape[0], m), jnp.float32),
    )(x, w, b.reshape(1, m))



NHALF = 5120
NPAD = 2 * NHALF
NROWS = NHALF + 128
NG = E // 2048
GSUB = 128


def _seg_sc_kernel(src_hbm, d2d_hbm, xb_hbm, S_hbm, S2_hbm, cnt_hbm,
                   sbuf, d2d, t2d, rows, sq, ones, ssum, ssum2, scnt):
    cid = lax.axis_index("c")
    sid = lax.axis_index("s")
    lo = cid * NHALF
    lanes = lax.iota(jnp.int32, 16)

    def _z(i, _):
        sq[i // 8, pl.ds((i % 8) * 16, 16)] = jnp.zeros((16,), jnp.float32)
        return 0
    lax.fori_loop(0, GSUB * 8, _z, 0)

    def _zo(i, _):
        ones[pl.ds(i * 16, 16)] = jnp.zeros((16,), jnp.float32)
        return 0
    lax.fori_loop(0, 656 // 16, _zo, 0)

    zbase = pl.multiple_of(sid * 328, 8)
    for t, nr in ((0, 128), (1, 128), (2, 72)):
        pltpu.sync_copy(sq.at[pl.ds(0, nr)],
                        ssum.at[pl.ds(zbase + t * 128, nr)])
        pltpu.sync_copy(sq.at[pl.ds(0, nr)],
                        ssum2.at[pl.ds(zbase + t * 128, nr)])
    cbase = pl.multiple_of(sid * 656, 8)
    for t, nr in ((0, 128), (1, 128), (2, 128), (3, 128), (4, 128), (5, 16)):
        pltpu.sync_copy(ones.at[pl.ds(0, nr)],
                        scnt.at[pl.ds(cbase + t * 128, nr)])

    def _fo(i, _):
        ones[pl.ds(i * 16, 16)] = jnp.ones((16,), jnp.float32)
        return 0
    lax.fori_loop(0, 656 // 16, _fo, 0)
    plsc.subcore_barrier()

    def jbody(j, _):
        def tbody(t, _):
            d = d2d[j, pl.ds(t * 16, 16)]
            dl = d - lo
            ok = (dl >= 0) & (dl < NHALF)
            t2d[j, pl.ds(t * 16, 16)] = jnp.where(ok, dl, NHALF + lanes)
            return 0
        lax.fori_loop(0, 8, tbody, 0)
        jo = pl.multiple_of(j * GSUB, 8)
        pltpu.sync_copy(xb_hbm.at[sbuf.at[pl.ds(jo, GSUB)]], rows)

        def qbody(e, _):
            for kk in range(8):
                r = rows[e, pl.ds(kk * 16, 16)]
                sq[e, pl.ds(kk * 16, 16)] = r * r
            return 0
        lax.fori_loop(0, GSUB, qbody, 0)

        pltpu.sync_copy(rows, ssum.at[t2d.at[j]], add=True)
        pltpu.sync_copy(sq, ssum2.at[t2d.at[j]], add=True)

        @pl.when(cid == 0)
        def _():
            pltpu.sync_copy(ones.at[pl.ds(0, GSUB)], scnt.at[d2d.at[j]],
                            add=True)
        return 0

    def gbody(gi, _):
        g = sid + 16 * gi

        @pl.when(g < NG)
        def _():
            goff = pl.multiple_of(g * 2048, 8)
            pltpu.sync_copy(src_hbm.at[pl.ds(goff, 2048)], sbuf)
            gr = pl.multiple_of(g * 16, 8)
            pltpu.sync_copy(d2d_hbm.at[pl.ds(gr, 16)], d2d)
            lax.fori_loop(0, 16, jbody, 0)
        return 0
    lax.fori_loop(0, (NG + 15) // 16, gbody, 0)

    @pl.when(sid == 15)
    def _():
        pltpu.sync_copy(src_hbm.at[pl.ds(NG * 2048, 512)],
                        sbuf.at[pl.ds(0, 512)])
        pltpu.sync_copy(d2d_hbm.at[pl.ds(NG * 16, 4)], d2d.at[pl.ds(0, 4)])
        lax.fori_loop(0, 4, jbody, 0)

    plsc.subcore_barrier()

    mbase = pl.multiple_of(sid * 320, 8)
    obase = pl.multiple_of(cid * NHALF + sid * 320, 8)
    pltpu.sync_copy(ssum.at[pl.ds(mbase, 320)], S_hbm.at[pl.ds(obase, 320)])
    pltpu.sync_copy(ssum2.at[pl.ds(mbase, 320)], S2_hbm.at[pl.ds(obase, 320)])

    @pl.when(cid == 0)
    def _():
        nbase = pl.multiple_of(sid * 640, 8)
        pltpu.sync_copy(scnt.at[pl.ds(nbase, 640)],
                        cnt_hbm.at[pl.ds(nbase, 640)])


def _seg_sc(src, d2d, xb):
    shp = jax.ShapeDtypeStruct((NPAD, F), jnp.float32)
    mesh = plsc.VectorSubcoreMesh(core_axis_name="c", subcore_axis_name="s")
    f = pl.kernel(
        _seg_sc_kernel,
        mesh=mesh,
        out_type=[shp, shp, jax.ShapeDtypeStruct((NPAD,), jnp.float32)],
        scratch_types=[
            pltpu.VMEM((2048,), jnp.int32),
            pltpu.VMEM((16, GSUB), jnp.int32),
            pltpu.VMEM((16, GSUB), jnp.int32),
            pltpu.VMEM((GSUB, F), jnp.float32),
            pltpu.VMEM((GSUB, F), jnp.float32),
            pltpu.VMEM((656,), jnp.float32),
            pltpu.VMEM_SHARED((NROWS, F), jnp.float32),
            pltpu.VMEM_SHARED((NROWS, F), jnp.float32),
            pltpu.VMEM_SHARED((16 * 656,), jnp.float32),
        ],
    )
    return f(src, d2d, xb)



ECHUNK = 8000


def _segmax_kernel(eb_ref, xb_ref, M_ref, M2_ref, M3_ref, M4_ref):
    step = pl.program_id(0)
    accs = (M_ref, M2_ref, M3_ref, M4_ref)

    @pl.when(step == 0)
    def _init():
        for a in accs:
            a[...] = jnp.full_like(a, NEG)

    def body(i, _):
        for u in range(8):
            s = eb_ref[0, 0, i * 8 + u]
            d = eb_ref[0, 1, i * 8 + u]
            row = xb_ref[pl.ds(s, 1), :]
            acc = accs[u % 4]
            acc[pl.ds(d, 1), :] = jnp.maximum(acc[pl.ds(d, 1), :], row)
        return 0

    jax.lax.fori_loop(0, ECHUNK // 8, body, 0)

    @pl.when(step == pl.num_programs(0) - 1)
    def _merge():
        M_ref[...] = jnp.maximum(jnp.maximum(M_ref[...], M2_ref[...]),
                                 jnp.maximum(M3_ref[...], M4_ref[...]))


def _segmax(ei3, xb):
    return pl.pallas_call(
        _segmax_kernel,
        grid=(E // ECHUNK,),
        in_specs=[
            pl.BlockSpec((1, 2, ECHUNK), lambda i: (i, 0, 0),
                         memory_space=pltpu.SMEM),
            pl.BlockSpec((N, F), lambda i: (0, 0)),
        ],
        out_specs=pl.BlockSpec((N, F), lambda i: (0, 0)),
        out_shape=jax.ShapeDtypeStruct((N, F), jnp.float32),
        scratch_shapes=[pltpu.VMEM((N, F), jnp.float32)] * 3,
    )(ei3, xb)


def _tail_kernel(xn_ref, xa_ref, S_ref, S2_ref, M_ref, cnt_ref, w_ref, b_ref,
                 o_ref):
    cnt = cnt_ref[:, :1]
    cnt_c = jnp.maximum(cnt, 1.0)
    inv = 1.0 / cnt_c
    ind = (cnt > 0.0).astype(jnp.float32)
    xa = xa_ref[...]
    Sm = S_ref[...] * inv
    mean = ind * xa + Sm
    std = jnp.sqrt(jax.nn.relu(S2_ref[...] * inv - Sm * Sm) + 1e-5)
    mx = jnp.where(cnt > 0.0, xa + M_ref[...], 0.0)
    amp = jnp.log(cnt_c + 1.0) * (1.0 / AVG_LOG)
    feat = jnp.concatenate(
        [xn_ref[...], amp * mean, amp * std, amp * mx, mean, std, mx], axis=1)
    o_ref[...] = (
        jnp.dot(feat, w_ref[...], preferred_element_type=jnp.float32)
        + b_ref[...]
    )


def _tail(xn, xa, S, S2, M, cnt, Wc, bc):
    blk = 2000
    return pl.pallas_call(
        _tail_kernel,
        grid=(N // blk,),
        in_specs=[pl.BlockSpec((blk, F), lambda i: (i, 0))] * 5
        + [
            pl.BlockSpec((blk, 1), lambda i: (i, 0)),
            pl.BlockSpec((7 * F, FO), lambda i: (0, 0)),
            pl.BlockSpec((1, FO), lambda i: (0, 0)),
        ],
        out_specs=pl.BlockSpec((blk, FO), lambda i: (i, 0)),
        out_shape=jax.ShapeDtypeStruct((N, FO), jnp.float32),
    )(xn, xa, S, S2, M, cnt, Wc, bc.reshape(1, FO))


def _fold_weights(p):
    W = p["post_W"]
    W0 = W[:F]
    blk = [W[F + i * 4 * F: F + (i + 1) * 4 * F] for i in range(4)]
    Ws = blk[0] + blk[1] + blk[2]
    Wc = jnp.concatenate(
        [W0, Ws[:F] + Ws[F:2 * F], Ws[2 * F:3 * F], Ws[3 * F:],
         blk[3][:F] + blk[3][F:2 * F], blk[3][2 * F:3 * F], blk[3][3 * F:]],
        axis=0)
    Wc = Wc @ p["lin_W"]
    bc = p["post_b"] @ p["lin_W"] + p["lin_b"]
    return Wc, bc


def kernel(x, edge_index_p, edge_index_s, edge_index_v, params):
    xn = _bn(x, params["in_gamma"], params["in_beta"], do_tanh=False)

    Wcat = jnp.concatenate(
        [params[r]["pre_W"] for r in ("p", "s", "v")], axis=1)
    A = Wcat[:F]
    B = Wcat[F:]
    bcat = jnp.concatenate(
        [params[r]["pre_b"] for r in ("p", "s", "v")]
        + [jnp.zeros((3 * F,), jnp.float32)])
    XAB = _mm(xn, jnp.concatenate([A, B], axis=1), bcat)

    eis = (edge_index_p, edge_index_s, edge_index_v)
    XBs = [XAB[:, 3 * F + F * k: 3 * F + F * k + F] for k in range(3)]
    segs = [_seg_sc(ei[0], ei[1].reshape(E // GSUB, GSUB), XB)
            for ei, XB in zip(eis, XBs)]
    Ms = [_segmax(ei.reshape(2, E // ECHUNK, ECHUNK).transpose(1, 0, 2), XB)
          for ei, XB in zip(eis, XBs)]

    outs = []
    for k, (r, ei) in enumerate(zip(("p", "s", "v"), eis)):
        p = params[r]
        XA = XAB[:, F * k: F * k + F]
        S, S2, cnt = segs[k]
        M = Ms[k]
        Wc, bc = _fold_weights(p)
        o = _tail(xn, XA, S[:N], S2[:N], M, cnt[:N].reshape(N, 1), Wc, bc)
        outs.append(_bn(o, p["bn_gamma"], p["bn_beta"], do_tanh=True))
    return tuple(outs)

# --- scband reference (transcript-rebuilt; emitter-appended) ---
"""Pipeline reference for scband-gae-encoder-pna-36429912605479 (READ-ONLY COPY).

The authoritative reference and input builder live on the scoring server;
editing this copy changes nothing except your own understanding.
"""

import jax, jax.numpy as jnp
import numpy as np

N = 10000
F_IN = 128
F_OUT = 64
E = 320000
# deg histogram = [1,1,1,1] over degrees 0..3 -> avg_deg['log'] = mean(log(d+1))
AVG_LOG = float(np.log(np.arange(4) + 1.0).sum() / 4.0)
EPS = 1e-5


def _branch_params(key, f_in, f_out):
    k1, k2, k3 = jax.random.split(key, 3)
    return {
        "pre_W": jax.random.normal(k1, (2 * f_in, f_in), jnp.float32) / np.sqrt(2.0 * f_in),
        "pre_b": jnp.zeros((f_in,), jnp.float32),
        "post_W": jax.random.normal(k2, (17 * f_in, f_out), jnp.float32) / np.sqrt(17.0 * f_in),
        "post_b": jnp.zeros((f_out,), jnp.float32),
        "lin_W": jax.random.normal(k3, (f_out, f_out), jnp.float32) / np.sqrt(1.0 * f_out),
        "lin_b": jnp.zeros((f_out,), jnp.float32),
        "bn_gamma": jnp.ones((f_out,), jnp.float32),
        "bn_beta": jnp.zeros((f_out,), jnp.float32),
    }


def setup_inputs(seed: int = 0):
    key = jax.random.key(seed)
    kx, kp, ks, kv, kbp, kbs, kbv = jax.random.split(key, 7)
    params = {
        "in_gamma": jnp.ones((F_IN,), jnp.float32),
        "in_beta": jnp.zeros((F_IN,), jnp.float32),
        "p": _branch_params(kbp, F_IN, F_OUT),
        "s": _branch_params(kbs, F_IN, F_OUT),
        "v": _branch_params(kbv, F_IN, F_OUT),
    }
    return {
        "x": jax.random.normal(kx, (N, F_IN), jnp.float32),
        "edge_index_p": jax.random.randint(kp, (2, E), 0, N, jnp.int32),
        "edge_index_s": jax.random.randint(ks, (2, E), 0, N, jnp.int32),
        "edge_index_v": jax.random.randint(kv, (2, E), 0, N, jnp.int32),
        "params": params,
    }


def _batch_norm(h, gamma, beta):
    # training-mode BatchNorm1d: batch statistics, biased variance
    mu = h.mean(axis=0)
    var = h.var(axis=0)
    return (h - mu) / jnp.sqrt(var + EPS) * gamma + beta


def _pna_conv(x, edge_index, p):
    # PyG PNAConv, towers=1, pre_layers=1, post_layers=1, divide_input=False, no edge features
    src = edge_index[0]
    dst = edge_index[1]
    n = x.shape[0]
    # message: pre_nn(cat[x_i, x_j])
    h = jnp.concatenate([x[dst], x[src]], axis=-1) @ p["pre_W"] + p["pre_b"]
    cnt = jax.ops.segment_sum(jnp.ones((dst.shape[0],), x.dtype), dst, num_segments=n)[:, None]
    cnt_c = jnp.clip(cnt, 1.0)
    mean = jax.ops.segment_sum(h, dst, num_segments=n) / cnt_c
    mean2 = jax.ops.segment_sum(h * h, dst, num_segments=n) / cnt_c
    std = jnp.sqrt(jax.nn.relu(mean2 - mean * mean) + 1e-5)
    mx = jax.ops.segment_max(h, dst, num_segments=n)
    mx = jnp.where(cnt > 0, mx, 0.0)
    # aggregators: ['mean', 'mean', 'std', 'max']
    agg = jnp.concatenate([mean, mean, std, mx], axis=-1)
    # scalers: ['amplification', 'amplification', 'amplification', 'identity']
    amp = jnp.log(cnt_c + 1.0) / AVG_LOG
    scaled = jnp.concatenate([agg * amp, agg * amp, agg * amp, agg], axis=-1)
    out = jnp.concatenate([x, scaled], axis=-1)  # (4 aggr * 4 scalers + 1) * F_in = 17*F_in
    out = out @ p["post_W"] + p["post_b"]
    return out @ p["lin_W"] + p["lin_b"]


def _forward(x, eis, params):
    xn = _batch_norm(x, params["in_gamma"], params["in_beta"])
    outs = []
    for name, ei in zip(("p", "s", "v"), eis):
        bp = params[name]
        h = _pna_conv(xn, ei, bp)
        h = _batch_norm(h, bp["bn_gamma"], bp["bn_beta"])
        outs.append(jnp.tanh(h))
    return tuple(outs)


def reference(x, edge_index_p, edge_index_s, edge_index_v, params):
    return _forward(x, (edge_index_p, edge_index_s, edge_index_v), params)

if __name__ == "__main__":
    import jax
    _d = setup_inputs()
    print(jax.jit(kernel)(*tuple(_d.values())))

</pallas_src>

<mosaic_0001>
#map = affine_map<(d0, d1) -> (0)>
#map1 = affine_map<(d0, d1) -> (0, 0)>
module attributes {stable_mosaic.version = 14 : i64} {
  func.func @_seg_sc_kernel(%arg0: i32, %arg1: i32, %arg2: memref<320000xi32, #tpu.memory_space<hbm>>, %arg3: memref<2500x128xi32, #tpu.memory_space<hbm>>, %arg4: memref<10000x128xf32, #tpu.memory_space<hbm>>, %arg5: memref<10240x128xf32, #tpu.memory_space<hbm>>, %arg6: memref<10240x128xf32, #tpu.memory_space<hbm>>, %arg7: memref<10240xf32, #tpu.memory_space<hbm>>, %arg8: memref<2048xi32, #tpu.memory_space<vmem>>, %arg9: memref<16x128xi32, #tpu.memory_space<vmem>>, %arg10: memref<16x128xi32, #tpu.memory_space<vmem>>, %arg11: memref<128x128xf32, #tpu.memory_space<vmem>>, %arg12: memref<128x128xf32, #tpu.memory_space<vmem>>, %arg13: memref<656xf32, #tpu.memory_space<vmem>>, %arg14: memref<5248x128xf32, #tpu.memory_space<vmem_shared>>, %arg15: memref<5248x128xf32, #tpu.memory_space<vmem_shared>>, %arg16: memref<10496xf32, #tpu.memory_space<vmem_shared>>) attributes {dimension_semantics = [#tpu.dimension_semantics<core_parallel>, #tpu.dimension_semantics<subcore_parallel>], iteration_bounds = array<i64: 2, 16>, scalar_prefetch = 0 : i64, scratch_operands = 9 : i64, tpu.core_type = #tpu.core_type<sc_vector_subcore>, window_params = [{transform_indices = #map}, {transform_indices = #map1}, {transform_indices = #map1}, {transform_indices = #map1}, {transform_indices = #map1}, {transform_indices = #map}]} {
    %mul3A = arith.constant 5120 : i32
    %mul3A_0 = arith.muli %arg0, %mul3A : i32
    %iota3A = tpu.iota {dimensions = array<i32: 0>} : vector<16xi32>
    %scan3A = arith.constant 0 : i32
    %scan3A_1 = arith.constant 0 : i32
    %scan3A_2 = arith.constant 1024 : i32
    %scan3A_3 = arith.addi %scan3A_1, %scan3A_2 : i32
    %scan3A_4 = arith.constant 1 : i32
    %scan3A_5 = scf.for %scan3A_73 = %scan3A_1 to %scan3A_3 step %scan3A_4 iter_args(%scan3A_74 = %scan3A) -> (i32)  : i32 {
      %broadcast_in_dim3A = arith.constant 0.000000e+00 : f32
      %broadcast_in_dim3A_75 = vector.broadcast %broadcast_in_dim3A : f32 to vector<16xf32>
      %jit3A = arith.constant 8 : i32
      %div3A = arith.divsi %scan3A_73, %jit3A : i32
      %sign3A = arith.constant 0 : i32
      %sign3A_76 = arith.cmpi sgt, %scan3A_73, %sign3A : i32
      %sign3A_77 = arith.extui %sign3A_76 : i1 to i32
      %sign3A_78 = arith.constant 0 : i32
      %sign3A_79 = arith.cmpi slt, %scan3A_73, %sign3A_78 : i32
      %sign3A_80 = arith.extui %sign3A_79 : i1 to i32
      %sign3A_81 = arith.subi %sign3A_77, %sign3A_80 : i32
      %sign3A_82 = arith.constant 0 : i32
      %sign3A_83 = arith.cmpi sgt, %jit3A, %sign3A_82 : i32
      %sign3A_84 = arith.extui %sign3A_83 : i1 to i32
      %sign3A_85 = arith.constant 0 : i32
      %sign3A_86 = arith.cmpi slt, %jit3A, %sign3A_85 : i32
      %sign3A_87 = arith.extui %sign3A_86 : i1 to i32
      %sign3A_88 = arith.subi %sign3A_84, %sign3A_87 : i32
      %ne3A = arith.cmpi ne, %sign3A_81, %sign3A_88 : i32
      %rem3A = arith.remsi %scan3A_73, %jit3A : i32
      %ne3A_89 = arith.constant 0 : i32
      %ne3A_90 = arith.cmpi ne, %rem3A, %ne3A_89 : i32
      %and3A = arith.andi %ne3A, %ne3A_90 : i1
      %sub3A = arith.constant 1 : i32
      %sub3A_91 = arith.subi %div3A, %sub3A : i32
      %select_n3A = arith.select %and3A, %sub3A_91, %div3A : i32
      %jit3A_92 = arith.constant 8 : i32
      %eq3A_93 = arith.constant 0 : i32
      %eq3A_94 = arith.cmpi eq, %jit3A_92, %eq3A_93 : i32
      %jit3A_95 = arith.constant 1 : i32
      %select_n3A_96 = arith.select %eq3A_94, %jit3A_95, %jit3A_92 : i32
      %rem3A_97 = arith.remsi %scan3A_73, %select_n3A_96 : i32
      %ne3A_98 = arith.constant 0 : i32
      %ne3A_99 = arith.cmpi ne, %rem3A_97, %ne3A_98 : i32
      %lt3A = arith.constant 0 : i32
      %lt3A_100 = arith.cmpi slt, %rem3A_97, %lt3A : i32
      %lt3A_101 = arith.constant 0 : i32
      %lt3A_102 = arith.cmpi slt, %select_n3A_96, %lt3A_101 : i32
      %ne3A_103 = arith.xori %lt3A_100, %lt3A_102 : i1
      %and3A_104 = arith.andi %ne3A_103, %ne3A_99 : i1
      %add3A_105 = arith.addi %rem3A_97, %select_n3A_96 : i32
      %select_n3A_106 = arith.select %and3A_104, %add3A_105, %rem3A_97 : i32
      %mul3A_107 = arith.constant 16 : i32
      %mul3A_108 = arith.muli %select_n3A_106, %mul3A_107 : i32
      %swap3A = arith.index_cast %select_n3A : i32 to index
      %swap3A_109 = arith.index_cast %mul3A_108 : i32 to index
      %swap3A_110 = tpu.vector_load %arg12[%swap3A, %swap3A_109] {strides = array<i32>} : memref<128x128xf32, #tpu.memory_space<vmem>>, vector<1x16xf32>,
      %swap3A_111 = vector.shape_cast %swap3A_110 : vector<1x16xf32> to vector<16xf32>
      %swap3A_112 = vector.shape_cast %broadcast_in_dim3A_75 : vector<16xf32> to vector<1x16xf32>
      tpu.vector_store %arg12[%swap3A, %swap3A_109], %swap3A_112 {strides = array<i32>} : memref<128x128xf32, #tpu.memory_space<vmem>>, vector<1x16xf32>,
      %scan3A_113 = arith.constant 0 : i32
      scf.yield %scan3A_113 : i32
    }
    %scan3A_6 = arith.constant 1024 : i32
    %scan3A_7 = arith.constant 0 : i32
    %scan3A_8 = arith.constant 0 : i32
    %scan3A_9 = arith.constant 41 : i32
    %scan3A_10 = arith.addi %scan3A_8, %scan3A_9 : i32
    %scan3A_11 = arith.constant 1 : i32
    %scan3A_12 = scf.for %scan3A_73 = %scan3A_8 to %scan3A_10 step %scan3A_11 iter_args(%scan3A_74 = %scan3A_7) -> (i32)  : i32 {
      %broadcast_in_dim3A = arith.constant 0.000000e+00 : f32
      %broadcast_in_dim3A_75 = vector.broadcast %broadcast_in_dim3A : f32 to vector<16xf32>
      %mul3A_76 = arith.constant 16 : i32
      %mul3A_77 = arith.muli %scan3A_73, %mul3A_76 : i32
      %swap3A = arith.index_cast %mul3A_77 : i32 to index
      %swap3A_78 = tpu.vector_load %arg13[%swap3A] {strides = array<i32>} : memref<656xf32, #tpu.memory_space<vmem>>, vector<16xf32>,
      %swap3A_79 = vector.shape_cast %swap3A_78 : vector<16xf32> to vector<16xf32>
      %swap3A_80 = vector.shape_cast %broadcast_in_dim3A_75 : vector<16xf32> to vector<16xf32>
      tpu.vector_store %arg13[%swap3A], %swap3A_80 {strides = array<i32>} : memref<656xf32, #tpu.memory_space<vmem>>, vector<16xf32>,
      %scan3A_81 = arith.constant 0 : i32
      scf.yield %scan3A_81 : i32
    }
    %scan3A_13 = arith.constant 41 : i32
    %mul3A_14 = arith.constant 328 : i32
    %mul3A_15 = arith.muli %arg1, %mul3A_14 : i32
    %multiple_of3A = tpu.assume_multiple %mul3A_15, 8 : i32
    %add3A = arith.constant 0 : i32
    %add3A_16 = arith.addi %multiple_of3A, %add3A : i32
    "tpu.region"() ({
      %run_scoped3A = tpu.sem_alloc : memref<!tpu.dma_semaphore, #tpu.memory_space<semaphore_mem>>
      %dma_start3A = arith.constant 0 : i32
      %dma_start3A_73 = arith.constant 0 : i32
      %dma_start3A_74 = tpu.memref_slice %arg12[%dma_start3A, %dma_start3A_73] : memref<128x128xf32, #tpu.memory_space<vmem>> -> memref<128x128xf32, #tpu.memory_space<vmem>>
      %dma_start3A_75 = arith.constant 0 : i32
      %dma_start3A_76 = tpu.memref_slice %arg14[%add3A_16, %dma_start3A_75] : memref<5248x128xf32, #tpu.memory_space<vmem_shared>> -> memref<128x128xf32, #tpu.memory_space<vmem_shared>>
      %dma_start3A_77 = arith.constant 0 : i32
      %dma_start3A_78 = tpu.memref_slice %arg14[%add3A_16, %dma_start3A_77] : memref<5248x128xf32, #tpu.memory_space<vmem_shared>> -> memref<128x128xf32, #tpu.memory_space<vmem_shared>>
      %dma_start3A_79 = arith.constant 0 : i32
      %dma_start3A_80 = arith.constant 0 : i32
      %dma_start3A_81 = tpu.memref_slice %arg12[%dma_start3A_79, %dma_start3A_80] : memref<128x128xf32, #tpu.memory_space<vmem>> -> memref<128x128xf32, #tpu.memory_space<vmem>>
      tpu.enqueue_dma source(%dma_start3A_81 : memref<128x128xf32, #tpu.memory_space<vmem>>) target(%dma_start3A_78 : memref<128x128xf32, #tpu.memory_space<vmem_shared>>) target_semaphore(%run_scoped3A : memref<!tpu.dma_semaphore, #tpu.memory_space<semaphore_mem>>)
      %dma_wait3A = arith.constant 0 : i32
      %dma_wait3A_82 = arith.constant 0 : i32
      %dma_wait3A_83 = tpu.memref_slice %arg12[%dma_wait3A, %dma_wait3A_82] : memref<128x128xf32, #tpu.memory_space<vmem>> -> memref<128x128xf32, #tpu.memory_space<vmem>>
      %dma_wait3A_84 = arith.constant 0 : i32
      %dma_wait3A_85 = tpu.memref_slice %arg14[%add3A_16, %dma_wait3A_84] : memref<5248x128xf32, #tpu.memory_space<vmem_shared>> -> memref<128x128xf32, #tpu.memory_space<vmem_shared>>
      %dma_wait3A_86 = arith.constant 0 : i32
      %dma_wait3A_87 = tpu.memref_slice %arg14[%add3A_16, %dma_wait3A_86] : memref<5248x128xf32, #tpu.memory_space<vmem_shared>> -> memref<128x128xf32, #tpu.memory_space<vmem_shared>>
      %dma_wait3A_88 = arith.constant 0 : i32
      %dma_wait3A_89 = arith.constant 0 : i32
      %dma_wait3A_90 = tpu.memref_slice %arg12[%dma_wait3A_88, %dma_wait3A_89] : memref<128x128xf32, #tpu.memory_space<vmem>> -> memref<128x128xf32, #tpu.memory_space<vmem>>
      tpu.wait_dma2 semaphore(%run_scoped3A : memref<!tpu.dma_semaphore, #tpu.memory_space<semaphore_mem>>) src(%dma_wait3A_90 : memref<128x128xf32, #tpu.memory_space<vmem>>) dst(%dma_wait3A_87 : memref<128x128xf32, #tpu.memory_space<vmem_shared>>)
      tpu.yield
    }) : () -> ()
    %add3A_17 = arith.constant 0 : i32
    %add3A_18 = arith.addi %multiple_of3A, %add3A_17 : i32
    "tpu.region"() ({
      %run_scoped3A = tpu.sem_alloc : memref<!tpu.dma_semaphore, #tpu.memory_space<semaphore_mem>>
      %dma_start3A = arith.constant 0 : i32
      %dma_start3A_73 = arith.constant 0 : i32
      %dma_start3A_74 = tpu.memref_slice %arg12[%dma_start3A, %dma_start3A_73] : memref<128x128xf32, #tpu.memory_space<vmem>> -> memref<128x128xf32, #tpu.memory_space<vmem>>
      %dma_start3A_75 = arith.constant 0 : i32
      %dma_start3A_76 = tpu.memref_slice %arg15[%add3A_18, %dma_start3A_75] : memref<5248x128xf32, #tpu.memory_space<vmem_shared>> -> memref<128x128xf32, #tpu.memory_space<vmem_shared>>
      %dma_start3A_77 = arith.constant 0 : i32
      %dma_start3A_78 = tpu.memref_slice %arg15[%add3A_18, %dma_start3A_77] : memref<5248x128xf32, #tpu.memory_space<vmem_shared>> -> memref<128x128xf32, #tpu.memory_space<vmem_shared>>
      %dma_start3A_79 = arith.constant 0 : i32
      %dma_start3A_80 = arith.constant 0 : i32
      %dma_start3A_81 = tpu.memref_slice %arg12[%dma_start3A_79, %dma_start3A_80] : memref<128x128xf32, #tpu.memory_space<vmem>> -> memref<128x128xf32, #tpu.memory_space<vmem>>
      tpu.enqueue_dma source(%dma_start3A_81 : memref<128x128xf32, #tpu.memory_space<vmem>>) target(%dma_start3A_78 : memref<128x128xf32, #tpu.memory_space<vmem_shared>>) target_semaphore(%run_scoped3A : memref<!tpu.dma_semaphore, #tpu.memory_space<semaphore_mem>>)
      %dma_wait3A = arith.constant 0 : i32
      %dma_wait3A_82 = arith.constant 0 : i32
      %dma_wait3A_83 = tpu.memref_slice %arg12[%dma_wait3A, %dma_wait3A_82] : memref<128x128xf32, #tpu.memory_space<vmem>> -> memref<128x128xf32, #tpu.memory_space<vmem>>
      %dma_wait3A_84 = arith.constant 0 : i32
      %dma_wait3A_85 = tpu.memref_slice %arg15[%add3A_18, %dma_wait3A_84] : memref<5248x128xf32, #tpu.memory_space<vmem_shared>> -> memref<128x128xf32, #tpu.memory_space<vmem_shared>>
      %dma_wait3A_86 = arith.constant 0 : i32
      %dma_wait3A_87 = tpu.memref_slice %arg15[%add3A_18, %dma_wait3A_86] : memref<5248x128xf32, #tpu.memory_space<vmem_shared>> -> memref<128x128xf32, #tpu.memory_space<vmem_shared>>
      %dma_wait3A_88 = arith.constant 0 : i32
      %dma_wait3A_89 = arith.constant 0 : i32
      %dma_wait3A_90 = tpu.memref_slice %arg12[%dma_wait3A_88, %dma_wait3A_89] : memref<128x128xf32, #tpu.memory_space<vmem>> -> memref<128x128xf32, #tpu.memory_space<vmem>>
      tpu.wait_dma2 semaphore(%run_scoped3A : memref<!tpu.dma_semaphore, #tpu.memory_space<semaphore_mem>>) src(%dma_wait3A_90 : memref<128x128xf32, #tpu.memory_space<vmem>>) dst(%dma_wait3A_87 : memref<128x128xf32, #tpu.memory_space<vmem_shared>>)
      tpu.yield
    }) : () -> ()
    %add3A_19 = arith.constant 128 : i32
    %add3A_20 = arith.addi %multiple_of3A, %add3A_19 : i32
    "tpu.region"() ({
      %run_scoped3A = tpu.sem_alloc : memref<!tpu.dma_semaphore, #tpu.memory_space<semaphore_mem>>
      %dma_start3A = arith.constant 0 : i32
      %dma_start3A_73 = arith.constant 0 : i32
      %dma_start3A_74 = tpu.memref_slice %arg12[%dma_start3A, %dma_start3A_73] : memref<128x128xf32, #tpu.memory_space<vmem>> -> memref<128x128xf32, #tpu.memory_space<vmem>>
      %dma_start3A_75 = arith.constant 0 : i32
      %dma_start3A_76 = tpu.memref_slice %arg14[%add3A_20, %dma_start3A_75] : memref<5248x128xf32, #tpu.memory_space<vmem_shared>> -> memref<128x128xf32, #tpu.memory_space<vmem_shared>>
      %dma_start3A_77 = arith.constant 0 : i32
      %dma_start3A_78 = tpu.memref_slice %arg14[%add3A_20, %dma_start3A_77] : memref<5248x128xf32, #tpu.memory_space<vmem_shared>> -> memref<128x128xf32, #tpu.memory_space<vmem_shared>>
      %dma_start3A_79 = arith.constant 0 : i32
      %dma_start3A_80 = arith.constant 0 : i32
      %dma_start3A_81 = tpu.memref_slice %arg12[%dma_start3A_79, %dma_start3A_80] : memref<128x128xf32, #tpu.memory_space<vmem>> -> memref<128x128xf32, #tpu.memory_space<vmem>>
      tpu.enqueue_dma source(%dma_start3A_81 : memref<128x128xf32, #tpu.memory_space<vmem>>) target(%dma_start3A_78 : memref<128x128xf32, #tpu.memory_space<vmem_shared>>) target_semaphore(%run_scoped3A : memref<!tpu.dma_semaphore, #tpu.memory_space<semaphore_mem>>)
      %dma_wait3A = arith.constant 0 : i32
      %dma_wait3A_82 = arith.constant 0 : i32
      %dma_wait3A_83 = tpu.memref_slice %arg12[%dma_wait3A, %dma_wait3A_82] : memref<128x128xf32, #tpu.memory_space<vmem>> -> memref<128x128xf32, #tpu.memory_space<vmem>>
      %dma_wait3A_84 = arith.constant 0 : i32
      %dma_wait3A_85 = tpu.memref_slice %arg14[%add3A_20, %dma_wait3A_84] : memref<5248x128xf32, #tpu.memory_space<vmem_shared>> -> memref<128x128xf32, #tpu.memory_space<vmem_shared>>
      %dma_wait3A_86 = arith.constant 0 : i32
      %dma_wait3A_87 = tpu.memref_slice %arg14[%add3A_20, %dma_wait3A_86] : memref<5248x128xf32, #tpu.memory_space<vmem_shared>> -> memref<128x128xf32, #tpu.memory_space<vmem_shared>>
      %dma_wait3A_88 = arith.constant 0 : i32
      %dma_wait3A_89 = arith.constant 0 : i32
      %dma_wait3A_90 = tpu.memref_slice %arg12[%dma_wait3A_88, %dma_wait3A_89] : memref<128x128xf32, #tpu.memory_space<vmem>> -> memref<128x128xf32, #tpu.memory_space<vmem>>
      tpu.wait_dma2 semaphore(%run_scoped3A : memref<!tpu.dma_semaphore, #tpu.memory_space<semaphore_mem>>) src(%dma_wait3A_90 : memref<128x128xf32, #tpu.memory_space<vmem>>) dst(%dma_wait3A_87 : memref<128x128xf32, #tpu.memory_space<vmem_shared>>)
      tpu.yield
    }) : () -> ()
    %add3A_21 = arith.constant 128 : i32
    %add3A_22 = arith.addi %multiple_of3A, %add3A_21 : i32
    "tpu.region"() ({
      %run_scoped3A = tpu.sem_alloc : memref<!tpu.dma_semaphore, #tpu.memory_space<semaphore_mem>>
      %dma_start3A = arith.constant 0 : i32
      %dma_start3A_73 = arith.constant 0 : i32
      %dma_start3A_74 = tpu.memref_slice %arg12[%dma_start3A, %dma_start3A_73] : memref<128x128xf32, #tpu.memory_space<vmem>> -> memref<128x128xf32, #tpu.memory_space<vmem>>
      %dma_start3A_75 = arith.constant 0 : i32
      %dma_start3A_76 = tpu.memref_slice %arg15[%add3A_22, %dma_start3A_75] : memref<5248x128xf32, #tpu.memory_space<vmem_shared>> -> memref<128x128xf32, #tpu.memory_space<vmem_shared>>
      %dma_start3A_77 = arith.constant 0 : i32
      %dma_start3A_78 = tpu.memref_slice %arg15[%add3A_22, %dma_start3A_77] : memref<5248x128xf32, #tpu.memory_space<vmem_shared>> -> memref<128x128xf32, #tpu.memory_space<vmem_shared>>
      %dma_start3A_79 = arith.constant 0 : i32
      %dma_start3A_80 = arith.constant 0 : i32
      %dma_start3A_81 = tpu.memref_slice %arg12[%dma_start3A_79, %dma_start3A_80] : memref<128x128xf32, #tpu.memory_space<vmem>> -> memref<128x128xf32, #tpu.memory_space<vmem>>
      tpu.enqueue_dma source(%dma_start3A_81 : memref<128x128xf32, #tpu.memory_space<vmem>>) target(%dma_start3A_78 : memref<128x128xf32, #tpu.memory_space<vmem_shared>>) target_semaphore(%run_scoped3A : memref<!tpu.dma_semaphore, #tpu.memory_space<semaphore_mem>>)
      %dma_wait3A = arith.constant 0 : i32
      %dma_wait3A_82 = arith.constant 0 : i32
      %dma_wait3A_83 = tpu.memref_slice %arg12[%dma_wait3A, %dma_wait3A_82] : memref<128x128xf32, #tpu.memory_space<vmem>> -> memref<128x128xf32, #tpu.memory_space<vmem>>
      %dma_wait3A_84 = arith.constant 0 : i32
      %dma_wait3A_85 = tpu.memref_slice %arg15[%add3A_22, %dma_wait3A_84] : memref<5248x128xf32, #tpu.memory_space<vmem_shared>> -> memref<128x128xf32, #tpu.memory_space<vmem_shared>>
      %dma_wait3A_86 = arith.constant 0 : i32
      %dma_wait3A_87 = tpu.memref_slice %arg15[%add3A_22, %dma_wait3A_86] : memref<5248x128xf32, #tpu.memory_space<vmem_shared>> -> memref<128x128xf32, #tpu.memory_space<vmem_shared>>
      %dma_wait3A_88 = arith.constant 0 : i32
      %dma_wait3A_89 = arith.constant 0 : i32
      %dma_wait3A_90 = tpu.memref_slice %arg12[%dma_wait3A_88, %dma_wait3A_89] : memref<128x128xf32, #tpu.memory_space<vmem>> -> memref<128x128xf32, #tpu.memory_space<vmem>>
      tpu.wait_dma2 semaphore(%run_scoped3A : memref<!tpu.dma_semaphore, #tpu.memory_space<semaphore_mem>>) src(%dma_wait3A_90 : memref<128x128xf32, #tpu.memory_space<vmem>>) dst(%dma_wait3A_87 : memref<128x128xf32, #tpu.memory_space<vmem_shared>>)
      tpu.yield
    }) : () -> ()
    %add3A_23 = arith.constant 256 : i32
    %add3A_24 = arith.addi %multiple_of3A, %add3A_23 : i32
    "tpu.region"() ({
      %run_scoped3A = tpu.sem_alloc : memref<!tpu.dma_semaphore, #tpu.memory_space<semaphore_mem>>
      %dma_start3A = arith.constant 0 : i32
      %dma_start3A_73 = arith.constant 0 : i32
      %dma_start3A_74 = tpu.memref_slice %arg12[%dma_start3A, %dma_start3A_73] : memref<128x128xf32, #tpu.memory_space<vmem>> -> memref<72x128xf32, #tpu.memory_space<vmem>>
      %dma_start3A_75 = arith.constant 0 : i32
      %dma_start3A_76 = tpu.memref_slice %arg14[%add3A_24, %dma_start3A_75] : memref<5248x128xf32, #tpu.memory_space<vmem_shared>> -> memref<72x128xf32, #tpu.memory_space<vmem_shared>>
      %dma_start3A_77 = arith.constant 0 : i32
      %dma_start3A_78 = tpu.memref_slice %arg14[%add3A_24, %dma_start3A_77] : memref<5248x128xf32, #tpu.memory_space<vmem_shared>> -> memref<72x128xf32, #tpu.memory_space<vmem_shared>>
      %dma_start3A_79 = arith.constant 0 : i32
      %dma_start3A_80 = arith.constant 0 : i32
      %dma_start3A_81 = tpu.memref_slice %arg12[%dma_start3A_79, %dma_start3A_80] : memref<128x128xf32, #tpu.memory_space<vmem>> -> memref<72x128xf32, #tpu.memory_space<vmem>>
      tpu.enqueue_dma source(%dma_start3A_81 : memref<72x128xf32, #tpu.memory_space<vmem>>) target(%dma_start3A_78 : memref<72x128xf32, #tpu.memory_space<vmem_shared>>) target_semaphore(%run_scoped3A : memref<!tpu.dma_semaphore, #tpu.memory_space<semaphore_mem>>)
      %dma_wait3A = arith.constant 0 : i32
      %dma_wait3A_82 = arith.constant 0 : i32
      %dma_wait3A_83 = tpu.memref_slice %arg12[%dma_wait3A, %dma_wait3A_82] : memref<128x128xf32, #tpu.memory_space<vmem>> -> memref<72x128xf32, #tpu.memory_space<vmem>>
      %dma_wait3A_84 = arith.constant 0 : i32
      %dma_wait3A_85 = tpu.memref_slice %arg14[%add3A_24, %dma_wait3A_84] : memref<5248x128xf32, #tpu.memory_space<vmem_shared>> -> memref<72x128xf32, #tpu.memory_space<vmem_shared>>
      %dma_wait3A_86 = arith.constant 0 : i32
      %dma_wait3A_87 = tpu.memref_slice %arg14[%add3A_24, %dma_wait3A_86] : memref<5248x128xf32, #tpu.memory_space<vmem_shared>> -> memref<72x128xf32, #tpu.memory_space<vmem_shared>>
      %dma_wait3A_88 = arith.constant 0 : i32
      %dma_wait3A_89 = arith.constant 0 : i32
      %dma_wait3A_90 = tpu.memref_slice %arg12[%dma_wait3A_88, %dma_wait3A_89] : memref<128x128xf32, #tpu.memory_space<vmem>> -> memref<72x128xf32, #tpu.memory_space<vmem>>
      tpu.wait_dma2 semaphore(%run_scoped3A : memref<!tpu.dma_semaphore, #tpu.memory_space<semaphore_mem>>) src(%dma_wait3A_90 : memref<72x128xf32, #tpu.memory_space<vmem>>) dst(%dma_wait3A_87 : memref<72x128xf32, #tpu.memory_space<vmem_shared>>)
      tpu.yield
    }) : () -> ()
    %add3A_25 = arith.constant 256 : i32
    %add3A_26 = arith.addi %multiple_of3A, %add3A_25 : i32
    "tpu.region"() ({
      %run_scoped3A = tpu.sem_alloc : memref<!tpu.dma_semaphore, #tpu.memory_space<semaphore_mem>>
      %dma_start3A = arith.constant 0 : i32
      %dma_start3A_73 = arith.constant 0 : i32
      %dma_start3A_74 = tpu.memref_slice %arg12[%dma_start3A, %dma_start3A_73] : memref<128x128xf32, #tpu.memory_space<vmem>> -> memref<72x128xf32, #tpu.memory_space<vmem>>
      %dma_start3A_75 = arith.constant 0 : i32
      %dma_start3A_76 = tpu.memref_slice %arg15[%add3A_26, %dma_start3A_75] : memref<5248x128xf32, #tpu.memory_space<vmem_shared>> -> memref<72x128xf32, #tpu.memory_space<vmem_shared>>
      %dma_start3A_77 = arith.constant 0 : i32
      %dma_start3A_78 = tpu.memref_slice %arg15[%add3A_26, %dma_start3A_77] : memref<5248x128xf32, #tpu.memory_space<vmem_shared>> -> memref<72x128xf32, #tpu.memory_space<vmem_shared>>
      %dma_start3A_79 = arith.constant 0 : i32
      %dma_start3A_80 = arith.constant 0 : i32
      %dma_start3A_81 = tpu.memref_slice %arg12[%dma_start3A_79, %dma_start3A_80] : memref<128x128xf32, #tpu.memory_space<vmem>> -> memref<72x128xf32, #tpu.memory_space<vmem>>
      tpu.enqueue_dma source(%dma_start3A_81 : memref<72x128xf32, #tpu.memory_space<vmem>>) target(%dma_start3A_78 : memref<72x128xf32, #tpu.memory_space<vmem_shared>>) target_semaphore(%run_scoped3A : memref<!tpu.dma_semaphore, #tpu.memory_space<semaphore_mem>>)
      %dma_wait3A = arith.constant 0 : i32
      %dma_wait3A_82 = arith.constant 0 : i32
      %dma_wait3A_83 = tpu.memref_slice %arg12[%dma_wait3A, %dma_wait3A_82] : memref<128x128xf32, #tpu.memory_space<vmem>> -> memref<72x128xf32, #tpu.memory_space<vmem>>
      %dma_wait3A_84 = arith.constant 0 : i32
      %dma_wait3A_85 = tpu.memref_slice %arg15[%add3A_26, %dma_wait3A_84] : memref<5248x128xf32, #tpu.memory_space<vmem_shared>> -> memref<72x128xf32, #tpu.memory_space<vmem_shared>>
      %dma_wait3A_86 = arith.constant 0 : i32
      %dma_wait3A_87 = tpu.memref_slice %arg15[%add3A_26, %dma_wait3A_86] : memref<5248x128xf32, #tpu.memory_space<vmem_shared>> -> memref<72x128xf32, #tpu.memory_space<vmem_shared>>
      %dma_wait3A_88 = arith.constant 0 : i32
      %dma_wait3A_89 = arith.constant 0 : i32
      %dma_wait3A_90 = tpu.memref_slice %arg12[%dma_wait3A_88, %dma_wait3A_89] : memref<128x128xf32, #tpu.memory_space<vmem>> -> memref<72x128xf32, #tpu.memory_space<vmem>>
      tpu.wait_dma2 semaphore(%run_scoped3A : memref<!tpu.dma_semaphore, #tpu.memory_space<semaphore_mem>>) src(%dma_wait3A_90 : memref<72x128xf32, #tpu.memory_space<vmem>>) dst(%dma_wait3A_87 : memref<72x128xf32, #tpu.memory_space<vmem_shared>>)
      tpu.yield
    }) : () -> ()
    %mul3A_27 = arith.constant 656 : i32
    %mul3A_28 = arith.muli %arg1, %mul3A_27 : i32
    %multiple_of3A_29 = tpu.assume_multiple %mul3A_28, 8 : i32
    %add3A_30 = arith.constant 0 : i32
    %add3A_31 = arith.addi %multiple_of3A_29, %add3A_30 : i32
    "tpu.region"() ({
      %run_scoped3A = tpu.sem_alloc : memref<!tpu.dma_semaphore, #tpu.memory_space<semaphore_mem>>
      %dma_start3A = arith.constant 0 : i32
      %dma_start3A_73 = tpu.memref_slice %arg13[%dma_start3A] : memref<656xf32, #tpu.memory_space<vmem>> -> memref<128xf32, #tpu.memory_space<vmem>>
      %dma_start3A_74 = tpu.memref_slice %arg16[%add3A_31] : memref<10496xf32, #tpu.memory_space<vmem_shared>> -> memref<128xf32, #tpu.memory_space<vmem_shared>>
      %dma_start3A_75 = tpu.memref_slice %arg16[%add3A_31] : memref<10496xf32, #tpu.memory_space<vmem_shared>> -> memref<128xf32, #tpu.memory_space<vmem_shared>>
      %dma_start3A_76 = arith.constant 0 : i32
      %dma_start3A_77 = tpu.memref_slice %arg13[%dma_start3A_76] : memref<656xf32, #tpu.memory_space<vmem>> -> memref<128xf32, #tpu.memory_space<vmem>>
      tpu.enqueue_dma source(%dma_start3A_77 : memref<128xf32, #tpu.memory_space<vmem>>) target(%dma_start3A_75 : memref<128xf32, #tpu.memory_space<vmem_shared>>) target_semaphore(%run_scoped3A : memref<!tpu.dma_semaphore, #tpu.memory_space<semaphore_mem>>)
      %dma_wait3A = arith.constant 0 : i32
      %dma_wait3A_78 = tpu.memref_slice %arg13[%dma_wait3A] : memref<656xf32, #tpu.memory_space<vmem>> -> memref<128xf32, #tpu.memory_space<vmem>>
      %dma_wait3A_79 = tpu.memref_slice %arg16[%add3A_31] : memref<10496xf32, #tpu.memory_space<vmem_shared>> -> memref<128xf32, #tpu.memory_space<vmem_shared>>
      %dma_wait3A_80 = tpu.memref_slice %arg16[%add3A_31] : memref<10496xf32, #tpu.memory_space<vmem_shared>> -> memref<128xf32, #tpu.memory_space<vmem_shared>>
      %dma_wait3A_81 = arith.constant 0 : i32
      %dma_wait3A_82 = tpu.memref_slice %arg13[%dma_wait3A_81] : memref<656xf32, #tpu.memory_space<vmem>> -> memref<128xf32, #tpu.memory_space<vmem>>
      tpu.wait_dma2 semaphore(%run_scoped3A : memref<!tpu.dma_semaphore, #tpu.memory_space<semaphore_mem>>) src(%dma_wait3A_82 : memref<128xf32, #tpu.memory_space<vmem>>) dst(%dma_wait3A_80 : memref<128xf32, #tpu.memory_space<vmem_shared>>)
      tpu.yield
    }) : () -> ()
    %add3A_32 = arith.constant 128 : i32
    %add3A_33 = arith.addi %multiple_of3A_29, %add3A_32 : i32
    "tpu.region"() ({
      %run_scoped3A = tpu.sem_alloc : memref<!tpu.dma_semaphore, #tpu.memory_space<semaphore_mem>>
      %dma_start3A = arith.constant 0 : i32
      %dma_start3A_73 = tpu.memref_slice %arg13[%dma_start3A] : memref<656xf32, #tpu.memory_space<vmem>> -> memref<128xf32, #tpu.memory_space<vmem>>
      %dma_start3A_74 = tpu.memref_slice %arg16[%add3A_33] : memref<10496xf32, #tpu.memory_space<vmem_shared>> -> memref<128xf32, #tpu.memory_space<vmem_shared>>
      %dma_start3A_75 = tpu.memref_slice %arg16[%add3A_33] : memref<10496xf32, #tpu.memory_space<vmem_shared>> -> memref<128xf32, #tpu.memory_space<vmem_shared>>
      %dma_start3A_76 = arith.constant 0 : i32
      %dma_start3A_77 = tpu.memref_slice %arg13[%dma_start3A_76] : memref<656xf32, #tpu.memory_space<vmem>> -> memref<128xf32, #tpu.memory_space<vmem>>
      tpu.enqueue_dma source(%dma_start3A_77 : memref<128xf32, #tpu.memory_space<vmem>>) target(%dma_start3A_75 : memref<128xf32, #tpu.memory_space<vmem_shared>>) target_semaphore(%run_scoped3A : memref<!tpu.dma_semaphore, #tpu.memory_space<semaphore_mem>>)
      %dma_wait3A = arith.constant 0 : i32
      %dma_wait3A_78 = tpu.memref_slice %arg13[%dma_wait3A] : memref<656xf32, #tpu.memory_space<vmem>> -> memref<128xf32, #tpu.memory_space<vmem>>
      %dma_wait3A_79 = tpu.memref_slice %arg16[%add3A_33] : memref<10496xf32, #tpu.memory_space<vmem_shared>> -> memref<128xf32, #tpu.memory_space<vmem_shared>>
      %dma_wait3A_80 = tpu.memref_slice %arg16[%add3A_33] : memref<10496xf32, #tpu.memory_space<vmem_shared>> -> memref<128xf32, #tpu.memory_space<vmem_shared>>
      %dma_wait3A_81 = arith.constant 0 : i32
      %dma_wait3A_82 = tpu.memref_slice %arg13[%dma_wait3A_81] : memref<656xf32, #tpu.memory_space<vmem>> -> memref<128xf32, #tpu.memory_space<vmem>>
      tpu.wait_dma2 semaphore(%run_scoped3A : memref<!tpu.dma_semaphore, #tpu.memory_space<semaphore_mem>>) src(%dma_wait3A_82 : memref<128xf32, #tpu.memory_space<vmem>>) dst(%dma_wait3A_80 : memref<128xf32, #tpu.memory_space<vmem_shared>>)
      tpu.yield
    }) : () -> ()
    %add3A_34 = arith.constant 256 : i32
    %add3A_35 = arith.addi %multiple_of3A_29, %add3A_34 : i32
    "tpu.region"() ({
      %run_scoped3A = tpu.sem_alloc : memref<!tpu.dma_semaphore, #tpu.memory_space<semaphore_mem>>
      %dma_start3A = arith.constant 0 : i32
      %dma_start3A_73 = tpu.memref_slice %arg13[%dma_start3A] : memref<656xf32, #tpu.memory_space<vmem>> -> memref<128xf32, #tpu.memory_space<vmem>>
      %dma_start3A_74 = tpu.memref_slice %arg16[%add3A_35] : memref<10496xf32, #tpu.memory_space<vmem_shared>> -> memref<128xf32, #tpu.memory_space<vmem_shared>>
      %dma_start3A_75 = tpu.memref_slice %arg16[%add3A_35] : memref<10496xf32, #tpu.memory_space<vmem_shared>> -> memref<128xf32, #tpu.memory_space<vmem_shared>>
      %dma_start3A_76 = arith.constant 0 : i32
      %dma_start3A_77 = tpu.memref_slice %arg13[%dma_start3A_76] : memref<656xf32, #tpu.memory_space<vmem>> -> memref<128xf32, #tpu.memory_space<vmem>>
      tpu.enqueue_dma source(%dma_start3A_77 : memref<128xf32, #tpu.memory_space<vmem>>) target(%dma_start3A_75 : memref<128xf32, #tpu.memory_space<vmem_shared>>) target_semaphore(%run_scoped3A : memref<!tpu.dma_semaphore, #tpu.memory_space<semaphore_mem>>)
      %dma_wait3A = arith.constant 0 : i32
      %dma_wait3A_78 = tpu.memref_slice %arg13[%dma_wait3A] : memref<656xf32, #tpu.memory_space<vmem>> -> memref<128xf32, #tpu.memory_space<vmem>>
      %dma_wait3A_79 = tpu.memref_slice %arg16[%add3A_35] : memref<10496xf32, #tpu.memory_space<vmem_shared>> -> memref<128xf32, #tpu.memory_space<vmem_shared>>
      %dma_wait3A_80 = tpu.memref_slice %arg16[%add3A_35] : memref<10496xf32, #tpu.memory_space<vmem_shared>> -> memref<128xf32, #tpu.memory_space<vmem_shared>>
      %dma_wait3A_81 = arith.constant 0 : i32
      %dma_wait3A_82 = tpu.memref_slice %arg13[%dma_wait3A_81] : memref<656xf32, #tpu.memory_space<vmem>> -> memref<128xf32, #tpu.memory_space<vmem>>
      tpu.wait_dma2 semaphore(%run_scoped3A : memref<!tpu.dma_semaphore, #tpu.memory_space<semaphore_mem>>) src(%dma_wait3A_82 : memref<128xf32, #tpu.memory_space<vmem>>) dst(%dma_wait3A_80 : memref<128xf32, #tpu.memory_space<vmem_shared>>)
      tpu.yield
    }) : () -> ()
    %add3A_36 = arith.constant 384 : i32
    %add3A_37 = arith.addi %multiple_of3A_29, %add3A_36 : i32
    "tpu.region"() ({
      %run_scoped3A = tpu.sem_alloc : memref<!tpu.dma_semaphore, #tpu.memory_space<semaphore_mem>>
      %dma_start3A = arith.constant 0 : i32
      %dma_start3A_73 = tpu.memref_slice %arg13[%dma_start3A] : memref<656xf32, #tpu.memory_space<vmem>> -> memref<128xf32, #tpu.memory_space<vmem>>
      %dma_start3A_74 = tpu.memref_slice %arg16[%add3A_37] : memref<10496xf32, #tpu.memory_space<vmem_shared>> -> memref<128xf32, #tpu.memory_space<vmem_shared>>
      %dma_start3A_75 = tpu.memref_slice %arg16[%add3A_37] : memref<10496xf32, #tpu.memory_space<vmem_shared>> -> memref<128xf32, #tpu.memory_space<vmem_shared>>
      %dma_start3A_76 = arith.constant 0 : i32
      %dma_start3A_77 = tpu.memref_slice %arg13[%dma_start3A_76] : memref<656xf32, #tpu.memory_space<vmem>> -> memref<128xf32, #tpu.memory_space<vmem>>
      tpu.enqueue_dma source(%dma_start3A_77 : memref<128xf32, #tpu.memory_space<vmem>>) target(%dma_start3A_75 : memref<128xf32, #tpu.memory_space<vmem_shared>>) target_semaphore(%run_scoped3A : memref<!tpu.dma_semaphore, #tpu.memory_space<semaphore_mem>>)
      %dma_wait3A = arith.constant 0 : i32
      %dma_wait3A_78 = tpu.memref_slice %arg13[%dma_wait3A] : memref<656xf32, #tpu.memory_space<vmem>> -> memref<128xf32, #tpu.memory_space<vmem>>
      %dma_wait3A_79 = tpu.memref_slice %arg16[%add3A_37] : memref<10496xf32, #tpu.memory_space<vmem_shared>> -> memref<128xf32, #tpu.memory_space<vmem_shared>>
      %dma_wait3A_80 = tpu.memref_slice %arg16[%add3A_37] : memref<10496xf32, #tpu.memory_space<vmem_shared>> -> memref<128xf32, #tpu.memory_space<vmem_shared>>
      %dma_wait3A_81 = arith.constant 0 : i32
      %dma_wait3A_82 = tpu.memref_slice %arg13[%dma_wait3A_81] : memref<656xf32, #tpu.memory_space<vmem>> -> memref<128xf32, #tpu.memory_space<vmem>>
      tpu.wait_dma2 semaphore(%run_scoped3A : memref<!tpu.dma_semaphore, #tpu.memory_space<semaphore_mem>>) src(%dma_wait3A_82 : memref<128xf32, #tpu.memory_space<vmem>>) dst(%dma_wait3A_80 : memref<128xf32, #tpu.memory_space<vmem_shared>>)
      tpu.yield
    }) : () -> ()
    %add3A_38 = arith.constant 512 : i32
    %add3A_39 = arith.addi %multiple_of3A_29, %add3A_38 : i32
    "tpu.region"() ({
      %run_scoped3A = tpu.sem_alloc : memref<!tpu.dma_semaphore, #tpu.memory_space<semaphore_mem>>
      %dma_start3A = arith.constant 0 : i32
      %dma_start3A_73 = tpu.memref_slice %arg13[%dma_start3A] : memref<656xf32, #tpu.memory_space<vmem>> -> memref<128xf32, #tpu.memory_space<vmem>>
      %dma_start3A_74 = tpu.memref_slice %arg16[%add3A_39] : memref<10496xf32, #tpu.memory_space<vmem_shared>> -> memref<128xf32, #tpu.memory_space<vmem_shared>>
      %dma_start3A_75 = tpu.memref_slice %arg16[%add3A_39] : memref<10496xf32, #tpu.memory_space<vmem_shared>> -> memref<128xf32, #tpu.memory_space<vmem_shared>>
      %dma_start3A_76 = arith.constant 0 : i32
      %dma_start3A_77 = tpu.memref_slice %arg13[%dma_start3A_76] : memref<656xf32, #tpu.memory_space<vmem>> -> memref<128xf32, #tpu.memory_space<vmem>>
      tpu.enqueue_dma source(%dma_start3A_77 : memref<128xf32, #tpu.memory_space<vmem>>) target(%dma_start3A_75 : memref<128xf32, #tpu.memory_space<vmem_shared>>) target_semaphore(%run_scoped3A : memref<!tpu.dma_semaphore, #tpu.memory_space<semaphore_mem>>)
      %dma_wait3A = arith.constant 0 : i32
      %dma_wait3A_78 = tpu.memref_slice %arg13[%dma_wait3A] : memref<656xf32, #tpu.memory_space<vmem>> -> memref<128xf32, #tpu.memory_space<vmem>>
      %dma_wait3A_79 = tpu.memref_slice %arg16[%add3A_39] : memref<10496xf32, #tpu.memory_space<vmem_shared>> -> memref<128xf32, #tpu.memory_space<vmem_shared>>
      %dma_wait3A_80 = tpu.memref_slice %arg16[%add3A_39] : memref<10496xf32, #tpu.memory_space<vmem_shared>> -> memref<128xf32, #tpu.memory_space<vmem_shared>>
      %dma_wait3A_81 = arith.constant 0 : i32
      %dma_wait3A_82 = tpu.memref_slice %arg13[%dma_wait3A_81] : memref<656xf32, #tpu.memory_space<vmem>> -> memref<128xf32, #tpu.memory_space<vmem>>
      tpu.wait_dma2 semaphore(%run_scoped3A : memref<!tpu.dma_semaphore, #tpu.memory_space<semaphore_mem>>) src(%dma_wait3A_82 : memref<128xf32, #tpu.memory_space<vmem>>) dst(%dma_wait3A_80 : memref<128xf32, #tpu.memory_space<vmem_shared>>)
      tpu.yield
    }) : () -> ()
    %add3A_40 = arith.constant 640 : i32
    %add3A_41 = arith.addi %multiple_of3A_29, %add3A_40 : i32
    "tpu.region"() ({
      %run_scoped3A = tpu.sem_alloc : memref<!tpu.dma_semaphore, #tpu.memory_space<semaphore_mem>>
      %dma_start3A = arith.constant 0 : i32
      %dma_start3A_73 = tpu.memref_slice %arg13[%dma_start3A] : memref<656xf32, #tpu.memory_space<vmem>> -> memref<16xf32, #tpu.memory_space<vmem>>
      %dma_start3A_74 = tpu.memref_slice %arg16[%add3A_41] : memref<10496xf32, #tpu.memory_space<vmem_shared>> -> memref<16xf32, #tpu.memory_space<vmem_shared>>
      %dma_start3A_75 = tpu.memref_slice %arg16[%add3A_41] : memref<10496xf32, #tpu.memory_space<vmem_shared>> -> memref<16xf32, #tpu.memory_space<vmem_shared>>
      %dma_start3A_76 = arith.constant 0 : i32
      %dma_start3A_77 = tpu.memref_slice %arg13[%dma_start3A_76] : memref<656xf32, #tpu.memory_space<vmem>> -> memref<16xf32, #tpu.memory_space<vmem>>
      tpu.enqueue_dma source(%dma_start3A_77 : memref<16xf32, #tpu.memory_space<vmem>>) target(%dma_start3A_75 : memref<16xf32, #tpu.memory_space<vmem_shared>>) target_semaphore(%run_scoped3A : memref<!tpu.dma_semaphore, #tpu.memory_space<semaphore_mem>>)
      %dma_wait3A = arith.constant 0 : i32
      %dma_wait3A_78 = tpu.memref_slice %arg13[%dma_wait3A] : memref<656xf32, #tpu.memory_space<vmem>> -> memref<16xf32, #tpu.memory_space<vmem>>
      %dma_wait3A_79 = tpu.memref_slice %arg16[%add3A_41] : memref<10496xf32, #tpu.memory_space<vmem_shared>> -> memref<16xf32, #tpu.memory_space<vmem_shared>>
      %dma_wait3A_80 = tpu.memref_slice %arg16[%add3A_41] : memref<10496xf32, #tpu.memory_space<vmem_shared>> -> memref<16xf32, #tpu.memory_space<vmem_shared>>
      %dma_wait3A_81 = arith.constant 0 : i32
      %dma_wait3A_82 = tpu.memref_slice %arg13[%dma_wait3A_81] : memref<656xf32, #tpu.memory_space<vmem>> -> memref<16xf32, #tpu.memory_space<vmem>>
      tpu.wait_dma2 semaphore(%run_scoped3A : memref<!tpu.dma_semaphore, #tpu.memory_space<semaphore_mem>>) src(%dma_wait3A_82 : memref<16xf32, #tpu.memory_space<vmem>>) dst(%dma_wait3A_80 : memref<16xf32, #tpu.memory_space<vmem_shared>>)
      tpu.yield
    }) : () -> ()
    %scan3A_42 = arith.constant 0 : i32
    %scan3A_43 = arith.constant 0 : i32
    %scan3A_44 = arith.constant 41 : i32
    %scan3A_45 = arith.addi %scan3A_43, %scan3A_44 : i32
    %scan3A_46 = arith.constant 1 : i32
    %scan3A_47 = scf.for %scan3A_73 = %scan3A_43 to %scan3A_45 step %scan3A_46 iter_args(%scan3A_74 = %scan3A_42) -> (i32)  : i32 {
      %broadcast_in_dim3A = arith.constant 1.000000e+00 : f32
      %broadcast_in_dim3A_75 = vector.broadcast %broadcast_in_dim3A : f32 to vector<16xf32>
      %mul3A_76 = arith.constant 16 : i32
      %mul3A_77 = arith.muli %scan3A_73, %mul3A_76 : i32
      %swap3A = arith.index_cast %mul3A_77 : i32 to index
      %swap3A_78 = tpu.vector_load %arg13[%swap3A] {strides = array<i32>} : memref<656xf32, #tpu.memory_space<vmem>>, vector<16xf32>,
      %swap3A_79 = vector.shape_cast %swap3A_78 : vector<16xf32> to vector<16xf32>
      %swap3A_80 = vector.shape_cast %broadcast_in_dim3A_75 : vector<16xf32> to vector<16xf32>
      tpu.vector_store %arg13[%swap3A], %swap3A_80 {strides = array<i32>} : memref<656xf32, #tpu.memory_space<vmem>>, vector<16xf32>,
      %scan3A_81 = arith.constant 0 : i32
      scf.yield %scan3A_81 : i32
    }
    %scan3A_48 = arith.constant 41 : i32
    %barrier3A = arith.constant 0 : index
    tpu.barrier barrier_id(%barrier3A)
    %scan3A_49 = arith.constant 0 : i32
    %scan3A_50 = arith.constant 0 : i32
    %scan3A_51 = arith.constant 10 : i32
    %scan3A_52 = arith.addi %scan3A_50, %scan3A_51 : i32
    %scan3A_53 = arith.constant 1 : i32
    %scan3A_54 = scf.for %scan3A_73 = %scan3A_50 to %scan3A_52 step %scan3A_53 iter_args(%scan3A_74 = %scan3A_49) -> (i32)  : i32 {
      %mul3A_75 = arith.constant 16 : i32
      %mul3A_76 = arith.muli %mul3A_75, %scan3A_73 : i32
      %add3A_77 = arith.addi %arg1, %mul3A_76 : i32
      %lt3A = arith.constant 156 : i32
      %lt3A_78 = arith.cmpi slt, %add3A_77, %lt3A : i32
      %convert_element_type3A_79 = arith.extui %lt3A_78 : i1 to i32
      %cond3A_80 = arith.constant 0 : i32
      %cond3A_81 = arith.cmpi ne, %convert_element_type3A_79, %cond3A_80 : i32
      scf.if %cond3A_81 {
        %mul3A_83 = arith.constant 2048 : i32
        %mul3A_84 = arith.muli %add3A_77, %mul3A_83 : i32
        %multiple_of3A_85 = tpu.assume_multiple %mul3A_84, 8 : i32
        "tpu.region"() ({
          %run_scoped3A = tpu.sem_alloc : memref<!tpu.dma_semaphore, #tpu.memory_space<semaphore_mem>>
          %dma_start3A = tpu.memref_slice %arg2[%multiple_of3A_85] : memref<320000xi32, #tpu.memory_space<hbm>> -> memref<2048xi32, #tpu.memory_space<hbm>>
          %dma_start3A_96 = tpu.memref_slice %arg2[%multiple_of3A_85] : memref<320000xi32, #tpu.memory_space<hbm>> -> memref<2048xi32, #tpu.memory_space<hbm>>
          tpu.enqueue_dma source(%dma_start3A_96 : memref<2048xi32, #tpu.memory_space<hbm>>) target(%arg8 : memref<2048xi32, #tpu.memory_space<vmem>>) target_semaphore(%run_scoped3A : memref<!tpu.dma_semaphore, #tpu.memory_space<semaphore_mem>>)
          %dma_wait3A = tpu.memref_slice %arg2[%multiple_of3A_85] : memref<320000xi32, #tpu.memory_space<hbm>> -> memref<2048xi32, #tpu.memory_space<hbm>>
          %dma_wait3A_97 = tpu.memref_slice %arg2[%multiple_of3A_85] : memref<320000xi32, #tpu.memory_space<hbm>> -> memref<2048xi32, #tpu.memory_space<hbm>>
          tpu.wait_dma2 semaphore(%run_scoped3A : memref<!tpu.dma_semaphore, #tpu.memory_space<semaphore_mem>>) src(%dma_wait3A_97 : memref<2048xi32, #tpu.memory_space<hbm>>) dst(%arg8 : memref<2048xi32, #tpu.memory_space<vmem>>)
          tpu.yield
        }) : () -> ()
        %mul3A_86 = arith.constant 16 : i32
        %mul3A_87 = arith.muli %add3A_77, %mul3A_86 : i32
        %multiple_of3A_88 = tpu.assume_multiple %mul3A_87, 8 : i32
        "tpu.region"() ({
          %run_scoped3A = tpu.sem_alloc : memref<!tpu.dma_semaphore, #tpu.memory_space<semaphore_mem>>
          %dma_start3A = arith.constant 0 : i32
          %dma_start3A_96 = tpu.memref_slice %arg3[%multiple_of3A_88, %dma_start3A] : memref<2500x128xi32, #tpu.memory_space<hbm>> -> memref<16x128xi32, #tpu.memory_space<hbm>>
          %dma_start3A_97 = arith.constant 0 : i32
          %dma_start3A_98 = tpu.memref_slice %arg3[%multiple_of3A_88, %dma_start3A_97] : memref<2500x128xi32, #tpu.memory_space<hbm>> -> memref<16x128xi32, #tpu.memory_space<hbm>>
          tpu.enqueue_dma source(%dma_start3A_98 : memref<16x128xi32, #tpu.memory_space<hbm>>) target(%arg9 : memref<16x128xi32, #tpu.memory_space<vmem>>) target_semaphore(%run_scoped3A : memref<!tpu.dma_semaphore, #tpu.memory_space<semaphore_mem>>)
          %dma_wait3A = arith.constant 0 : i32
          %dma_wait3A_99 = tpu.memref_slice %arg3[%multiple_of3A_88, %dma_wait3A] : memref<2500x128xi32, #tpu.memory_space<hbm>> -> memref<16x128xi32, #tpu.memory_space<hbm>>
          %dma_wait3A_100 = arith.constant 0 : i32
          %dma_wait3A_101 = tpu.memref_slice %arg3[%multiple_of3A_88, %dma_wait3A_100] : memref<2500x128xi32, #tpu.memory_space<hbm>> -> memref<16x128xi32, #tpu.memory_space<hbm>>
          tpu.wait_dma2 semaphore(%run_scoped3A : memref<!tpu.dma_semaphore, #tpu.memory_space<semaphore_mem>>) src(%dma_wait3A_101 : memref<16x128xi32, #tpu.memory_space<hbm>>) dst(%arg9 : memref<16x128xi32, #tpu.memory_space<vmem>>)
          tpu.yield
        }) : () -> ()
        %scan3A_89 = arith.constant 0 : i32
        %scan3A_90 = arith.constant 0 : i32
        %scan3A_91 = arith.constant 16 : i32
        %scan3A_92 = arith.addi %scan3A_90, %scan3A_91 : i32
        %scan3A_93 = arith.constant 1 : i32
        %scan3A_94 = scf.for %scan3A_96 = %scan3A_90 to %scan3A_92 step %scan3A_93 iter_args(%scan3A_97 = %scan3A_89) -> (i32)  : i32 {
          %scan3A_98 = arith.constant 0 : i32
          %scan3A_99 = arith.constant 0 : i32
          %scan3A_100 = arith.constant 8 : i32
          %scan3A_101 = arith.addi %scan3A_99, %scan3A_100 : i32
          %scan3A_102 = arith.constant 1 : i32
          %scan3A_103 = scf.for %scan3A_121 = %scan3A_99 to %scan3A_101 step %scan3A_102 iter_args(%scan3A_122 = %scan3A_98) -> (i32)  : i32 {
            %mul3A_123 = arith.constant 16 : i32
            %mul3A_124 = arith.muli %scan3A_121, %mul3A_123 : i32
            %get3A = arith.index_cast %scan3A_96 : i32 to index
            %get3A_125 = arith.index_cast %mul3A_124 : i32 to index
            %get3A_126 = tpu.vector_load %arg9[%get3A, %get3A_125] {strides = array<i32>} : memref<16x128xi32, #tpu.memory_space<vmem>>, vector<1x16xi32>,
            %get3A_127 = vector.shape_cast %get3A_126 : vector<1x16xi32> to vector<16xi32>
            %sub3A = vector.broadcast %mul3A_0 : i32 to vector<16xi32>
            %sub3A_128 = arith.subi %get3A_127, %sub3A : vector<16xi32>
            %ge3A = arith.constant 0 : i32
            %ge3A_129 = vector.broadcast %ge3A : i32 to vector<16xi32>
            %ge3A_130 = arith.cmpi sge, %sub3A_128, %ge3A_129 : vector<16xi32>
            %lt3A_131 = arith.constant 5120 : i32
            %lt3A_132 = vector.broadcast %lt3A_131 : i32 to vector<16xi32>
            %lt3A_133 = arith.cmpi slt, %sub3A_128, %lt3A_132 : vector<16xi32>
            %and3A = arith.andi %ge3A_130, %lt3A_133 : vector<16xi1>
            %add3A_134 = arith.constant 5120 : i32
            %add3A_135 = vector.broadcast %add3A_134 : i32 to vector<16xi32>
            %add3A_136 = arith.addi %add3A_135, %iota3A : vector<16xi32>
            %select_n3A = arith.select %and3A, %sub3A_128, %add3A_136 : vector<16xi1>, vector<16xi32>
            %mul3A_137 = arith.constant 16 : i32
            %mul3A_138 = arith.muli %scan3A_121, %mul3A_137 : i32
            %swap3A = arith.index_cast %scan3A_96 : i32 to index
            %swap3A_139 = arith.index_cast %mul3A_138 : i32 to index
            %swap3A_140 = tpu.vector_load %arg10[%swap3A, %swap3A_139] {strides = array<i32>} : memref<16x128xi32, #tpu.memory_space<vmem>>, vector<1x16xi32>,
            %swap3A_141 = vector.shape_cast %swap3A_140 : vector<1x16xi32> to vector<16xi32>
            %swap3A_142 = vector.shape_cast %select_n3A : vector<16xi32> to vector<1x16xi32>
            tpu.vector_store %arg10[%swap3A, %swap3A_139], %swap3A_142 {strides = array<i32>} : memref<16x128xi32, #tpu.memory_space<vmem>>, vector<1x16xi32>,
            %scan3A_143 = arith.constant 0 : i32
            scf.yield %scan3A_143 : i32
          }
          %scan3A_104 = arith.constant 8 : i32
          %mul3A_105 = arith.constant 128 : i32
          %mul3A_106 = arith.muli %scan3A_96, %mul3A_105 : i32
          %multiple_of3A_107 = tpu.assume_multiple %mul3A_106, 8 : i32
          "tpu.region"() ({
            %run_scoped3A = tpu.sem_alloc : memref<!tpu.dma_semaphore, #tpu.memory_space<semaphore_mem>>
            %dma_start3A = tpu.memref_slice %arg8[%multiple_of3A_107] : memref<2048xi32, #tpu.memory_space<vmem>> -> memref<128xi32, #tpu.memory_space<vmem>>
            %dma_start3A_121 = arith.constant 0 : i32
            %dma_start3A_122 = arith.constant 0 : i32
            %dma_start3A_123 = tpu.memref_slice %arg4[%dma_start3A_121, %dma_start3A_122] : memref<10000x128xf32, #tpu.memory_space<hbm>> -> memref<10000x128xf32, #tpu.memory_space<hbm>>
            tpu.enqueue_indirect_dma source(%dma_start3A_123 : memref<10000x128xf32, #tpu.memory_space<hbm>>) target(%arg11 : memref<128x128xf32, #tpu.memory_space<vmem>>) offsets(%dma_start3A : memref<128xi32, #tpu.memory_space<vmem>>) semaphore(%run_scoped3A : memref<!tpu.dma_semaphore, #tpu.memory_space<semaphore_mem>>)
            %dma_wait3A = tpu.memref_slice %arg8[%multiple_of3A_107] : memref<2048xi32, #tpu.memory_space<vmem>> -> memref<128xi32, #tpu.memory_space<vmem>>
            %dma_wait3A_124 = arith.constant 0 : i32
            %dma_wait3A_125 = arith.constant 0 : i32
            %dma_wait3A_126 = tpu.memref_slice %arg4[%dma_wait3A_124, %dma_wait3A_125] : memref<10000x128xf32, #tpu.memory_space<hbm>> -> memref<10000x128xf32, #tpu.memory_space<hbm>>
            tpu.wait_indirect_dma semaphore(%run_scoped3A : memref<!tpu.dma_semaphore, #tpu.memory_space<semaphore_mem>>) src(%dma_wait3A_126 : memref<10000x128xf32, #tpu.memory_space<hbm>>) dst(%arg11 : memref<128x128xf32, #tpu.memory_space<vmem>>)
            tpu.yield
          }) : () -> ()
          %scan3A_108 = arith.constant 0 : i32
          %scan3A_109 = arith.constant 0 : i32
          %scan3A_110 = arith.constant 128 : i32
          %scan3A_111 = arith.addi %scan3A_109, %scan3A_110 : i32
          %scan3A_112 = arith.constant 1 : i32
          %scan3A_113 = scf.for %scan3A_121 = %scan3A_109 to %scan3A_111 step %scan3A_112 iter_args(%scan3A_122 = %scan3A_108) -> (i32)  : i32 {
            %get3A = arith.index_cast %scan3A_121 : i32 to index
            %get3A_123 = arith.constant 0 : index
            %get3A_124 = tpu.vector_load %arg11[%get3A, %get3A_123] {strides = array<i32>} : memref<128x128xf32, #tpu.memory_space<vmem>>, vector<1x16xf32>,
            %get3A_125 = vector.shape_cast %get3A_124 : vector<1x16xf32> to vector<16xf32>
            %mul3A_126 = arith.mulf %get3A_125, %get3A_125 : vector<16xf32>
            %swap3A = arith.index_cast %scan3A_121 : i32 to index
            %swap3A_127 = arith.constant 0 : index
            %swap3A_128 = tpu.vector_load %arg12[%swap3A, %swap3A_127] {strides = array<i32>} : memref<128x128xf32, #tpu.memory_space<vmem>>, vector<1x16xf32>,
            %swap3A_129 = vector.shape_cast %swap3A_128 : vector<1x16xf32> to vector<16xf32>
            %swap3A_130 = vector.shape_cast %mul3A_126 : vector<16xf32> to vector<1x16xf32>
            tpu.vector_store %arg12[%swap3A, %swap3A_127], %swap3A_130 {strides = array<i32>} : memref<128x128xf32, #tpu.memory_space<vmem>>, vector<1x16xf32>,
            %get3A_131 = arith.index_cast %scan3A_121 : i32 to index
            %get3A_132 = arith.constant 16 : index
            %get3A_133 = tpu.vector_load %arg11[%get3A_131, %get3A_132] {strides = array<i32>} : memref<128x128xf32, #tpu.memory_space<vmem>>, vector<1x16xf32>,
            %get3A_134 = vector.shape_cast %get3A_133 : vector<1x16xf32> to vector<16xf32>
            %mul3A_135 = arith.mulf %get3A_134, %get3A_134 : vector<16xf32>
            %swap3A_136 = arith.index_cast %scan3A_121 : i32 to index
            %swap3A_137 = arith.constant 16 : index
            %swap3A_138 = tpu.vector_load %arg12[%swap3A_136, %swap3A_137] {strides = array<i32>} : memref<128x128xf32, #tpu.memory_space<vmem>>, vector<1x16xf32>,
            %swap3A_139 = vector.shape_cast %swap3A_138 : vector<1x16xf32> to vector<16xf32>
            %swap3A_140 = vector.shape_cast %mul3A_135 : vector<16xf32> to vector<1x16xf32>
            tpu.vector_store %arg12[%swap3A_136, %swap3A_137], %swap3A_140 {strides = array<i32>} : memref<128x128xf32, #tpu.memory_space<vmem>>, vector<1x16xf32>,
            %get3A_141 = arith.index_cast %scan3A_121 : i32 to index
            %get3A_142 = arith.constant 32 : index
            %get3A_143 = tpu.vector_load %arg11[%get3A_141, %get3A_142] {strides = array<i32>} : memref<128x128xf32, #tpu.memory_space<vmem>>, vector<1x16xf32>,
            %get3A_144 = vector.shape_cast %get3A_143 : vector<1x16xf32> to vector<16xf32>
            %mul3A_145 = arith.mulf %get3A_144, %get3A_144 : vector<16xf32>
            %swap3A_146 = arith.index_cast %scan3A_121 : i32 to index
            %swap3A_147 = arith.constant 32 : index
            %swap3A_148 = tpu.vector_load %arg12[%swap3A_146, %swap3A_147] {strides = array<i32>} : memref<128x128xf32, #tpu.memory_space<vmem>>, vector<1x16xf32>,
            %swap3A_149 = vector.shape_cast %swap3A_148 : vector<1x16xf32> to vector<16xf32>
            %swap3A_150 = vector.shape_cast %mul3A_145 : vector<16xf32> to vector<1x16xf32>
            tpu.vector_store %arg12[%swap3A_146, %swap3A_147], %swap3A_150 {strides = array<i32>} : memref<128x128xf32, #tpu.memory_space<vmem>>, vector<1x16xf32>,
            %get3A_151 = arith.index_cast %scan3A_121 : i32 to index
            %get3A_152 = arith.constant 48 : index
            %get3A_153 = tpu.vector_load %arg11[%get3A_151, %get3A_152] {strides = array<i32>} : memref<128x128xf32, #tpu.memory_space<vmem>>, vector<1x16xf32>,
            %get3A_154 = vector.shape_cast %get3A_153 : vector<1x16xf32> to vector<16xf32>
            %mul3A_155 = arith.mulf %get3A_154, %get3A_154 : vector<16xf32>
            %swap3A_156 = arith.index_cast %scan3A_121 : i32 to index
            %swap3A_157 = arith.constant 48 : index
            %swap3A_158 = tpu.vector_load %arg12[%swap3A_156, %swap3A_157] {strides = array<i32>} : memref<128x128xf32, #tpu.memory_space<vmem>>, vector<1x16xf32>,
            %swap3A_159 = vector.shape_cast %swap3A_158 : vector<1x16xf32> to vector<16xf32>
            %swap3A_160 = vector.shape_cast %mul3A_155 : vector<16xf32> to vector<1x16xf32>
            tpu.vector_store %arg12[%swap3A_156, %swap3A_157], %swap3A_160 {strides = array<i32>} : memref<128x128xf32, #tpu.memory_space<vmem>>, vector<1x16xf32>,
            %get3A_161 = arith.index_cast %scan3A_121 : i32 to index
            %get3A_162 = arith.constant 64 : index
            %get3A_163 = tpu.vector_load %arg11[%get3A_161, %get3A_162] {strides = array<i32>} : memref<128x128xf32, #tpu.memory_space<vmem>>, vector<1x16xf32>,
            %get3A_164 = vector.shape_cast %get3A_163 : vector<1x16xf32> to vector<16xf32>
            %mul3A_165 = arith.mulf %get3A_164, %get3A_164 : vector<16xf32>
            %swap3A_166 = arith.index_cast %scan3A_121 : i32 to index
            %swap3A_167 = arith.constant 64 : index
            %swap3A_168 = tpu.vector_load %arg12[%swap3A_166, %swap3A_167] {strides = array<i32>} : memref<128x128xf32, #tpu.memory_space<vmem>>, vector<1x16xf32>,
            %swap3A_169 = vector.shape_cast %swap3A_168 : vector<1x16xf32> to vector<16xf32>
            %swap3A_170 = vector.shape_cast %mul3A_165 : vector<16xf32> to vector<1x16xf32>
            tpu.vector_store %arg12[%swap3A_166, %swap3A_167], %swap3A_170 {strides = array<i32>} : memref<128x128xf32, #tpu.memory_space<vmem>>, vector<1x16xf32>,
            %get3A_171 = arith.index_cast %scan3A_121 : i32 to index
            %get3A_172 = arith.constant 80 : index
            %get3A_173 = tpu.vector_load %arg11[%get3A_171, %get3A_172] {strides = array<i32>} : memref<128x128xf32, #tpu.memory_space<vmem>>, vector<1x16xf32>,
            %get3A_174 = vector.shape_cast %get3A_173 : vector<1x16xf32> to vector<16xf32>
            %mul3A_175 = arith.mulf %get3A_174, %get3A_174 : vector<16xf32>
            %swap3A_176 = arith.index_cast %scan3A_121 : i32 to index
            %swap3A_177 = arith.constant 80 : index
            %swap3A_178 = tpu.vector_load %arg12[%swap3A_176, %swap3A_177] {strides = array<i32>} : memref<128x128xf32, #tpu.memory_space<vmem>>, vector<1x16xf32>,
            %swap3A_179 = vector.shape_cast %swap3A_178 : vector<1x16xf32> to vector<16xf32>
            %swap3A_180 = vector.shape_cast %mul3A_175 : vector<16xf32> to vector<1x16xf32>
            tpu.vector_store %arg12[%swap3A_176, %swap3A_177], %swap3A_180 {strides = array<i32>} : memref<128x128xf32, #tpu.memory_space<vmem>>, vector<1x16xf32>,
            %get3A_181 = arith.index_cast %scan3A_121 : i32 to index
            %get3A_182 = arith.constant 96 : index
            %get3A_183 = tpu.vector_load %arg11[%get3A_181, %get3A_182] {strides = array<i32>} : memref<128x128xf32, #tpu.memory_space<vmem>>, vector<1x16xf32>,
            %get3A_184 = vector.shape_cast %get3A_183 : vector<1x16xf32> to vector<16xf32>
            %mul3A_185 = arith.mulf %get3A_184, %get3A_184 : vector<16xf32>
            %swap3A_186 = arith.index_cast %scan3A_121 : i32 to index
            %swap3A_187 = arith.constant 96 : index
            %swap3A_188 = tpu.vector_load %arg12[%swap3A_186, %swap3A_187] {strides = array<i32>} : memref<128x128xf32, #tpu.memory_space<vmem>>, vector<1x16xf32>,
            %swap3A_189 = vector.shape_cast %swap3A_188 : vector<1x16xf32> to vector<16xf32>
            %swap3A_190 = vector.shape_cast %mul3A_185 : vector<16xf32> to vector<1x16xf32>
            tpu.vector_store %arg12[%swap3A_186, %swap3A_187], %swap3A_190 {strides = array<i32>} : memref<128x128xf32, #tpu.memory_space<vmem>>, vector<1x16xf32>,
            %get3A_191 = arith.index_cast %scan3A_121 : i32 to index
            %get3A_192 = arith.constant 112 : index
            %get3A_193 = tpu.vector_load %arg11[%get3A_191, %get3A_192] {strides = array<i32>} : memref<128x128xf32, #tpu.memory_space<vmem>>, vector<1x16xf32>,
            %get3A_194 = vector.shape_cast %get3A_193 : vector<1x16xf32> to vector<16xf32>
            %mul3A_195 = arith.mulf %get3A_194, %get3A_194 : vector<16xf32>
            %swap3A_196 = arith.index_cast %scan3A_121 : i32 to index
            %swap3A_197 = arith.constant 112 : index
            %swap3A_198 = tpu.vector_load %arg12[%swap3A_196, %swap3A_197] {strides = array<i32>} : memref<128x128xf32, #tpu.memory_space<vmem>>, vector<1x16xf32>,
            %swap3A_199 = vector.shape_cast %swap3A_198 : vector<1x16xf32> to vector<16xf32>
            %swap3A_200 = vector.shape_cast %mul3A_195 : vector<16xf32> to vector<1x16xf32>
            tpu.vector_store %arg12[%swap3A_196, %swap3A_197], %swap3A_200 {strides = array<i32>} : memref<128x128xf32, #tpu.memory_space<vmem>>, vector<1x16xf32>,
            %scan3A_201 = arith.constant 0 : i32
            scf.yield %scan3A_201 : i32
          }
          %scan3A_114 = arith.constant 128 : i32
          "tpu.region"() ({
            %run_scoped3A = tpu.sem_alloc : memref<!tpu.dma_semaphore, #tpu.memory_space<semaphore_mem>>
            %dma_start3A = arith.constant 0 : i32
            %dma_start3A_121 = tpu.memref_slice %arg10[%scan3A_96, %dma_start3A] : memref<16x128xi32, #tpu.memory_space<vmem>> -> memref<1x128xi32, #tpu.memory_space<vmem>>
            %dma_start3A_122 = tpu.memref_squeeze %dma_start3A_121 : memref<1x128xi32, #tpu.memory_space<vmem>> -> memref<128xi32, #tpu.memory_space<vmem>>
            %dma_start3A_123 = arith.constant 0 : i32
            %dma_start3A_124 = arith.constant 0 : i32
            %dma_start3A_125 = tpu.memref_slice %arg14[%dma_start3A_123, %dma_start3A_124] : memref<5248x128xf32, #tpu.memory_space<vmem_shared>> -> memref<5248x128xf32, #tpu.memory_space<vmem_shared>>
            tpu.enqueue_indirect_dma source(%arg11 : memref<128x128xf32, #tpu.memory_space<vmem>>) target(%dma_start3A_125 : memref<5248x128xf32, #tpu.memory_space<vmem_shared>>) offsets(%dma_start3A_122 : memref<128xi32, #tpu.memory_space<vmem>>) semaphore(%run_scoped3A : memref<!tpu.dma_semaphore, #tpu.memory_space<semaphore_mem>>) {add = true}
            %dma_wait3A = arith.constant 0 : i32
            %dma_wait3A_126 = tpu.memref_slice %arg10[%scan3A_96, %dma_wait3A] : memref<16x128xi32, #tpu.memory_space<vmem>> -> memref<1x128xi32, #tpu.memory_space<vmem>>
            %dma_wait3A_127 = tpu.memref_squeeze %dma_wait3A_126 : memref<1x128xi32, #tpu.memory_space<vmem>> -> memref<128xi32, #tpu.memory_space<vmem>>
            %dma_wait3A_128 = arith.constant 0 : i32
            %dma_wait3A_129 = arith.constant 0 : i32
            %dma_wait3A_130 = tpu.memref_slice %arg14[%dma_wait3A_128, %dma_wait3A_129] : memref<5248x128xf32, #tpu.memory_space<vmem_shared>> -> memref<5248x128xf32, #tpu.memory_space<vmem_shared>>
            tpu.wait_indirect_dma semaphore(%run_scoped3A : memref<!tpu.dma_semaphore, #tpu.memory_space<semaphore_mem>>) src(%arg11 : memref<128x128xf32, #tpu.memory_space<vmem>>) dst(%dma_wait3A_130 : memref<5248x128xf32, #tpu.memory_space<vmem_shared>>)
            tpu.yield
          }) : () -> ()
          "tpu.region"() ({
            %run_scoped3A = tpu.sem_alloc : memref<!tpu.dma_semaphore, #tpu.memory_space<semaphore_mem>>
            %dma_start3A = arith.constant 0 : i32
            %dma_start3A_121 = tpu.memref_slice %arg10[%scan3A_96, %dma_start3A] : memref<16x128xi32, #tpu.memory_space<vmem>> -> memref<1x128xi32, #tpu.memory_space<vmem>>
            %dma_start3A_122 = tpu.memref_squeeze %dma_start3A_121 : memref<1x128xi32, #tpu.memory_space<vmem>> -> memref<128xi32, #tpu.memory_space<vmem>>
            %dma_start3A_123 = arith.constant 0 : i32
            %dma_start3A_124 = arith.constant 0 : i32
            %dma_start3A_125 = tpu.memref_slice %arg15[%dma_start3A_123, %dma_start3A_124] : memref<5248x128xf32, #tpu.memory_space<vmem_shared>> -> memref<5248x128xf32, #tpu.memory_space<vmem_shared>>
            tpu.enqueue_indirect_dma source(%arg12 : memref<128x128xf32, #tpu.memory_space<vmem>>) target(%dma_start3A_125 : memref<5248x128xf32, #tpu.memory_space<vmem_shared>>) offsets(%dma_start3A_122 : memref<128xi32, #tpu.memory_space<vmem>>) semaphore(%run_scoped3A : memref<!tpu.dma_semaphore, #tpu.memory_space<semaphore_mem>>) {add = true}
            %dma_wait3A = arith.constant 0 : i32
            %dma_wait3A_126 = tpu.memref_slice %arg10[%scan3A_96, %dma_wait3A] : memref<16x128xi32, #tpu.memory_space<vmem>> -> memref<1x128xi32, #tpu.memory_space<vmem>>
            %dma_wait3A_127 = tpu.memref_squeeze %dma_wait3A_126 : memref<1x128xi32, #tpu.memory_space<vmem>> -> memref<128xi32, #tpu.memory_space<vmem>>
            %dma_wait3A_128 = arith.constant 0 : i32
            %dma_wait3A_129 = arith.constant 0 : i32
            %dma_wait3A_130 = tpu.memref_slice %arg15[%dma_wait3A_128, %dma_wait3A_129] : memref<5248x128xf32, #tpu.memory_space<vmem_shared>> -> memref<5248x128xf32, #tpu.memory_space<vmem_shared>>
            tpu.wait_indirect_dma semaphore(%run_scoped3A : memref<!tpu.dma_semaphore, #tpu.memory_space<semaphore_mem>>) src(%arg12 : memref<128x128xf32, #tpu.memory_space<vmem>>) dst(%dma_wait3A_130 : memref<5248x128xf32, #tpu.memory_space<vmem_shared>>)
            tpu.yield
          }) : () -> ()
          %eq3A_115 = arith.constant 0 : i32
          %eq3A_116 = arith.cmpi eq, %arg0, %eq3A_115 : i32
          %convert_element_type3A_117 = arith.extui %eq3A_116 : i1 to i32
          %cond3A_118 = arith.constant 0 : i32
          %cond3A_119 = arith.cmpi ne, %convert_element_type3A_117, %cond3A_118 : i32
          scf.if %cond3A_119 {
            "tpu.region"() ({
              %run_scoped3A = tpu.sem_alloc : memref<!tpu.dma_semaphore, #tpu.memory_space<semaphore_mem>>
              %dma_start3A = arith.constant 0 : i32
              %dma_start3A_121 = tpu.memref_slice %arg13[%dma_start3A] : memref<656xf32, #tpu.memory_space<vmem>> -> memref<128xf32, #tpu.memory_space<vmem>>
              %dma_start3A_122 = arith.constant 0 : i32
              %dma_start3A_123 = tpu.memref_slice %arg9[%scan3A_96, %dma_start3A_122] : memref<16x128xi32, #tpu.memory_space<vmem>> -> memref<1x128xi32, #tpu.memory_space<vmem>>
              %dma_start3A_124 = tpu.memref_squeeze %dma_start3A_123 : memref<1x128xi32, #tpu.memory_space<vmem>> -> memref<128xi32, #tpu.memory_space<vmem>>
              %dma_start3A_125 = arith.constant 0 : i32
              %dma_start3A_126 = tpu.memref_slice %arg16[%dma_start3A_125] : memref<10496xf32, #tpu.memory_space<vmem_shared>> -> memref<10496xf32, #tpu.memory_space<vmem_shared>>
              tpu.enqueue_indirect_dma source(%dma_start3A_121 : memref<128xf32, #tpu.memory_space<vmem>>) target(%dma_start3A_126 : memref<10496xf32, #tpu.memory_space<vmem_shared>>) offsets(%dma_start3A_124 : memref<128xi32, #tpu.memory_space<vmem>>) semaphore(%run_scoped3A : memref<!tpu.dma_semaphore, #tpu.memory_space<semaphore_mem>>) {add = true}
              %dma_wait3A = arith.constant 0 : i32
              %dma_wait3A_127 = tpu.memref_slice %arg13[%dma_wait3A] : memref<656xf32, #tpu.memory_space<vmem>> -> memref<128xf32, #tpu.memory_space<vmem>>
              %dma_wait3A_128 = arith.constant 0 : i32
              %dma_wait3A_129 = tpu.memref_slice %arg9[%scan3A_96, %dma_wait3A_128] : memref<16x128xi32, #tpu.memory_space<vmem>> -> memref<1x128xi32, #tpu.memory_space<vmem>>
              %dma_wait3A_130 = tpu.memref_squeeze %dma_wait3A_129 : memref<1x128xi32, #tpu.memory_space<vmem>> -> memref<128xi32, #tpu.memory_space<vmem>>
              %dma_wait3A_131 = arith.constant 0 : i32
              %dma_wait3A_132 = tpu.memref_slice %arg16[%dma_wait3A_131] : memref<10496xf32, #tpu.memory_space<vmem_shared>> -> memref<10496xf32, #tpu.memory_space<vmem_shared>>
              tpu.wait_indirect_dma semaphore(%run_scoped3A : memref<!tpu.dma_semaphore, #tpu.memory_space<semaphore_mem>>) src(%dma_wait3A_127 : memref<128xf32, #tpu.memory_space<vmem>>) dst(%dma_wait3A_132 : memref<10496xf32, #tpu.memory_space<vmem_shared>>)
              tpu.yield
            }) : () -> ()
          } else {
          }
          %scan3A_120 = arith.constant 0 : i32
          scf.yield %scan3A_120 : i32
        }
        %scan3A_95 = arith.constant 16 : i32
      } else {
      }
      %scan3A_82 = arith.constant 0 : i32
      scf.yield %scan3A_82 : i32
    }
    %scan3A_55 = arith.constant 10 : i32
    %eq3A = arith.constant 15 : i32
    %eq3A_56 = arith.cmpi eq, %arg1, %eq3A : i32
    %convert_element_type3A = arith.extui %eq3A_56 : i1 to i32
    %cond3A = arith.constant 0 : i32
    %cond3A_57 = arith.cmpi ne, %convert_element_type3A, %cond3A : i32
    scf.if %cond3A_57 {
      "tpu.region"() ({
        %run_scoped3A = tpu.sem_alloc : memref<!tpu.dma_semaphore, #tpu.memory_space<semaphore_mem>>
        %dma_start3A = arith.constant 0 : i32
        %dma_start3A_80 = tpu.memref_slice %arg8[%dma_start3A] : memref<2048xi32, #tpu.memory_space<vmem>> -> memref<512xi32, #tpu.memory_space<vmem>>
        %dma_start3A_81 = arith.constant 319488 : i32
        %dma_start3A_82 = tpu.memref_slice %arg2[%dma_start3A_81] : memref<320000xi32, #tpu.memory_space<hbm>> -> memref<512xi32, #tpu.memory_space<hbm>>
        %dma_start3A_83 = arith.constant 0 : i32
        %dma_start3A_84 = tpu.memref_slice %arg8[%dma_start3A_83] : memref<2048xi32, #tpu.memory_space<vmem>> -> memref<512xi32, #tpu.memory_space<vmem>>
        %dma_start3A_85 = arith.constant 319488 : i32
        %dma_start3A_86 = tpu.memref_slice %arg2[%dma_start3A_85] : memref<320000xi32, #tpu.memory_space<hbm>> -> memref<512xi32, #tpu.memory_space<hbm>>
        tpu.enqueue_dma source(%dma_start3A_86 : memref<512xi32, #tpu.memory_space<hbm>>) target(%dma_start3A_84 : memref<512xi32, #tpu.memory_space<vmem>>) target_semaphore(%run_scoped3A : memref<!tpu.dma_semaphore, #tpu.memory_space<semaphore_mem>>)
        %dma_wait3A = arith.constant 0 : i32
        %dma_wait3A_87 = tpu.memref_slice %arg8[%dma_wait3A] : memref<2048xi32, #tpu.memory_space<vmem>> -> memref<512xi32, #tpu.memory_space<vmem>>
        %dma_wait3A_88 = arith.constant 319488 : i32
        %dma_wait3A_89 = tpu.memref_slice %arg2[%dma_wait3A_88] : memref<320000xi32, #tpu.memory_space<hbm>> -> memref<512xi32, #tpu.memory_space<hbm>>
        %dma_wait3A_90 = arith.constant 0 : i32
        %dma_wait3A_91 = tpu.memref_slice %arg8[%dma_wait3A_90] : memref<2048xi32, #tpu.memory_space<vmem>> -> memref<512xi32, #tpu.memory_space<vmem>>
        %dma_wait3A_92 = arith.constant 319488 : i32
        %dma_wait3A_93 = tpu.memref_slice %arg2[%dma_wait3A_92] : memref<320000xi32, #tpu.memory_space<hbm>> -> memref<512xi32, #tpu.memory_space<hbm>>
        tpu.wait_dma2 semaphore(%run_scoped3A : memref<!tpu.dma_semaphore, #tpu.memory_space<semaphore_mem>>) src(%dma_wait3A_93 : memref<512xi32, #tpu.memory_space<hbm>>) dst(%dma_wait3A_91 : memref<512xi32, #tpu.memory_space<vmem>>)
        tpu.yield
      }) : () -> ()
      "tpu.region"() ({
        %run_scoped3A = tpu.sem_alloc : memref<!tpu.dma_semaphore, #tpu.memory_space<semaphore_mem>>
        %dma_start3A = arith.constant 0 : i32
        %dma_start3A_80 = arith.constant 0 : i32
        %dma_start3A_81 = tpu.memref_slice %arg9[%dma_start3A, %dma_start3A_80] : memref<16x128xi32, #tpu.memory_space<vmem>> -> memref<4x128xi32, #tpu.memory_space<vmem>>
        %dma_start3A_82 = arith.constant 2496 : i32
        %dma_start3A_83 = arith.constant 0 : i32
        %dma_start3A_84 = tpu.memref_slice %arg3[%dma_start3A_82, %dma_start3A_83] : memref<2500x128xi32, #tpu.memory_space<hbm>> -> memref<4x128xi32, #tpu.memory_space<hbm>>
        %dma_start3A_85 = arith.constant 0 : i32
        %dma_start3A_86 = arith.constant 0 : i32
        %dma_start3A_87 = tpu.memref_slice %arg9[%dma_start3A_85, %dma_start3A_86] : memref<16x128xi32, #tpu.memory_space<vmem>> -> memref<4x128xi32, #tpu.memory_space<vmem>>
        %dma_start3A_88 = arith.constant 2496 : i32
        %dma_start3A_89 = arith.constant 0 : i32
        %dma_start3A_90 = tpu.memref_slice %arg3[%dma_start3A_88, %dma_start3A_89] : memref<2500x128xi32, #tpu.memory_space<hbm>> -> memref<4x128xi32, #tpu.memory_space<hbm>>
        tpu.enqueue_dma source(%dma_start3A_90 : memref<4x128xi32, #tpu.memory_space<hbm>>) target(%dma_start3A_87 : memref<4x128xi32, #tpu.memory_space<vmem>>) target_semaphore(%run_scoped3A : memref<!tpu.dma_semaphore, #tpu.memory_space<semaphore_mem>>)
        %dma_wait3A = arith.constant 0 : i32
        %dma_wait3A_91 = arith.constant 0 : i32
        %dma_wait3A_92 = tpu.memref_slice %arg9[%dma_wait3A, %dma_wait3A_91] : memref<16x128xi32, #tpu.memory_space<vmem>> -> memref<4x128xi32, #tpu.memory_space<vmem>>
        %dma_wait3A_93 = arith.constant 2496 : i32
        %dma_wait3A_94 = arith.constant 0 : i32
        %dma_wait3A_95 = tpu.memref_slice %arg3[%dma_wait3A_93, %dma_wait3A_94] : memref<2500x128xi32, #tpu.memory_space<hbm>> -> memref<4x128xi32, #tpu.memory_space<hbm>>
        %dma_wait3A_96 = arith.constant 0 : i32
        %dma_wait3A_97 = arith.constant 0 : i32
        %dma_wait3A_98 = tpu.memref_slice %arg9[%dma_wait3A_96, %dma_wait3A_97] : memref<16x128xi32, #tpu.memory_space<vmem>> -> memref<4x128xi32, #tpu.memory_space<vmem>>
        %dma_wait3A_99 = arith.constant 2496 : i32
        %dma_wait3A_100 = arith.constant 0 : i32
        %dma_wait3A_101 = tpu.memref_slice %arg3[%dma_wait3A_99, %dma_wait3A_100] : memref<2500x128xi32, #tpu.memory_space<hbm>> -> memref<4x128xi32, #tpu.memory_space<hbm>>
        tpu.wait_dma2 semaphore(%run_scoped3A : memref<!tpu.dma_semaphore, #tpu.memory_space<semaphore_mem>>) src(%dma_wait3A_101 : memref<4x128xi32, #tpu.memory_space<hbm>>) dst(%dma_wait3A_98 : memref<4x128xi32, #tpu.memory_space<vmem>>)
        tpu.yield
      }) : () -> ()
      %scan3A_73 = arith.constant 0 : i32
      %scan3A_74 = arith.constant 0 : i32
      %scan3A_75 = arith.constant 4 : i32
      %scan3A_76 = arith.addi %scan3A_74, %scan3A_75 : i32
      %scan3A_77 = arith.constant 1 : i32
      %scan3A_78 = scf.for %scan3A_80 = %scan3A_74 to %scan3A_76 step %scan3A_77 iter_args(%scan3A_81 = %scan3A_73) -> (i32)  : i32 {
        %scan3A_82 = arith.constant 0 : i32
        %scan3A_83 = arith.constant 0 : i32
        %scan3A_84 = arith.constant 8 : i32
        %scan3A_85 = arith.addi %scan3A_83, %scan3A_84 : i32
        %scan3A_86 = arith.constant 1 : i32
        %scan3A_87 = scf.for %scan3A_105 = %scan3A_83 to %scan3A_85 step %scan3A_86 iter_args(%scan3A_106 = %scan3A_82) -> (i32)  : i32 {
          %mul3A_107 = arith.constant 16 : i32
          %mul3A_108 = arith.muli %scan3A_105, %mul3A_107 : i32
          %get3A = arith.index_cast %scan3A_80 : i32 to index
          %get3A_109 = arith.index_cast %mul3A_108 : i32 to index
          %get3A_110 = tpu.vector_load %arg9[%get3A, %get3A_109] {strides = array<i32>} : memref<16x128xi32, #tpu.memory_space<vmem>>, vector<1x16xi32>,
          %get3A_111 = vector.shape_cast %get3A_110 : vector<1x16xi32> to vector<16xi32>
          %sub3A = vector.broadcast %mul3A_0 : i32 to vector<16xi32>
          %sub3A_112 = arith.subi %get3A_111, %sub3A : vector<16xi32>
          %ge3A = arith.constant 0 : i32
          %ge3A_113 = vector.broadcast %ge3A : i32 to vector<16xi32>
          %ge3A_114 = arith.cmpi sge, %sub3A_112, %ge3A_113 : vector<16xi32>
          %lt3A = arith.constant 5120 : i32
          %lt3A_115 = vector.broadcast %lt3A : i32 to vector<16xi32>
          %lt3A_116 = arith.cmpi slt, %sub3A_112, %lt3A_115 : vector<16xi32>
          %and3A = arith.andi %ge3A_114, %lt3A_116 : vector<16xi1>
          %add3A_117 = arith.constant 5120 : i32
          %add3A_118 = vector.broadcast %add3A_117 : i32 to vector<16xi32>
          %add3A_119 = arith.addi %add3A_118, %iota3A : vector<16xi32>
          %select_n3A = arith.select %and3A, %sub3A_112, %add3A_119 : vector<16xi1>, vector<16xi32>
          %mul3A_120 = arith.constant 16 : i32
          %mul3A_121 = arith.muli %scan3A_105, %mul3A_120 : i32
          %swap3A = arith.index_cast %scan3A_80 : i32 to index
          %swap3A_122 = arith.index_cast %mul3A_121 : i32 to index
          %swap3A_123 = tpu.vector_load %arg10[%swap3A, %swap3A_122] {strides = array<i32>} : memref<16x128xi32, #tpu.memory_space<vmem>>, vector<1x16xi32>,
          %swap3A_124 = vector.shape_cast %swap3A_123 : vector<1x16xi32> to vector<16xi32>
          %swap3A_125 = vector.shape_cast %select_n3A : vector<16xi32> to vector<1x16xi32>
          tpu.vector_store %arg10[%swap3A, %swap3A_122], %swap3A_125 {strides = array<i32>} : memref<16x128xi32, #tpu.memory_space<vmem>>, vector<1x16xi32>,
          %scan3A_126 = arith.constant 0 : i32
          scf.yield %scan3A_126 : i32
        }
        %scan3A_88 = arith.constant 8 : i32
        %mul3A_89 = arith.constant 128 : i32
        %mul3A_90 = arith.muli %scan3A_80, %mul3A_89 : i32
        %multiple_of3A_91 = tpu.assume_multiple %mul3A_90, 8 : i32
        "tpu.region"() ({
          %run_scoped3A = tpu.sem_alloc : memref<!tpu.dma_semaphore, #tpu.memory_space<semaphore_mem>>
          %dma_start3A = tpu.memref_slice %arg8[%multiple_of3A_91] : memref<2048xi32, #tpu.memory_space<vmem>> -> memref<128xi32, #tpu.memory_space<vmem>>
          %dma_start3A_105 = arith.constant 0 : i32
          %dma_start3A_106 = arith.constant 0 : i32
          %dma_start3A_107 = tpu.memref_slice %arg4[%dma_start3A_105, %dma_start3A_106] : memref<10000x128xf32, #tpu.memory_space<hbm>> -> memref<10000x128xf32, #tpu.memory_space<hbm>>
          tpu.enqueue_indirect_dma source(%dma_start3A_107 : memref<10000x128xf32, #tpu.memory_space<hbm>>) target(%arg11 : memref<128x128xf32, #tpu.memory_space<vmem>>) offsets(%dma_start3A : memref<128xi32, #tpu.memory_space<vmem>>) semaphore(%run_scoped3A : memref<!tpu.dma_semaphore, #tpu.memory_space<semaphore_mem>>)
          %dma_wait3A = tpu.memref_slice %arg8[%multiple_of3A_91] : memref<2048xi32, #tpu.memory_space<vmem>> -> memref<128xi32, #tpu.memory_space<vmem>>
          %dma_wait3A_108 = arith.constant 0 : i32
          %dma_wait3A_109 = arith.constant 0 : i32
          %dma_wait3A_110 = tpu.memref_slice %arg4[%dma_wait3A_108, %dma_wait3A_109] : memref<10000x128xf32, #tpu.memory_space<hbm>> -> memref<10000x128xf32, #tpu.memory_space<hbm>>
          tpu.wait_indirect_dma semaphore(%run_scoped3A : memref<!tpu.dma_semaphore, #tpu.memory_space<semaphore_mem>>) src(%dma_wait3A_110 : memref<10000x128xf32, #tpu.memory_space<hbm>>) dst(%arg11 : memref<128x128xf32, #tpu.memory_space<vmem>>)
          tpu.yield
        }) : () -> ()
        %scan3A_92 = arith.constant 0 : i32
        %scan3A_93 = arith.constant 0 : i32
        %scan3A_94 = arith.constant 128 : i32
        %scan3A_95 = arith.addi %scan3A_93, %scan3A_94 : i32
        %scan3A_96 = arith.constant 1 : i32
        %scan3A_97 = scf.for %scan3A_105 = %scan3A_93 to %scan3A_95 step %scan3A_96 iter_args(%scan3A_106 = %scan3A_92) -> (i32)  : i32 {
          %get3A = arith.index_cast %scan3A_105 : i32 to index
          %get3A_107 = arith.constant 0 : index
          %get3A_108 = tpu.vector_load %arg11[%get3A, %get3A_107] {strides = array<i32>} : memref<128x128xf32, #tpu.memory_space<vmem>>, vector<1x16xf32>,
          %get3A_109 = vector.shape_cast %get3A_108 : vector<1x16xf32> to vector<16xf32>
          %mul3A_110 = arith.mulf %get3A_109, %get3A_109 : vector<16xf32>
          %swap3A = arith.index_cast %scan3A_105 : i32 to index
          %swap3A_111 = arith.constant 0 : index
          %swap3A_112 = tpu.vector_load %arg12[%swap3A, %swap3A_111] {strides = array<i32>} : memref<128x128xf32, #tpu.memory_space<vmem>>, vector<1x16xf32>,
          %swap3A_113 = vector.shape_cast %swap3A_112 : vector<1x16xf32> to vector<16xf32>
          %swap3A_114 = vector.shape_cast %mul3A_110 : vector<16xf32> to vector<1x16xf32>
          tpu.vector_store %arg12[%swap3A, %swap3A_111], %swap3A_114 {strides = array<i32>} : memref<128x128xf32, #tpu.memory_space<vmem>>, vector<1x16xf32>,
          %get3A_115 = arith.index_cast %scan3A_105 : i32 to index
          %get3A_116 = arith.constant 16 : index
          %get3A_117 = tpu.vector_load %arg11[%get3A_115, %get3A_116] {strides = array<i32>} : memref<128x128xf32, #tpu.memory_space<vmem>>, vector<1x16xf32>,
          %get3A_118 = vector.shape_cast %get3A_117 : vector<1x16xf32> to vector<16xf32>
          %mul3A_119 = arith.mulf %get3A_118, %get3A_118 : vector<16xf32>
          %swap3A_120 = arith.index_cast %scan3A_105 : i32 to index
          %swap3A_121 = arith.constant 16 : index
          %swap3A_122 = tpu.vector_load %arg12[%swap3A_120, %swap3A_121] {strides = array<i32>} : memref<128x128xf32, #tpu.memory_space<vmem>>, vector<1x16xf32>,
          %swap3A_123 = vector.shape_cast %swap3A_122 : vector<1x16xf32> to vector<16xf32>
          %swap3A_124 = vector.shape_cast %mul3A_119 : vector<16xf32> to vector<1x16xf32>
          tpu.vector_store %arg12[%swap3A_120, %swap3A_121], %swap3A_124 {strides = array<i32>} : memref<128x128xf32, #tpu.memory_space<vmem>>, vector<1x16xf32>,
          %get3A_125 = arith.index_cast %scan3A_105 : i32 to index
          %get3A_126 = arith.constant 32 : index
          %get3A_127 = tpu.vector_load %arg11[%get3A_125, %get3A_126] {strides = array<i32>} : memref<128x128xf32, #tpu.memory_space<vmem>>, vector<1x16xf32>,
          %get3A_128 = vector.shape_cast %get3A_127 : vector<1x16xf32> to vector<16xf32>
          %mul3A_129 = arith.mulf %get3A_128, %get3A_128 : vector<16xf32>
          %swap3A_130 = arith.index_cast %scan3A_105 : i32 to index
          %swap3A_131 = arith.constant 32 : index
          %swap3A_132 = tpu.vector_load %arg12[%swap3A_130, %swap3A_131] {strides = array<i32>} : memref<128x128xf32, #tpu.memory_space<vmem>>, vector<1x16xf32>,
          %swap3A_133 = vector.shape_cast %swap3A_132 : vector<1x16xf32> to vector<16xf32>
          %swap3A_134 = vector.shape_cast %mul3A_129 : vector<16xf32> to vector<1x16xf32>
          tpu.vector_store %arg12[%swap3A_130, %swap3A_131], %swap3A_134 {strides = array<i32>} : memref<128x128xf32, #tpu.memory_space<vmem>>, vector<1x16xf32>,
          %get3A_135 = arith.index_cast %scan3A_105 : i32 to index
          %get3A_136 = arith.constant 48 : index
          %get3A_137 = tpu.vector_load %arg11[%get3A_135, %get3A_136] {strides = array<i32>} : memref<128x128xf32, #tpu.memory_space<vmem>>, vector<1x16xf32>,
          %get3A_138 = vector.shape_cast %get3A_137 : vector<1x16xf32> to vector<16xf32>
          %mul3A_139 = arith.mulf %get3A_138, %get3A_138 : vector<16xf32>
          %swap3A_140 = arith.index_cast %scan3A_105 : i32 to index
          %swap3A_141 = arith.constant 48 : index
          %swap3A_142 = tpu.vector_load %arg12[%swap3A_140, %swap3A_141] {strides = array<i32>} : memref<128x128xf32, #tpu.memory_space<vmem>>, vector<1x16xf32>,
          %swap3A_143 = vector.shape_cast %swap3A_142 : vector<1x16xf32> to vector<16xf32>
          %swap3A_144 = vector.shape_cast %mul3A_139 : vector<16xf32> to vector<1x16xf32>
          tpu.vector_store %arg12[%swap3A_140, %swap3A_141], %swap3A_144 {strides = array<i32>} : memref<128x128xf32, #tpu.memory_space<vmem>>, vector<1x16xf32>,
          %get3A_145 = arith.index_cast %scan3A_105 : i32 to index
          %get3A_146 = arith.constant 64 : index
          %get3A_147 = tpu.vector_load %arg11[%get3A_145, %get3A_146] {strides = array<i32>} : memref<128x128xf32, #tpu.memory_space<vmem>>, vector<1x16xf32>,
          %get3A_148 = vector.shape_cast %get3A_147 : vector<1x16xf32> to vector<16xf32>
          %mul3A_149 = arith.mulf %get3A_148, %get3A_148 : vector<16xf32>
          %swap3A_150 = arith.index_cast %scan3A_105 : i32 to index
          %swap3A_151 = arith.constant 64 : index
          %swap3A_152 = tpu.vector_load %arg12[%swap3A_150, %swap3A_151] {strides = array<i32>} : memref<128x128xf32, #tpu.memory_space<vmem>>, vector<1x16xf32>,
          %swap3A_153 = vector.shape_cast %swap3A_152 : vector<1x16xf32> to vector<16xf32>
          %swap3A_154 = vector.shape_cast %mul3A_149 : vector<16xf32> to vector<1x16xf32>
          tpu.vector_store %arg12[%swap3A_150, %swap3A_151], %swap3A_154 {strides = array<i32>} : memref<128x128xf32, #tpu.memory_space<vmem>>, vector<1x16xf32>,
          %get3A_155 = arith.index_cast %scan3A_105 : i32 to index
          %get3A_156 = arith.constant 80 : index
          %get3A_157 = tpu.vector_load %arg11[%get3A_155, %get3A_156] {strides = array<i32>} : memref<128x128xf32, #tpu.memory_space<vmem>>, vector<1x16xf32>,
          %get3A_158 = vector.shape_cast %get3A_157 : vector<1x16xf32> to vector<16xf32>
          %mul3A_159 = arith.mulf %get3A_158, %get3A_158 : vector<16xf32>
          %swap3A_160 = arith.index_cast %scan3A_105 : i32 to index
          %swap3A_161 = arith.constant 80 : index
          %swap3A_162 = tpu.vector_load %arg12[%swap3A_160, %swap3A_161] {strides = array<i32>} : memref<128x128xf32, #tpu.memory_space<vmem>>, vector<1x16xf32>,
          %swap3A_163 = vector.shape_cast %swap3A_162 : vector<1x16xf32> to vector<16xf32>
          %swap3A_164 = vector.shape_cast %mul3A_159 : vector<16xf32> to vector<1x16xf32>
          tpu.vector_store %arg12[%swap3A_160, %swap3A_161], %swap3A_164 {strides = array<i32>} : memref<128x128xf32, #tpu.memory_space<vmem>>, vector<1x16xf32>,
          %get3A_165 = arith.index_cast %scan3A_105 : i32 to index
          %get3A_166 = arith.constant 96 : index
          %get3A_167 = tpu.vector_load %arg11[%get3A_165, %get3A_166] {strides = array<i32>} : memref<128x128xf32, #tpu.memory_space<vmem>>, vector<1x16xf32>,
          %get3A_168 = vector.shape_cast %get3A_167 : vector<1x16xf32> to vector<16xf32>
          %mul3A_169 = arith.mulf %get3A_168, %get3A_168 : vector<16xf32>
          %swap3A_170 = arith.index_cast %scan3A_105 : i32 to index
          %swap3A_171 = arith.constant 96 : index
          %swap3A_172 = tpu.vector_load %arg12[%swap3A_170, %swap3A_171] {strides = array<i32>} : memref<128x128xf32, #tpu.memory_space<vmem>>, vector<1x16xf32>,
          %swap3A_173 = vector.shape_cast %swap3A_172 : vector<1x16xf32> to vector<16xf32>
          %swap3A_174 = vector.shape_cast %mul3A_169 : vector<16xf32> to vector<1x16xf32>
          tpu.vector_store %arg12[%swap3A_170, %swap3A_171], %swap3A_174 {strides = array<i32>} : memref<128x128xf32, #tpu.memory_space<vmem>>, vector<1x16xf32>,
          %get3A_175 = arith.index_cast %scan3A_105 : i32 to index
          %get3A_176 = arith.constant 112 : index
          %get3A_177 = tpu.vector_load %arg11[%get3A_175, %get3A_176] {strides = array<i32>} : memref<128x128xf32, #tpu.memory_space<vmem>>, vector<1x16xf32>,
          %get3A_178 = vector.shape_cast %get3A_177 : vector<1x16xf32> to vector<16xf32>
          %mul3A_179 = arith.mulf %get3A_178, %get3A_178 : vector<16xf32>
          %swap3A_180 = arith.index_cast %scan3A_105 : i32 to index
          %swap3A_181 = arith.constant 112 : index
          %swap3A_182 = tpu.vector_load %arg12[%swap3A_180, %swap3A_181] {strides = array<i32>} : memref<128x128xf32, #tpu.memory_space<vmem>>, vector<1x16xf32>,
          %swap3A_183 = vector.shape_cast %swap3A_182 : vector<1x16xf32> to vector<16xf32>
          %swap3A_184 = vector.shape_cast %mul3A_179 : vector<16xf32> to vector<1x16xf32>
          tpu.vector_store %arg12[%swap3A_180, %swap3A_181], %swap3A_184 {strides = array<i32>} : memref<128x128xf32, #tpu.memory_space<vmem>>, vector<1x16xf32>,
          %scan3A_185 = arith.constant 0 : i32
          scf.yield %scan3A_185 : i32
        }
        %scan3A_98 = arith.constant 128 : i32
        "tpu.region"() ({
          %run_scoped3A = tpu.sem_alloc : memref<!tpu.dma_semaphore, #tpu.memory_space<semaphore_mem>>
          %dma_start3A = arith.constant 0 : i32
          %dma_start3A_105 = tpu.memref_slice %arg10[%scan3A_80, %dma_start3A] : memref<16x128xi32, #tpu.memory_space<vmem>> -> memref<1x128xi32, #tpu.memory_space<vmem>>
          %dma_start3A_106 = tpu.memref_squeeze %dma_start3A_105 : memref<1x128xi32, #tpu.memory_space<vmem>> -> memref<128xi32, #tpu.memory_space<vmem>>
          %dma_start3A_107 = arith.constant 0 : i32
          %dma_start3A_108 = arith.constant 0 : i32
          %dma_start3A_109 = tpu.memref_slice %arg14[%dma_start3A_107, %dma_start3A_108] : memref<5248x128xf32, #tpu.memory_space<vmem_shared>> -> memref<5248x128xf32, #tpu.memory_space<vmem_shared>>
          tpu.enqueue_indirect_dma source(%arg11 : memref<128x128xf32, #tpu.memory_space<vmem>>) target(%dma_start3A_109 : memref<5248x128xf32, #tpu.memory_space<vmem_shared>>) offsets(%dma_start3A_106 : memref<128xi32, #tpu.memory_space<vmem>>) semaphore(%run_scoped3A : memref<!tpu.dma_semaphore, #tpu.memory_space<semaphore_mem>>) {add = true}
          %dma_wait3A = arith.constant 0 : i32
          %dma_wait3A_110 = tpu.memref_slice %arg10[%scan3A_80, %dma_wait3A] : memref<16x128xi32, #tpu.memory_space<vmem>> -> memref<1x128xi32, #tpu.memory_space<vmem>>
          %dma_wait3A_111 = tpu.memref_squeeze %dma_wait3A_110 : memref<1x128xi32, #tpu.memory_space<vmem>> -> memref<128xi32, #tpu.memory_space<vmem>>
          %dma_wait3A_112 = arith.constant 0 : i32
          %dma_wait3A_113 = arith.constant 0 : i32
          %dma_wait3A_114 = tpu.memref_slice %arg14[%dma_wait3A_112, %dma_wait3A_113] : memref<5248x128xf32, #tpu.memory_space<vmem_shared>> -> memref<5248x128xf32, #tpu.memory_space<vmem_shared>>
          tpu.wait_indirect_dma semaphore(%run_scoped3A : memref<!tpu.dma_semaphore, #tpu.memory_space<semaphore_mem>>) src(%arg11 : memref<128x128xf32, #tpu.memory_space<vmem>>) dst(%dma_wait3A_114 : memref<5248x128xf32, #tpu.memory_space<vmem_shared>>)
          tpu.yield
        }) : () -> ()
        "tpu.region"() ({
          %run_scoped3A = tpu.sem_alloc : memref<!tpu.dma_semaphore, #tpu.memory_space<semaphore_mem>>
          %dma_start3A = arith.constant 0 : i32
          %dma_start3A_105 = tpu.memref_slice %arg10[%scan3A_80, %dma_start3A] : memref<16x128xi32, #tpu.memory_space<vmem>> -> memref<1x128xi32, #tpu.memory_space<vmem>>
          %dma_start3A_106 = tpu.memref_squeeze %dma_start3A_105 : memref<1x128xi32, #tpu.memory_space<vmem>> -> memref<128xi32, #tpu.memory_space<vmem>>
          %dma_start3A_107 = arith.constant 0 : i32
          %dma_start3A_108 = arith.constant 0 : i32
          %dma_start3A_109 = tpu.memref_slice %arg15[%dma_start3A_107, %dma_start3A_108] : memref<5248x128xf32, #tpu.memory_space<vmem_shared>> -> memref<5248x128xf32, #tpu.memory_space<vmem_shared>>
          tpu.enqueue_indirect_dma source(%arg12 : memref<128x128xf32, #tpu.memory_space<vmem>>) target(%dma_start3A_109 : memref<5248x128xf32, #tpu.memory_space<vmem_shared>>) offsets(%dma_start3A_106 : memref<128xi32, #tpu.memory_space<vmem>>) semaphore(%run_scoped3A : memref<!tpu.dma_semaphore, #tpu.memory_space<semaphore_mem>>) {add = true}
          %dma_wait3A = arith.constant 0 : i32
          %dma_wait3A_110 = tpu.memref_slice %arg10[%scan3A_80, %dma_wait3A] : memref<16x128xi32, #tpu.memory_space<vmem>> -> memref<1x128xi32, #tpu.memory_space<vmem>>
          %dma_wait3A_111 = tpu.memref_squeeze %dma_wait3A_110 : memref<1x128xi32, #tpu.memory_space<vmem>> -> memref<128xi32, #tpu.memory_space<vmem>>
          %dma_wait3A_112 = arith.constant 0 : i32
          %dma_wait3A_113 = arith.constant 0 : i32
          %dma_wait3A_114 = tpu.memref_slice %arg15[%dma_wait3A_112, %dma_wait3A_113] : memref<5248x128xf32, #tpu.memory_space<vmem_shared>> -> memref<5248x128xf32, #tpu.memory_space<vmem_shared>>
          tpu.wait_indirect_dma semaphore(%run_scoped3A : memref<!tpu.dma_semaphore, #tpu.memory_space<semaphore_mem>>) src(%arg12 : memref<128x128xf32, #tpu.memory_space<vmem>>) dst(%dma_wait3A_114 : memref<5248x128xf32, #tpu.memory_space<vmem_shared>>)
          tpu.yield
        }) : () -> ()
        %eq3A_99 = arith.constant 0 : i32
        %eq3A_100 = arith.cmpi eq, %arg0, %eq3A_99 : i32
        %convert_element_type3A_101 = arith.extui %eq3A_100 : i1 to i32
        %cond3A_102 = arith.constant 0 : i32
        %cond3A_103 = arith.cmpi ne, %convert_element_type3A_101, %cond3A_102 : i32
        scf.if %cond3A_103 {
          "tpu.region"() ({
            %run_scoped3A = tpu.sem_alloc : memref<!tpu.dma_semaphore, #tpu.memory_space<semaphore_mem>>
            %dma_start3A = arith.constant 0 : i32
            %dma_start3A_105 = tpu.memref_slice %arg13[%dma_start3A] : memref<656xf32, #tpu.memory_space<vmem>> -> memref<128xf32, #tpu.memory_space<vmem>>
            %dma_start3A_106 = arith.constant 0 : i32
            %dma_start3A_107 = tpu.memref_slice %arg9[%scan3A_80, %dma_start3A_106] : memref<16x128xi32, #tpu.memory_space<vmem>> -> memref<1x128xi32, #tpu.memory_space<vmem>>
            %dma_start3A_108 = tpu.memref_squeeze %dma_start3A_107 : memref<1x128xi32, #tpu.memory_space<vmem>> -> memref<128xi32, #tpu.memory_space<vmem>>
            %dma_start3A_109 = arith.constant 0 : i32
            %dma_start3A_110 = tpu.memref_slice %arg16[%dma_start3A_109] : memref<10496xf32, #tpu.memory_space<vmem_shared>> -> memref<10496xf32, #tpu.memory_space<vmem_shared>>
            tpu.enqueue_indirect_dma source(%dma_start3A_105 : memref<128xf32, #tpu.memory_space<vmem>>) target(%dma_start3A_110 : memref<10496xf32, #tpu.memory_space<vmem_shared>>) offsets(%dma_start3A_108 : memref<128xi32, #tpu.memory_space<vmem>>) semaphore(%run_scoped3A : memref<!tpu.dma_semaphore, #tpu.memory_space<semaphore_mem>>) {add = true}
            %dma_wait3A = arith.constant 0 : i32
            %dma_wait3A_111 = tpu.memref_slice %arg13[%dma_wait3A] : memref<656xf32, #tpu.memory_space<vmem>> -> memref<128xf32, #tpu.memory_space<vmem>>
            %dma_wait3A_112 = arith.constant 0 : i32
            %dma_wait3A_113 = tpu.memref_slice %arg9[%scan3A_80, %dma_wait3A_112] : memref<16x128xi32, #tpu.memory_space<vmem>> -> memref<1x128xi32, #tpu.memory_space<vmem>>
            %dma_wait3A_114 = tpu.memref_squeeze %dma_wait3A_113 : memref<1x128xi32, #tpu.memory_space<vmem>> -> memref<128xi32, #tpu.memory_space<vmem>>
            %dma_wait3A_115 = arith.constant 0 : i32
            %dma_wait3A_116 = tpu.memref_slice %arg16[%dma_wait3A_115] : memref<10496xf32, #tpu.memory_space<vmem_shared>> -> memref<10496xf32, #tpu.memory_space<vmem_shared>>
            tpu.wait_indirect_dma semaphore(%run_scoped3A : memref<!tpu.dma_semaphore, #tpu.memory_space<semaphore_mem>>) src(%dma_wait3A_111 : memref<128xf32, #tpu.memory_space<vmem>>) dst(%dma_wait3A_116 : memref<10496xf32, #tpu.memory_space<vmem_shared>>)
            tpu.yield
          }) : () -> ()
        } else {
        }
        %scan3A_104 = arith.constant 0 : i32
        scf.yield %scan3A_104 : i32
      }
      %scan3A_79 = arith.constant 4 : i32
    } else {
    }
    %barrier3A_58 = arith.constant 0 : index
    tpu.barrier barrier_id(%barrier3A_58)
    %mul3A_59 = arith.constant 320 : i32
    %mul3A_60 = arith.muli %arg1, %mul3A_59 : i32
    %multiple_of3A_61 = tpu.assume_multiple %mul3A_60, 8 : i32
    %mul3A_62 = arith.constant 5120 : i32
    %mul3A_63 = arith.muli %arg0, %mul3A_62 : i32
    %mul3A_64 = arith.constant 320 : i32
    %mul3A_65 = arith.muli %arg1, %mul3A_64 : i32
    %add3A_66 = arith.addi %mul3A_63, %mul3A_65 : i32
    %multiple_of3A_67 = tpu.assume_multiple %add3A_66, 8 : i32
    "tpu.region"() ({
      %run_scoped3A = tpu.sem_alloc : memref<!tpu.dma_semaphore, #tpu.memory_space<semaphore_mem>>
      %dma_start3A = arith.constant 0 : i32
      %dma_start3A_73 = tpu.memref_slice %arg5[%multiple_of3A_67, %dma_start3A] : memref<10240x128xf32, #tpu.memory_space<hbm>> -> memref<320x128xf32, #tpu.memory_space<hbm>>
      %dma_start3A_74 = arith.constant 0 : i32
      %dma_start3A_75 = tpu.memref_slice %arg14[%multiple_of3A_61, %dma_start3A_74] : memref<5248x128xf32, #tpu.memory_space<vmem_shared>> -> memref<320x128xf32, #tpu.memory_space<vmem_shared>>
      tpu.enqueue_dma source(%dma_start3A_75 : memref<320x128xf32, #tpu.memory_space<vmem_shared>>) target(%dma_start3A_73 : memref<320x128xf32, #tpu.memory_space<hbm>>) target_semaphore(%run_scoped3A : memref<!tpu.dma_semaphore, #tpu.memory_space<semaphore_mem>>)
      %dma_wait3A = arith.constant 0 : i32
      %dma_wait3A_76 = tpu.memref_slice %arg5[%multiple_of3A_67, %dma_wait3A] : memref<10240x128xf32, #tpu.memory_space<hbm>> -> memref<320x128xf32, #tpu.memory_space<hbm>>
      %dma_wait3A_77 = arith.constant 0 : i32
      %dma_wait3A_78 = tpu.memref_slice %arg14[%multiple_of3A_61, %dma_wait3A_77] : memref<5248x128xf32, #tpu.memory_space<vmem_shared>> -> memref<320x128xf32, #tpu.memory_space<vmem_shared>>
      tpu.wait_dma2 semaphore(%run_scoped3A : memref<!tpu.dma_semaphore, #tpu.memory_space<semaphore_mem>>) src(%dma_wait3A_78 : memref<320x128xf32, #tpu.memory_space<vmem_shared>>) dst(%dma_wait3A_76 : memref<320x128xf32, #tpu.memory_space<hbm>>)
      tpu.yield
    }) : () -> ()
    "tpu.region"() ({
      %run_scoped3A = tpu.sem_alloc : memref<!tpu.dma_semaphore, #tpu.memory_space<semaphore_mem>>
      %dma_start3A = arith.constant 0 : i32
      %dma_start3A_73 = tpu.memref_slice %arg6[%multiple_of3A_67, %dma_start3A] : memref<10240x128xf32, #tpu.memory_space<hbm>> -> memref<320x128xf32, #tpu.memory_space<hbm>>
      %dma_start3A_74 = arith.constant 0 : i32
      %dma_start3A_75 = tpu.memref_slice %arg15[%multiple_of3A_61, %dma_start3A_74] : memref<5248x128xf32, #tpu.memory_space<vmem_shared>> -> memref<320x128xf32, #tpu.memory_space<vmem_shared>>
      tpu.enqueue_dma source(%dma_start3A_75 : memref<320x128xf32, #tpu.memory_space<vmem_shared>>) target(%dma_start3A_73 : memref<320x128xf32, #tpu.memory_space<hbm>>) target_semaphore(%run_scoped3A : memref<!tpu.dma_semaphore, #tpu.memory_space<semaphore_mem>>)
      %dma_wait3A = arith.constant 0 : i32
      %dma_wait3A_76 = tpu.memref_slice %arg6[%multiple_of3A_67, %dma_wait3A] : memref<10240x128xf32, #tpu.memory_space<hbm>> -> memref<320x128xf32, #tpu.memory_space<hbm>>
      %dma_wait3A_77 = arith.constant 0 : i32
      %dma_wait3A_78 = tpu.memref_slice %arg15[%multiple_of3A_61, %dma_wait3A_77] : memref<5248x128xf32, #tpu.memory_space<vmem_shared>> -> memref<320x128xf32, #tpu.memory_space<vmem_shared>>
      tpu.wait_dma2 semaphore(%run_scoped3A : memref<!tpu.dma_semaphore, #tpu.memory_space<semaphore_mem>>) src(%dma_wait3A_78 : memref<320x128xf32, #tpu.memory_space<vmem_shared>>) dst(%dma_wait3A_76 : memref<320x128xf32, #tpu.memory_space<hbm>>)
      tpu.yield
    }) : () -> ()
    %eq3A_68 = arith.constant 0 : i32
    %eq3A_69 = arith.cmpi eq, %arg0, %eq3A_68 : i32
    %convert_element_type3A_70 = arith.extui %eq3A_69 : i1 to i32
    %cond3A_71 = arith.constant 0 : i32
    %cond3A_72 = arith.cmpi ne, %convert_element_type3A_70, %cond3A_71 : i32
    scf.if %cond3A_72 {
      %mul3A_73 = arith.constant 640 : i32
      %mul3A_74 = arith.muli %arg1, %mul3A_73 : i32
      %multiple_of3A_75 = tpu.assume_multiple %mul3A_74, 8 : i32
      "tpu.region"() ({
        %run_scoped3A = tpu.sem_alloc : memref<!tpu.dma_semaphore, #tpu.memory_space<semaphore_mem>>
        %dma_start3A = tpu.memref_slice %arg7[%multiple_of3A_75] : memref<10240xf32, #tpu.memory_space<hbm>> -> memref<640xf32, #tpu.memory_space<hbm>>
        %dma_start3A_76 = tpu.memref_slice %arg16[%multiple_of3A_75] : memref<10496xf32, #tpu.memory_space<vmem_shared>> -> memref<640xf32, #tpu.memory_space<vmem_shared>>
        tpu.enqueue_dma source(%dma_start3A_76 : memref<640xf32, #tpu.memory_space<vmem_shared>>) target(%dma_start3A : memref<640xf32, #tpu.memory_space<hbm>>) target_semaphore(%run_scoped3A : memref<!tpu.dma_semaphore, #tpu.memory_space<semaphore_mem>>)
        %dma_wait3A = tpu.memref_slice %arg7[%multiple_of3A_75] : memref<10240xf32, #tpu.memory_space<hbm>> -> memref<640xf32, #tpu.memory_space<hbm>>
        %dma_wait3A_77 = tpu.memref_slice %arg16[%multiple_of3A_75] : memref<10496xf32, #tpu.memory_space<vmem_shared>> -> memref<640xf32, #tpu.memory_space<vmem_shared>>
        tpu.wait_dma2 semaphore(%run_scoped3A : memref<!tpu.dma_semaphore, #tpu.memory_space<semaphore_mem>>) src(%dma_wait3A_77 : memref<640xf32, #tpu.memory_space<vmem_shared>>) dst(%dma_wait3A : memref<640xf32, #tpu.memory_space<hbm>>)
        tpu.yield
      }) : () -> ()
    } else {
    }
    return
  }
}

#map = affine_map<(d0, d1) -> (0)>
#map1 = affine_map<(d0, d1) -> (0, 0)>
module attributes {stable_mosaic.version = 14 : i64} {
  func.func @_seg_sc_kernel(%arg0: i32, %arg1: i32, %arg2: memref<320000xi32, #tpu.memory_space<hbm>>, %arg3: memref<2500x128xi32, #tpu.memory_space<hbm>>, %arg4: memref<10000x128xf32, #tpu.memory_space<hbm>>, %arg5: memref<10240x128xf32, #tpu.memory_space<hbm>>, %arg6: memref<10240x128xf32, #tpu.memory_space<hbm>>, %arg7: memref<10240xf32, #tpu.memory_space<hbm>>, %arg8: memref<2048xi32, #tpu.memory_space<vmem>>, %arg9: memref<16x128xi32, #tpu.memory_space<vmem>>, %arg10: memref<16x128xi32, #tpu.memory_space<vmem>>, %arg11: memref<128x128xf32, #tpu.memory_space<vmem>>, %arg12: memref<128x128xf32, #tpu.memory_space<vmem>>, %arg13: memref<656xf32, #tpu.memory_space<vmem>>, %arg14: memref<5248x128xf32, #tpu.memory_space<vmem_shared>>, %arg15: memref<5248x128xf32, #tpu.memory_space<vmem_shared>>, %arg16: memref<10496xf32, #tpu.memory_space<vmem_shared>>) attributes {dimension_semantics = [#tpu.dimension_semantics<core_parallel>, #tpu.dimension_semantics<subcore_parallel>], iteration_bounds = array<i64: 2, 16>, scalar_prefetch = 0 : i64, scratch_operands = 9 : i64, tpu.core_type = #tpu.core_type<sc_vector_subcore>, window_params = [{transform_indices = #map}, {transform_indices = #map1}, {transform_indices = #map1}, {transform_indices = #map1}, {transform_indices = #map1}, {transform_indices = #map}]} {
    %mul3A = arith.constant 5120 : i32
    %mul3A_0 = arith.muli %arg0, %mul3A : i32
    %iota3A = tpu.iota {dimensions = array<i32: 0>} : vector<16xi32>
    %scan3A = arith.constant 0 : i32
    %scan3A_1 = arith.constant 0 : i32
    %scan3A_2 = arith.constant 1024 : i32
    %scan3A_3 = arith.addi %scan3A_1, %scan3A_2 : i32
    %scan3A_4 = arith.constant 1 : i32
    %scan3A_5 = scf.for %scan3A_73 = %scan3A_1 to %scan3A_3 step %scan3A_4 iter_args(%scan3A_74 = %scan3A) -> (i32)  : i32 {
      %broadcast_in_dim3A = arith.constant 0.000000e+00 : f32
      %broadcast_in_dim3A_75 = vector.broadcast %broadcast_in_dim3A : f32 to vector<16xf32>
      %jit3A = arith.constant 8 : i32
      %div3A = arith.divsi %scan3A_73, %jit3A : i32
      %sign3A = arith.constant 0 : i32
      %sign3A_76 = arith.cmpi sgt, %scan3A_73, %sign3A : i32
      %sign3A_77 = arith.extui %sign3A_76 : i1 to i32
      %sign3A_78 = arith.constant 0 : i32
      %sign3A_79 = arith.cmpi slt, %scan3A_73, %sign3A_78 : i32
      %sign3A_80 = arith.extui %sign3A_79 : i1 to i32
      %sign3A_81 = arith.subi %sign3A_77, %sign3A_80 : i32
      %sign3A_82 = arith.constant 0 : i32
      %sign3A_83 = arith.cmpi sgt, %jit3A, %sign3A_82 : i32
      %sign3A_84 = arith.extui %sign3A_83 : i1 to i32
      %sign3A_85 = arith.constant 0 : i32
      %sign3A_86 = arith.cmpi slt, %jit3A, %sign3A_85 : i32
      %sign3A_87 = arith.extui %sign3A_86 : i1 to i32
      %sign3A_88 = arith.subi %sign3A_84, %sign3A_87 : i32
      %ne3A = arith.cmpi ne, %sign3A_81, %sign3A_88 : i32
      %rem3A = arith.remsi %scan3A_73, %jit3A : i32
      %ne3A_89 = arith.constant 0 : i32
      %ne3A_90 = arith.cmpi ne, %rem3A, %ne3A_89 : i32
      %and3A = arith.andi %ne3A, %ne3A_90 : i1
      %sub3A = arith.constant 1 : i32
      %sub3A_91 = arith.subi %div3A, %sub3A : i32
      %select_n3A = arith.select %and3A, %sub3A_91, %div3A : i32
      %jit3A_92 = arith.constant 8 : i32
      %eq3A_93 = arith.constant 0 : i32
      %eq3A_94 = arith.cmpi eq, %jit3A_92, %eq3A_93 : i32
      %jit3A_95 = arith.constant 1 : i32
      %select_n3A_96 = arith.select %eq3A_94, %jit3A_95, %jit3A_92 : i32
      %rem3A_97 = arith.remsi %scan3A_73, %select_n3A_96 : i32
      %ne3A_98 = arith.constant 0 : i32
      %ne3A_99 = arith.cmpi ne, %rem3A_97, %ne3A_98 : i32
      %lt3A = arith.constant 0 : i32
      %lt3A_100 = arith.cmpi slt, %rem3A_97, %lt3A : i32
      %lt3A_101 = arith.constant 0 : i32
      %lt3A_102 = arith.cmpi slt, %select_n3A_96, %lt3A_101 : i32
      %ne3A_103 = arith.xori %lt3A_100, %lt3A_102 : i1
      %and3A_104 = arith.andi %ne3A_103, %ne3A_99 : i1
      %add3A_105 = arith.addi %rem3A_97, %select_n3A_96 : i32
      %select_n3A_106 = arith.select %and3A_104, %add3A_105, %rem3A_97 : i32
      %mul3A_107 = arith.constant 16 : i32
      %mul3A_108 = arith.muli %select_n3A_106, %mul3A_107 : i32
      %swap3A = arith.index_cast %select_n3A : i32 to index
      %swap3A_109 = arith.index_cast %mul3A_108 : i32 to index
      %swap3A_110 = tpu.vector_load %arg12[%swap3A, %swap3A_109] {strides = array<i32>} : memref<128x128xf32, #tpu.memory_space<vmem>>, vector<1x16xf32>,
      %swap3A_111 = vector.shape_cast %swap3A_110 : vector<1x16xf32> to vector<16xf32>
      %swap3A_112 = vector.shape_cast %broadcast_in_dim3A_75 : vector<16xf32> to vector<1x16xf32>
      tpu.vector_store %arg12[%swap3A, %swap3A_109], %swap3A_112 {strides = array<i32>} : memref<128x128xf32, #tpu.memory_space<vmem>>, vector<1x16xf32>,
      %scan3A_113 = arith.constant 0 : i32
      scf.yield %scan3A_113 : i32
    }
    %scan3A_6 = arith.constant 1024 : i32
    %scan3A_7 = arith.constant 0 : i32
    %scan3A_8 = arith.constant 0 : i32
    %scan3A_9 = arith.constant 41 : i32
    %scan3A_10 = arith.addi %scan3A_8, %scan3A_9 : i32
    %scan3A_11 = arith.constant 1 : i32
    %scan3A_12 = scf.for %scan3A_73 = %scan3A_8 to %scan3A_10 step %scan3A_11 iter_args(%scan3A_74 = %scan3A_7) -> (i32)  : i32 {
      %broadcast_in_dim3A = arith.constant 0.000000e+00 : f32
      %broadcast_in_dim3A_75 = vector.broadcast %broadcast_in_dim3A : f32 to vector<16xf32>
      %mul3A_76 = arith.constant 16 : i32
      %mul3A_77 = arith.muli %scan3A_73, %mul3A_76 : i32
      %swap3A = arith.index_cast %mul3A_77 : i32 to index
      %swap3A_78 = tpu.vector_load %arg13[%swap3A] {strides = array<i32>} : memref<656xf32, #tpu.memory_space<vmem>>, vector<16xf32>,
      %swap3A_79 = vector.shape_cast %swap3A_78 : vector<16xf32> to vector<16xf32>
      %swap3A_80 = vector.shape_cast %broadcast_in_dim3A_75 : vector<16xf32> to vector<16xf32>
      tpu.vector_store %arg13[%swap3A], %swap3A_80 {strides = array<i32>} : memref<656xf32, #tpu.memory_space<vmem>>, vector<16xf32>,
      %scan3A_81 = arith.constant 0 : i32
      scf.yield %scan3A_81 : i32
    }
    %scan3A_13 = arith.constant 41 : i32
    %mul3A_14 = arith.constant 328 : i32
    %mul3A_15 = arith.muli %arg1, %mul3A_14 : i32
    %multiple_of3A = tpu.assume_multiple %mul3A_15, 8 : i32
    %add3A = arith.constant 0 : i32
    %add3A_16 = arith.addi %multiple_of3A, %add3A : i32
    "tpu.region"() ({
      %run_scoped3A = tpu.sem_alloc : memref<!tpu.dma_semaphore, #tpu.memory_space<semaphore_mem>>
      %dma_start3A = arith.constant 0 : i32
      %dma_start3A_73 = arith.constant 0 : i32
      %dma_start3A_74 = tpu.memref_slice %arg12[%dma_start3A, %dma_start3A_73] : memref<128x128xf32, #tpu.memory_space<vmem>> -> memref<128x128xf32, #tpu.memory_space<vmem>>
      %dma_start3A_75 = arith.constant 0 : i32
      %dma_start3A_76 = tpu.memref_slice %arg14[%add3A_16, %dma_start3A_75] : memref<5248x128xf32, #tpu.memory_space<vmem_shared>> -> memref<128x128xf32, #tpu.memory_space<vmem_shared>>
      %dma_start3A_77 = arith.constant 0 : i32
      %dma_start3A_78 = tpu.memref_slice %arg14[%add3A_16, %dma_start3A_77] : memref<5248x128xf32, #tpu.memory_space<vmem_shared>> -> memref<128x128xf32, #tpu.memory_space<vmem_shared>>
      %dma_start3A_79 = arith.constant 0 : i32
      %dma_start3A_80 = arith.constant 0 : i32
      %dma_start3A_81 = tpu.memref_slice %arg12[%dma_start3A_79, %dma_start3A_80] : memref<128x128xf32, #tpu.memory_space<vmem>> -> memref<128x128xf32, #tpu.memory_space<vmem>>
      tpu.enqueue_dma source(%dma_start3A_81 : memref<128x128xf32, #tpu.memory_space<vmem>>) target(%dma_start3A_78 : memref<128x128xf32, #tpu.memory_space<vmem_shared>>) target_semaphore(%run_scoped3A : memref<!tpu.dma_semaphore, #tpu.memory_space<semaphore_mem>>)
      %dma_wait3A = arith.constant 0 : i32
      %dma_wait3A_82 = arith.constant 0 : i32
      %dma_wait3A_83 = tpu.memref_slice %arg12[%dma_wait3A, %dma_wait3A_82] : memref<128x128xf32, #tpu.memory_space<vmem>> -> memref<128x128xf32, #tpu.memory_space<vmem>>
      %dma_wait3A_84 = arith.constant 0 : i32
      %dma_wait3A_85 = tpu.memref_slice %arg14[%add3A_16, %dma_wait3A_84] : memref<5248x128xf32, #tpu.memory_space<vmem_shared>> -> memref<128x128xf32, #tpu.memory_space<vmem_shared>>
      %dma_wait3A_86 = arith.constant 0 : i32
      %dma_wait3A_87 = tpu.memref_slice %arg14[%add3A_16, %dma_wait3A_86] : memref<5248x128xf32, #tpu.memory_space<vmem_shared>> -> memref<128x128xf32, #tpu.memory_space<vmem_shared>>
      %dma_wait3A_88 = arith.constant 0 : i32
      %dma_wait3A_89 = arith.constant 0 : i32
      %dma_wait3A_90 = tpu.memref_slice %arg12[%dma_wait3A_88, %dma_wait3A_89] : memref<128x128xf32, #tpu.memory_space<vmem>> -> memref<128x128xf32, #tpu.memory_space<vmem>>
      tpu.wait_dma2 semaphore(%run_scoped3A : memref<!tpu.dma_semaphore, #tpu.memory_space<semaphore_mem>>) src(%dma_wait3A_90 : memref<128x128xf32, #tpu.memory_space<vmem>>) dst(%dma_wait3A_87 : memref<128x128xf32, #tpu.memory_space<vmem_shared>>)
      tpu.yield
    }) : () -> ()
    %add3A_17 = arith.constant 0 : i32
    %add3A_18 = arith.addi %multiple_of3A, %add3A_17 : i32
    "tpu.region"() ({
      %run_scoped3A = tpu.sem_alloc : memref<!tpu.dma_semaphore, #tpu.memory_space<semaphore_mem>>
      %dma_start3A = arith.constant 0 : i32
      %dma_start3A_73 = arith.constant 0 : i32
      %dma_start3A_74 = tpu.memref_slice %arg12[%dma_start3A, %dma_start3A_73] : memref<128x128xf32, #tpu.memory_space<vmem>> -> memref<128x128xf32, #tpu.memory_space<vmem>>
      %dma_start3A_75 = arith.constant 0 : i32
      %dma_start3A_76 = tpu.memref_slice %arg15[%add3A_18, %dma_start3A_75] : memref<5248x128xf32, #tpu.memory_space<vmem_shared>> -> memref<128x128xf32, #tpu.memory_space<vmem_shared>>
      %dma_start3A_77 = arith.constant 0 : i32
      %dma_start3A_78 = tpu.memref_slice %arg15[%add3A_18, %dma_start3A_77] : memref<5248x128xf32, #tpu.memory_space<vmem_shared>> -> memref<128x128xf32, #tpu.memory_space<vmem_shared>>
      %dma_start3A_79 = arith.constant 0 : i32
      %dma_start3A_80 = arith.constant 0 : i32
      %dma_start3A_81 = tpu.memref_slice %arg12[%dma_start3A_79, %dma_start3A_80] : memref<128x128xf32, #tpu.memory_space<vmem>> -> memref<128x128xf32, #tpu.memory_space<vmem>>
      tpu.enqueue_dma source(%dma_start3A_81 : memref<128x128xf32, #tpu.memory_space<vmem>>) target(%dma_start3A_78 : memref<128x128xf32, #tpu.memory_space<vmem_shared>>) target_semaphore(%run_scoped3A : memref<!tpu.dma_semaphore, #tpu.memory_space<semaphore_mem>>)
      %dma_wait3A = arith.constant 0 : i32
      %dma_wait3A_82 = arith.constant 0 : i32
      %dma_wait3A_83 = tpu.memref_slice %arg12[%dma_wait3A, %dma_wait3A_82] : memref<128x128xf32, #tpu.memory_space<vmem>> -> memref<128x128xf32, #tpu.memory_space<vmem>>
      %dma_wait3A_84 = arith.constant 0 : i32
      %dma_wait3A_85 = tpu.memref_slice %arg15[%add3A_18, %dma_wait3A_84] : memref<5248x128xf32, #tpu.memory_space<vmem_shared>> -> memref<128x128xf32, #tpu.memory_space<vmem_shared>>
      %dma_wait3A_86 = arith.constant 0 : i32
      %dma_wait3A_87 = tpu.memref_slice %arg15[%add3A_18, %dma_wait3A_86] : memref<5248x128xf32, #tpu.memory_space<vmem_shared>> -> memref<128x128xf32, #tpu.memory_space<vmem_shared>>
      %dma_wait3A_88 = arith.constant 0 : i32
      %dma_wait3A_89 = arith.constant 0 : i32
      %dma_wait3A_90 = tpu.memref_slice %arg12[%dma_wait3A_88, %dma_wait3A_89] : memref<128x128xf32, #tpu.memory_space<vmem>> -> memref<128x128xf32, #tpu.memory_space<vmem>>
      tpu.wait_dma2 semaphore(%run_scoped3A : memref<!tpu.dma_semaphore, #tpu.memory_space<semaphore_mem>>) src(%dma_wait3A_90 : memref<128x128xf32, #tpu.memory_space<vmem>>) dst(%dma_wait3A_87 : memref<128x128xf32, #tpu.memory_space<vmem_shared>>)
      tpu.yield
    }) : () -> ()
    %add3A_19 = arith.constant 128 : i32
    %add3A_20 = arith.addi %multiple_of3A, %add3A_19 : i32
    "tpu.region"() ({
      %run_scoped3A = tpu.sem_alloc : memref<!tpu.dma_semaphore, #tpu.memory_space<semaphore_mem>>
      %dma_start3A = arith.constant 0 : i32
      %dma_start3A_73 = arith.constant 0 : i32
      %dma_start3A_74 = tpu.memref_slice %arg12[%dma_start3A, %dma_start3A_73] : memref<128x128xf32, #tpu.memory_space<vmem>> -> memref<128x128xf32, #tpu.memory_space<vmem>>
      %dma_start3A_75 = arith.constant 0 : i32
      %dma_start3A_76 = tpu.memref_slice %arg14[%add3A_20, %dma_start3A_75] : memref<5248x128xf32, #tpu.memory_space<vmem_shared>> -> memref<128x128xf32, #tpu.memory_space<vmem_shared>>
      %dma_start3A_77 = arith.constant 0 : i32
      %dma_start3A_78 = tpu.memref_slice %arg14[%add3A_20, %dma_start3A_77] : memref<5248x128xf32, #tpu.memory_space<vmem_shared>> -> memref<128x128xf32, #tpu.memory_space<vmem_shared>>
      %dma_start3A_79 = arith.constant 0 : i32
      %dma_start3A_80 = arith.constant 0 : i32
      %dma_start3A_81 = tpu.memref_slice %arg12[%dma_start3A_79, %dma_start3A_80] : memref<128x128xf32, #tpu.memory_space<vmem>> -> memref<128x128xf32, #tpu.memory_space<vmem>>
      tpu.enqueue_dma source(%dma_start3A_81 : memref<128x128xf32, #tpu.memory_space<vmem>>) target(%dma_start3A_78 : memref<128x128xf32, #tpu.memory_space<vmem_shared>>) target_semaphore(%run_scoped3A : memref<!tpu.dma_semaphore, #tpu.memory_space<semaphore_mem>>)
      %dma_wait3A = arith.constant 0 : i32
      %dma_wait3A_82 = arith.constant 0 : i32
      %dma_wait3A_83 = tpu.memref_slice %arg12[%dma_wait3A, %dma_wait3A_82] : memref<128x128xf32, #tpu.memory_space<vmem>> -> memref<128x128xf32, #tpu.memory_space<vmem>>
      %dma_wait3A_84 = arith.constant 0 : i32
      %dma_wait3A_85 = tpu.memref_slice %arg14[%add3A_20, %dma_wait3A_84] : memref<5248x128xf32, #tpu.memory_space<vmem_shared>> -> memref<128x128xf32, #tpu.memory_space<vmem_shared>>
      %dma_wait3A_86 = arith.constant 0 : i32
      %dma_wait3A_87 = tpu.memref_slice %arg14[%add3A_20, %dma_wait3A_86] : memref<5248x128xf32, #tpu.memory_space<vmem_shared>> -> memref<128x128xf32, #tpu.memory_space<vmem_shared>>
      %dma_wait3A_88 = arith.constant 0 : i32
      %dma_wait3A_89 = arith.constant 0 : i32
      %dma_wait3A_90 = tpu.memref_slice %arg12[%dma_wait3A_88, %dma_wait3A_89] : memref<128x128xf32, #tpu.memory_space<vmem>> -> memref<128x128xf32, #tpu.memory_space<vmem>>
      tpu.wait_dma2 semaphore(%run_scoped3A : memref<!tpu.dma_semaphore, #tpu.memory_space<semaphore_mem>>) src(%dma_wait3A_90 : memref<128x128xf32, #tpu.memory_space<vmem>>) dst(%dma_wait3A_87 : memref<128x128xf32, #tpu.memory_space<vmem_shared>>)
      tpu.yield
    }) : () -> ()
    %add3A_21 = arith.constant 128 : i32
    %add3A_22 = arith.addi %multiple_of3A, %add3A_21 : i32
    "tpu.region"() ({
      %run_scoped3A = tpu.sem_alloc : memref<!tpu.dma_semaphore, #tpu.memory_space<semaphore_mem>>
      %dma_start3A = arith.constant 0 : i32
      %dma_start3A_73 = arith.constant 0 : i32
      %dma_start3A_74 = tpu.memref_slice %arg12[%dma_start3A, %dma_start3A_73] : memref<128x128xf32, #tpu.memory_space<vmem>> -> memref<128x128xf32, #tpu.memory_space<vmem>>
      %dma_start3A_75 = arith.constant 0 : i32
      %dma_start3A_76 = tpu.memref_slice %arg15[%add3A_22, %dma_start3A_75] : memref<5248x128xf32, #tpu.memory_space<vmem_shared>> -> memref<128x128xf32, #tpu.memory_space<vmem_shared>>
      %dma_start3A_77 = arith.constant 0 : i32
      %dma_start3A_78 = tpu.memref_slice %arg15[%add3A_22, %dma_start3A_77] : memref<5248x128xf32, #tpu.memory_space<vmem_shared>> -> memref<128x128xf32, #tpu.memory_space<vmem_shared>>
      %dma_start3A_79 = arith.constant 0 : i32
      %dma_start3A_80 = arith.constant 0 : i32
      %dma_start3A_81 = tpu.memref_slice %arg12[%dma_start3A_79, %dma_start3A_80] : memref<128x128xf32, #tpu.memory_space<vmem>> -> memref<128x128xf32, #tpu.memory_space<vmem>>
      tpu.enqueue_dma source(%dma_start3A_81 : memref<128x128xf32, #tpu.memory_space<vmem>>) target(%dma_start3A_78 : memref<128x128xf32, #tpu.memory_space<vmem_shared>>) target_semaphore(%run_scoped3A : memref<!tpu.dma_semaphore, #tpu.memory_space<semaphore_mem>>)
      %dma_wait3A = arith.constant 0 : i32
      %dma_wait3A_82 = arith.constant 0 : i32
      %dma_wait3A_83 = tpu.memref_slice %arg12[%dma_wait3A, %dma_wait3A_82] : memref<128x128xf32, #tpu.memory_space<vmem>> -> memref<128x128xf32, #tpu.memory_space<vmem>>
      %dma_wait3A_84 = arith.constant 0 : i32
      %dma_wait3A_85 = tpu.memref_slice %arg15[%add3A_22, %dma_wait3A_84] : memref<5248x128xf32, #tpu.memory_space<vmem_shared>> -> memref<128x128xf32, #tpu.memory_space<vmem_shared>>
      %dma_wait3A_86 = arith.constant 0 : i32
      %dma_wait3A_87 = tpu.memref_slice %arg15[%add3A_22, %dma_wait3A_86] : memref<5248x128xf32, #tpu.memory_space<vmem_shared>> -> memref<128x128xf32, #tpu.memory_space<vmem_shared>>
      %dma_wait3A_88 = arith.constant 0 : i32
      %dma_wait3A_89 = arith.constant 0 : i32
      %dma_wait3A_90 = tpu.memref_slice %arg12[%dma_wait3A_88, %dma_wait3A_89] : memref<128x128xf32, #tpu.memory_space<vmem>> -> memref<128x128xf32, #tpu.memory_space<vmem>>
      tpu.wait_dma2 semaphore(%run_scoped3A : memref<!tpu.dma_semaphore, #tpu.memory_space<semaphore_mem>>) src(%dma_wait3A_90 : memref<128x128xf32, #tpu.memory_space<vmem>>) dst(%dma_wait3A_87 : memref<128x128xf32, #tpu.memory_space<vmem_shared>>)
      tpu.yield
    }) : () -> ()
    %add3A_23 = arith.constant 256 : i32
    %add3A_24 = arith.addi %multiple_of3A, %add3A_23 : i32
    "tpu.region"() ({
      %run_scoped3A = tpu.sem_alloc : memref<!tpu.dma_semaphore, #tpu.memory_space<semaphore_mem>>
      %dma_start3A = arith.constant 0 : i32
      %dma_start3A_73 = arith.constant 0 : i32
      %dma_start3A_74 = tpu.memref_slice %arg12[%dma_start3A, %dma_start3A_73] : memref<128x128xf32, #tpu.memory_space<vmem>> -> memref<72x128xf32, #tpu.memory_space<vmem>>
      %dma_start3A_75 = arith.constant 0 : i32
      %dma_start3A_76 = tpu.memref_slice %arg14[%add3A_24, %dma_start3A_75] : memref<5248x128xf32, #tpu.memory_space<vmem_shared>> -> memref<72x128xf32, #tpu.memory_space<vmem_shared>>
      %dma_start3A_77 = arith.constant 0 : i32
      %dma_start3A_78 = tpu.memref_slice %arg14[%add3A_24, %dma_start3A_77] : memref<5248x128xf32, #tpu.memory_space<vmem_shared>> -> memref<72x128xf32, #tpu.memory_space<vmem_shared>>
      %dma_start3A_79 = arith.constant 0 : i32
      %dma_start3A_80 = arith.constant 0 : i32
      %dma_start3A_81 = tpu.memref_slice %arg12[%dma_start3A_79, %dma_start3A_80] : memref<128x128xf32, #tpu.memory_space<vmem>> -> memref<72x128xf32, #tpu.memory_space<vmem>>
      tpu.enqueue_dma source(%dma_start3A_81 : memref<72x128xf32, #tpu.memory_space<vmem>>) target(%dma_start3A_78 : memref<72x128xf32, #tpu.memory_space<vmem_shared>>) target_semaphore(%run_scoped3A : memref<!tpu.dma_semaphore, #tpu.memory_space<semaphore_mem>>)
      %dma_wait3A = arith.constant 0 : i32
      %dma_wait3A_82 = arith.constant 0 : i32
      %dma_wait3A_83 = tpu.memref_slice %arg12[%dma_wait3A, %dma_wait3A_82] : memref<128x128xf32, #tpu.memory_space<vmem>> -> memref<72x128xf32, #tpu.memory_space<vmem>>
      %dma_wait3A_84 = arith.constant 0 : i32
      %dma_wait3A_85 = tpu.memref_slice %arg14[%add3A_24, %dma_wait3A_84] : memref<5248x128xf32, #tpu.memory_space<vmem_shared>> -> memref<72x128xf32, #tpu.memory_space<vmem_shared>>
      %dma_wait3A_86 = arith.constant 0 : i32
      %dma_wait3A_87 = tpu.memref_slice %arg14[%add3A_24, %dma_wait3A_86] : memref<5248x128xf32, #tpu.memory_space<vmem_shared>> -> memref<72x128xf32, #tpu.memory_space<vmem_shared>>
      %dma_wait3A_88 = arith.constant 0 : i32
      %dma_wait3A_89 = arith.constant 0 : i32
      %dma_wait3A_90 = tpu.memref_slice %arg12[%dma_wait3A_88, %dma_wait3A_89] : memref<128x128xf32, #tpu.memory_space<vmem>> -> memref<72x128xf32, #tpu.memory_space<vmem>>
      tpu.wait_dma2 semaphore(%run_scoped3A : memref<!tpu.dma_semaphore, #tpu.memory_space<semaphore_mem>>) src(%dma_wait3A_90 : memref<72x128xf32, #tpu.memory_space<vmem>>) dst(%dma_wait3A_87 : memref<72x128xf32, #tpu.memory_space<vmem_shared>>)
      tpu.yield
    }) : () -> ()
    %add3A_25 = arith.constant 256 : i32
    %add3A_26 = arith.addi %multiple_of3A, %add3A_25 : i32
    "tpu.region"() ({
      %run_scoped3A = tpu.sem_alloc : memref<!tpu.dma_semaphore, #tpu.memory_space<semaphore_mem>>
      %dma_start3A = arith.constant 0 : i32
      %dma_start3A_73 = arith.constant 0 : i32
      %dma_start3A_74 = tpu.memref_slice %arg12[%dma_start3A, %dma_start3A_73] : memref<128x128xf32, #tpu.memory_space<vmem>> -> memref<72x128xf32, #tpu.memory_space<vmem>>
      %dma_start3A_75 = arith.constant 0 : i32
      %dma_start3A_76 = tpu.memref_slice %arg15[%add3A_26, %dma_start3A_75] : memref<5248x128xf32, #tpu.memory_space<vmem_shared>> -> memref<72x128xf32, #tpu.memory_space<vmem_shared>>
      %dma_start3A_77 = arith.constant 0 : i32
      %dma_start3A_78 = tpu.memref_slice %arg15[%add3A_26, %dma_start3A_77] : memref<5248x128xf32, #tpu.memory_space<vmem_shared>> -> memref<72x128xf32, #tpu.memory_space<vmem_shared>>
      %dma_start3A_79 = arith.constant 0 : i32
      %dma_start3A_80 = arith.constant 0 : i32
      %dma_start3A_81 = tpu.memref_slice %arg12[%dma_start3A_79, %dma_start3A_80] : memref<128x128xf32, #tpu.memory_space<vmem>> -> memref<72x128xf32, #tpu.memory_space<vmem>>
      tpu.enqueue_dma source(%dma_start3A_81 : memref<72x128xf32, #tpu.memory_space<vmem>>) target(%dma_start3A_78 : memref<72x128xf32, #tpu.memory_space<vmem_shared>>) target_semaphore(%run_scoped3A : memref<!tpu.dma_semaphore, #tpu.memory_space<semaphore_mem>>)
      %dma_wait3A = arith.constant 0 : i32
      %dma_wait3A_82 = arith.constant 0 : i32
      %dma_wait3A_83 = tpu.memref_slice %arg12[%dma_wait3A, %dma_wait3A_82] : memref<128x128xf32, #tpu.memory_space<vmem>> -> memref<72x128xf32, #tpu.memory_space<vmem>>
      %dma_wait3A_84 = arith.constant 0 : i32
      %dma_wait3A_85 = tpu.memref_slice %arg15[%add3A_26, %dma_wait3A_84] : memref<5248x128xf32, #tpu.memory_space<vmem_shared>> -> memref<72x128xf32, #tpu.memory_space<vmem_shared>>
      %dma_wait3A_86 = arith.constant 0 : i32
      %dma_wait3A_87 = tpu.memref_slice %arg15[%add3A_26, %dma_wait3A_86] : memref<5248x128xf32, #tpu.memory_space<vmem_shared>> -> memref<72x128xf32, #tpu.memory_space<vmem_shared>>
      %dma_wait3A_88 = arith.constant 0 : i32
      %dma_wait3A_89 = arith.constant 0 : i32
      %dma_wait3A_90 = tpu.memref_slice %arg12[%dma_wait3A_88, %dma_wait3A_89] : memref<128x128xf32, #tpu.memory_space<vmem>> -> memref<72x128xf32, #tpu.memory_space<vmem>>
      tpu.wait_dma2 semaphore(%run_scoped3A : memref<!tpu.dma_semaphore, #tpu.memory_space<semaphore_mem>>) src(%dma_wait3A_90 : memref<72x128xf32, #tpu.memory_space<vmem>>) dst(%dma_wait3A_87 : memref<72x128xf32, #tpu.memory_space<vmem_shared>>)
      tpu.yield
    }) : () -> ()
    %mul3A_27 = arith.constant 656 : i32
    %mul3A_28 = arith.muli %arg1, %mul3A_27 : i32
    %multiple_of3A_29 = tpu.assume_multiple %mul3A_28, 8 : i32
    %add3A_30 = arith.constant 0 : i32
    %add3A_31 = arith.addi %multiple_of3A_29, %add3A_30 : i32
    "tpu.region"() ({
      %run_scoped3A = tpu.sem_alloc : memref<!tpu.dma_semaphore, #tpu.memory_space<semaphore_mem>>
      %dma_start3A = arith.constant 0 : i32
      %dma_start3A_73 = tpu.memref_slice %arg13[%dma_start3A] : memref<656xf32, #tpu.memory_space<vmem>> -> memref<128xf32, #tpu.memory_space<vmem>>
      %dma_start3A_74 = tpu.memref_slice %arg16[%add3A_31] : memref<10496xf32, #tpu.memory_space<vmem_shared>> -> memref<128xf32, #tpu.memory_space<vmem_shared>>
      %dma_start3A_75 = tpu.memref_slice %arg16[%add3A_31] : memref<10496xf32, #tpu.memory_space<vmem_shared>> -> memref<128xf32, #tpu.memory_space<vmem_shared>>
      %dma_start3A_76 = arith.constant 0 : i32
      %dma_start3A_77 = tpu.memref_slice %arg13[%dma_start3A_76] : memref<656xf32, #tpu.memory_space<vmem>> -> memref<128xf32, #tpu.memory_space<vmem>>
      tpu.enqueue_dma source(%dma_start3A_77 : memref<128xf32, #tpu.memory_space<vmem>>) target(%dma_start3A_75 : memref<128xf32, #tpu.memory_space<vmem_shared>>) target_semaphore(%run_scoped3A : memref<!tpu.dma_semaphore, #tpu.memory_space<semaphore_mem>>)
      %dma_wait3A = arith.constant 0 : i32
      %dma_wait3A_78 = tpu.memref_slice %arg13[%dma_wait3A] : memref<656xf32, #tpu.memory_space<vmem>> -> memref<128xf32, #tpu.memory_space<vmem>>
      %dma_wait3A_79 = tpu.memref_slice %arg16[%add3A_31] : memref<10496xf32, #tpu.memory_space<vmem_shared>> -> memref<128xf32, #tpu.memory_space<vmem_shared>>
      %dma_wait3A_80 = tpu.memref_slice %arg16[%add3A_31] : memref<10496xf32, #tpu.memory_space<vmem_shared>> -> memref<128xf32, #tpu.memory_space<vmem_shared>>
      %dma_wait3A_81 = arith.constant 0 : i32
      %dma_wait3A_82 = tpu.memref_slice %arg13[%dma_wait3A_81] : memref<656xf32, #tpu.memory_space<vmem>> -> memref<128xf32, #tpu.memory_space<vmem>>
      tpu.wait_dma2 semaphore(%run_scoped3A : memref<!tpu.dma_semaphore, #tpu.memory_space<semaphore_mem>>) src(%dma_wait3A_82 : memref<128xf32, #tpu.memory_space<vmem>>) dst(%dma_wait3A_80 : memref<128xf32, #tpu.memory_space<vmem_shared>>)
      tpu.yield
    }) : () -> ()
    %add3A_32 = arith.constant 128 : i32
    %add3A_33 = arith.addi %multiple_of3A_29, %add3A_32 : i32
    "tpu.region"() ({
      %run_scoped3A = tpu.sem_alloc : memref<!tpu.dma_semaphore, #tpu.memory_space<semaphore_mem>>
      %dma_start3A = arith.constant 0 : i32
      %dma_start3A_73 = tpu.memref_slice %arg13[%dma_start3A] : memref<656xf32, #tpu.memory_space<vmem>> -> memref<128xf32, #tpu.memory_space<vmem>>
      %dma_start3A_74 = tpu.memref_slice %arg16[%add3A_33] : memref<10496xf32, #tpu.memory_space<vmem_shared>> -> memref<128xf32, #tpu.memory_space<vmem_shared>>
      %dma_start3A_75 = tpu.memref_slice %arg16[%add3A_33] : memref<10496xf32, #tpu.memory_space<vmem_shared>> -> memref<128xf32, #tpu.memory_space<vmem_shared>>
      %dma_start3A_76 = arith.constant 0 : i32
      %dma_start3A_77 = tpu.memref_slice %arg13[%dma_start3A_76] : memref<656xf32, #tpu.memory_space<vmem>> -> memref<128xf32, #tpu.memory_space<vmem>>
      tpu.enqueue_dma source(%dma_start3A_77 : memref<128xf32, #tpu.memory_space<vmem>>) target(%dma_start3A_75 : memref<128xf32, #tpu.memory_space<vmem_shared>>) target_semaphore(%run_scoped3A : memref<!tpu.dma_semaphore, #tpu.memory_space<semaphore_mem>>)
      %dma_wait3A = arith.constant 0 : i32
      %dma_wait3A_78 = tpu.memref_slice %arg13[%dma_wait3A] : memref<656xf32, #tpu.memory_space<vmem>> -> memref<128xf32, #tpu.memory_space<vmem>>
      %dma_wait3A_79 = tpu.memref_slice %arg16[%add3A_33] : memref<10496xf32, #tpu.memory_space<vmem_shared>> -> memref<128xf32, #tpu.memory_space<vmem_shared>>
      %dma_wait3A_80 = tpu.memref_slice %arg16[%add3A_33] : memref<10496xf32, #tpu.memory_space<vmem_shared>> -> memref<128xf32, #tpu.memory_space<vmem_shared>>
      %dma_wait3A_81 = arith.constant 0 : i32
      %dma_wait3A_82 = tpu.memref_slice %arg13[%dma_wait3A_81] : memref<656xf32, #tpu.memory_space<vmem>> -> memref<128xf32, #tpu.memory_space<vmem>>
      tpu.wait_dma2 semaphore(%run_scoped3A : memref<!tpu.dma_semaphore, #tpu.memory_space<semaphore_mem>>) src(%dma_wait3A_82 : memref<128xf32, #tpu.memory_space<vmem>>) dst(%dma_wait3A_80 : memref<128xf32, #tpu.memory_space<vmem_shared>>)
      tpu.yield
    }) : () -> ()
    %add3A_34 = arith.constant 256 : i32
    %add3A_35 = arith.addi %multiple_of3A_29, %add3A_34 : i32
    "tpu.region"() ({
      %run_scoped3A = tpu.sem_alloc : memref<!tpu.dma_semaphore, #tpu.memory_space<semaphore_mem>>
      %dma_start3A = arith.constant 0 : i32
      %dma_start3A_73 = tpu.memref_slice %arg13[%dma_start3A] : memref<656xf32, #tpu.memory_space<vmem>> -> memref<128xf32, #tpu.memory_space<vmem>>
      %dma_start3A_74 = tpu.memref_slice %arg16[%add3A_35] : memref<10496xf32, #tpu.memory_space<vmem_shared>> -> memref<128xf32, #tpu.memory_space<vmem_shared>>
      %dma_start3A_75 = tpu.memref_slice %arg16[%add3A_35] : memref<10496xf32, #tpu.memory_space<vmem_shared>> -> memref<128xf32, #tpu.memory_space<vmem_shared>>
      %dma_start3A_76 = arith.constant 0 : i32
      %dma_start3A_77 = tpu.memref_slice %arg13[%dma_start3A_76] : memref<656xf32, #tpu.memory_space<vmem>> -> memref<128xf32, #tpu.memory_space<vmem>>
      tpu.enqueue_dma source(%dma_start3A_77 : memref<128xf32, #tpu.memory_space<vmem>>) target(%dma_start3A_75 : memref<128xf32, #tpu.memory_space<vmem_shared>>) target_semaphore(%run_scoped3A : memref<!tpu.dma_semaphore, #tpu.memory_space<semaphore_mem>>)
      %dma_wait3A = arith.constant 0 : i32
      %dma_wait3A_78 = tpu.memref_slice %arg13[%dma_wait3A] : memref<656xf32, #tpu.memory_space<vmem>> -> memref<128xf32, #tpu.memory_space<vmem>>
      %dma_wait3A_79 = tpu.memref_slice %arg16[%add3A_35] : memref<10496xf32, #tpu.memory_space<vmem_shared>> -> memref<128xf32, #tpu.memory_space<vmem_shared>>
      %dma_wait3A_80 = tpu.memref_slice %arg16[%add3A_35] : memref<10496xf32, #tpu.memory_space<vmem_shared>> -> memref<128xf32, #tpu.memory_space<vmem_shared>>
      %dma_wait3A_81 = arith.constant 0 : i32
      %dma_wait3A_82 = tpu.memref_slice %arg13[%dma_wait3A_81] : memref<656xf32, #tpu.memory_space<vmem>> -> memref<128xf32, #tpu.memory_space<vmem>>
      tpu.wait_dma2 semaphore(%run_scoped3A : memref<!tpu.dma_semaphore, #tpu.memory_space<semaphore_mem>>) src(%dma_wait3A_82 : memref<128xf32, #tpu.memory_space<vmem>>) dst(%dma_wait3A_80 : memref<128xf32, #tpu.memory_space<vmem_shared>>)
      tpu.yield
    }) : () -> ()
    %add3A_36 = arith.constant 384 : i32
    %add3A_37 = arith.addi %multiple_of3A_29, %add3A_36 : i32
    "tpu.region"() ({
      %run_scoped3A = tpu.sem_alloc : memref<!tpu.dma_semaphore, #tpu.memory_space<semaphore_mem>>
      %dma_start3A = arith.constant 0 : i32
      %dma_start3A_73 = tpu.memref_slice %arg13[%dma_start3A] : memref<656xf32, #tpu.memory_space<vmem>> -> memref<128xf32, #tpu.memory_space<vmem>>
      %dma_start3A_74 = tpu.memref_slice %arg16[%add3A_37] : memref<10496xf32, #tpu.memory_space<vmem_shared>> -> memref<128xf32, #tpu.memory_space<vmem_shared>>
      %dma_start3A_75 = tpu.memref_slice %arg16[%add3A_37] : memref<10496xf32, #tpu.memory_space<vmem_shared>> -> memref<128xf32, #tpu.memory_space<vmem_shared>>
      %dma_start3A_76 = arith.constant 0 : i32
      %dma_start3A_77 = tpu.memref_slice %arg13[%dma_start3A_76] : memref<656xf32, #tpu.memory_space<vmem>> -> memref<128xf32, #tpu.memory_space<vmem>>
      tpu.enqueue_dma source(%dma_start3A_77 : memref<128xf32, #tpu.memory_space<vmem>>) target(%dma_start3A_75 : memref<128xf32, #tpu.memory_space<vmem_shared>>) target_semaphore(%run_scoped3A : memref<!tpu.dma_semaphore, #tpu.memory_space<semaphore_mem>>)
      %dma_wait3A = arith.constant 0 : i32
      %dma_wait3A_78 = tpu.memref_slice %arg13[%dma_wait3A] : memref<656xf32, #tpu.memory_space<vmem>> -> memref<128xf32, #tpu.memory_space<vmem>>
      %dma_wait3A_79 = tpu.memref_slice %arg16[%add3A_37] : memref<10496xf32, #tpu.memory_space<vmem_shared>> -> memref<128xf32, #tpu.memory_space<vmem_shared>>
      %dma_wait3A_80 = tpu.memref_slice %arg16[%add3A_37] : memref<10496xf32, #tpu.memory_space<vmem_shared>> -> memref<128xf32, #tpu.memory_space<vmem_shared>>
      %dma_wait3A_81 = arith.constant 0 : i32
      %dma_wait3A_82 = tpu.memref_slice %arg13[%dma_wait3A_81] : memref<656xf32, #tpu.memory_space<vmem>> -> memref<128xf32, #tpu.memory_space<vmem>>
      tpu.wait_dma2 semaphore(%run_scoped3A : memref<!tpu.dma_semaphore, #tpu.memory_space<semaphore_mem>>) src(%dma_wait3A_82 : memref<128xf32, #tpu.memory_space<vmem>>) dst(%dma_wait3A_80 : memref<128xf32, #tpu.memory_space<vmem_shared>>)
      tpu.yield
    }) : () -> ()
    %add3A_38 = arith.constant 512 : i32
    %add3A_39 = arith.addi %multiple_of3A_29, %add3A_38 : i32
    "tpu.region"() ({
      %run_scoped3A = tpu.sem_alloc : memref<!tpu.dma_semaphore, #tpu.memory_space<semaphore_mem>>
      %dma_start3A = arith.constant 0 : i32
      %dma_start3A_73 = tpu.memref_slice %arg13[%dma_start3A] : memref<656xf32, #tpu.memory_space<vmem>> -> memref<128xf32, #tpu.memory_space<vmem>>
      %dma_start3A_74 = tpu.memref_slice %arg16[%add3A_39] : memref<10496xf32, #tpu.memory_space<vmem_shared>> -> memref<128xf32, #tpu.memory_space<vmem_shared>>
      %dma_start3A_75 = tpu.memref_slice %arg16[%add3A_39] : memref<10496xf32, #tpu.memory_space<vmem_shared>> -> memref<128xf32, #tpu.memory_space<vmem_shared>>
      %dma_start3A_76 = arith.constant 0 : i32
      %dma_start3A_77 = tpu.memref_slice %arg13[%dma_start3A_76] : memref<656xf32, #tpu.memory_space<vmem>> -> memref<128xf32, #tpu.memory_space<vmem>>
      tpu.enqueue_dma source(%dma_start3A_77 : memref<128xf32, #tpu.memory_space<vmem>>) target(%dma_start3A_75 : memref<128xf32, #tpu.memory_space<vmem_shared>>) target_semaphore(%run_scoped3A : memref<!tpu.dma_semaphore, #tpu.memory_space<semaphore_mem>>)
      %dma_wait3A = arith.constant 0 : i32
      %dma_wait3A_78 = tpu.memref_slice %arg13[%dma_wait3A] : memref<656xf32, #tpu.memory_space<vmem>> -> memref<128xf32, #tpu.memory_space<vmem>>
      %dma_wait3A_79 = tpu.memref_slice %arg16[%add3A_39] : memref<10496xf32, #tpu.memory_space<vmem_shared>> -> memref<128xf32, #tpu.memory_space<vmem_shared>>
      %dma_wait3A_80 = tpu.memref_slice %arg16[%add3A_39] : memref<10496xf32, #tpu.memory_space<vmem_shared>> -> memref<128xf32, #tpu.memory_space<vmem_shared>>
      %dma_wait3A_81 = arith.constant 0 : i32
      %dma_wait3A_82 = tpu.memref_slice %arg13[%dma_wait3A_81] : memref<656xf32, #tpu.memory_space<vmem>> -> memref<128xf32, #tpu.memory_space<vmem>>
      tpu.wait_dma2 semaphore(%run_scoped3A : memref<!tpu.dma_semaphore, #tpu.memory_space<semaphore_mem>>) src(%dma_wait3A_82 : memref<128xf32, #tpu.memory_space<vmem>>) dst(%dma_wait3A_80 : memref<128xf32, #tpu.memory_space<vmem_shared>>)
      tpu.yield
    }) : () -> ()
    %add3A_40 = arith.constant 640 : i32
    %add3A_41 = arith.addi %multiple_of3A_29, %add3A_40 : i32
    "tpu.region"() ({
      %run_scoped3A = tpu.sem_alloc : memref<!tpu.dma_semaphore, #tpu.memory_space<semaphore_mem>>
      %dma_start3A = arith.constant 0 : i32
      %dma_start3A_73 = tpu.memref_slice %arg13[%dma_start3A] : memref<656xf32, #tpu.memory_space<vmem>> -> memref<16xf32, #tpu.memory_space<vmem>>
      %dma_start3A_74 = tpu.memref_slice %arg16[%add3A_41] : memref<10496xf32, #tpu.memory_space<vmem_shared>> -> memref<16xf32, #tpu.memory_space<vmem_shared>>
      %dma_start3A_75 = tpu.memref_slice %arg16[%add3A_41] : memref<10496xf32, #tpu.memory_space<vmem_shared>> -> memref<16xf32, #tpu.memory_space<vmem_shared>>
      %dma_start3A_76 = arith.constant 0 : i32
      %dma_start3A_77 = tpu.memref_slice %arg13[%dma_start3A_76] : memref<656xf32, #tpu.memory_space<vmem>> -> memref<16xf32, #tpu.memory_space<vmem>>
      tpu.enqueue_dma source(%dma_start3A_77 : memref<16xf32, #tpu.memory_space<vmem>>) target(%dma_start3A_75 : memref<16xf32, #tpu.memory_space<vmem_shared>>) target_semaphore(%run_scoped3A : memref<!tpu.dma_semaphore, #tpu.memory_space<semaphore_mem>>)
      %dma_wait3A = arith.constant 0 : i32
      %dma_wait3A_78 = tpu.memref_slice %arg13[%dma_wait3A] : memref<656xf32, #tpu.memory_space<vmem>> -> memref<16xf32, #tpu.memory_space<vmem>>
      %dma_wait3A_79 = tpu.memref_slice %arg16[%add3A_41] : memref<10496xf32, #tpu.memory_space<vmem_shared>> -> memref<16xf32, #tpu.memory_space<vmem_shared>>
      %dma_wait3A_80 = tpu.memref_slice %arg16[%add3A_41] : memref<10496xf32, #tpu.memory_space<vmem_shared>> -> memref<16xf32, #tpu.memory_space<vmem_shared>>
      %dma_wait3A_81 = arith.constant 0 : i32
      %dma_wait3A_82 = tpu.memref_slice %arg13[%dma_wait3A_81] : memref<656xf32, #tpu.memory_space<vmem>> -> memref<16xf32, #tpu.memory_space<vmem>>
      tpu.wait_dma2 semaphore(%run_scoped3A : memref<!tpu.dma_semaphore, #tpu.memory_space<semaphore_mem>>) src(%dma_wait3A_82 : memref<16xf32, #tpu.memory_space<vmem>>) dst(%dma_wait3A_80 : memref<16xf32, #tpu.memory_space<vmem_shared>>)
      tpu.yield
    }) : () -> ()
    %scan3A_42 = arith.constant 0 : i32
    %scan3A_43 = arith.constant 0 : i32
    %scan3A_44 = arith.constant 41 : i32
    %scan3A_45 = arith.addi %scan3A_43, %scan3A_44 : i32
    %scan3A_46 = arith.constant 1 : i32
    %scan3A_47 = scf.for %scan3A_73 = %scan3A_43 to %scan3A_45 step %scan3A_46 iter_args(%scan3A_74 = %scan3A_42) -> (i32)  : i32 {
      %broadcast_in_dim3A = arith.constant 1.000000e+00 : f32
      %broadcast_in_dim3A_75 = vector.broadcast %broadcast_in_dim3A : f32 to vector<16xf32>
      %mul3A_76 = arith.constant 16 : i32
      %mul3A_77 = arith.muli %scan3A_73, %mul3A_76 : i32
      %swap3A = arith.index_cast %mul3A_77 : i32 to index
      %swap3A_78 = tpu.vector_load %arg13[%swap3A] {strides = array<i32>} : memref<656xf32, #tpu.memory_space<vmem>>, vector<16xf32>,
      %swap3A_79 = vector.shape_cast %swap3A_78 : vector<16xf32> to vector<16xf32>
      %swap3A_80 = vector.shape_cast %broadcast_in_dim3A_75 : vector<16xf32> to vector<16xf32>
      tpu.vector_store %arg13[%swap3A], %swap3A_80 {strides = array<i32>} : memref<656xf32, #tpu.memory_space<vmem>>, vector<16xf32>,
      %scan3A_81 = arith.constant 0 : i32
      scf.yield %scan3A_81 : i32
    }
    %scan3A_48 = arith.constant 41 : i32
    %barrier3A = arith.constant 0 : index
    tpu.barrier barrier_id(%barrier3A)
    %scan3A_49 = arith.constant 0 : i32
    %scan3A_50 = arith.constant 0 : i32
    %scan3A_51 = arith.constant 10 : i32
    %scan3A_52 = arith.addi %scan3A_50, %scan3A_51 : i32
    %scan3A_53 = arith.constant 1 : i32
    %scan3A_54 = scf.for %scan3A_73 = %scan3A_50 to %scan3A_52 step %scan3A_53 iter_args(%scan3A_74 = %scan3A_49) -> (i32)  : i32 {
      %mul3A_75 = arith.constant 16 : i32
      %mul3A_76 = arith.muli %mul3A_75, %scan3A_73 : i32
      %add3A_77 = arith.addi %arg1, %mul3A_76 : i32
      %lt3A = arith.constant 156 : i32
      %lt3A_78 = arith.cmpi slt, %add3A_77, %lt3A : i32
      %convert_element_type3A_79 = arith.extui %lt3A_78 : i1 to i32
      %cond3A_80 = arith.constant 0 : i32
      %cond3A_81 = arith.cmpi ne, %convert_element_type3A_79, %cond3A_80 : i32
      scf.if %cond3A_81 {
        %mul3A_83 = arith.constant 2048 : i32
        %mul3A_84 = arith.muli %add3A_77, %mul3A_83 : i32
        %multiple_of3A_85 = tpu.assume_multiple %mul3A_84, 8 : i32
        "tpu.region"() ({
          %run_scoped3A = tpu.sem_alloc : memref<!tpu.dma_semaphore, #tpu.memory_space<semaphore_mem>>
          %dma_start3A = tpu.memref_slice %arg2[%multiple_of3A_85] : memref<320000xi32, #tpu.memory_space<hbm>> -> memref<2048xi32, #tpu.memory_space<hbm>>
          %dma_start3A_96 = tpu.memref_slice %arg2[%multiple_of3A_85] : memref<320000xi32, #tpu.memory_space<hbm>> -> memref<2048xi32, #tpu.memory_space<hbm>>
          tpu.enqueue_dma source(%dma_start3A_96 : memref<2048xi32, #tpu.memory_space<hbm>>) target(%arg8 : memref<2048xi32, #tpu.memory_space<vmem>>) target_semaphore(%run_scoped3A : memref<!tpu.dma_semaphore, #tpu.memory_space<semaphore_mem>>)
          %dma_wait3A = tpu.memref_slice %arg2[%multiple_of3A_85] : memref<320000xi32, #tpu.memory_space<hbm>> -> memref<2048xi32, #tpu.memory_space<hbm>>
          %dma_wait3A_97 = tpu.memref_slice %arg2[%multiple_of3A_85] : memref<320000xi32, #tpu.memory_space<hbm>> -> memref<2048xi32, #tpu.memory_space<hbm>>
          tpu.wait_dma2 semaphore(%run_scoped3A : memref<!tpu.dma_semaphore, #tpu.memory_space<semaphore_mem>>) src(%dma_wait3A_97 : memref<2048xi32, #tpu.memory_space<hbm>>) dst(%arg8 : memref<2048xi32, #tpu.memory_space<vmem>>)
          tpu.yield
        }) : () -> ()
        %mul3A_86 = arith.constant 16 : i32
        %mul3A_87 = arith.muli %add3A_77, %mul3A_86 : i32
        %multiple_of3A_88 = tpu.assume_multiple %mul3A_87, 8 : i32
        "tpu.region"() ({
          %run_scoped3A = tpu.sem_alloc : memref<!tpu.dma_semaphore, #tpu.memory_space<semaphore_mem>>
          %dma_start3A = arith.constant 0 : i32
          %dma_start3A_96 = tpu.memref_slice %arg3[%multiple_of3A_88, %dma_start3A] : memref<2500x128xi32, #tpu.memory_space<hbm>> -> memref<16x128xi32, #tpu.memory_space<hbm>>
          %dma_start3A_97 = arith.constant 0 : i32
          %dma_start3A_98 = tpu.memref_slice %arg3[%multiple_of3A_88, %dma_start3A_97] : memref<2500x128xi32, #tpu.memory_space<hbm>> -> memref<16x128xi32, #tpu.memory_space<hbm>>
          tpu.enqueue_dma source(%dma_start3A_98 : memref<16x128xi32, #tpu.memory_space<hbm>>) target(%arg9 : memref<16x128xi32, #tpu.memory_space<vmem>>) target_semaphore(%run_scoped3A : memref<!tpu.dma_semaphore, #tpu.memory_space<semaphore_mem>>)
          %dma_wait3A = arith.constant 0 : i32
          %dma_wait3A_99 = tpu.memref_slice %arg3[%multiple_of3A_88, %dma_wait3A] : memref<2500x128xi32, #tpu.memory_space<hbm>> -> memref<16x128xi32, #tpu.memory_space<hbm>>
          %dma_wait3A_100 = arith.constant 0 : i32
          %dma_wait3A_101 = tpu.memref_slice %arg3[%multiple_of3A_88, %dma_wait3A_100] : memref<2500x128xi32, #tpu.memory_space<hbm>> -> memref<16x128xi32, #tpu.memory_space<hbm>>
          tpu.wait_dma2 semaphore(%run_scoped3A : memref<!tpu.dma_semaphore, #tpu.memory_space<semaphore_mem>>) src(%dma_wait3A_101 : memref<16x128xi32, #tpu.memory_space<hbm>>) dst(%arg9 : memref<16x128xi32, #tpu.memory_space<vmem>>)
          tpu.yield
        }) : () -> ()
        %scan3A_89 = arith.constant 0 : i32
        %scan3A_90 = arith.constant 0 : i32
        %scan3A_91 = arith.constant 16 : i32
        %scan3A_92 = arith.addi %scan3A_90, %scan3A_91 : i32
        %scan3A_93 = arith.constant 1 : i32
        %scan3A_94 = scf.for %scan3A_96 = %scan3A_90 to %scan3A_92 step %scan3A_93 iter_args(%scan3A_97 = %scan3A_89) -> (i32)  : i32 {
          %scan3A_98 = arith.constant 0 : i32
          %scan3A_99 = arith.constant 0 : i32
          %scan3A_100 = arith.constant 8 : i32
          %scan3A_101 = arith.addi %scan3A_99, %scan3A_100 : i32
          %scan3A_102 = arith.constant 1 : i32
          %scan3A_103 = scf.for %scan3A_121 = %scan3A_99 to %scan3A_101 step %scan3A_102 iter_args(%scan3A_122 = %scan3A_98) -> (i32)  : i32 {
            %mul3A_123 = arith.constant 16 : i32
            %mul3A_124 = arith.muli %scan3A_121, %mul3A_123 : i32
            %get3A = arith.index_cast %scan3A_96 : i32 to index
            %get3A_125 = arith.index_cast %mul3A_124 : i32 to index
            %get3A_126 = tpu.vector_load %arg9[%get3A, %get3A_125] {strides = array<i32>} : memref<16x128xi32, #tpu.memory_space<vmem>>, vector<1x16xi32>,
            %get3A_127 = vector.shape_cast %get3A_126 : vector<1x16xi32> to vector<16xi32>
            %sub3A = vector.broadcast %mul3A_0 : i32 to vector<16xi32>
            %sub3A_128 = arith.subi %get3A_127, %sub3A : vector<16xi32>
            %ge3A = arith.constant 0 : i32
            %ge3A_129 = vector.broadcast %ge3A : i32 to vector<16xi32>
            %ge3A_130 = arith.cmpi sge, %sub3A_128, %ge3A_129 : vector<16xi32>
            %lt3A_131 = arith.constant 5120 : i32
            %lt3A_132 = vector.broadcast %lt3A_131 : i32 to vector<16xi32>
            %lt3A_133 = arith.cmpi slt, %sub3A_128, %lt3A_132 : vector<16xi32>
            %and3A = arith.andi %ge3A_130, %lt3A_133 : vector<16xi1>
            %add3A_134 = arith.constant 5120 : i32
            %add3A_135 = vector.broadcast %add3A_134 : i32 to vector<16xi32>
            %add3A_136 = arith.addi %add3A_135, %iota3A : vector<16xi32>
            %select_n3A = arith.select %and3A, %sub3A_128, %add3A_136 : vector<16xi1>, vector<16xi32>
            %mul3A_137 = arith.constant 16 : i32
            %mul3A_138 = arith.muli %scan3A_121, %mul3A_137 : i32
            %swap3A = arith.index_cast %scan3A_96 : i32 to index
            %swap3A_139 = arith.index_cast %mul3A_138 : i32 to index
            %swap3A_140 = tpu.vector_load %arg10[%swap3A, %swap3A_139] {strides = array<i32>} : memref<16x128xi32, #tpu.memory_space<vmem>>, vector<1x16xi32>,
            %swap3A_141 = vector.shape_cast %swap3A_140 : vector<1x16xi32> to vector<16xi32>
            %swap3A_142 = vector.shape_cast %select_n3A : vector<16xi32> to vector<1x16xi32>
            tpu.vector_store %arg10[%swap3A, %swap3A_139], %swap3A_142 {strides = array<i32>} : memref<16x128xi32, #tpu.memory_space<vmem>>, vector<1x16xi32>,
            %scan3A_143 = arith.constant 0 : i32
            scf.yield %scan3A_143 : i32
          }
          %scan3A_104 = arith.constant 8 : i32
          %mul3A_105 = arith.constant 128 : i32
          %mul3A_106 = arith.muli %scan3A_96, %mul3A_105 : i32
          %multiple_of3A_107 = tpu.assume_multiple %mul3A_106, 8 : i32
          "tpu.region"() ({
            %run_scoped3A = tpu.sem_alloc : memref<!tpu.dma_semaphore, #tpu.memory_space<semaphore_mem>>
            %dma_start3A = tpu.memref_slice %arg8[%multiple_of3A_107] : memref<2048xi32, #tpu.memory_space<vmem>> -> memref<128xi32, #tpu.memory_space<vmem>>
            %dma_start3A_121 = arith.constant 0 : i32
            %dma_start3A_122 = arith.constant 0 : i32
            %dma_start3A_123 = tpu.memref_slice %arg4[%dma_start3A_121, %dma_start3A_122] : memref<10000x128xf32, #tpu.memory_space<hbm>> -> memref<10000x128xf32, #tpu.memory_space<hbm>>
            tpu.enqueue_indirect_dma source(%dma_start3A_123 : memref<10000x128xf32, #tpu.memory_space<hbm>>) target(%arg11 : memref<128x128xf32, #tpu.memory_space<vmem>>) offsets(%dma_start3A : memref<128xi32, #tpu.memory_space<vmem>>) semaphore(%run_scoped3A : memref<!tpu.dma_semaphore, #tpu.memory_space<semaphore_mem>>)
            %dma_wait3A = tpu.memref_slice %arg8[%multiple_of3A_107] : memref<2048xi32, #tpu.memory_space<vmem>> -> memref<128xi32, #tpu.memory_space<vmem>>
            %dma_wait3A_124 = arith.constant 0 : i32
            %dma_wait3A_125 = arith.constant 0 : i32
            %dma_wait3A_126 = tpu.memref_slice %arg4[%dma_wait3A_124, %dma_wait3A_125] : memref<10000x128xf32, #tpu.memory_space<hbm>> -> memref<10000x128xf32, #tpu.memory_space<hbm>>
            tpu.wait_indirect_dma semaphore(%run_scoped3A : memref<!tpu.dma_semaphore, #tpu.memory_space<semaphore_mem>>) src(%dma_wait3A_126 : memref<10000x128xf32, #tpu.memory_space<hbm>>) dst(%arg11 : memref<128x128xf32, #tpu.memory_space<vmem>>)
            tpu.yield
          }) : () -> ()
          %scan3A_108 = arith.constant 0 : i32
          %scan3A_109 = arith.constant 0 : i32
          %scan3A_110 = arith.constant 128 : i32
          %scan3A_111 = arith.addi %scan3A_109, %scan3A_110 : i32
          %scan3A_112 = arith.constant 1 : i32
          %scan3A_113 = scf.for %scan3A_121 = %scan3A_109 to %scan3A_111 step %scan3A_112 iter_args(%scan3A_122 = %scan3A_108) -> (i32)  : i32 {
            %get3A = arith.index_cast %scan3A_121 : i32 to index
            %get3A_123 = arith.constant 0 : index
            %get3A_124 = tpu.vector_load %arg11[%get3A, %get3A_123] {strides = array<i32>} : memref<128x128xf32, #tpu.memory_space<vmem>>, vector<1x16xf32>,
            %get3A_125 = vector.shape_cast %get3A_124 : vector<1x16xf32> to vector<16xf32>
            %mul3A_126 = arith.mulf %get3A_125, %get3A_125 : vector<16xf32>
            %swap3A = arith.index_cast %scan3A_121 : i32 to index
            %swap3A_127 = arith.constant 0 : index
            %swap3A_128 = tpu.vector_load %arg12[%swap3A, %swap3A_127] {strides = array<i32>} : memref<128x128xf32, #tpu.memory_space<vmem>>, vector<1x16xf32>,
            %swap3A_129 = vector.shape_cast %swap3A_128 : vector<1x16xf32> to vector<16xf32>
            %swap3A_130 = vector.shape_cast %mul3A_126 : vector<16xf32> to vector<1x16xf32>
            tpu.vector_store %arg12[%swap3A, %swap3A_127], %swap3A_130 {strides = array<i32>} : memref<128x128xf32, #tpu.memory_space<vmem>>, vector<1x16xf32>,
            %get3A_131 = arith.index_cast %scan3A_121 : i32 to index
            %get3A_132 = arith.constant 16 : index
            %get3A_133 = tpu.vector_load %arg11[%get3A_131, %get3A_132] {strides = array<i32>} : memref<128x128xf32, #tpu.memory_space<vmem>>, vector<1x16xf32>,
            %get3A_134 = vector.shape_cast %get3A_133 : vector<1x16xf32> to vector<16xf32>
            %mul3A_135 = arith.mulf %get3A_134, %get3A_134 : vector<16xf32>
            %swap3A_136 = arith.index_cast %scan3A_121 : i32 to index
            %swap3A_137 = arith.constant 16 : index
            %swap3A_138 = tpu.vector_load %arg12[%swap3A_136, %swap3A_137] {strides = array<i32>} : memref<128x128xf32, #tpu.memory_space<vmem>>, vector<1x16xf32>,
            %swap3A_139 = vector.shape_cast %swap3A_138 : vector<1x16xf32> to vector<16xf32>
            %swap3A_140 = vector.shape_cast %mul3A_135 : vector<16xf32> to vector<1x16xf32>
            tpu.vector_store %arg12[%swap3A_136, %swap3A_137], %swap3A_140 {strides = array<i32>} : memref<128x128xf32, #tpu.memory_space<vmem>>, vector<1x16xf32>,
            %get3A_141 = arith.index_cast %scan3A_121 : i32 to index
            %get3A_142 = arith.constant 32 : index
            %get3A_143 = tpu.vector_load %arg11[%get3A_141, %get3A_142] {strides = array<i32>} : memref<128x128xf32, #tpu.memory_space<vmem>>, vector<1x16xf32>,
            %get3A_144 = vector.shape_cast %get3A_143 : vector<1x16xf32> to vector<16xf32>
            %mul3A_145 = arith.mulf %get3A_144, %get3A_144 : vector<16xf32>
            %swap3A_146 = arith.index_cast %scan3A_121 : i32 to index
            %swap3A_147 = arith.constant 32 : index
            %swap3A_148 = tpu.vector_load %arg12[%swap3A_146, %swap3A_147] {strides = array<i32>} : memref<128x128xf32, #tpu.memory_space<vmem>>, vector<1x16xf32>,
            %swap3A_149 = vector.shape_cast %swap3A_148 : vector<1x16xf32> to vector<16xf32>
            %swap3A_150 = vector.shape_cast %mul3A_145 : vector<16xf32> to vector<1x16xf32>
            tpu.vector_store %arg12[%swap3A_146, %swap3A_147], %swap3A_150 {strides = array<i32>} : memref<128x128xf32, #tpu.memory_space<vmem>>, vector<1x16xf32>,
            %get3A_151 = arith.index_cast %scan3A_121 : i32 to index
            %get3A_152 = arith.constant 48 : index
            %get3A_153 = tpu.vector_load %arg11[%get3A_151, %get3A_152] {strides = array<i32>} : memref<128x128xf32, #tpu.memory_space<vmem>>, vector<1x16xf32>,
            %get3A_154 = vector.shape_cast %get3A_153 : vector<1x16xf32> to vector<16xf32>
            %mul3A_155 = arith.mulf %get3A_154, %get3A_154 : vector<16xf32>
            %swap3A_156 = arith.index_cast %scan3A_121 : i32 to index
            %swap3A_157 = arith.constant 48 : index
            %swap3A_158 = tpu.vector_load %arg12[%swap3A_156, %swap3A_157] {strides = array<i32>} : memref<128x128xf32, #tpu.memory_space<vmem>>, vector<1x16xf32>,
            %swap3A_159 = vector.shape_cast %swap3A_158 : vector<1x16xf32> to vector<16xf32>
            %swap3A_160 = vector.shape_cast %mul3A_155 : vector<16xf32> to vector<1x16xf32>
            tpu.vector_store %arg12[%swap3A_156, %swap3A_157], %swap3A_160 {strides = array<i32>} : memref<128x128xf32, #tpu.memory_space<vmem>>, vector<1x16xf32>,
            %get3A_161 = arith.index_cast %scan3A_121 : i32 to index
            %get3A_162 = arith.constant 64 : index
            %get3A_163 = tpu.vector_load %arg11[%get3A_161, %get3A_162] {strides = array<i32>} : memref<128x128xf32, #tpu.memory_space<vmem>>, vector<1x16xf32>,
            %get3A_164 = vector.shape_cast %get3A_163 : vector<1x16xf32> to vector<16xf32>
            %mul3A_165 = arith.mulf %get3A_164, %get3A_164 : vector<16xf32>
            %swap3A_166 = arith.index_cast %scan3A_121 : i32 to index
            %swap3A_167 = arith.constant 64 : index
            %swap3A_168 = tpu.vector_load %arg12[%swap3A_166, %swap3A_167] {strides = array<i32>} : memref<128x128xf32, #tpu.memory_space<vmem>>, vector<1x16xf32>,
            %swap3A_169 = vector.shape_cast %swap3A_168 : vector<1x16xf32> to vector<16xf32>
            %swap3A_170 = vector.shape_cast %mul3A_165 : vector<16xf32> to vector<1x16xf32>
            tpu.vector_store %arg12[%swap3A_166, %swap3A_167], %swap3A_170 {strides = array<i32>} : memref<128x128xf32, #tpu.memory_space<vmem>>, vector<1x16xf32>,
            %get3A_171 = arith.index_cast %scan3A_121 : i32 to index
            %get3A_172 = arith.constant 80 : index
            %get3A_173 = tpu.vector_load %arg11[%get3A_171, %get3A_172] {strides = array<i32>} : memref<128x128xf32, #tpu.memory_space<vmem>>, vector<1x16xf32>,
            %get3A_174 = vector.shape_cast %get3A_173 : vector<1x16xf32> to vector<16xf32>
            %mul3A_175 = arith.mulf %get3A_174, %get3A_174 : vector<16xf32>
            %swap3A_176 = arith.index_cast %scan3A_121 : i32 to index
            %swap3A_177 = arith.constant 80 : index
            %swap3A_178 = tpu.vector_load %arg12[%swap3A_176, %swap3A_177] {strides = array<i32>} : memref<128x128xf32, #tpu.memory_space<vmem>>, vector<1x16xf32>,
            %swap3A_179 = vector.shape_cast %swap3A_178 : vector<1x16xf32> to vector<16xf32>
            %swap3A_180 = vector.shape_cast %mul3A_175 : vector<16xf32> to vector<1x16xf32>
            tpu.vector_store %arg12[%swap3A_176, %swap3A_177], %swap3A_180 {strides = array<i32>} : memref<128x128xf32, #tpu.memory_space<vmem>>, vector<1x16xf32>,
            %get3A_181 = arith.index_cast %scan3A_121 : i32 to index
            %get3A_182 = arith.constant 96 : index
            %get3A_183 = tpu.vector_load %arg11[%get3A_181, %get3A_182] {strides = array<i32>} : memref<128x128xf32, #tpu.memory_space<vmem>>, vector<1x16xf32>,
            %get3A_184 = vector.shape_cast %get3A_183 : vector<1x16xf32> to vector<16xf32>
            %mul3A_185 = arith.mulf %get3A_184, %get3A_184 : vector<16xf32>
            %swap3A_186 = arith.index_cast %scan3A_121 : i32 to index
            %swap3A_187 = arith.constant 96 : index
            %swap3A_188 = tpu.vector_load %arg12[%swap3A_186, %swap3A_187] {strides = array<i32>} : memref<128x128xf32, #tpu.memory_space<vmem>>, vector<1x16xf32>,
            %swap3A_189 = vector.shape_cast %swap3A_188 : vector<1x16xf32> to vector<16xf32>
            %swap3A_190 = vector.shape_cast %mul3A_185 : vector<16xf32> to vector<1x16xf32>
            tpu.vector_store %arg12[%swap3A_186, %swap3A_187], %swap3A_190 {strides = array<i32>} : memref<128x128xf32, #tpu.memory_space<vmem>>, vector<1x16xf32>,
            %get3A_191 = arith.index_cast %scan3A_121 : i32 to index
            %get3A_192 = arith.constant 112 : index
            %get3A_193 = tpu.vector_load %arg11[%get3A_191, %get3A_192] {strides = array<i32>} : memref<128x128xf32, #tpu.memory_space<vmem>>, vector<1x16xf32>,
            %get3A_194 = vector.shape_cast %get3A_193 : vector<1x16xf32> to vector<16xf32>
            %mul3A_195 = arith.mulf %get3A_194, %get3A_194 : vector<16xf32>
            %swap3A_196 = arith.index_cast %scan3A_121 : i32 to index
            %swap3A_197 = arith.constant 112 : index
            %swap3A_198 = tpu.vector_load %arg12[%swap3A_196, %swap3A_197] {strides = array<i32>} : memref<128x128xf32, #tpu.memory_space<vmem>>, vector<1x16xf32>,
            %swap3A_199 = vector.shape_cast %swap3A_198 : vector<1x16xf32> to vector<16xf32>
            %swap3A_200 = vector.shape_cast %mul3A_195 : vector<16xf32> to vector<1x16xf32>
            tpu.vector_store %arg12[%swap3A_196, %swap3A_197], %swap3A_200 {strides = array<i32>} : memref<128x128xf32, #tpu.memory_space<vmem>>, vector<1x16xf32>,
            %scan3A_201 = arith.constant 0 : i32
            scf.yield %scan3A_201 : i32
          }
          %scan3A_114 = arith.constant 128 : i32
          "tpu.region"() ({
            %run_scoped3A = tpu.sem_alloc : memref<!tpu.dma_semaphore, #tpu.memory_space<semaphore_mem>>
            %dma_start3A = arith.constant 0 : i32
            %dma_start3A_121 = tpu.memref_slice %arg10[%scan3A_96, %dma_start3A] : memref<16x128xi32, #tpu.memory_space<vmem>> -> memref<1x128xi32, #tpu.memory_space<vmem>>
            %dma_start3A_122 = tpu.memref_squeeze %dma_start3A_121 : memref<1x128xi32, #tpu.memory_space<vmem>> -> memref<128xi32, #tpu.memory_space<vmem>>
            %dma_start3A_123 = arith.constant 0 : i32
            %dma_start3A_124 = arith.constant 0 : i32
            %dma_start3A_125 = tpu.memref_slice %arg14[%dma_start3A_123, %dma_start3A_124] : memref<5248x128xf32, #tpu.memory_space<vmem_shared>> -> memref<5248x128xf32, #tpu.memory_space<vmem_shared>>
            tpu.enqueue_indirect_dma source(%arg11 : memref<128x128xf32, #tpu.memory_space<vmem>>) target(%dma_start3A_125 : memref<5248x128xf32, #tpu.memory_space<vmem_shared>>) offsets(%dma_start3A_122 : memref<128xi32, #tpu.memory_space<vmem>>) semaphore(%run_scoped3A : memref<!tpu.dma_semaphore, #tpu.memory_space<semaphore_mem>>) {add = true}
            %dma_wait3A = arith.constant 0 : i32
            %dma_wait3A_126 = tpu.memref_slice %arg10[%scan3A_96, %dma_wait3A] : memref<16x128xi32, #tpu.memory_space<vmem>> -> memref<1x128xi32, #tpu.memory_space<vmem>>
            %dma_wait3A_127 = tpu.memref_squeeze %dma_wait3A_126 : memref<1x128xi32, #tpu.memory_space<vmem>> -> memref<128xi32, #tpu.memory_space<vmem>>
            %dma_wait3A_128 = arith.constant 0 : i32
            %dma_wait3A_129 = arith.constant 0 : i32
            %dma_wait3A_130 = tpu.memref_slice %arg14[%dma_wait3A_128, %dma_wait3A_129] : memref<5248x128xf32, #tpu.memory_space<vmem_shared>> -> memref<5248x128xf32, #tpu.memory_space<vmem_shared>>
            tpu.wait_indirect_dma semaphore(%run_scoped3A : memref<!tpu.dma_semaphore, #tpu.memory_space<semaphore_mem>>) src(%arg11 : memref<128x128xf32, #tpu.memory_space<vmem>>) dst(%dma_wait3A_130 : memref<5248x128xf32, #tpu.memory_space<vmem_shared>>)
            tpu.yield
          }) : () -> ()
          "tpu.region"() ({
            %run_scoped3A = tpu.sem_alloc : memref<!tpu.dma_semaphore, #tpu.memory_space<semaphore_mem>>
            %dma_start3A = arith.constant 0 : i32
            %dma_start3A_121 = tpu.memref_slice %arg10[%scan3A_96, %dma_start3A] : memref<16x128xi32, #tpu.memory_space<vmem>> -> memref<1x128xi32, #tpu.memory_space<vmem>>
            %dma_start3A_122 = tpu.memref_squeeze %dma_start3A_121 : memref<1x128xi32, #tpu.memory_space<vmem>> -> memref<128xi32, #tpu.memory_space<vmem>>
            %dma_start3A_123 = arith.constant 0 : i32
            %dma_start3A_124 = arith.constant 0 : i32
            %dma_start3A_125 = tpu.memref_slice %arg15[%dma_start3A_123, %dma_start3A_124] : memref<5248x128xf32, #tpu.memory_space<vmem_shared>> -> memref<5248x128xf32, #tpu.memory_space<vmem_shared>>
            tpu.enqueue_indirect_dma source(%arg12 : memref<128x128xf32, #tpu.memory_space<vmem>>) target(%dma_start3A_125 : memref<5248x128xf32, #tpu.memory_space<vmem_shared>>) offsets(%dma_start3A_122 : memref<128xi32, #tpu.memory_space<vmem>>) semaphore(%run_scoped3A : memref<!tpu.dma_semaphore, #tpu.memory_space<semaphore_mem>>) {add = true}
            %dma_wait3A = arith.constant 0 : i32
            %dma_wait3A_126 = tpu.memref_slice %arg10[%scan3A_96, %dma_wait3A] : memref<16x128xi32, #tpu.memory_space<vmem>> -> memref<1x128xi32, #tpu.memory_space<vmem>>
            %dma_wait3A_127 = tpu.memref_squeeze %dma_wait3A_126 : memref<1x128xi32, #tpu.memory_space<vmem>> -> memref<128xi32, #tpu.memory_space<vmem>>
            %dma_wait3A_128 = arith.constant 0 : i32
            %dma_wait3A_129 = arith.constant 0 : i32
            %dma_wait3A_130 = tpu.memref_slice %arg15[%dma_wait3A_128, %dma_wait3A_129] : memref<5248x128xf32, #tpu.memory_space<vmem_shared>> -> memref<5248x128xf32, #tpu.memory_space<vmem_shared>>
            tpu.wait_indirect_dma semaphore(%run_scoped3A : memref<!tpu.dma_semaphore, #tpu.memory_space<semaphore_mem>>) src(%arg12 : memref<128x128xf32, #tpu.memory_space<vmem>>) dst(%dma_wait3A_130 : memref<5248x128xf32, #tpu.memory_space<vmem_shared>>)
            tpu.yield
          }) : () -> ()
          %eq3A_115 = arith.constant 0 : i32
          %eq3A_116 = arith.cmpi eq, %arg0, %eq3A_115 : i32
          %convert_element_type3A_117 = arith.extui %eq3A_116 : i1 to i32
          %cond3A_118 = arith.constant 0 : i32
          %cond3A_119 = arith.cmpi ne, %convert_element_type3A_117, %cond3A_118 : i32
          scf.if %cond3A_119 {
            "tpu.region"() ({
              %run_scoped3A = tpu.sem_alloc : memref<!tpu.dma_semaphore, #tpu.memory_space<semaphore_mem>>
              %dma_start3A = arith.constant 0 : i32
              %dma_start3A_121 = tpu.memref_slice %arg13[%dma_start3A] : memref<656xf32, #tpu.memory_space<vmem>> -> memref<128xf32, #tpu.memory_space<vmem>>
              %dma_start3A_122 = arith.constant 0 : i32
              %dma_start3A_123 = tpu.memref_slice %arg9[%scan3A_96, %dma_start3A_122] : memref<16x128xi32, #tpu.memory_space<vmem>> -> memref<1x128xi32, #tpu.memory_space<vmem>>
              %dma_start3A_124 = tpu.memref_squeeze %dma_start3A_123 : memref<1x128xi32, #tpu.memory_space<vmem>> -> memref<128xi32, #tpu.memory_space<vmem>>
              %dma_start3A_125 = arith.constant 0 : i32
              %dma_start3A_126 = tpu.memref_slice %arg16[%dma_start3A_125] : memref<10496xf32, #tpu.memory_space<vmem_shared>> -> memref<10496xf32, #tpu.memory_space<vmem_shared>>
              tpu.enqueue_indirect_dma source(%dma_start3A_121 : memref<128xf32, #tpu.memory_space<vmem>>) target(%dma_start3A_126 : memref<10496xf32, #tpu.memory_space<vmem_shared>>) offsets(%dma_start3A_124 : memref<128xi32, #tpu.memory_space<vmem>>) semaphore(%run_scoped3A : memref<!tpu.dma_semaphore, #tpu.memory_space<semaphore_mem>>) {add = true}
              %dma_wait3A = arith.constant 0 : i32
              %dma_wait3A_127 = tpu.memref_slice %arg13[%dma_wait3A] : memref<656xf32, #tpu.memory_space<vmem>> -> memref<128xf32, #tpu.memory_space<vmem>>
              %dma_wait3A_128 = arith.constant 0 : i32
              %dma_wait3A_129 = tpu.memref_slice %arg9[%scan3A_96, %dma_wait3A_128] : memref<16x128xi32, #tpu.memory_space<vmem>> -> memref<1x128xi32, #tpu.memory_space<vmem>>
              %dma_wait3A_130 = tpu.memref_squeeze %dma_wait3A_129 : memref<1x128xi32, #tpu.memory_space<vmem>> -> memref<128xi32, #tpu.memory_space<vmem>>
              %dma_wait3A_131 = arith.constant 0 : i32
              %dma_wait3A_132 = tpu.memref_slice %arg16[%dma_wait3A_131] : memref<10496xf32, #tpu.memory_space<vmem_shared>> -> memref<10496xf32, #tpu.memory_space<vmem_shared>>
              tpu.wait_indirect_dma semaphore(%run_scoped3A : memref<!tpu.dma_semaphore, #tpu.memory_space<semaphore_mem>>) src(%dma_wait3A_127 : memref<128xf32, #tpu.memory_space<vmem>>) dst(%dma_wait3A_132 : memref<10496xf32, #tpu.memory_space<vmem_shared>>)
              tpu.yield
            }) : () -> ()
          } else {
          }
          %scan3A_120 = arith.constant 0 : i32
          scf.yield %scan3A_120 : i32
        }
        %scan3A_95 = arith.constant 16 : i32
      } else {
      }
      %scan3A_82 = arith.constant 0 : i32
      scf.yield %scan3A_82 : i32
    }
    %scan3A_55 = arith.constant 10 : i32
    %eq3A = arith.constant 15 : i32
    %eq3A_56 = arith.cmpi eq, %arg1, %eq3A : i32
    %convert_element_type3A = arith.extui %eq3A_56 : i1 to i32
    %cond3A = arith.constant 0 : i32
    %cond3A_57 = arith.cmpi ne, %convert_element_type3A, %cond3A : i32
    scf.if %cond3A_57 {
      "tpu.region"() ({
        %run_scoped3A = tpu.sem_alloc : memref<!tpu.dma_semaphore, #tpu.memory_space<semaphore_mem>>
        %dma_start3A = arith.constant 0 : i32
        %dma_start3A_80 = tpu.memref_slice %arg8[%dma_start3A] : memref<2048xi32, #tpu.memory_space<vmem>> -> memref<512xi32, #tpu.memory_space<vmem>>
        %dma_start3A_81 = arith.constant 319488 : i32
        %dma_start3A_82 = tpu.memref_slice %arg2[%dma_start3A_81] : memref<320000xi32, #tpu.memory_space<hbm>> -> memref<512xi32, #tpu.memory_space<hbm>>
        %dma_start3A_83 = arith.constant 0 : i32
        %dma_start3A_84 = tpu.memref_slice %arg8[%dma_start3A_83] : memref<2048xi32, #tpu.memory_space<vmem>> -> memref<512xi32, #tpu.memory_space<vmem>>
        %dma_start3A_85 = arith.constant 319488 : i32
        %dma_start3A_86 = tpu.memref_slice %arg2[%dma_start3A_85] : memref<320000xi32, #tpu.memory_space<hbm>> -> memref<512xi32, #tpu.memory_space<hbm>>
        tpu.enqueue_dma source(%dma_start3A_86 : memref<512xi32, #tpu.memory_space<hbm>>) target(%dma_start3A_84 : memref<512xi32, #tpu.memory_space<vmem>>) target_semaphore(%run_scoped3A : memref<!tpu.dma_semaphore, #tpu.memory_space<semaphore_mem>>)
        %dma_wait3A = arith.constant 0 : i32
        %dma_wait3A_87 = tpu.memref_slice %arg8[%dma_wait3A] : memref<2048xi32, #tpu.memory_space<vmem>> -> memref<512xi32, #tpu.memory_space<vmem>>
        %dma_wait3A_88 = arith.constant 319488 : i32
        %dma_wait3A_89 = tpu.memref_slice %arg2[%dma_wait3A_88] : memref<320000xi32, #tpu.memory_space<hbm>> -> memref<512xi32, #tpu.memory_space<hbm>>
        %dma_wait3A_90 = arith.constant 0 : i32
        %dma_wait3A_91 = tpu.memref_slice %arg8[%dma_wait3A_90] : memref<2048xi32, #tpu.memory_space<vmem>> -> memref<512xi32, #tpu.memory_space<vmem>>
        %dma_wait3A_92 = arith.constant 319488 : i32
        %dma_wait3A_93 = tpu.memref_slice %arg2[%dma_wait3A_92] : memref<320000xi32, #tpu.memory_space<hbm>> -> memref<512xi32, #tpu.memory_space<hbm>>
        tpu.wait_dma2 semaphore(%run_scoped3A : memref<!tpu.dma_semaphore, #tpu.memory_space<semaphore_mem>>) src(%dma_wait3A_93 : memref<512xi32, #tpu.memory_space<hbm>>) dst(%dma_wait3A_91 : memref<512xi32, #tpu.memory_space<vmem>>)
        tpu.yield
      }) : () -> ()
      "tpu.region"() ({
        %run_scoped3A = tpu.sem_alloc : memref<!tpu.dma_semaphore, #tpu.memory_space<semaphore_mem>>
        %dma_start3A = arith.constant 0 : i32
        %dma_start3A_80 = arith.constant 0 : i32
        %dma_start3A_81 = tpu.memref_slice %arg9[%dma_start3A, %dma_start3A_80] : memref<16x128xi32, #tpu.memory_space<vmem>> -> memref<4x128xi32, #tpu.memory_space<vmem>>
        %dma_start3A_82 = arith.constant 2496 : i32
        %dma_start3A_83 = arith.constant 0 : i32
        %dma_start3A_84 = tpu.memref_slice %arg3[%dma_start3A_82, %dma_start3A_83] : memref<2500x128xi32, #tpu.memory_space<hbm>> -> memref<4x128xi32, #tpu.memory_space<hbm>>
        %dma_start3A_85 = arith.constant 0 : i32
        %dma_start3A_86 = arith.constant 0 : i32
        %dma_start3A_87 = tpu.memref_slice %arg9[%dma_start3A_85, %dma_start3A_86] : memref<16x128xi32, #tpu.memory_space<vmem>> -> memref<4x128xi32, #tpu.memory_space<vmem>>
        %dma_start3A_88 = arith.constant 2496 : i32
        %dma_start3A_89 = arith.constant 0 : i32
        %dma_start3A_90 = tpu.memref_slice %arg3[%dma_start3A_88, %dma_start3A_89] : memref<2500x128xi32, #tpu.memory_space<hbm>> -> memref<4x128xi32, #tpu.memory_space<hbm>>
        tpu.enqueue_dma source(%dma_start3A_90 : memref<4x128xi32, #tpu.memory_space<hbm>>) target(%dma_start3A_87 : memref<4x128xi32, #tpu.memory_space<vmem>>) target_semaphore(%run_scoped3A : memref<!tpu.dma_semaphore, #tpu.memory_space<semaphore_mem>>)
        %dma_wait3A = arith.constant 0 : i32
        %dma_wait3A_91 = arith.constant 0 : i32
        %dma_wait3A_92 = tpu.memref_slice %arg9[%dma_wait3A, %dma_wait3A_91] : memref<16x128xi32, #tpu.memory_space<vmem>> -> memref<4x128xi32, #tpu.memory_space<vmem>>
        %dma_wait3A_93 = arith.constant 2496 : i32
        %dma_wait3A_94 = arith.constant 0 : i32
        %dma_wait3A_95 = tpu.memref_slice %arg3[%dma_wait3A_93, %dma_wait3A_94] : memref<2500x128xi32, #tpu.memory_space<hbm>> -> memref<4x128xi32, #tpu.memory_space<hbm>>
        %dma_wait3A_96 = arith.constant 0 : i32
        %dma_wait3A_97 = arith.constant 0 : i32
        %dma_wait3A_98 = tpu.memref_slice %arg9[%dma_wait3A_96, %dma_wait3A_97] : memref<16x128xi32, #tpu.memory_space<vmem>> -> memref<4x128xi32, #tpu.memory_space<vmem>>
        %dma_wait3A_99 = arith.constant 2496 : i32
        %dma_wait3A_100 = arith.constant 0 : i32
        %dma_wait3A_101 = tpu.memref_slice %arg3[%dma_wait3A_99, %dma_wait3A_100] : memref<2500x128xi32, #tpu.memory_space<hbm>> -> memref<4x128xi32, #tpu.memory_space<hbm>>
        tpu.wait_dma2 semaphore(%run_scoped3A : memref<!tpu.dma_semaphore, #tpu.memory_space<semaphore_mem>>) src(%dma_wait3A_101 : memref<4x128xi32, #tpu.memory_space<hbm>>) dst(%dma_wait3A_98 : memref<4x128xi32, #tpu.memory_space<vmem>>)
        tpu.yield
      }) : () -> ()
      %scan3A_73 = arith.constant 0 : i32
      %scan3A_74 = arith.constant 0 : i32
      %scan3A_75 = arith.constant 4 : i32
      %scan3A_76 = arith.addi %scan3A_74, %scan3A_75 : i32
      %scan3A_77 = arith.constant 1 : i32
      %scan3A_78 = scf.for %scan3A_80 = %scan3A_74 to %scan3A_76 step %scan3A_77 iter_args(%scan3A_81 = %scan3A_73) -> (i32)  : i32 {
        %scan3A_82 = arith.constant 0 : i32
        %scan3A_83 = arith.constant 0 : i32
        %scan3A_84 = arith.constant 8 : i32
        %scan3A_85 = arith.addi %scan3A_83, %scan3A_84 : i32
        %scan3A_86 = arith.constant 1 : i32
        %scan3A_87 = scf.for %scan3A_105 = %scan3A_83 to %scan3A_85 step %scan3A_86 iter_args(%scan3A_106 = %scan3A_82) -> (i32)  : i32 {
          %mul3A_107 = arith.constant 16 : i32
          %mul3A_108 = arith.muli %scan3A_105, %mul3A_107 : i32
          %get3A = arith.index_cast %scan3A_80 : i32 to index
          %get3A_109 = arith.index_cast %mul3A_108 : i32 to index
          %get3A_110 = tpu.vector_load %arg9[%get3A, %get3A_109] {strides = array<i32>} : memref<16x128xi32, #tpu.memory_space<vmem>>, vector<1x16xi32>,
          %get3A_111 = vector.shape_cast %get3A_110 : vector<1x16xi32> to vector<16xi32>
          %sub3A = vector.broadcast %mul3A_0 : i32 to vector<16xi32>
          %sub3A_112 = arith.subi %get3A_111, %sub3A : vector<16xi32>
          %ge3A = arith.constant 0 : i32
          %ge3A_113 = vector.broadcast %ge3A : i32 to vector<16xi32>
          %ge3A_114 = arith.cmpi sge, %sub3A_112, %ge3A_113 : vector<16xi32>
          %lt3A = arith.constant 5120 : i32
          %lt3A_115 = vector.broadcast %lt3A : i32 to vector<16xi32>
          %lt3A_116 = arith.cmpi slt, %sub3A_112, %lt3A_115 : vector<16xi32>
          %and3A = arith.andi %ge3A_114, %lt3A_116 : vector<16xi1>
          %add3A_117 = arith.constant 5120 : i32
          %add3A_118 = vector.broadcast %add3A_117 : i32 to vector<16xi32>
          %add3A_119 = arith.addi %add3A_118, %iota3A : vector<16xi32>
          %select_n3A = arith.select %and3A, %sub3A_112, %add3A_119 : vector<16xi1>, vector<16xi32>
          %mul3A_120 = arith.constant 16 : i32
          %mul3A_121 = arith.muli %scan3A_105, %mul3A_120 : i32
          %swap3A = arith.index_cast %scan3A_80 : i32 to index
          %swap3A_122 = arith.index_cast %mul3A_121 : i32 to index
          %swap3A_123 = tpu.vector_load %arg10[%swap3A, %swap3A_122] {strides = array<i32>} : memref<16x128xi32, #tpu.memory_space<vmem>>, vector<1x16xi32>,
          %swap3A_124 = vector.shape_cast %swap3A_123 : vector<1x16xi32> to vector<16xi32>
          %swap3A_125 = vector.shape_cast %select_n3A : vector<16xi32> to vector<1x16xi32>
          tpu.vector_store %arg10[%swap3A, %swap3A_122], %swap3A_125 {strides = array<i32>} : memref<16x128xi32, #tpu.memory_space<vmem>>, vector<1x16xi32>,
          %scan3A_126 = arith.constant 0 : i32
          scf.yield %scan3A_126 : i32
        }
        %scan3A_88 = arith.constant 8 : i32
        %mul3A_89 = arith.constant 128 : i32
        %mul3A_90 = arith.muli %scan3A_80, %mul3A_89 : i32
        %multiple_of3A_91 = tpu.assume_multiple %mul3A_90, 8 : i32
        "tpu.region"() ({
          %run_scoped3A = tpu.sem_alloc : memref<!tpu.dma_semaphore, #tpu.memory_space<semaphore_mem>>
          %dma_start3A = tpu.memref_slice %arg8[%multiple_of3A_91] : memref<2048xi32, #tpu.memory_space<vmem>> -> memref<128xi32, #tpu.memory_space<vmem>>
          %dma_start3A_105 = arith.constant 0 : i32
          %dma_start3A_106 = arith.constant 0 : i32
          %dma_start3A_107 = tpu.memref_slice %arg4[%dma_start3A_105, %dma_start3A_106] : memref<10000x128xf32, #tpu.memory_space<hbm>> -> memref<10000x128xf32, #tpu.memory_space<hbm>>
          tpu.enqueue_indirect_dma source(%dma_start3A_107 : memref<10000x128xf32, #tpu.memory_space<hbm>>) target(%arg11 : memref<128x128xf32, #tpu.memory_space<vmem>>) offsets(%dma_start3A : memref<128xi32, #tpu.memory_space<vmem>>) semaphore(%run_scoped3A : memref<!tpu.dma_semaphore, #tpu.memory_space<semaphore_mem>>)
          %dma_wait3A = tpu.memref_slice %arg8[%multiple_of3A_91] : memref<2048xi32, #tpu.memory_space<vmem>> -> memref<128xi32, #tpu.memory_space<vmem>>
          %dma_wait3A_108 = arith.constant 0 : i32
          %dma_wait3A_109 = arith.constant 0 : i32
          %dma_wait3A_110 = tpu.memref_slice %arg4[%dma_wait3A_108, %dma_wait3A_109] : memref<10000x128xf32, #tpu.memory_space<hbm>> -> memref<10000x128xf32, #tpu.memory_space<hbm>>
          tpu.wait_indirect_dma semaphore(%run_scoped3A : memref<!tpu.dma_semaphore, #tpu.memory_space<semaphore_mem>>) src(%dma_wait3A_110 : memref<10000x128xf32, #tpu.memory_space<hbm>>) dst(%arg11 : memref<128x128xf32, #tpu.memory_space<vmem>>)
          tpu.yield
        }) : () -> ()
        %scan3A_92 = arith.constant 0 : i32
        %scan3A_93 = arith.constant 0 : i32
        %scan3A_94 = arith.constant 128 : i32
        %scan3A_95 = arith.addi %scan3A_93, %scan3A_94 : i32
        %scan3A_96 = arith.constant 1 : i32
        %scan3A_97 = scf.for %scan3A_105 = %scan3A_93 to %scan3A_95 step %scan3A_96 iter_args(%scan3A_106 = %scan3A_92) -> (i32)  : i32 {
          %get3A = arith.index_cast %scan3A_105 : i32 to index
          %get3A_107 = arith.constant 0 : index
          %get3A_108 = tpu.vector_load %arg11[%get3A, %get3A_107] {strides = array<i32>} : memref<128x128xf32, #tpu.memory_space<vmem>>, vector<1x16xf32>,
          %get3A_109 = vector.shape_cast %get3A_108 : vector<1x16xf32> to vector<16xf32>
          %mul3A_110 = arith.mulf %get3A_109, %get3A_109 : vector<16xf32>
          %swap3A = arith.index_cast %scan3A_105 : i32 to index
          %swap3A_111 = arith.constant 0 : index
          %swap3A_112 = tpu.vector_load %arg12[%swap3A, %swap3A_111] {strides = array<i32>} : memref<128x128xf32, #tpu.memory_space<vmem>>, vector<1x16xf32>,
          %swap3A_113 = vector.shape_cast %swap3A_112 : vector<1x16xf32> to vector<16xf32>
          %swap3A_114 = vector.shape_cast %mul3A_110 : vector<16xf32> to vector<1x16xf32>
          tpu.vector_store %arg12[%swap3A, %swap3A_111], %swap3A_114 {strides = array<i32>} : memref<128x128xf32, #tpu.memory_space<vmem>>, vector<1x16xf32>,
          %get3A_115 = arith.index_cast %scan3A_105 : i32 to index
          %get3A_116 = arith.constant 16 : index
          %get3A_117 = tpu.vector_load %arg11[%get3A_115, %get3A_116] {strides = array<i32>} : memref<128x128xf32, #tpu.memory_space<vmem>>, vector<1x16xf32>,
          %get3A_118 = vector.shape_cast %get3A_117 : vector<1x16xf32> to vector<16xf32>
          %mul3A_119 = arith.mulf %get3A_118, %get3A_118 : vector<16xf32>
          %swap3A_120 = arith.index_cast %scan3A_105 : i32 to index
          %swap3A_121 = arith.constant 16 : index
          %swap3A_122 = tpu.vector_load %arg12[%swap3A_120, %swap3A_121] {strides = array<i32>} : memref<128x128xf32, #tpu.memory_space<vmem>>, vector<1x16xf32>,
          %swap3A_123 = vector.shape_cast %swap3A_122 : vector<1x16xf32> to vector<16xf32>
          %swap3A_124 = vector.shape_cast %mul3A_119 : vector<16xf32> to vector<1x16xf32>
          tpu.vector_store %arg12[%swap3A_120, %swap3A_121], %swap3A_124 {strides = array<i32>} : memref<128x128xf32, #tpu.memory_space<vmem>>, vector<1x16xf32>,
          %get3A_125 = arith.index_cast %scan3A_105 : i32 to index
          %get3A_126 = arith.constant 32 : index
          %get3A_127 = tpu.vector_load %arg11[%get3A_125, %get3A_126] {strides = array<i32>} : memref<128x128xf32, #tpu.memory_space<vmem>>, vector<1x16xf32>,
          %get3A_128 = vector.shape_cast %get3A_127 : vector<1x16xf32> to vector<16xf32>
          %mul3A_129 = arith.mulf %get3A_128, %get3A_128 : vector<16xf32>
          %swap3A_130 = arith.index_cast %scan3A_105 : i32 to index
          %swap3A_131 = arith.constant 32 : index
          %swap3A_132 = tpu.vector_load %arg12[%swap3A_130, %swap3A_131] {strides = array<i32>} : memref<128x128xf32, #tpu.memory_space<vmem>>, vector<1x16xf32>,
          %swap3A_133 = vector.shape_cast %swap3A_132 : vector<1x16xf32> to vector<16xf32>
          %swap3A_134 = vector.shape_cast %mul3A_129 : vector<16xf32> to vector<1x16xf32>
          tpu.vector_store %arg12[%swap3A_130, %swap3A_131], %swap3A_134 {strides = array<i32>} : memref<128x128xf32, #tpu.memory_space<vmem>>, vector<1x16xf32>,
          %get3A_135 = arith.index_cast %scan3A_105 : i32 to index
          %get3A_136 = arith.constant 48 : index
          %get3A_137 = tpu.vector_load %arg11[%get3A_135, %get3A_136] {strides = array<i32>} : memref<128x128xf32, #tpu.memory_space<vmem>>, vector<1x16xf32>,
          %get3A_138 = vector.shape_cast %get3A_137 : vector<1x16xf32> to vector<16xf32>
          %mul3A_139 = arith.mulf %get3A_138, %get3A_138 : vector<16xf32>
          %swap3A_140 = arith.index_cast %scan3A_105 : i32 to index
          %swap3A_141 = arith.constant 48 : index
          %swap3A_142 = tpu.vector_load %arg12[%swap3A_140, %swap3A_141] {strides = array<i32>} : memref<128x128xf32, #tpu.memory_space<vmem>>, vector<1x16xf32>,
          %swap3A_143 = vector.shape_cast %swap3A_142 : vector<1x16xf32> to vector<16xf32>
          %swap3A_144 = vector.shape_cast %mul3A_139 : vector<16xf32> to vector<1x16xf32>
          tpu.vector_store %arg12[%swap3A_140, %swap3A_141], %swap3A_144 {strides = array<i32>} : memref<128x128xf32, #tpu.memory_space<vmem>>, vector<1x16xf32>,
          %get3A_145 = arith.index_cast %scan3A_105 : i32 to index
          %get3A_146 = arith.constant 64 : index
          %get3A_147 = tpu.vector_load %arg11[%get3A_145, %get3A_146] {strides = array<i32>} : memref<128x128xf32, #tpu.memory_space<vmem>>, vector<1x16xf32>,
          %get3A_148 = vector.shape_cast %get3A_147 : vector<1x16xf32> to vector<16xf32>
          %mul3A_149 = arith.mulf %get3A_148, %get3A_148 : vector<16xf32>
          %swap3A_150 = arith.index_cast %scan3A_105 : i32 to index
          %swap3A_151 = arith.constant 64 : index
          %swap3A_152 = tpu.vector_load %arg12[%swap3A_150, %swap3A_151] {strides = array<i32>} : memref<128x128xf32, #tpu.memory_space<vmem>>, vector<1x16xf32>,
          %swap3A_153 = vector.shape_cast %swap3A_152 : vector<1x16xf32> to vector<16xf32>
          %swap3A_154 = vector.shape_cast %mul3A_149 : vector<16xf32> to vector<1x16xf32>
          tpu.vector_store %arg12[%swap3A_150, %swap3A_151], %swap3A_154 {strides = array<i32>} : memref<128x128xf32, #tpu.memory_space<vmem>>, vector<1x16xf32>,
          %get3A_155 = arith.index_cast %scan3A_105 : i32 to index
          %get3A_156 = arith.constant 80 : index
          %get3A_157 = tpu.vector_load %arg11[%get3A_155, %get3A_156] {strides = array<i32>} : memref<128x128xf32, #tpu.memory_space<vmem>>, vector<1x16xf32>,
          %get3A_158 = vector.shape_cast %get3A_157 : vector<1x16xf32> to vector<16xf32>
          %mul3A_159 = arith.mulf %get3A_158, %get3A_158 : vector<16xf32>
          %swap3A_160 = arith.index_cast %scan3A_105 : i32 to index
          %swap3A_161 = arith.constant 80 : index
          %swap3A_162 = tpu.vector_load %arg12[%swap3A_160, %swap3A_161] {strides = array<i32>} : memref<128x128xf32, #tpu.memory_space<vmem>>, vector<1x16xf32>,
          %swap3A_163 = vector.shape_cast %swap3A_162 : vector<1x16xf32> to vector<16xf32>
          %swap3A_164 = vector.shape_cast %mul3A_159 : vector<16xf32> to vector<1x16xf32>
          tpu.vector_store %arg12[%swap3A_160, %swap3A_161], %swap3A_164 {strides = array<i32>} : memref<128x128xf32, #tpu.memory_space<vmem>>, vector<1x16xf32>,
          %get3A_165 = arith.index_cast %scan3A_105 : i32 to index
          %get3A_166 = arith.constant 96 : index
          %get3A_167 = tpu.vector_load %arg11[%get3A_165, %get3A_166] {strides = array<i32>} : memref<128x128xf32, #tpu.memory_space<vmem>>, vector<1x16xf32>,
          %get3A_168 = vector.shape_cast %get3A_167 : vector<1x16xf32> to vector<16xf32>
          %mul3A_169 = arith.mulf %get3A_168, %get3A_168 : vector<16xf32>
          %swap3A_170 = arith.index_cast %scan3A_105 : i32 to index
          %swap3A_171 = arith.constant 96 : index
          %swap3A_172 = tpu.vector_load %arg12[%swap3A_170, %swap3A_171] {strides = array<i32>} : memref<128x128xf32, #tpu.memory_space<vmem>>, vector<1x16xf32>,
          %swap3A_173 = vector.shape_cast %swap3A_172 : vector<1x16xf32> to vector<16xf32>
          %swap3A_174 = vector.shape_cast %mul3A_169 : vector<16xf32> to vector<1x16xf32>
          tpu.vector_store %arg12[%swap3A_170, %swap3A_171], %swap3A_174 {strides = array<i32>} : memref<128x128xf32, #tpu.memory_space<vmem>>, vector<1x16xf32>,
          %get3A_175 = arith.index_cast %scan3A_105 : i32 to index
          %get3A_176 = arith.constant 112 : index
          %get3A_177 = tpu.vector_load %arg11[%get3A_175, %get3A_176] {strides = array<i32>} : memref<128x128xf32, #tpu.memory_space<vmem>>, vector<1x16xf32>,
          %get3A_178 = vector.shape_cast %get3A_177 : vector<1x16xf32> to vector<16xf32>
          %mul3A_179 = arith.mulf %get3A_178, %get3A_178 : vector<16xf32>
          %swap3A_180 = arith.index_cast %scan3A_105 : i32 to index
          %swap3A_181 = arith.constant 112 : index
          %swap3A_182 = tpu.vector_load %arg12[%swap3A_180, %swap3A_181] {strides = array<i32>} : memref<128x128xf32, #tpu.memory_space<vmem>>, vector<1x16xf32>,
          %swap3A_183 = vector.shape_cast %swap3A_182 : vector<1x16xf32> to vector<16xf32>
          %swap3A_184 = vector.shape_cast %mul3A_179 : vector<16xf32> to vector<1x16xf32>
          tpu.vector_store %arg12[%swap3A_180, %swap3A_181], %swap3A_184 {strides = array<i32>} : memref<128x128xf32, #tpu.memory_space<vmem>>, vector<1x16xf32>,
          %scan3A_185 = arith.constant 0 : i32
          scf.yield %scan3A_185 : i32
        }
        %scan3A_98 = arith.constant 128 : i32
        "tpu.region"() ({
          %run_scoped3A = tpu.sem_alloc : memref<!tpu.dma_semaphore, #tpu.memory_space<semaphore_mem>>
          %dma_start3A = arith.constant 0 : i32
          %dma_start3A_105 = tpu.memref_slice %arg10[%scan3A_80, %dma_start3A] : memref<16x128xi32, #tpu.memory_space<vmem>> -> memref<1x128xi32, #tpu.memory_space<vmem>>
          %dma_start3A_106 = tpu.memref_squeeze %dma_start3A_105 : memref<1x128xi32, #tpu.memory_space<vmem>> -> memref<128xi32, #tpu.memory_space<vmem>>
          %dma_start3A_107 = arith.constant 0 : i32
          %dma_start3A_108 = arith.constant 0 : i32
          %dma_start3A_109 = tpu.memref_slice %arg14[%dma_start3A_107, %dma_start3A_108] : memref<5248x128xf32, #tpu.memory_space<vmem_shared>> -> memref<5248x128xf32, #tpu.memory_space<vmem_shared>>
          tpu.enqueue_indirect_dma source(%arg11 : memref<128x128xf32, #tpu.memory_space<vmem>>) target(%dma_start3A_109 : memref<5248x128xf32, #tpu.memory_space<vmem_shared>>) offsets(%dma_start3A_106 : memref<128xi32, #tpu.memory_space<vmem>>) semaphore(%run_scoped3A : memref<!tpu.dma_semaphore, #tpu.memory_space<semaphore_mem>>) {add = true}
          %dma_wait3A = arith.constant 0 : i32
          %dma_wait3A_110 = tpu.memref_slice %arg10[%scan3A_80, %dma_wait3A] : memref<16x128xi32, #tpu.memory_space<vmem>> -> memref<1x128xi32, #tpu.memory_space<vmem>>
          %dma_wait3A_111 = tpu.memref_squeeze %dma_wait3A_110 : memref<1x128xi32, #tpu.memory_space<vmem>> -> memref<128xi32, #tpu.memory_space<vmem>>
          %dma_wait3A_112 = arith.constant 0 : i32
          %dma_wait3A_113 = arith.constant 0 : i32
          %dma_wait3A_114 = tpu.memref_slice %arg14[%dma_wait3A_112, %dma_wait3A_113] : memref<5248x128xf32, #tpu.memory_space<vmem_shared>> -> memref<5248x128xf32, #tpu.memory_space<vmem_shared>>
          tpu.wait_indirect_dma semaphore(%run_scoped3A : memref<!tpu.dma_semaphore, #tpu.memory_space<semaphore_mem>>) src(%arg11 : memref<128x128xf32, #tpu.memory_space<vmem>>) dst(%dma_wait3A_114 : memref<5248x128xf32, #tpu.memory_space<vmem_shared>>)
          tpu.yield
        }) : () -> ()
        "tpu.region"() ({
          %run_scoped3A = tpu.sem_alloc : memref<!tpu.dma_semaphore, #tpu.memory_space<semaphore_mem>>
          %dma_start3A = arith.constant 0 : i32
          %dma_start3A_105 = tpu.memref_slice %arg10[%scan3A_80, %dma_start3A] : memref<16x128xi32, #tpu.memory_space<vmem>> -> memref<1x128xi32, #tpu.memory_space<vmem>>
          %dma_start3A_106 = tpu.memref_squeeze %dma_start3A_105 : memref<1x128xi32, #tpu.memory_space<vmem>> -> memref<128xi32, #tpu.memory_space<vmem>>
          %dma_start3A_107 = arith.constant 0 : i32
          %dma_start3A_108 = arith.constant 0 : i32
          %dma_start3A_109 = tpu.memref_slice %arg15[%dma_start3A_107, %dma_start3A_108] : memref<5248x128xf32, #tpu.memory_space<vmem_shared>> -> memref<5248x128xf32, #tpu.memory_space<vmem_shared>>
          tpu.enqueue_indirect_dma source(%arg12 : memref<128x128xf32, #tpu.memory_space<vmem>>) target(%dma_start3A_109 : memref<5248x128xf32, #tpu.memory_space<vmem_shared>>) offsets(%dma_start3A_106 : memref<128xi32, #tpu.memory_space<vmem>>) semaphore(%run_scoped3A : memref<!tpu.dma_semaphore, #tpu.memory_space<semaphore_mem>>) {add = true}
          %dma_wait3A = arith.constant 0 : i32
          %dma_wait3A_110 = tpu.memref_slice %arg10[%scan3A_80, %dma_wait3A] : memref<16x128xi32, #tpu.memory_space<vmem>> -> memref<1x128xi32, #tpu.memory_space<vmem>>
          %dma_wait3A_111 = tpu.memref_squeeze %dma_wait3A_110 : memref<1x128xi32, #tpu.memory_space<vmem>> -> memref<128xi32, #tpu.memory_space<vmem>>
          %dma_wait3A_112 = arith.constant 0 : i32
          %dma_wait3A_113 = arith.constant 0 : i32
          %dma_wait3A_114 = tpu.memref_slice %arg15[%dma_wait3A_112, %dma_wait3A_113] : memref<5248x128xf32, #tpu.memory_space<vmem_shared>> -> memref<5248x128xf32, #tpu.memory_space<vmem_shared>>
          tpu.wait_indirect_dma semaphore(%run_scoped3A : memref<!tpu.dma_semaphore, #tpu.memory_space<semaphore_mem>>) src(%arg12 : memref<128x128xf32, #tpu.memory_space<vmem>>) dst(%dma_wait3A_114 : memref<5248x128xf32, #tpu.memory_space<vmem_shared>>)
          tpu.yield
        }) : () -> ()
        %eq3A_99 = arith.constant 0 : i32
        %eq3A_100 = arith.cmpi eq, %arg0, %eq3A_99 : i32
        %convert_element_type3A_101 = arith.extui %eq3A_100 : i1 to i32
        %cond3A_102 = arith.constant 0 : i32
        %cond3A_103 = arith.cmpi ne, %convert_element_type3A_101, %cond3A_102 : i32
        scf.if %cond3A_103 {
          "tpu.region"() ({
            %run_scoped3A = tpu.sem_alloc : memref<!tpu.dma_semaphore, #tpu.memory_space<semaphore_mem>>
            %dma_start3A = arith.constant 0 : i32
            %dma_start3A_105 = tpu.memref_slice %arg13[%dma_start3A] : memref<656xf32, #tpu.memory_space<vmem>> -> memref<128xf32, #tpu.memory_space<vmem>>
            %dma_start3A_106 = arith.constant 0 : i32
            %dma_start3A_107 = tpu.memref_slice %arg9[%scan3A_80, %dma_start3A_106] : memref<16x128xi32, #tpu.memory_space<vmem>> -> memref<1x128xi32, #tpu.memory_space<vmem>>
            %dma_start3A_108 = tpu.memref_squeeze %dma_start3A_107 : memref<1x128xi32, #tpu.memory_space<vmem>> -> memref<128xi32, #tpu.memory_space<vmem>>
            %dma_start3A_109 = arith.constant 0 : i32
            %dma_start3A_110 = tpu.memref_slice %arg16[%dma_start3A_109] : memref<10496xf32, #tpu.memory_space<vmem_shared>> -> memref<10496xf32, #tpu.memory_space<vmem_shared>>
            tpu.enqueue_indirect_dma source(%dma_start3A_105 : memref<128xf32, #tpu.memory_space<vmem>>) target(%dma_start3A_110 : memref<10496xf32, #tpu.memory_space<vmem_shared>>) offsets(%dma_start3A_108 : memref<128xi32, #tpu.memory_space<vmem>>) semaphore(%run_scoped3A : memref<!tpu.dma_semaphore, #tpu.memory_space<semaphore_mem>>) {add = true}
            %dma_wait3A = arith.constant 0 : i32
            %dma_wait3A_111 = tpu.memref_slice %arg13[%dma_wait3A] : memref<656xf32, #tpu.memory_space<vmem>> -> memref<128xf32, #tpu.memory_space<vmem>>
            %dma_wait3A_112 = arith.constant 0 : i32
            %dma_wait3A_113 = tpu.memref_slice %arg9[%scan3A_80, %dma_wait3A_112] : memref<16x128xi32, #tpu.memory_space<vmem>> -> memref<1x128xi32, #tpu.memory_space<vmem>>
            %dma_wait3A_114 = tpu.memref_squeeze %dma_wait3A_113 : memref<1x128xi32, #tpu.memory_space<vmem>> -> memref<128xi32, #tpu.memory_space<vmem>>
            %dma_wait3A_115 = arith.constant 0 : i32
            %dma_wait3A_116 = tpu.memref_slice %arg16[%dma_wait3A_115] : memref<10496xf32, #tpu.memory_space<vmem_shared>> -> memref<10496xf32, #tpu.memory_space<vmem_shared>>
            tpu.wait_indirect_dma semaphore(%run_scoped3A : memref<!tpu.dma_semaphore, #tpu.memory_space<semaphore_mem>>) src(%dma_wait3A_111 : memref<128xf32, #tpu.memory_space<vmem>>) dst(%dma_wait3A_116 : memref<10496xf32, #tpu.memory_space<vmem_shared>>)
            tpu.yield
          }) : () -> ()
        } else {
        }
        %scan3A_104 = arith.constant 0 : i32
        scf.yield %scan3A_104 : i32
      }
      %scan3A_79 = arith.constant 4 : i32
    } else {
    }
    %barrier3A_58 = arith.constant 0 : index
    tpu.barrier barrier_id(%barrier3A_58)
    %mul3A_59 = arith.constant 320 : i32
    %mul3A_60 = arith.muli %arg1, %mul3A_59 : i32
    %multiple_of3A_61 = tpu.assume_multiple %mul3A_60, 8 : i32
    %mul3A_62 = arith.constant 5120 : i32
    %mul3A_63 = arith.muli %arg0, %mul3A_62 : i32
    %mul3A_64 = arith.constant 320 : i32
    %mul3A_65 = arith.muli %arg1, %mul3A_64 : i32
    %add3A_66 = arith.addi %mul3A_63, %mul3A_65 : i32
    %multiple_of3A_67 = tpu.assume_multiple %add3A_66, 8 : i32
    "tpu.region"() ({
      %run_scoped3A = tpu.sem_alloc : memref<!tpu.dma_semaphore, #tpu.memory_space<semaphore_mem>>
      %dma_start3A = arith.constant 0 : i32
      %dma_start3A_73 = tpu.memref_slice %arg5[%multiple_of3A_67, %dma_start3A] : memref<10240x128xf32, #tpu.memory_space<hbm>> -> memref<320x128xf32, #tpu.memory_space<hbm>>
      %dma_start3A_74 = arith.constant 0 : i32
      %dma_start3A_75 = tpu.memref_slice %arg14[%multiple_of3A_61, %dma_start3A_74] : memref<5248x128xf32, #tpu.memory_space<vmem_shared>> -> memref<320x128xf32, #tpu.memory_space<vmem_shared>>
      tpu.enqueue_dma source(%dma_start3A_75 : memref<320x128xf32, #tpu.memory_space<vmem_shared>>) target(%dma_start3A_73 : memref<320x128xf32, #tpu.memory_space<hbm>>) target_semaphore(%run_scoped3A : memref<!tpu.dma_semaphore, #tpu.memory_space<semaphore_mem>>)
      %dma_wait3A = arith.constant 0 : i32
      %dma_wait3A_76 = tpu.memref_slice %arg5[%multiple_of3A_67, %dma_wait3A] : memref<10240x128xf32, #tpu.memory_space<hbm>> -> memref<320x128xf32, #tpu.memory_space<hbm>>
      %dma_wait3A_77 = arith.constant 0 : i32
      %dma_wait3A_78 = tpu.memref_slice %arg14[%multiple_of3A_61, %dma_wait3A_77] : memref<5248x128xf32, #tpu.memory_space<vmem_shared>> -> memref<320x128xf32, #tpu.memory_space<vmem_shared>>
      tpu.wait_dma2 semaphore(%run_scoped3A : memref<!tpu.dma_semaphore, #tpu.memory_space<semaphore_mem>>) src(%dma_wait3A_78 : memref<320x128xf32, #tpu.memory_space<vmem_shared>>) dst(%dma_wait3A_76 : memref<320x128xf32, #tpu.memory_space<hbm>>)
      tpu.yield
    }) : () -> ()
    "tpu.region"() ({
      %run_scoped3A = tpu.sem_alloc : memref<!tpu.dma_semaphore, #tpu.memory_space<semaphore_mem>>
      %dma_start3A = arith.constant 0 : i32
      %dma_start3A_73 = tpu.memref_slice %arg6[%multiple_of3A_67, %dma_start3A] : memref<10240x128xf32, #tpu.memory_space<hbm>> -> memref<320x128xf32, #tpu.memory_space<hbm>>
      %dma_start3A_74 = arith.constant 0 : i32
      %dma_start3A_75 = tpu.memref_slice %arg15[%multiple_of3A_61, %dma_start3A_74] : memref<5248x128xf32, #tpu.memory_space<vmem_shared>> -> memref<320x128xf32, #tpu.memory_space<vmem_shared>>
      tpu.enqueue_dma source(%dma_start3A_75 : memref<320x128xf32, #tpu.memory_space<vmem_shared>>) target(%dma_start3A_73 : memref<320x128xf32, #tpu.memory_space<hbm>>) target_semaphore(%run_scoped3A : memref<!tpu.dma_semaphore, #tpu.memory_space<semaphore_mem>>)
      %dma_wait3A = arith.constant 0 : i32
      %dma_wait3A_76 = tpu.memref_slice %arg6[%multiple_of3A_67, %dma_wait3A] : memref<10240x128xf32, #tpu.memory_space<hbm>> -> memref<320x128xf32, #tpu.memory_space<hbm>>
      %dma_wait3A_77 = arith.constant 0 : i32
      %dma_wait3A_78 = tpu.memref_slice %arg15[%multiple_of3A_61, %dma_wait3A_77] : memref<5248x128xf32, #tpu.memory_space<vmem_shared>> -> memref<320x128xf32, #tpu.memory_space<vmem_shared>>
      tpu.wait_dma2 semaphore(%run_scoped3A : memref<!tpu.dma_semaphore, #tpu.memory_space<semaphore_mem>>) src(%dma_wait3A_78 : memref<320x128xf32, #tpu.memory_space<vmem_shared>>) dst(%dma_wait3A_76 : memref<320x128xf32, #tpu.memory_space<hbm>>)
      tpu.yield
    }) : () -> ()
    %eq3A_68 = arith.constant 0 : i32
    %eq3A_69 = arith.cmpi eq, %arg0, %eq3A_68 : i32
    %convert_element_type3A_70 = arith.extui %eq3A_69 : i1 to i32
    %cond3A_71 = arith.constant 0 : i32
    %cond3A_72 = arith.cmpi ne, %convert_element_type3A_70, %cond3A_71 : i32
    scf.if %cond3A_72 {
      %mul3A_73 = arith.constant 640 : i32
      %mul3A_74 = arith.muli %arg1, %mul3A_73 : i32
      %multiple_of3A_75 = tpu.assume_multiple %mul3A_74, 8 : i32
      "tpu.region"() ({
        %run_scoped3A = tpu.sem_alloc : memref<!tpu.dma_semaphore, #tpu.memory_space<semaphore_mem>>
        %dma_start3A = tpu.memref_slice %arg7[%multiple_of3A_75] : memref<10240xf32, #tpu.memory_space<hbm>> -> memref<640xf32, #tpu.memory_space<hbm>>
        %dma_start3A_76 = tpu.memref_slice %arg16[%multiple_of3A_75] : memref<10496xf32, #tpu.memory_space<vmem_shared>> -> memref<640xf32, #tpu.memory_space<vmem_shared>>
        tpu.enqueue_dma source(%dma_start3A_76 : memref<640xf32, #tpu.memory_space<vmem_shared>>) target(%dma_start3A : memref<640xf32, #tpu.memory_space<hbm>>) target_semaphore(%run_scoped3A : memref<!tpu.dma_semaphore, #tpu.memory_space<semaphore_mem>>)
        %dma_wait3A = tpu.memref_slice %arg7[%multiple_of3A_75] : memref<10240xf32, #tpu.memory_space<hbm>> -> memref<640xf32, #tpu.memory_space<hbm>>
        %dma_wait3A_77 = tpu.memref_slice %arg16[%multiple_of3A_75] : memref<10496xf32, #tpu.memory_space<vmem_shared>> -> memref<640xf32, #tpu.memory_space<vmem_shared>>
        tpu.wait_dma2 semaphore(%run_scoped3A : memref<!tpu.dma_semaphore, #tpu.memory_space<semaphore_mem>>) src(%dma_wait3A_77 : memref<640xf32, #tpu.memory_space<vmem_shared>>) dst(%dma_wait3A : memref<640xf32, #tpu.memory_space<hbm>>)
        tpu.yield
      }) : () -> ()
    } else {
    }
    return
  }
}

#map = affine_map<(d0, d1) -> (0)>
#map1 = affine_map<(d0, d1) -> (0, 0)>
module attributes {stable_mosaic.version = 14 : i64} {
  func.func @_seg_sc_kernel(%arg0: i32, %arg1: i32, %arg2: memref<320000xi32, #tpu.memory_space<hbm>>, %arg3: memref<2500x128xi32, #tpu.memory_space<hbm>>, %arg4: memref<10000x128xf32, #tpu.memory_space<hbm>>, %arg5: memref<10240x128xf32, #tpu.memory_space<hbm>>, %arg6: memref<10240x128xf32, #tpu.memory_space<hbm>>, %arg7: memref<10240xf32, #tpu.memory_space<hbm>>, %arg8: memref<2048xi32, #tpu.memory_space<vmem>>, %arg9: memref<16x128xi32, #tpu.memory_space<vmem>>, %arg10: memref<16x128xi32, #tpu.memory_space<vmem>>, %arg11: memref<128x128xf32, #tpu.memory_space<vmem>>, %arg12: memref<128x128xf32, #tpu.memory_space<vmem>>, %arg13: memref<656xf32, #tpu.memory_space<vmem>>, %arg14: memref<5248x128xf32, #tpu.memory_space<vmem_shared>>, %arg15: memref<5248x128xf32, #tpu.memory_space<vmem_shared>>, %arg16: memref<10496xf32, #tpu.memory_space<vmem_shared>>) attributes {dimension_semantics = [#tpu.dimension_semantics<core_parallel>, #tpu.dimension_semantics<subcore_parallel>], iteration_bounds = array<i64: 2, 16>, scalar_prefetch = 0 : i64, scratch_operands = 9 : i64, tpu.core_type = #tpu.core_type<sc_vector_subcore>, window_params = [{transform_indices = #map}, {transform_indices = #map1}, {transform_indices = #map1}, {transform_indices = #map1}, {transform_indices = #map1}, {transform_indices = #map}]} {
    %mul3A = arith.constant 5120 : i32
    %mul3A_0 = arith.muli %arg0, %mul3A : i32
    %iota3A = tpu.iota {dimensions = array<i32: 0>} : vector<16xi32>
    %scan3A = arith.constant 0 : i32
    %scan3A_1 = arith.constant 0 : i32
    %scan3A_2 = arith.constant 1024 : i32
    %scan3A_3 = arith.addi %scan3A_1, %scan3A_2 : i32
    %scan3A_4 = arith.constant 1 : i32
    %scan3A_5 = scf.for %scan3A_73 = %scan3A_1 to %scan3A_3 step %scan3A_4 iter_args(%scan3A_74 = %scan3A) -> (i32)  : i32 {
      %broadcast_in_dim3A = arith.constant 0.000000e+00 : f32
      %broadcast_in_dim3A_75 = vector.broadcast %broadcast_in_dim3A : f32 to vector<16xf32>
      %jit3A = arith.constant 8 : i32
      %div3A = arith.divsi %scan3A_73, %jit3A : i32
      %sign3A = arith.constant 0 : i32
      %sign3A_76 = arith.cmpi sgt, %scan3A_73, %sign3A : i32
      %sign3A_77 = arith.extui %sign3A_76 : i1 to i32
      %sign3A_78 = arith.constant 0 : i32
      %sign3A_79 = arith.cmpi slt, %scan3A_73, %sign3A_78 : i32
      %sign3A_80 = arith.extui %sign3A_79 : i1 to i32
      %sign3A_81 = arith.subi %sign3A_77, %sign3A_80 : i32
      %sign3A_82 = arith.constant 0 : i32
      %sign3A_83 = arith.cmpi sgt, %jit3A, %sign3A_82 : i32
      %sign3A_84 = arith.extui %sign3A_83 : i1 to i32
      %sign3A_85 = arith.constant 0 : i32
      %sign3A_86 = arith.cmpi slt, %jit3A, %sign3A_85 : i32
      %sign3A_87 = arith.extui %sign3A_86 : i1 to i32
      %sign3A_88 = arith.subi %sign3A_84, %sign3A_87 : i32
      %ne3A = arith.cmpi ne, %sign3A_81, %sign3A_88 : i32
      %rem3A = arith.remsi %scan3A_73, %jit3A : i32
      %ne3A_89 = arith.constant 0 : i32
      %ne3A_90 = arith.cmpi ne, %rem3A, %ne3A_89 : i32
      %and3A = arith.andi %ne3A, %ne3A_90 : i1
      %sub3A = arith.constant 1 : i32
      %sub3A_91 = arith.subi %div3A, %sub3A : i32
      %select_n3A = arith.select %and3A, %sub3A_91, %div3A : i32
      %jit3A_92 = arith.constant 8 : i32
      %eq3A_93 = arith.constant 0 : i32
      %eq3A_94 = arith.cmpi eq, %jit3A_92, %eq3A_93 : i32
      %jit3A_95 = arith.constant 1 : i32
      %select_n3A_96 = arith.select %eq3A_94, %jit3A_95, %jit3A_92 : i32
      %rem3A_97 = arith.remsi %scan3A_73, %select_n3A_96 : i32
      %ne3A_98 = arith.constant 0 : i32
      %ne3A_99 = arith.cmpi ne, %rem3A_97, %ne3A_98 : i32
      %lt3A = arith.constant 0 : i32
      %lt3A_100 = arith.cmpi slt, %rem3A_97, %lt3A : i32
      %lt3A_101 = arith.constant 0 : i32
      %lt3A_102 = arith.cmpi slt, %select_n3A_96, %lt3A_101 : i32
      %ne3A_103 = arith.xori %lt3A_100, %lt3A_102 : i1
      %and3A_104 = arith.andi %ne3A_103, %ne3A_99 : i1
      %add3A_105 = arith.addi %rem3A_97, %select_n3A_96 : i32
      %select_n3A_106 = arith.select %and3A_104, %add3A_105, %rem3A_97 : i32
      %mul3A_107 = arith.constant 16 : i32
      %mul3A_108 = arith.muli %select_n3A_106, %mul3A_107 : i32
      %swap3A = arith.index_cast %select_n3A : i32 to index
      %swap3A_109 = arith.index_cast %mul3A_108 : i32 to index
      %swap3A_110 = tpu.vector_load %arg12[%swap3A, %swap3A_109] {strides = array<i32>} : memref<128x128xf32, #tpu.memory_space<vmem>>, vector<1x16xf32>,
      %swap3A_111 = vector.shape_cast %swap3A_110 : vector<1x16xf32> to vector<16xf32>
      %swap3A_112 = vector.shape_cast %broadcast_in_dim3A_75 : vector<16xf32> to vector<1x16xf32>
      tpu.vector_store %arg12[%swap3A, %swap3A_109], %swap3A_112 {strides = array<i32>} : memref<128x128xf32, #tpu.memory_space<vmem>>, vector<1x16xf32>,
      %scan3A_113 = arith.constant 0 : i32
      scf.yield %scan3A_113 : i32
    }
    %scan3A_6 = arith.constant 1024 : i32
    %scan3A_7 = arith.constant 0 : i32
    %scan3A_8 = arith.constant 0 : i32
    %scan3A_9 = arith.constant 41 : i32
    %scan3A_10 = arith.addi %scan3A_8, %scan3A_9 : i32
    %scan3A_11 = arith.constant 1 : i32
    %scan3A_12 = scf.for %scan3A_73 = %scan3A_8 to %scan3A_10 step %scan3A_11 iter_args(%scan3A_74 = %scan3A_7) -> (i32)  : i32 {
      %broadcast_in_dim3A = arith.constant 0.000000e+00 : f32
      %broadcast_in_dim3A_75 = vector.broadcast %broadcast_in_dim3A : f32 to vector<16xf32>
      %mul3A_76 = arith.constant 16 : i32
      %mul3A_77 = arith.muli %scan3A_73, %mul3A_76 : i32
      %swap3A = arith.index_cast %mul3A_77 : i32 to index
      %swap3A_78 = tpu.vector_load %arg13[%swap3A] {strides = array<i32>} : memref<656xf32, #tpu.memory_space<vmem>>, vector<16xf32>,
      %swap3A_79 = vector.shape_cast %swap3A_78 : vector<16xf32> to vector<16xf32>
      %swap3A_80 = vector.shape_cast %broadcast_in_dim3A_75 : vector<16xf32> to vector<16xf32>
      tpu.vector_store %arg13[%swap3A], %swap3A_80 {strides = array<i32>} : memref<656xf32, #tpu.memory_space<vmem>>, vector<16xf32>,
      %scan3A_81 = arith.constant 0 : i32
      scf.yield %scan3A_81 : i32
    }
    %scan3A_13 = arith.constant 41 : i32
    %mul3A_14 = arith.constant 328 : i32
    %mul3A_15 = arith.muli %arg1, %mul3A_14 : i32
    %multiple_of3A = tpu.assume_multiple %mul3A_15, 8 : i32
    %add3A = arith.constant 0 : i32
    %add3A_16 = arith.addi %multiple_of3A, %add3A : i32
    "tpu.region"() ({
      %run_scoped3A = tpu.sem_alloc : memref<!tpu.dma_semaphore, #tpu.memory_space<semaphore_mem>>
      %dma_start3A = arith.constant 0 : i32
      %dma_start3A_73 = arith.constant 0 : i32
      %dma_start3A_74 = tpu.memref_slice %arg12[%dma_start3A, %dma_start3A_73] : memref<128x128xf32, #tpu.memory_space<vmem>> -> memref<128x128xf32, #tpu.memory_space<vmem>>
      %dma_start3A_75 = arith.constant 0 : i32
      %dma_start3A_76 = tpu.memref_slice %arg14[%add3A_16, %dma_start3A_75] : memref<5248x128xf32, #tpu.memory_space<vmem_shared>> -> memref<128x128xf32, #tpu.memory_space<vmem_shared>>
      %dma_start3A_77 = arith.constant 0 : i32
      %dma_start3A_78 = tpu.memref_slice %arg14[%add3A_16, %dma_start3A_77] : memref<5248x128xf32, #tpu.memory_space<vmem_shared>> -> memref<128x128xf32, #tpu.memory_space<vmem_shared>>
      %dma_start3A_79 = arith.constant 0 : i32
      %dma_start3A_80 = arith.constant 0 : i32
      %dma_start3A_81 = tpu.memref_slice %arg12[%dma_start3A_79, %dma_start3A_80] : memref<128x128xf32, #tpu.memory_space<vmem>> -> memref<128x128xf32, #tpu.memory_space<vmem>>
      tpu.enqueue_dma source(%dma_start3A_81 : memref<128x128xf32, #tpu.memory_space<vmem>>) target(%dma_start3A_78 : memref<128x128xf32, #tpu.memory_space<vmem_shared>>) target_semaphore(%run_scoped3A : memref<!tpu.dma_semaphore, #tpu.memory_space<semaphore_mem>>)
      %dma_wait3A = arith.constant 0 : i32
      %dma_wait3A_82 = arith.constant 0 : i32
      %dma_wait3A_83 = tpu.memref_slice %arg12[%dma_wait3A, %dma_wait3A_82] : memref<128x128xf32, #tpu.memory_space<vmem>> -> memref<128x128xf32, #tpu.memory_space<vmem>>
      %dma_wait3A_84 = arith.constant 0 : i32
      %dma_wait3A_85 = tpu.memref_slice %arg14[%add3A_16, %dma_wait3A_84] : memref<5248x128xf32, #tpu.memory_space<vmem_shared>> -> memref<128x128xf32, #tpu.memory_space<vmem_shared>>
      %dma_wait3A_86 = arith.constant 0 : i32
      %dma_wait3A_87 = tpu.memref_slice %arg14[%add3A_16, %dma_wait3A_86] : memref<5248x128xf32, #tpu.memory_space<vmem_shared>> -> memref<128x128xf32, #tpu.memory_space<vmem_shared>>
      %dma_wait3A_88 = arith.constant 0 : i32
      %dma_wait3A_89 = arith.constant 0 : i32
      %dma_wait3A_90 = tpu.memref_slice %arg12[%dma_wait3A_88, %dma_wait3A_89] : memref<128x128xf32, #tpu.memory_space<vmem>> -> memref<128x128xf32, #tpu.memory_space<vmem>>
      tpu.wait_dma2 semaphore(%run_scoped3A : memref<!tpu.dma_semaphore, #tpu.memory_space<semaphore_mem>>) src(%dma_wait3A_90 : memref<128x128xf32, #tpu.memory_space<vmem>>) dst(%dma_wait3A_87 : memref<128x128xf32, #tpu.memory_space<vmem_shared>>)
      tpu.yield
    }) : () -> ()
    %add3A_17 = arith.constant 0 : i32
    %add3A_18 = arith.addi %multiple_of3A, %add3A_17 : i32
    "tpu.region"() ({
      %run_scoped3A = tpu.sem_alloc : memref<!tpu.dma_semaphore, #tpu.memory_space<semaphore_mem>>
      %dma_start3A = arith.constant 0 : i32
      %dma_start3A_73 = arith.constant 0 : i32
      %dma_start3A_74 = tpu.memref_slice %arg12[%dma_start3A, %dma_start3A_73] : memref<128x128xf32, #tpu.memory_space<vmem>> -> memref<128x128xf32, #tpu.memory_space<vmem>>
      %dma_start3A_75 = arith.constant 0 : i32
      %dma_start3A_76 = tpu.memref_slice %arg15[%add3A_18, %dma_start3A_75] : memref<5248x128xf32, #tpu.memory_space<vmem_shared>> -> memref<128x128xf32, #tpu.memory_space<vmem_shared>>
      %dma_start3A_77 = arith.constant 0 : i32
      %dma_start3A_78 = tpu.memref_slice %arg15[%add3A_18, %dma_start3A_77] : memref<5248x128xf32, #tpu.memory_space<vmem_shared>> -> memref<128x128xf32, #tpu.memory_space<vmem_shared>>
      %dma_start3A_79 = arith.constant 0 : i32
      %dma_start3A_80 = arith.constant 0 : i32
      %dma_start3A_81 = tpu.memref_slice %arg12[%dma_start3A_79, %dma_start3A_80] : memref<128x128xf32, #tpu.memory_space<vmem>> -> memref<128x128xf32, #tpu.memory_space<vmem>>
      tpu.enqueue_dma source(%dma_start3A_81 : memref<128x128xf32, #tpu.memory_space<vmem>>) target(%dma_start3A_78 : memref<128x128xf32, #tpu.memory_space<vmem_shared>>) target_semaphore(%run_scoped3A : memref<!tpu.dma_semaphore, #tpu.memory_space<semaphore_mem>>)
      %dma_wait3A = arith.constant 0 : i32
      %dma_wait3A_82 = arith.constant 0 : i32
      %dma_wait3A_83 = tpu.memref_slice %arg12[%dma_wait3A, %dma_wait3A_82] : memref<128x128xf32, #tpu.memory_space<vmem>> -> memref<128x128xf32, #tpu.memory_space<vmem>>
      %dma_wait3A_84 = arith.constant 0 : i32
      %dma_wait3A_85 = tpu.memref_slice %arg15[%add3A_18, %dma_wait3A_84] : memref<5248x128xf32, #tpu.memory_space<vmem_shared>> -> memref<128x128xf32, #tpu.memory_space<vmem_shared>>
      %dma_wait3A_86 = arith.constant 0 : i32
      %dma_wait3A_87 = tpu.memref_slice %arg15[%add3A_18, %dma_wait3A_86] : memref<5248x128xf32, #tpu.memory_space<vmem_shared>> -> memref<128x128xf32, #tpu.memory_space<vmem_shared>>
      %dma_wait3A_88 = arith.constant 0 : i32
      %dma_wait3A_89 = arith.constant 0 : i32
      %dma_wait3A_90 = tpu.memref_slice %arg12[%dma_wait3A_88, %dma_wait3A_89] : memref<128x128xf32, #tpu.memory_space<vmem>> -> memref<128x128xf32, #tpu.memory_space<vmem>>
      tpu.wait_dma2 semaphore(%run_scoped3A : memref<!tpu.dma_semaphore, #tpu.memory_space<semaphore_mem>>) src(%dma_wait3A_90 : memref<128x128xf32, #tpu.memory_space<vmem>>) dst(%dma_wait3A_87 : memref<128x128xf32, #tpu.memory_space<vmem_shared>>)
      tpu.yield
    }) : () -> ()
    %add3A_19 = arith.constant 128 : i32
    %add3A_20 = arith.addi %multiple_of3A, %add3A_19 : i32
    "tpu.region"() ({
      %run_scoped3A = tpu.sem_alloc : memref<!tpu.dma_semaphore, #tpu.memory_space<semaphore_mem>>
      %dma_start3A = arith.constant 0 : i32
      %dma_start3A_73 = arith.constant 0 : i32
      %dma_start3A_74 = tpu.memref_slice %arg12[%dma_start3A, %dma_start3A_73] : memref<128x128xf32, #tpu.memory_space<vmem>> -> memref<128x128xf32, #tpu.memory_space<vmem>>
      %dma_start3A_75 = arith.constant 0 : i32
      %dma_start3A_76 = tpu.memref_slice %arg14[%add3A_20, %dma_start3A_75] : memref<5248x128xf32, #tpu.memory_space<vmem_shared>> -> memref<128x128xf32, #tpu.memory_space<vmem_shared>>
      %dma_start3A_77 = arith.constant 0 : i32
      %dma_start3A_78 = tpu.memref_slice %arg14[%add3A_20, %dma_start3A_77] : memref<5248x128xf32, #tpu.memory_space<vmem_shared>> -> memref<128x128xf32, #tpu.memory_space<vmem_shared>>
      %dma_start3A_79 = arith.constant 0 : i32
      %dma_start3A_80 = arith.constant 0 : i32
      %dma_start3A_81 = tpu.memref_slice %arg12[%dma_start3A_79, %dma_start3A_80] : memref<128x128xf32, #tpu.memory_space<vmem>> -> memref<128x128xf32, #tpu.memory_space<vmem>>
      tpu.enqueue_dma source(%dma_start3A_81 : memref<128x128xf32, #tpu.memory_space<vmem>>) target(%dma_start3A_78 : memref<128x128xf32, #tpu.memory_space<vmem_shared>>) target_semaphore(%run_scoped3A : memref<!tpu.dma_semaphore, #tpu.memory_space<semaphore_mem>>)
      %dma_wait3A = arith.constant 0 : i32
      %dma_wait3A_82 = arith.constant 0 : i32
      %dma_wait3A_83 = tpu.memref_slice %arg12[%dma_wait3A, %dma_wait3A_82] : memref<128x128xf32, #tpu.memory_space<vmem>> -> memref<128x128xf32, #tpu.memory_space<vmem>>
      %dma_wait3A_84 = arith.constant 0 : i32
      %dma_wait3A_85 = tpu.memref_slice %arg14[%add3A_20, %dma_wait3A_84] : memref<5248x128xf32, #tpu.memory_space<vmem_shared>> -> memref<128x128xf32, #tpu.memory_space<vmem_shared>>
      %dma_wait3A_86 = arith.constant 0 : i32
      %dma_wait3A_87 = tpu.memref_slice %arg14[%add3A_20, %dma_wait3A_86] : memref<5248x128xf32, #tpu.memory_space<vmem_shared>> -> memref<128x128xf32, #tpu.memory_space<vmem_shared>>
      %dma_wait3A_88 = arith.constant 0 : i32
      %dma_wait3A_89 = arith.constant 0 : i32
      %dma_wait3A_90 = tpu.memref_slice %arg12[%dma_wait3A_88, %dma_wait3A_89] : memref<128x128xf32, #tpu.memory_space<vmem>> -> memref<128x128xf32, #tpu.memory_space<vmem>>
      tpu.wait_dma2 semaphore(%run_scoped3A : memref<!tpu.dma_semaphore, #tpu.memory_space<semaphore_mem>>) src(%dma_wait3A_90 : memref<128x128xf32, #tpu.memory_space<vmem>>) dst(%dma_wait3A_87 : memref<128x128xf32, #tpu.memory_space<vmem_shared>>)
      tpu.yield
    }) : () -> ()
    %add3A_21 = arith.constant 128 : i32
    %add3A_22 = arith.addi %multiple_of3A, %add3A_21 : i32
    "tpu.region"() ({
      %run_scoped3A = tpu.sem_alloc : memref<!tpu.dma_semaphore, #tpu.memory_space<semaphore_mem>>
      %dma_start3A = arith.constant 0 : i32
      %dma_start3A_73 = arith.constant 0 : i32
      %dma_start3A_74 = tpu.memref_slice %arg12[%dma_start3A, %dma_start3A_73] : memref<128x128xf32, #tpu.memory_space<vmem>> -> memref<128x128xf32, #tpu.memory_space<vmem>>
      %dma_start3A_75 = arith.constant 0 : i32
      %dma_start3A_76 = tpu.memref_slice %arg15[%add3A_22, %dma_start3A_75] : memref<5248x128xf32, #tpu.memory_space<vmem_shared>> -> memref<128x128xf32, #tpu.memory_space<vmem_shared>>
      %dma_start3A_77 = arith.constant 0 : i32
      %dma_start3A_78 = tpu.memref_slice %arg15[%add3A_22, %dma_start3A_77] : memref<5248x128xf32, #tpu.memory_space<vmem_shared>> -> memref<128x128xf32, #tpu.memory_space<vmem_shared>>
      %dma_start3A_79 = arith.constant 0 : i32
      %dma_start3A_80 = arith.constant 0 : i32
      %dma_start3A_81 = tpu.memref_slice %arg12[%dma_start3A_79, %dma_start3A_80] : memref<128x128xf32, #tpu.memory_space<vmem>> -> memref<128x128xf32, #tpu.memory_space<vmem>>
      tpu.enqueue_dma source(%dma_start3A_81 : memref<128x128xf32, #tpu.memory_space<vmem>>) target(%dma_start3A_78 : memref<128x128xf32, #tpu.memory_space<vmem_shared>>) target_semaphore(%run_scoped3A : memref<!tpu.dma_semaphore, #tpu.memory_space<semaphore_mem>>)
      %dma_wait3A = arith.constant 0 : i32
      %dma_wait3A_82 = arith.constant 0 : i32
      %dma_wait3A_83 = tpu.memref_slice %arg12[%dma_wait3A, %dma_wait3A_82] : memref<128x128xf32, #tpu.memory_space<vmem>> -> memref<128x128xf32, #tpu.memory_space<vmem>>
      %dma_wait3A_84 = arith.constant 0 : i32
      %dma_wait3A_85 = tpu.memref_slice %arg15[%add3A_22, %dma_wait3A_84] : memref<5248x128xf32, #tpu.memory_space<vmem_shared>> -> memref<128x128xf32, #tpu.memory_space<vmem_shared>>
      %dma_wait3A_86 = arith.constant 0 : i32
      %dma_wait3A_87 = tpu.memref_slice %arg15[%add3A_22, %dma_wait3A_86] : memref<5248x128xf32, #tpu.memory_space<vmem_shared>> -> memref<128x128xf32, #tpu.memory_space<vmem_shared>>
      %dma_wait3A_88 = arith.constant 0 : i32
      %dma_wait3A_89 = arith.constant 0 : i32
      %dma_wait3A_90 = tpu.memref_slice %arg12[%dma_wait3A_88, %dma_wait3A_89] : memref<128x128xf32, #tpu.memory_space<vmem>> -> memref<128x128xf32, #tpu.memory_space<vmem>>
      tpu.wait_dma2 semaphore(%run_scoped3A : memref<!tpu.dma_semaphore, #tpu.memory_space<semaphore_mem>>) src(%dma_wait3A_90 : memref<128x128xf32, #tpu.memory_space<vmem>>) dst(%dma_wait3A_87 : memref<128x128xf32, #tpu.memory_space<vmem_shared>>)
      tpu.yield
    }) : () -> ()
    %add3A_23 = arith.constant 256 : i32
    %add3A_24 = arith.addi %multiple_of3A, %add3A_23 : i32
    "tpu.region"() ({
      %run_scoped3A = tpu.sem_alloc : memref<!tpu.dma_semaphore, #tpu.memory_space<semaphore_mem>>
      %dma_start3A = arith.constant 0 : i32
      %dma_start3A_73 = arith.constant 0 : i32
      %dma_start3A_74 = tpu.memref_slice %arg12[%dma_start3A, %dma_start3A_73] : memref<128x128xf32, #tpu.memory_space<vmem>> -> memref<72x128xf32, #tpu.memory_space<vmem>>
      %dma_start3A_75 = arith.constant 0 : i32
      %dma_start3A_76 = tpu.memref_slice %arg14[%add3A_24, %dma_start3A_75] : memref<5248x128xf32, #tpu.memory_space<vmem_shared>> -> memref<72x128xf32, #tpu.memory_space<vmem_shared>>
      %dma_start3A_77 = arith.constant 0 : i32
      %dma_start3A_78 = tpu.memref_slice %arg14[%add3A_24, %dma_start3A_77] : memref<5248x128xf32, #tpu.memory_space<vmem_shared>> -> memref<72x128xf32, #tpu.memory_space<vmem_shared>>
      %dma_start3A_79 = arith.constant 0 : i32
      %dma_start3A_80 = arith.constant 0 : i32
      %dma_start3A_81 = tpu.memref_slice %arg12[%dma_start3A_79, %dma_start3A_80] : memref<128x128xf32, #tpu.memory_space<vmem>> -> memref<72x128xf32, #tpu.memory_space<vmem>>
      tpu.enqueue_dma source(%dma_start3A_81 : memref<72x128xf32, #tpu.memory_space<vmem>>) target(%dma_start3A_78 : memref<72x128xf32, #tpu.memory_space<vmem_shared>>) target_semaphore(%run_scoped3A : memref<!tpu.dma_semaphore, #tpu.memory_space<semaphore_mem>>)
      %dma_wait3A = arith.constant 0 : i32
      %dma_wait3A_82 = arith.constant 0 : i32
      %dma_wait3A_83 = tpu.memref_slice %arg12[%dma_wait3A, %dma_wait3A_82] : memref<128x128xf32, #tpu.memory_space<vmem>> -> memref<72x128xf32, #tpu.memory_space<vmem>>
      %dma_wait3A_84 = arith.constant 0 : i32
      %dma_wait3A_85 = tpu.memref_slice %arg14[%add3A_24, %dma_wait3A_84] : memref<5248x128xf32, #tpu.memory_space<vmem_shared>> -> memref<72x128xf32, #tpu.memory_space<vmem_shared>>
      %dma_wait3A_86 = arith.constant 0 : i32
      %dma_wait3A_87 = tpu.memref_slice %arg14[%add3A_24, %dma_wait3A_86] : memref<5248x128xf32, #tpu.memory_space<vmem_shared>> -> memref<72x128xf32, #tpu.memory_space<vmem_shared>>
      %dma_wait3A_88 = arith.constant 0 : i32
      %dma_wait3A_89 = arith.constant 0 : i32
      %dma_wait3A_90 = tpu.memref_slice %arg12[%dma_wait3A_88, %dma_wait3A_89] : memref<128x128xf32, #tpu.memory_space<vmem>> -> memref<72x128xf32, #tpu.memory_space<vmem>>
      tpu.wait_dma2 semaphore(%run_scoped3A : memref<!tpu.dma_semaphore, #tpu.memory_space<semaphore_mem>>) src(%dma_wait3A_90 : memref<72x128xf32, #tpu.memory_space<vmem>>) dst(%dma_wait3A_87 : memref<72x128xf32, #tpu.memory_space<vmem_shared>>)
      tpu.yield
    }) : () -> ()
    %add3A_25 = arith.constant 256 : i32
    %add3A_26 = arith.addi %multiple_of3A, %add3A_25 : i32
    "tpu.region"() ({
      %run_scoped3A = tpu.sem_alloc : memref<!tpu.dma_semaphore, #tpu.memory_space<semaphore_mem>>
      %dma_start3A = arith.constant 0 : i32
      %dma_start3A_73 = arith.constant 0 : i32
      %dma_start3A_74 = tpu.memref_slice %arg12[%dma_start3A, %dma_start3A_73] : memref<128x128xf32, #tpu.memory_space<vmem>> -> memref<72x128xf32, #tpu.memory_space<vmem>>
      %dma_start3A_75 = arith.constant 0 : i32
      %dma_start3A_76 = tpu.memref_slice %arg15[%add3A_26, %dma_start3A_75] : memref<5248x128xf32, #tpu.memory_space<vmem_shared>> -> memref<72x128xf32, #tpu.memory_space<vmem_shared>>
      %dma_start3A_77 = arith.constant 0 : i32
      %dma_start3A_78 = tpu.memref_slice %arg15[%add3A_26, %dma_start3A_77] : memref<5248x128xf32, #tpu.memory_space<vmem_shared>> -> memref<72x128xf32, #tpu.memory_space<vmem_shared>>
      %dma_start3A_79 = arith.constant 0 : i32
      %dma_start3A_80 = arith.constant 0 : i32
      %dma_start3A_81 = tpu.memref_slice %arg12[%dma_start3A_79, %dma_start3A_80] : memref<128x128xf32, #tpu.memory_space<vmem>> -> memref<72x128xf32, #tpu.memory_space<vmem>>
      tpu.enqueue_dma source(%dma_start3A_81 : memref<72x128xf32, #tpu.memory_space<vmem>>) target(%dma_start3A_78 : memref<72x128xf32, #tpu.memory_space<vmem_shared>>) target_semaphore(%run_scoped3A : memref<!tpu.dma_semaphore, #tpu.memory_space<semaphore_mem>>)
      %dma_wait3A = arith.constant 0 : i32
      %dma_wait3A_82 = arith.constant 0 : i32
      %dma_wait3A_83 = tpu.memref_slice %arg12[%dma_wait3A, %dma_wait3A_82] : memref<128x128xf32, #tpu.memory_space<vmem>> -> memref<72x128xf32, #tpu.memory_space<vmem>>
      %dma_wait3A_84 = arith.constant 0 : i32
      %dma_wait3A_85 = tpu.memref_slice %arg15[%add3A_26, %dma_wait3A_84] : memref<5248x128xf32, #tpu.memory_space<vmem_shared>> -> memref<72x128xf32, #tpu.memory_space<vmem_shared>>
      %dma_wait3A_86 = arith.constant 0 : i32
      %dma_wait3A_87 = tpu.memref_slice %arg15[%add3A_26, %dma_wait3A_86] : memref<5248x128xf32, #tpu.memory_space<vmem_shared>> -> memref<72x128xf32, #tpu.memory_space<vmem_shared>>
      %dma_wait3A_88 = arith.constant 0 : i32
      %dma_wait3A_89 = arith.constant 0 : i32
      %dma_wait3A_90 = tpu.memref_slice %arg12[%dma_wait3A_88, %dma_wait3A_89] : memref<128x128xf32, #tpu.memory_space<vmem>> -> memref<72x128xf32, #tpu.memory_space<vmem>>
      tpu.wait_dma2 semaphore(%run_scoped3A : memref<!tpu.dma_semaphore, #tpu.memory_space<semaphore_mem>>) src(%dma_wait3A_90 : memref<72x128xf32, #tpu.memory_space<vmem>>) dst(%dma_wait3A_87 : memref<72x128xf32, #tpu.memory_space<vmem_shared>>)
      tpu.yield
    }) : () -> ()
    %mul3A_27 = arith.constant 656 : i32
    %mul3A_28 = arith.muli %arg1, %mul3A_27 : i32
    %multiple_of3A_29 = tpu.assume_multiple %mul3A_28, 8 : i32
    %add3A_30 = arith.constant 0 : i32
    %add3A_31 = arith.addi %multiple_of3A_29, %add3A_30 : i32
    "tpu.region"() ({
      %run_scoped3A = tpu.sem_alloc : memref<!tpu.dma_semaphore, #tpu.memory_space<semaphore_mem>>
      %dma_start3A = arith.constant 0 : i32
      %dma_start3A_73 = tpu.memref_slice %arg13[%dma_start3A] : memref<656xf32, #tpu.memory_space<vmem>> -> memref<128xf32, #tpu.memory_space<vmem>>
      %dma_start3A_74 = tpu.memref_slice %arg16[%add3A_31] : memref<10496xf32, #tpu.memory_space<vmem_shared>> -> memref<128xf32, #tpu.memory_space<vmem_shared>>
      %dma_start3A_75 = tpu.memref_slice %arg16[%add3A_31] : memref<10496xf32, #tpu.memory_space<vmem_shared>> -> memref<128xf32, #tpu.memory_space<vmem_shared>>
      %dma_start3A_76 = arith.constant 0 : i32
      %dma_start3A_77 = tpu.memref_slice %arg13[%dma_start3A_76] : memref<656xf32, #tpu.memory_space<vmem>> -> memref<128xf32, #tpu.memory_space<vmem>>
      tpu.enqueue_dma source(%dma_start3A_77 : memref<128xf32, #tpu.memory_space<vmem>>) target(%dma_start3A_75 : memref<128xf32, #tpu.memory_space<vmem_shared>>) target_semaphore(%run_scoped3A : memref<!tpu.dma_semaphore, #tpu.memory_space<semaphore_mem>>)
      %dma_wait3A = arith.constant 0 : i32
      %dma_wait3A_78 = tpu.memref_slice %arg13[%dma_wait3A] : memref<656xf32, #tpu.memory_space<vmem>> -> memref<128xf32, #tpu.memory_space<vmem>>
      %dma_wait3A_79 = tpu.memref_slice %arg16[%add3A_31] : memref<10496xf32, #tpu.memory_space<vmem_shared>> -> memref<128xf32, #tpu.memory_space<vmem_shared>>
      %dma_wait3A_80 = tpu.memref_slice %arg16[%add3A_31] : memref<10496xf32, #tpu.memory_space<vmem_shared>> -> memref<128xf32, #tpu.memory_space<vmem_shared>>
      %dma_wait3A_81 = arith.constant 0 : i32
      %dma_wait3A_82 = tpu.memref_slice %arg13[%dma_wait3A_81] : memref<656xf32, #tpu.memory_space<vmem>> -> memref<128xf32, #tpu.memory_space<vmem>>
      tpu.wait_dma2 semaphore(%run_scoped3A : memref<!tpu.dma_semaphore, #tpu.memory_space<semaphore_mem>>) src(%dma_wait3A_82 : memref<128xf32, #tpu.memory_space<vmem>>) dst(%dma_wait3A_80 : memref<128xf32, #tpu.memory_space<vmem_shared>>)
      tpu.yield
    }) : () -> ()
    %add3A_32 = arith.constant 128 : i32
    %add3A_33 = arith.addi %multiple_of3A_29, %add3A_32 : i32
    "tpu.region"() ({
      %run_scoped3A = tpu.sem_alloc : memref<!tpu.dma_semaphore, #tpu.memory_space<semaphore_mem>>
      %dma_start3A = arith.constant 0 : i32
      %dma_start3A_73 = tpu.memref_slice %arg13[%dma_start3A] : memref<656xf32, #tpu.memory_space<vmem>> -> memref<128xf32, #tpu.memory_space<vmem>>
      %dma_start3A_74 = tpu.memref_slice %arg16[%add3A_33] : memref<10496xf32, #tpu.memory_space<vmem_shared>> -> memref<128xf32, #tpu.memory_space<vmem_shared>>
      %dma_start3A_75 = tpu.memref_slice %arg16[%add3A_33] : memref<10496xf32, #tpu.memory_space<vmem_shared>> -> memref<128xf32, #tpu.memory_space<vmem_shared>>
      %dma_start3A_76 = arith.constant 0 : i32
      %dma_start3A_77 = tpu.memref_slice %arg13[%dma_start3A_76] : memref<656xf32, #tpu.memory_space<vmem>> -> memref<128xf32, #tpu.memory_space<vmem>>
      tpu.enqueue_dma source(%dma_start3A_77 : memref<128xf32, #tpu.memory_space<vmem>>) target(%dma_start3A_75 : memref<128xf32, #tpu.memory_space<vmem_shared>>) target_semaphore(%run_scoped3A : memref<!tpu.dma_semaphore, #tpu.memory_space<semaphore_mem>>)
      %dma_wait3A = arith.constant 0 : i32
      %dma_wait3A_78 = tpu.memref_slice %arg13[%dma_wait3A] : memref<656xf32, #tpu.memory_space<vmem>> -> memref<128xf32, #tpu.memory_space<vmem>>
      %dma_wait3A_79 = tpu.memref_slice %arg16[%add3A_33] : memref<10496xf32, #tpu.memory_space<vmem_shared>> -> memref<128xf32, #tpu.memory_space<vmem_shared>>
      %dma_wait3A_80 = tpu.memref_slice %arg16[%add3A_33] : memref<10496xf32, #tpu.memory_space<vmem_shared>> -> memref<128xf32, #tpu.memory_space<vmem_shared>>
      %dma_wait3A_81 = arith.constant 0 : i32
      %dma_wait3A_82 = tpu.memref_slice %arg13[%dma_wait3A_81] : memref<656xf32, #tpu.memory_space<vmem>> -> memref<128xf32, #tpu.memory_space<vmem>>
      tpu.wait_dma2 semaphore(%run_scoped3A : memref<!tpu.dma_semaphore, #tpu.memory_space<semaphore_mem>>) src(%dma_wait3A_82 : memref<128xf32, #tpu.memory_space<vmem>>) dst(%dma_wait3A_80 : memref<128xf32, #tpu.memory_space<vmem_shared>>)
      tpu.yield
    }) : () -> ()
    %add3A_34 = arith.constant 256 : i32
    %add3A_35 = arith.addi %multiple_of3A_29, %add3A_34 : i32
    "tpu.region"() ({
      %run_scoped3A = tpu.sem_alloc : memref<!tpu.dma_semaphore, #tpu.memory_space<semaphore_mem>>
      %dma_start3A = arith.constant 0 : i32
      %dma_start3A_73 = tpu.memref_slice %arg13[%dma_start3A] : memref<656xf32, #tpu.memory_space<vmem>> -> memref<128xf32, #tpu.memory_space<vmem>>
      %dma_start3A_74 = tpu.memref_slice %arg16[%add3A_35] : memref<10496xf32, #tpu.memory_space<vmem_shared>> -> memref<128xf32, #tpu.memory_space<vmem_shared>>
      %dma_start3A_75 = tpu.memref_slice %arg16[%add3A_35] : memref<10496xf32, #tpu.memory_space<vmem_shared>> -> memref<128xf32, #tpu.memory_space<vmem_shared>>
      %dma_start3A_76 = arith.constant 0 : i32
      %dma_start3A_77 = tpu.memref_slice %arg13[%dma_start3A_76] : memref<656xf32, #tpu.memory_space<vmem>> -> memref<128xf32, #tpu.memory_space<vmem>>
      tpu.enqueue_dma source(%dma_start3A_77 : memref<128xf32, #tpu.memory_space<vmem>>) target(%dma_start3A_75 : memref<128xf32, #tpu.memory_space<vmem_shared>>) target_semaphore(%run_scoped3A : memref<!tpu.dma_semaphore, #tpu.memory_space<semaphore_mem>>)
      %dma_wait3A = arith.constant 0 : i32
      %dma_wait3A_78 = tpu.memref_slice %arg13[%dma_wait3A] : memref<656xf32, #tpu.memory_space<vmem>> -> memref<128xf32, #tpu.memory_space<vmem>>
      %dma_wait3A_79 = tpu.memref_slice %arg16[%add3A_35] : memref<10496xf32, #tpu.memory_space<vmem_shared>> -> memref<128xf32, #tpu.memory_space<vmem_shared>>
      %dma_wait3A_80 = tpu.memref_slice %arg16[%add3A_35] : memref<10496xf32, #tpu.memory_space<vmem_shared>> -> memref<128xf32, #tpu.memory_space<vmem_shared>>
      %dma_wait3A_81 = arith.constant 0 : i32
      %dma_wait3A_82 = tpu.memref_slice %arg13[%dma_wait3A_81] : memref<656xf32, #tpu.memory_space<vmem>> -> memref<128xf32, #tpu.memory_space<vmem>>
      tpu.wait_dma2 semaphore(%run_scoped3A : memref<!tpu.dma_semaphore, #tpu.memory_space<semaphore_mem>>) src(%dma_wait3A_82 : memref<128xf32, #tpu.memory_space<vmem>>) dst(%dma_wait3A_80 : memref<128xf32, #tpu.memory_space<vmem_shared>>)
      tpu.yield
    }) : () -> ()
    %add3A_36 = arith.constant 384 : i32
    %add3A_37 = arith.addi %multiple_of3A_29, %add3A_36 : i32
    "tpu.region"() ({
      %run_scoped3A = tpu.sem_alloc : memref<!tpu.dma_semaphore, #tpu.memory_space<semaphore_mem>>
      %dma_start3A = arith.constant 0 : i32
      %dma_start3A_73 = tpu.memref_slice %arg13[%dma_start3A] : memref<656xf32, #tpu.memory_space<vmem>> -> memref<128xf32, #tpu.memory_space<vmem>>
      %dma_start3A_74 = tpu.memref_slice %arg16[%add3A_37] : memref<10496xf32, #tpu.memory_space<vmem_shared>> -> memref<128xf32, #tpu.memory_space<vmem_shared>>
      %dma_start3A_75 = tpu.memref_slice %arg16[%add3A_37] : memref<10496xf32, #tpu.memory_space<vmem_shared>> -> memref<128xf32, #tpu.memory_space<vmem_shared>>
      %dma_start3A_76 = arith.constant 0 : i32
      %dma_start3A_77 = tpu.memref_slice %arg13[%dma_start3A_76] : memref<656xf32, #tpu.memory_space<vmem>> -> memref<128xf32, #tpu.memory_space<vmem>>
      tpu.enqueue_dma source(%dma_start3A_77 : memref<128xf32, #tpu.memory_space<vmem>>) target(%dma_start3A_75 : memref<128xf32, #tpu.memory_space<vmem_shared>>) target_semaphore(%run_scoped3A : memref<!tpu.dma_semaphore, #tpu.memory_space<semaphore_mem>>)
      %dma_wait3A = arith.constant 0 : i32
      %dma_wait3A_78 = tpu.memref_slice %arg13[%dma_wait3A] : memref<656xf32, #tpu.memory_space<vmem>> -> memref<128xf32, #tpu.memory_space<vmem>>
      %dma_wait3A_79 = tpu.memref_slice %arg16[%add3A_37] : memref<10496xf32, #tpu.memory_space<vmem_shared>> -> memref<128xf32, #tpu.memory_space<vmem_shared>>
      %dma_wait3A_80 = tpu.memref_slice %arg16[%add3A_37] : memref<10496xf32, #tpu.memory_space<vmem_shared>> -> memref<128xf32, #tpu.memory_space<vmem_shared>>
      %dma_wait3A_81 = arith.constant 0 : i32
      %dma_wait3A_82 = tpu.memref_slice %arg13[%dma_wait3A_81] : memref<656xf32, #tpu.memory_space<vmem>> -> memref<128xf32, #tpu.memory_space<vmem>>
      tpu.wait_dma2 semaphore(%run_scoped3A : memref<!tpu.dma_semaphore, #tpu.memory_space<semaphore_mem>>) src(%dma_wait3A_82 : memref<128xf32, #tpu.memory_space<vmem>>) dst(%dma_wait3A_80 : memref<128xf32, #tpu.memory_space<vmem_shared>>)
      tpu.yield
    }) : () -> ()
    %add3A_38 = arith.constant 512 : i32
    %add3A_39 = arith.addi %multiple_of3A_29, %add3A_38 : i32
    "tpu.region"() ({
      %run_scoped3A = tpu.sem_alloc : memref<!tpu.dma_semaphore, #tpu.memory_space<semaphore_mem>>
      %dma_start3A = arith.constant 0 : i32
      %dma_start3A_73 = tpu.memref_slice %arg13[%dma_start3A] : memref<656xf32, #tpu.memory_space<vmem>> -> memref<128xf32, #tpu.memory_space<vmem>>
      %dma_start3A_74 = tpu.memref_slice %arg16[%add3A_39] : memref<10496xf32, #tpu.memory_space<vmem_shared>> -> memref<128xf32, #tpu.memory_space<vmem_shared>>
      %dma_start3A_75 = tpu.memref_slice %arg16[%add3A_39] : memref<10496xf32, #tpu.memory_space<vmem_shared>> -> memref<128xf32, #tpu.memory_space<vmem_shared>>
      %dma_start3A_76 = arith.constant 0 : i32
      %dma_start3A_77 = tpu.memref_slice %arg13[%dma_start3A_76] : memref<656xf32, #tpu.memory_space<vmem>> -> memref<128xf32, #tpu.memory_space<vmem>>
      tpu.enqueue_dma source(%dma_start3A_77 : memref<128xf32, #tpu.memory_space<vmem>>) target(%dma_start3A_75 : memref<128xf32, #tpu.memory_space<vmem_shared>>) target_semaphore(%run_scoped3A : memref<!tpu.dma_semaphore, #tpu.memory_space<semaphore_mem>>)
      %dma_wait3A = arith.constant 0 : i32
      %dma_wait3A_78 = tpu.memref_slice %arg13[%dma_wait3A] : memref<656xf32, #tpu.memory_space<vmem>> -> memref<128xf32, #tpu.memory_space<vmem>>
      %dma_wait3A_79 = tpu.memref_slice %arg16[%add3A_39] : memref<10496xf32, #tpu.memory_space<vmem_shared>> -> memref<128xf32, #tpu.memory_space<vmem_shared>>
      %dma_wait3A_80 = tpu.memref_slice %arg16[%add3A_39] : memref<10496xf32, #tpu.memory_space<vmem_shared>> -> memref<128xf32, #tpu.memory_space<vmem_shared>>
      %dma_wait3A_81 = arith.constant 0 : i32
      %dma_wait3A_82 = tpu.memref_slice %arg13[%dma_wait3A_81] : memref<656xf32, #tpu.memory_space<vmem>> -> memref<128xf32, #tpu.memory_space<vmem>>
      tpu.wait_dma2 semaphore(%run_scoped3A : memref<!tpu.dma_semaphore, #tpu.memory_space<semaphore_mem>>) src(%dma_wait3A_82 : memref<128xf32, #tpu.memory_space<vmem>>) dst(%dma_wait3A_80 : memref<128xf32, #tpu.memory_space<vmem_shared>>)
      tpu.yield
    }) : () -> ()
    %add3A_40 = arith.constant 640 : i32
    %add3A_41 = arith.addi %multiple_of3A_29, %add3A_40 : i32
    "tpu.region"() ({
      %run_scoped3A = tpu.sem_alloc : memref<!tpu.dma_semaphore, #tpu.memory_space<semaphore_mem>>
      %dma_start3A = arith.constant 0 : i32
      %dma_start3A_73 = tpu.memref_slice %arg13[%dma_start3A] : memref<656xf32, #tpu.memory_space<vmem>> -> memref<16xf32, #tpu.memory_space<vmem>>
      %dma_start3A_74 = tpu.memref_slice %arg16[%add3A_41] : memref<10496xf32, #tpu.memory_space<vmem_shared>> -> memref<16xf32, #tpu.memory_space<vmem_shared>>
      %dma_start3A_75 = tpu.memref_slice %arg16[%add3A_41] : memref<10496xf32, #tpu.memory_space<vmem_shared>> -> memref<16xf32, #tpu.memory_space<vmem_shared>>
      %dma_start3A_76 = arith.constant 0 : i32
      %dma_start3A_77 = tpu.memref_slice %arg13[%dma_start3A_76] : memref<656xf32, #tpu.memory_space<vmem>> -> memref<16xf32, #tpu.memory_space<vmem>>
      tpu.enqueue_dma source(%dma_start3A_77 : memref<16xf32, #tpu.memory_space<vmem>>) target(%dma_start3A_75 : memref<16xf32, #tpu.memory_space<vmem_shared>>) target_semaphore(%run_scoped3A : memref<!tpu.dma_semaphore, #tpu.memory_space<semaphore_mem>>)
      %dma_wait3A = arith.constant 0 : i32
      %dma_wait3A_78 = tpu.memref_slice %arg13[%dma_wait3A] : memref<656xf32, #tpu.memory_space<vmem>> -> memref<16xf32, #tpu.memory_space<vmem>>
      %dma_wait3A_79 = tpu.memref_slice %arg16[%add3A_41] : memref<10496xf32, #tpu.memory_space<vmem_shared>> -> memref<16xf32, #tpu.memory_space<vmem_shared>>
      %dma_wait3A_80 = tpu.memref_slice %arg16[%add3A_41] : memref<10496xf32, #tpu.memory_space<vmem_shared>> -> memref<16xf32, #tpu.memory_space<vmem_shared>>
      %dma_wait3A_81 = arith.constant 0 : i32
      %dma_wait3A_82 = tpu.memref_slice %arg13[%dma_wait3A_81] : memref<656xf32, #tpu.memory_space<vmem>> -> memref<16xf32, #tpu.memory_space<vmem>>
      tpu.wait_dma2 semaphore(%run_scoped3A : memref<!tpu.dma_semaphore, #tpu.memory_space<semaphore_mem>>) src(%dma_wait3A_82 : memref<16xf32, #tpu.memory_space<vmem>>) dst(%dma_wait3A_80 : memref<16xf32, #tpu.memory_space<vmem_shared>>)
      tpu.yield
    }) : () -> ()
    %scan3A_42 = arith.constant 0 : i32
    %scan3A_43 = arith.constant 0 : i32
    %scan3A_44 = arith.constant 41 : i32
    %scan3A_45 = arith.addi %scan3A_43, %scan3A_44 : i32
    %scan3A_46 = arith.constant 1 : i32
    %scan3A_47 = scf.for %scan3A_73 = %scan3A_43 to %scan3A_45 step %scan3A_46 iter_args(%scan3A_74 = %scan3A_42) -> (i32)  : i32 {
      %broadcast_in_dim3A = arith.constant 1.000000e+00 : f32
      %broadcast_in_dim3A_75 = vector.broadcast %broadcast_in_dim3A : f32 to vector<16xf32>
      %mul3A_76 = arith.constant 16 : i32
      %mul3A_77 = arith.muli %scan3A_73, %mul3A_76 : i32
      %swap3A = arith.index_cast %mul3A_77 : i32 to index
      %swap3A_78 = tpu.vector_load %arg13[%swap3A] {strides = array<i32>} : memref<656xf32, #tpu.memory_space<vmem>>, vector<16xf32>,
      %swap3A_79 = vector.shape_cast %swap3A_78 : vector<16xf32> to vector<16xf32>
      %swap3A_80 = vector.shape_cast %broadcast_in_dim3A_75 : vector<16xf32> to vector<16xf32>
      tpu.vector_store %arg13[%swap3A], %swap3A_80 {strides = array<i32>} : memref<656xf32, #tpu.memory_space<vmem>>, vector<16xf32>,
      %scan3A_81 = arith.constant 0 : i32
      scf.yield %scan3A_81 : i32
    }
    %scan3A_48 = arith.constant 41 : i32
    %barrier3A = arith.constant 0 : index
    tpu.barrier barrier_id(%barrier3A)
    %scan3A_49 = arith.constant 0 : i32
    %scan3A_50 = arith.constant 0 : i32
    %scan3A_51 = arith.constant 10 : i32
    %scan3A_52 = arith.addi %scan3A_50, %scan3A_51 : i32
    %scan3A_53 = arith.constant 1 : i32
    %scan3A_54 = scf.for %scan3A_73 = %scan3A_50 to %scan3A_52 step %scan3A_53 iter_args(%scan3A_74 = %scan3A_49) -> (i32)  : i32 {
      %mul3A_75 = arith.constant 16 : i32
      %mul3A_76 = arith.muli %mul3A_75, %scan3A_73 : i32
      %add3A_77 = arith.addi %arg1, %mul3A_76 : i32
      %lt3A = arith.constant 156 : i32
      %lt3A_78 = arith.cmpi slt, %add3A_77, %lt3A : i32
      %convert_element_type3A_79 = arith.extui %lt3A_78 : i1 to i32
      %cond3A_80 = arith.constant 0 : i32
      %cond3A_81 = arith.cmpi ne, %convert_element_type3A_79, %cond3A_80 : i32
      scf.if %cond3A_81 {
        %mul3A_83 = arith.constant 2048 : i32
        %mul3A_84 = arith.muli %add3A_77, %mul3A_83 : i32
        %multiple_of3A_85 = tpu.assume_multiple %mul3A_84, 8 : i32
        "tpu.region"() ({
          %run_scoped3A = tpu.sem_alloc : memref<!tpu.dma_semaphore, #tpu.memory_space<semaphore_mem>>
          %dma_start3A = tpu.memref_slice %arg2[%multiple_of3A_85] : memref<320000xi32, #tpu.memory_space<hbm>> -> memref<2048xi32, #tpu.memory_space<hbm>>
          %dma_start3A_96 = tpu.memref_slice %arg2[%multiple_of3A_85] : memref<320000xi32, #tpu.memory_space<hbm>> -> memref<2048xi32, #tpu.memory_space<hbm>>
          tpu.enqueue_dma source(%dma_start3A_96 : memref<2048xi32, #tpu.memory_space<hbm>>) target(%arg8 : memref<2048xi32, #tpu.memory_space<vmem>>) target_semaphore(%run_scoped3A : memref<!tpu.dma_semaphore, #tpu.memory_space<semaphore_mem>>)
          %dma_wait3A = tpu.memref_slice %arg2[%multiple_of3A_85] : memref<320000xi32, #tpu.memory_space<hbm>> -> memref<2048xi32, #tpu.memory_space<hbm>>
          %dma_wait3A_97 = tpu.memref_slice %arg2[%multiple_of3A_85] : memref<320000xi32, #tpu.memory_space<hbm>> -> memref<2048xi32, #tpu.memory_space<hbm>>
          tpu.wait_dma2 semaphore(%run_scoped3A : memref<!tpu.dma_semaphore, #tpu.memory_space<semaphore_mem>>) src(%dma_wait3A_97 : memref<2048xi32, #tpu.memory_space<hbm>>) dst(%arg8 : memref<2048xi32, #tpu.memory_space<vmem>>)
          tpu.yield
        }) : () -> ()
        %mul3A_86 = arith.constant 16 : i32
        %mul3A_87 = arith.muli %add3A_77, %mul3A_86 : i32
        %multiple_of3A_88 = tpu.assume_multiple %mul3A_87, 8 : i32
        "tpu.region"() ({
          %run_scoped3A = tpu.sem_alloc : memref<!tpu.dma_semaphore, #tpu.memory_space<semaphore_mem>>
          %dma_start3A = arith.constant 0 : i32
          %dma_start3A_96 = tpu.memref_slice %arg3[%multiple_of3A_88, %dma_start3A] : memref<2500x128xi32, #tpu.memory_space<hbm>> -> memref<16x128xi32, #tpu.memory_space<hbm>>
          %dma_start3A_97 = arith.constant 0 : i32
          %dma_start3A_98 = tpu.memref_slice %arg3[%multiple_of3A_88, %dma_start3A_97] : memref<2500x128xi32, #tpu.memory_space<hbm>> -> memref<16x128xi32, #tpu.memory_space<hbm>>
          tpu.enqueue_dma source(%dma_start3A_98 : memref<16x128xi32, #tpu.memory_space<hbm>>) target(%arg9 : memref<16x128xi32, #tpu.memory_space<vmem>>) target_semaphore(%run_scoped3A : memref<!tpu.dma_semaphore, #tpu.memory_space<semaphore_mem>>)
          %dma_wait3A = arith.constant 0 : i32
          %dma_wait3A_99 = tpu.memref_slice %arg3[%multiple_of3A_88, %dma_wait3A] : memref<2500x128xi32, #tpu.memory_space<hbm>> -> memref<16x128xi32, #tpu.memory_space<hbm>>
          %dma_wait3A_100 = arith.constant 0 : i32
          %dma_wait3A_101 = tpu.memref_slice %arg3[%multiple_of3A_88, %dma_wait3A_100] : memref<2500x128xi32, #tpu.memory_space<hbm>> -> memref<16x128xi32, #tpu.memory_space<hbm>>
          tpu.wait_dma2 semaphore(%run_scoped3A : memref<!tpu.dma_semaphore, #tpu.memory_space<semaphore_mem>>) src(%dma_wait3A_101 : memref<16x128xi32, #tpu.memory_space<hbm>>) dst(%arg9 : memref<16x128xi32, #tpu.memory_space<vmem>>)
          tpu.yield
        }) : () -> ()
        %scan3A_89 = arith.constant 0 : i32
        %scan3A_90 = arith.constant 0 : i32
        %scan3A_91 = arith.constant 16 : i32
        %scan3A_92 = arith.addi %scan3A_90, %scan3A_91 : i32
        %scan3A_93 = arith.constant 1 : i32
        %scan3A_94 = scf.for %scan3A_96 = %scan3A_90 to %scan3A_92 step %scan3A_93 iter_args(%scan3A_97 = %scan3A_89) -> (i32)  : i32 {
          %scan3A_98 = arith.constant 0 : i32
          %scan3A_99 = arith.constant 0 : i32
          %scan3A_100 = arith.constant 8 : i32
          %scan3A_101 = arith.addi %scan3A_99, %scan3A_100 : i32
          %scan3A_102 = arith.constant 1 : i32
          %scan3A_103 = scf.for %scan3A_121 = %scan3A_99 to %scan3A_101 step %scan3A_102 iter_args(%scan3A_122 = %scan3A_98) -> (i32)  : i32 {
            %mul3A_123 = arith.constant 16 : i32
            %mul3A_124 = arith.muli %scan3A_121, %mul3A_123 : i32
            %get3A = arith.index_cast %scan3A_96 : i32 to index
            %get3A_125 = arith.index_cast %mul3A_124 : i32 to index
            %get3A_126 = tpu.vector_load %arg9[%get3A, %get3A_125] {strides = array<i32>} : memref<16x128xi32, #tpu.memory_space<vmem>>, vector<1x16xi32>,
            %get3A_127 = vector.shape_cast %get3A_126 : vector<1x16xi32> to vector<16xi32>
            %sub3A = vector.broadcast %mul3A_0 : i32 to vector<16xi32>
            %sub3A_128 = arith.subi %get3A_127, %sub3A : vector<16xi32>
            %ge3A = arith.constant 0 : i32
            %ge3A_129 = vector.broadcast %ge3A : i32 to vector<16xi32>
            %ge3A_130 = arith.cmpi sge, %sub3A_128, %ge3A_129 : vector<16xi32>
            %lt3A_131 = arith.constant 5120 : i32
            %lt3A_132 = vector.broadcast %lt3A_131 : i32 to vector<16xi32>
            %lt3A_133 = arith.cmpi slt, %sub3A_128, %lt3A_132 : vector<16xi32>
            %and3A = arith.andi %ge3A_130, %lt3A_133 : vector<16xi1>
            %add3A_134 = arith.constant 5120 : i32
            %add3A_135 = vector.broadcast %add3A_134 : i32 to vector<16xi32>
            %add3A_136 = arith.addi %add3A_135, %iota3A : vector<16xi32>
            %select_n3A = arith.select %and3A, %sub3A_128, %add3A_136 : vector<16xi1>, vector<16xi32>
            %mul3A_137 = arith.constant 16 : i32
            %mul3A_138 = arith.muli %scan3A_121, %mul3A_137 : i32
            %swap3A = arith.index_cast %scan3A_96 : i32 to index
            %swap3A_139 = arith.index_cast %mul3A_138 : i32 to index
            %swap3A_140 = tpu.vector_load %arg10[%swap3A, %swap3A_139] {strides = array<i32>} : memref<16x128xi32, #tpu.memory_space<vmem>>, vector<1x16xi32>,
            %swap3A_141 = vector.shape_cast %swap3A_140 : vector<1x16xi32> to vector<16xi32>
            %swap3A_142 = vector.shape_cast %select_n3A : vector<16xi32> to vector<1x16xi32>
            tpu.vector_store %arg10[%swap3A, %swap3A_139], %swap3A_142 {strides = array<i32>} : memref<16x128xi32, #tpu.memory_space<vmem>>, vector<1x16xi32>,
            %scan3A_143 = arith.constant 0 : i32
            scf.yield %scan3A_143 : i32
          }
          %scan3A_104 = arith.constant 8 : i32
          %mul3A_105 = arith.constant 128 : i32
          %mul3A_106 = arith.muli %scan3A_96, %mul3A_105 : i32
          %multiple_of3A_107 = tpu.assume_multiple %mul3A_106, 8 : i32
          "tpu.region"() ({
            %run_scoped3A = tpu.sem_alloc : memref<!tpu.dma_semaphore, #tpu.memory_space<semaphore_mem>>
            %dma_start3A = tpu.memref_slice %arg8[%multiple_of3A_107] : memref<2048xi32, #tpu.memory_space<vmem>> -> memref<128xi32, #tpu.memory_space<vmem>>
            %dma_start3A_121 = arith.constant 0 : i32
            %dma_start3A_122 = arith.constant 0 : i32
            %dma_start3A_123 = tpu.memref_slice %arg4[%dma_start3A_121, %dma_start3A_122] : memref<10000x128xf32, #tpu.memory_space<hbm>> -> memref<10000x128xf32, #tpu.memory_space<hbm>>
            tpu.enqueue_indirect_dma source(%dma_start3A_123 : memref<10000x128xf32, #tpu.memory_space<hbm>>) target(%arg11 : memref<128x128xf32, #tpu.memory_space<vmem>>) offsets(%dma_start3A : memref<128xi32, #tpu.memory_space<vmem>>) semaphore(%run_scoped3A : memref<!tpu.dma_semaphore, #tpu.memory_space<semaphore_mem>>)
            %dma_wait3A = tpu.memref_slice %arg8[%multiple_of3A_107] : memref<2048xi32, #tpu.memory_space<vmem>> -> memref<128xi32, #tpu.memory_space<vmem>>
            %dma_wait3A_124 = arith.constant 0 : i32
            %dma_wait3A_125 = arith.constant 0 : i32
            %dma_wait3A_126 = tpu.memref_slice %arg4[%dma_wait3A_124, %dma_wait3A_125] : memref<10000x128xf32, #tpu.memory_space<hbm>> -> memref<10000x128xf32, #tpu.memory_space<hbm>>
            tpu.wait_indirect_dma semaphore(%run_scoped3A : memref<!tpu.dma_semaphore, #tpu.memory_space<semaphore_mem>>) src(%dma_wait3A_126 : memref<10000x128xf32, #tpu.memory_space<hbm>>) dst(%arg11 : memref<128x128xf32, #tpu.memory_space<vmem>>)
            tpu.yield
          }) : () -> ()
          %scan3A_108 = arith.constant 0 : i32
          %scan3A_109 = arith.constant 0 : i32
          %scan3A_110 = arith.constant 128 : i32
          %scan3A_111 = arith.addi %scan3A_109, %scan3A_110 : i32
          %scan3A_112 = arith.constant 1 : i32
          %scan3A_113 = scf.for %scan3A_121 = %scan3A_109 to %scan3A_111 step %scan3A_112 iter_args(%scan3A_122 = %scan3A_108) -> (i32)  : i32 {
            %get3A = arith.index_cast %scan3A_121 : i32 to index
            %get3A_123 = arith.constant 0 : index
            %get3A_124 = tpu.vector_load %arg11[%get3A, %get3A_123] {strides = array<i32>} : memref<128x128xf32, #tpu.memory_space<vmem>>, vector<1x16xf32>,
            %get3A_125 = vector.shape_cast %get3A_124 : vector<1x16xf32> to vector<16xf32>
            %mul3A_126 = arith.mulf %get3A_125, %get3A_125 : vector<16xf32>
            %swap3A = arith.index_cast %scan3A_121 : i32 to index
            %swap3A_127 = arith.constant 0 : index
            %swap3A_128 = tpu.vector_load %arg12[%swap3A, %swap3A_127] {strides = array<i32>} : memref<128x128xf32, #tpu.memory_space<vmem>>, vector<1x16xf32>,
            %swap3A_129 = vector.shape_cast %swap3A_128 : vector<1x16xf32> to vector<16xf32>
            %swap3A_130 = vector.shape_cast %mul3A_126 : vector<16xf32> to vector<1x16xf32>
            tpu.vector_store %arg12[%swap3A, %swap3A_127], %swap3A_130 {strides = array<i32>} : memref<128x128xf32, #tpu.memory_space<vmem>>, vector<1x16xf32>,
            %get3A_131 = arith.index_cast %scan3A_121 : i32 to index
            %get3A_132 = arith.constant 16 : index
            %get3A_133 = tpu.vector_load %arg11[%get3A_131, %get3A_132] {strides = array<i32>} : memref<128x128xf32, #tpu.memory_space<vmem>>, vector<1x16xf32>,
            %get3A_134 = vector.shape_cast %get3A_133 : vector<1x16xf32> to vector<16xf32>
            %mul3A_135 = arith.mulf %get3A_134, %get3A_134 : vector<16xf32>
            %swap3A_136 = arith.index_cast %scan3A_121 : i32 to index
            %swap3A_137 = arith.constant 16 : index
            %swap3A_138 = tpu.vector_load %arg12[%swap3A_136, %swap3A_137] {strides = array<i32>} : memref<128x128xf32, #tpu.memory_space<vmem>>, vector<1x16xf32>,
            %swap3A_139 = vector.shape_cast %swap3A_138 : vector<1x16xf32> to vector<16xf32>
            %swap3A_140 = vector.shape_cast %mul3A_135 : vector<16xf32> to vector<1x16xf32>
            tpu.vector_store %arg12[%swap3A_136, %swap3A_137], %swap3A_140 {strides = array<i32>} : memref<128x128xf32, #tpu.memory_space<vmem>>, vector<1x16xf32>,
            %get3A_141 = arith.index_cast %scan3A_121 : i32 to index
            %get3A_142 = arith.constant 32 : index
            %get3A_143 = tpu.vector_load %arg11[%get3A_141, %get3A_142] {strides = array<i32>} : memref<128x128xf32, #tpu.memory_space<vmem>>, vector<1x16xf32>,
            %get3A_144 = vector.shape_cast %get3A_143 : vector<1x16xf32> to vector<16xf32>
            %mul3A_145 = arith.mulf %get3A_144, %get3A_144 : vector<16xf32>
            %swap3A_146 = arith.index_cast %scan3A_121 : i32 to index
            %swap3A_147 = arith.constant 32 : index
            %swap3A_148 = tpu.vector_load %arg12[%swap3A_146, %swap3A_147] {strides = array<i32>} : memref<128x128xf32, #tpu.memory_space<vmem>>, vector<1x16xf32>,
            %swap3A_149 = vector.shape_cast %swap3A_148 : vector<1x16xf32> to vector<16xf32>
            %swap3A_150 = vector.shape_cast %mul3A_145 : vector<16xf32> to vector<1x16xf32>
            tpu.vector_store %arg12[%swap3A_146, %swap3A_147], %swap3A_150 {strides = array<i32>} : memref<128x128xf32, #tpu.memory_space<vmem>>, vector<1x16xf32>,
            %get3A_151 = arith.index_cast %scan3A_121 : i32 to index
            %get3A_152 = arith.constant 48 : index
            %get3A_153 = tpu.vector_load %arg11[%get3A_151, %get3A_152] {strides = array<i32>} : memref<128x128xf32, #tpu.memory_space<vmem>>, vector<1x16xf32>,
            %get3A_154 = vector.shape_cast %get3A_153 : vector<1x16xf32> to vector<16xf32>
            %mul3A_155 = arith.mulf %get3A_154, %get3A_154 : vector<16xf32>
            %swap3A_156 = arith.index_cast %scan3A_121 : i32 to index
            %swap3A_157 = arith.constant 48 : index
            %swap3A_158 = tpu.vector_load %arg12[%swap3A_156, %swap3A_157] {strides = array<i32>} : memref<128x128xf32, #tpu.memory_space<vmem>>, vector<1x16xf32>,
            %swap3A_159 = vector.shape_cast %swap3A_158 : vector<1x16xf32> to vector<16xf32>
            %swap3A_160 = vector.shape_cast %mul3A_155 : vector<16xf32> to vector<1x16xf32>
            tpu.vector_store %arg12[%swap3A_156, %swap3A_157], %swap3A_160 {strides = array<i32>} : memref<128x128xf32, #tpu.memory_space<vmem>>, vector<1x16xf32>,
            %get3A_161 = arith.index_cast %scan3A_121 : i32 to index
            %get3A_162 = arith.constant 64 : index
            %get3A_163 = tpu.vector_load %arg11[%get3A_161, %get3A_162] {strides = array<i32>} : memref<128x128xf32, #tpu.memory_space<vmem>>, vector<1x16xf32>,
            %get3A_164 = vector.shape_cast %get3A_163 : vector<1x16xf32> to vector<16xf32>
            %mul3A_165 = arith.mulf %get3A_164, %get3A_164 : vector<16xf32>
            %swap3A_166 = arith.index_cast %scan3A_121 : i32 to index
            %swap3A_167 = arith.constant 64 : index
            %swap3A_168 = tpu.vector_load %arg12[%swap3A_166, %swap3A_167] {strides = array<i32>} : memref<128x128xf32, #tpu.memory_space<vmem>>, vector<1x16xf32>,
            %swap3A_169 = vector.shape_cast %swap3A_168 : vector<1x16xf32> to vector<16xf32>
            %swap3A_170 = vector.shape_cast %mul3A_165 : vector<16xf32> to vector<1x16xf32>
            tpu.vector_store %arg12[%swap3A_166, %swap3A_167], %swap3A_170 {strides = array<i32>} : memref<128x128xf32, #tpu.memory_space<vmem>>, vector<1x16xf32>,
            %get3A_171 = arith.index_cast %scan3A_121 : i32 to index
            %get3A_172 = arith.constant 80 : index
            %get3A_173 = tpu.vector_load %arg11[%get3A_171, %get3A_172] {strides = array<i32>} : memref<128x128xf32, #tpu.memory_space<vmem>>, vector<1x16xf32>,
            %get3A_174 = vector.shape_cast %get3A_173 : vector<1x16xf32> to vector<16xf32>
            %mul3A_175 = arith.mulf %get3A_174, %get3A_174 : vector<16xf32>
            %swap3A_176 = arith.index_cast %scan3A_121 : i32 to index
            %swap3A_177 = arith.constant 80 : index
            %swap3A_178 = tpu.vector_load %arg12[%swap3A_176, %swap3A_177] {strides = array<i32>} : memref<128x128xf32, #tpu.memory_space<vmem>>, vector<1x16xf32>,
            %swap3A_179 = vector.shape_cast %swap3A_178 : vector<1x16xf32> to vector<16xf32>
            %swap3A_180 = vector.shape_cast %mul3A_175 : vector<16xf32> to vector<1x16xf32>
            tpu.vector_store %arg12[%swap3A_176, %swap3A_177], %swap3A_180 {strides = array<i32>} : memref<128x128xf32, #tpu.memory_space<vmem>>, vector<1x16xf32>,
            %get3A_181 = arith.index_cast %scan3A_121 : i32 to index
            %get3A_182 = arith.constant 96 : index
            %get3A_183 = tpu.vector_load %arg11[%get3A_181, %get3A_182] {strides = array<i32>} : memref<128x128xf32, #tpu.memory_space<vmem>>, vector<1x16xf32>,
            %get3A_184 = vector.shape_cast %get3A_183 : vector<1x16xf32> to vector<16xf32>
            %mul3A_185 = arith.mulf %get3A_184, %get3A_184 : vector<16xf32>
            %swap3A_186 = arith.index_cast %scan3A_121 : i32 to index
            %swap3A_187 = arith.constant 96 : index
            %swap3A_188 = tpu.vector_load %arg12[%swap3A_186, %swap3A_187] {strides = array<i32>} : memref<128x128xf32, #tpu.memory_space<vmem>>, vector<1x16xf32>,
            %swap3A_189 = vector.shape_cast %swap3A_188 : vector<1x16xf32> to vector<16xf32>
            %swap3A_190 = vector.shape_cast %mul3A_185 : vector<16xf32> to vector<1x16xf32>
            tpu.vector_store %arg12[%swap3A_186, %swap3A_187], %swap3A_190 {strides = array<i32>} : memref<128x128xf32, #tpu.memory_space<vmem>>, vector<1x16xf32>,
            %get3A_191 = arith.index_cast %scan3A_121 : i32 to index
            %get3A_192 = arith.constant 112 : index
            %get3A_193 = tpu.vector_load %arg11[%get3A_191, %get3A_192] {strides = array<i32>} : memref<128x128xf32, #tpu.memory_space<vmem>>, vector<1x16xf32>,
            %get3A_194 = vector.shape_cast %get3A_193 : vector<1x16xf32> to vector<16xf32>
            %mul3A_195 = arith.mulf %get3A_194, %get3A_194 : vector<16xf32>
            %swap3A_196 = arith.index_cast %scan3A_121 : i32 to index
            %swap3A_197 = arith.constant 112 : index
            %swap3A_198 = tpu.vector_load %arg12[%swap3A_196, %swap3A_197] {strides = array<i32>} : memref<128x128xf32, #tpu.memory_space<vmem>>, vector<1x16xf32>,
            %swap3A_199 = vector.shape_cast %swap3A_198 : vector<1x16xf32> to vector<16xf32>
            %swap3A_200 = vector.shape_cast %mul3A_195 : vector<16xf32> to vector<1x16xf32>
            tpu.vector_store %arg12[%swap3A_196, %swap3A_197], %swap3A_200 {strides = array<i32>} : memref<128x128xf32, #tpu.memory_space<vmem>>, vector<1x16xf32>,
            %scan3A_201 = arith.constant 0 : i32
            scf.yield %scan3A_201 : i32
          }
          %scan3A_114 = arith.constant 128 : i32
          "tpu.region"() ({
            %run_scoped3A = tpu.sem_alloc : memref<!tpu.dma_semaphore, #tpu.memory_space<semaphore_mem>>
            %dma_start3A = arith.constant 0 : i32
            %dma_start3A_121 = tpu.memref_slice %arg10[%scan3A_96, %dma_start3A] : memref<16x128xi32, #tpu.memory_space<vmem>> -> memref<1x128xi32, #tpu.memory_space<vmem>>
            %dma_start3A_122 = tpu.memref_squeeze %dma_start3A_121 : memref<1x128xi32, #tpu.memory_space<vmem>> -> memref<128xi32, #tpu.memory_space<vmem>>
            %dma_start3A_123 = arith.constant 0 : i32
            %dma_start3A_124 = arith.constant 0 : i32
            %dma_start3A_125 = tpu.memref_slice %arg14[%dma_start3A_123, %dma_start3A_124] : memref<5248x128xf32, #tpu.memory_space<vmem_shared>> -> memref<5248x128xf32, #tpu.memory_space<vmem_shared>>
            tpu.enqueue_indirect_dma source(%arg11 : memref<128x128xf32, #tpu.memory_space<vmem>>) target(%dma_start3A_125 : memref<5248x128xf32, #tpu.memory_space<vmem_shared>>) offsets(%dma_start3A_122 : memref<128xi32, #tpu.memory_space<vmem>>) semaphore(%run_scoped3A : memref<!tpu.dma_semaphore, #tpu.memory_space<semaphore_mem>>) {add = true}
            %dma_wait3A = arith.constant 0 : i32
            %dma_wait3A_126 = tpu.memref_slice %arg10[%scan3A_96, %dma_wait3A] : memref<16x128xi32, #tpu.memory_space<vmem>> -> memref<1x128xi32, #tpu.memory_space<vmem>>
            %dma_wait3A_127 = tpu.memref_squeeze %dma_wait3A_126 : memref<1x128xi32, #tpu.memory_space<vmem>> -> memref<128xi32, #tpu.memory_space<vmem>>
            %dma_wait3A_128 = arith.constant 0 : i32
            %dma_wait3A_129 = arith.constant 0 : i32
            %dma_wait3A_130 = tpu.memref_slice %arg14[%dma_wait3A_128, %dma_wait3A_129] : memref<5248x128xf32, #tpu.memory_space<vmem_shared>> -> memref<5248x128xf32, #tpu.memory_space<vmem_shared>>
            tpu.wait_indirect_dma semaphore(%run_scoped3A : memref<!tpu.dma_semaphore, #tpu.memory_space<semaphore_mem>>) src(%arg11 : memref<128x128xf32, #tpu.memory_space<vmem>>) dst(%dma_wait3A_130 : memref<5248x128xf32, #tpu.memory_space<vmem_shared>>)
            tpu.yield
          }) : () -> ()
          "tpu.region"() ({
            %run_scoped3A = tpu.sem_alloc : memref<!tpu.dma_semaphore, #tpu.memory_space<semaphore_mem>>
            %dma_start3A = arith.constant 0 : i32
            %dma_start3A_121 = tpu.memref_slice %arg10[%scan3A_96, %dma_start3A] : memref<16x128xi32, #tpu.memory_space<vmem>> -> memref<1x128xi32, #tpu.memory_space<vmem>>
            %dma_start3A_122 = tpu.memref_squeeze %dma_start3A_121 : memref<1x128xi32, #tpu.memory_space<vmem>> -> memref<128xi32, #tpu.memory_space<vmem>>
            %dma_start3A_123 = arith.constant 0 : i32
            %dma_start3A_124 = arith.constant 0 : i32
            %dma_start3A_125 = tpu.memref_slice %arg15[%dma_start3A_123, %dma_start3A_124] : memref<5248x128xf32, #tpu.memory_space<vmem_shared>> -> memref<5248x128xf32, #tpu.memory_space<vmem_shared>>
            tpu.enqueue_indirect_dma source(%arg12 : memref<128x128xf32, #tpu.memory_space<vmem>>) target(%dma_start3A_125 : memref<5248x128xf32, #tpu.memory_space<vmem_shared>>) offsets(%dma_start3A_122 : memref<128xi32, #tpu.memory_space<vmem>>) semaphore(%run_scoped3A : memref<!tpu.dma_semaphore, #tpu.memory_space<semaphore_mem>>) {add = true}
            %dma_wait3A = arith.constant 0 : i32
            %dma_wait3A_126 = tpu.memref_slice %arg10[%scan3A_96, %dma_wait3A] : memref<16x128xi32, #tpu.memory_space<vmem>> -> memref<1x128xi32, #tpu.memory_space<vmem>>
            %dma_wait3A_127 = tpu.memref_squeeze %dma_wait3A_126 : memref<1x128xi32, #tpu.memory_space<vmem>> -> memref<128xi32, #tpu.memory_space<vmem>>
            %dma_wait3A_128 = arith.constant 0 : i32
            %dma_wait3A_129 = arith.constant 0 : i32
            %dma_wait3A_130 = tpu.memref_slice %arg15[%dma_wait3A_128, %dma_wait3A_129] : memref<5248x128xf32, #tpu.memory_space<vmem_shared>> -> memref<5248x128xf32, #tpu.memory_space<vmem_shared>>
            tpu.wait_indirect_dma semaphore(%run_scoped3A : memref<!tpu.dma_semaphore, #tpu.memory_space<semaphore_mem>>) src(%arg12 : memref<128x128xf32, #tpu.memory_space<vmem>>) dst(%dma_wait3A_130 : memref<5248x128xf32, #tpu.memory_space<vmem_shared>>)
            tpu.yield
          }) : () -> ()
          %eq3A_115 = arith.constant 0 : i32
          %eq3A_116 = arith.cmpi eq, %arg0, %eq3A_115 : i32
          %convert_element_type3A_117 = arith.extui %eq3A_116 : i1 to i32
          %cond3A_118 = arith.constant 0 : i32
          %cond3A_119 = arith.cmpi ne, %convert_element_type3A_117, %cond3A_118 : i32
          scf.if %cond3A_119 {
            "tpu.region"() ({
              %run_scoped3A = tpu.sem_alloc : memref<!tpu.dma_semaphore, #tpu.memory_space<semaphore_mem>>
              %dma_start3A = arith.constant 0 : i32
              %dma_start3A_121 = tpu.memref_slice %arg13[%dma_start3A] : memref<656xf32, #tpu.memory_space<vmem>> -> memref<128xf32, #tpu.memory_space<vmem>>
              %dma_start3A_122 = arith.constant 0 : i32
              %dma_start3A_123 = tpu.memref_slice %arg9[%scan3A_96, %dma_start3A_122] : memref<16x128xi32, #tpu.memory_space<vmem>> -> memref<1x128xi32, #tpu.memory_space<vmem>>
              %dma_start3A_124 = tpu.memref_squeeze %dma_start3A_123 : memref<1x128xi32, #tpu.memory_space<vmem>> -> memref<128xi32, #tpu.memory_space<vmem>>
              %dma_start3A_125 = arith.constant 0 : i32
              %dma_start3A_126 = tpu.memref_slice %arg16[%dma_start3A_125] : memref<10496xf32, #tpu.memory_space<vmem_shared>> -> memref<10496xf32, #tpu.memory_space<vmem_shared>>
              tpu.enqueue_indirect_dma source(%dma_start3A_121 : memref<128xf32, #tpu.memory_space<vmem>>) target(%dma_start3A_126 : memref<10496xf32, #tpu.memory_space<vmem_shared>>) offsets(%dma_start3A_124 : memref<128xi32, #tpu.memory_space<vmem>>) semaphore(%run_scoped3A : memref<!tpu.dma_semaphore, #tpu.memory_space<semaphore_mem>>) {add = true}
              %dma_wait3A = arith.constant 0 : i32
              %dma_wait3A_127 = tpu.memref_slice %arg13[%dma_wait3A] : memref<656xf32, #tpu.memory_space<vmem>> -> memref<128xf32, #tpu.memory_space<vmem>>
              %dma_wait3A_128 = arith.constant 0 : i32
              %dma_wait3A_129 = tpu.memref_slice %arg9[%scan3A_96, %dma_wait3A_128] : memref<16x128xi32, #tpu.memory_space<vmem>> -> memref<1x128xi32, #tpu.memory_space<vmem>>
              %dma_wait3A_130 = tpu.memref_squeeze %dma_wait3A_129 : memref<1x128xi32, #tpu.memory_space<vmem>> -> memref<128xi32, #tpu.memory_space<vmem>>
              %dma_wait3A_131 = arith.constant 0 : i32
              %dma_wait3A_132 = tpu.memref_slice %arg16[%dma_wait3A_131] : memref<10496xf32, #tpu.memory_space<vmem_shared>> -> memref<10496xf32, #tpu.memory_space<vmem_shared>>
              tpu.wait_indirect_dma semaphore(%run_scoped3A : memref<!tpu.dma_semaphore, #tpu.memory_space<semaphore_mem>>) src(%dma_wait3A_127 : memref<128xf32, #tpu.memory_space<vmem>>) dst(%dma_wait3A_132 : memref<10496xf32, #tpu.memory_space<vmem_shared>>)
              tpu.yield
            }) : () -> ()
          } else {
          }
          %scan3A_120 = arith.constant 0 : i32
          scf.yield %scan3A_120 : i32
        }
        %scan3A_95 = arith.constant 16 : i32
      } else {
      }
      %scan3A_82 = arith.constant 0 : i32
      scf.yield %scan3A_82 : i32
    }
    %scan3A_55 = arith.constant 10 : i32
    %eq3A = arith.constant 15 : i32
    %eq3A_56 = arith.cmpi eq, %arg1, %eq3A : i32
    %convert_element_type3A = arith.extui %eq3A_56 : i1 to i32
    %cond3A = arith.constant 0 : i32
    %cond3A_57 = arith.cmpi ne, %convert_element_type3A, %cond3A : i32
    scf.if %cond3A_57 {
      "tpu.region"() ({
        %run_scoped3A = tpu.sem_alloc : memref<!tpu.dma_semaphore, #tpu.memory_space<semaphore_mem>>
        %dma_start3A = arith.constant 0 : i32
        %dma_start3A_80 = tpu.memref_slice %arg8[%dma_start3A] : memref<2048xi32, #tpu.memory_space<vmem>> -> memref<512xi32, #tpu.memory_space<vmem>>
        %dma_start3A_81 = arith.constant 319488 : i32
        %dma_start3A_82 = tpu.memref_slice %arg2[%dma_start3A_81] : memref<320000xi32, #tpu.memory_space<hbm>> -> memref<512xi32, #tpu.memory_space<hbm>>
        %dma_start3A_83 = arith.constant 0 : i32
        %dma_start3A_84 = tpu.memref_slice %arg8[%dma_start3A_83] : memref<2048xi32, #tpu.memory_space<vmem>> -> memref<512xi32, #tpu.memory_space<vmem>>
        %dma_start3A_85 = arith.constant 319488 : i32
        %dma_start3A_86 = tpu.memref_slice %arg2[%dma_start3A_85] : memref<320000xi32, #tpu.memory_space<hbm>> -> memref<512xi32, #tpu.memory_space<hbm>>
        tpu.enqueue_dma source(%dma_start3A_86 : memref<512xi32, #tpu.memory_space<hbm>>) target(%dma_start3A_84 : memref<512xi32, #tpu.memory_space<vmem>>) target_semaphore(%run_scoped3A : memref<!tpu.dma_semaphore, #tpu.memory_space<semaphore_mem>>)
        %dma_wait3A = arith.constant 0 : i32
        %dma_wait3A_87 = tpu.memref_slice %arg8[%dma_wait3A] : memref<2048xi32, #tpu.memory_space<vmem>> -> memref<512xi32, #tpu.memory_space<vmem>>
        %dma_wait3A_88 = arith.constant 319488 : i32
        %dma_wait3A_89 = tpu.memref_slice %arg2[%dma_wait3A_88] : memref<320000xi32, #tpu.memory_space<hbm>> -> memref<512xi32, #tpu.memory_space<hbm>>
        %dma_wait3A_90 = arith.constant 0 : i32
        %dma_wait3A_91 = tpu.memref_slice %arg8[%dma_wait3A_90] : memref<2048xi32, #tpu.memory_space<vmem>> -> memref<512xi32, #tpu.memory_space<vmem>>
        %dma_wait3A_92 = arith.constant 319488 : i32
        %dma_wait3A_93 = tpu.memref_slice %arg2[%dma_wait3A_92] : memref<320000xi32, #tpu.memory_space<hbm>> -> memref<512xi32, #tpu.memory_space<hbm>>
        tpu.wait_dma2 semaphore(%run_scoped3A : memref<!tpu.dma_semaphore, #tpu.memory_space<semaphore_mem>>) src(%dma_wait3A_93 : memref<512xi32, #tpu.memory_space<hbm>>) dst(%dma_wait3A_91 : memref<512xi32, #tpu.memory_space<vmem>>)
        tpu.yield
      }) : () -> ()
      "tpu.region"() ({
        %run_scoped3A = tpu.sem_alloc : memref<!tpu.dma_semaphore, #tpu.memory_space<semaphore_mem>>
        %dma_start3A = arith.constant 0 : i32
        %dma_start3A_80 = arith.constant 0 : i32
        %dma_start3A_81 = tpu.memref_slice %arg9[%dma_start3A, %dma_start3A_80] : memref<16x128xi32, #tpu.memory_space<vmem>> -> memref<4x128xi32, #tpu.memory_space<vmem>>
        %dma_start3A_82 = arith.constant 2496 : i32
        %dma_start3A_83 = arith.constant 0 : i32
        %dma_start3A_84 = tpu.memref_slice %arg3[%dma_start3A_82, %dma_start3A_83] : memref<2500x128xi32, #tpu.memory_space<hbm>> -> memref<4x128xi32, #tpu.memory_space<hbm>>
        %dma_start3A_85 = arith.constant 0 : i32
        %dma_start3A_86 = arith.constant 0 : i32
        %dma_start3A_87 = tpu.memref_slice %arg9[%dma_start3A_85, %dma_start3A_86] : memref<16x128xi32, #tpu.memory_space<vmem>> -> memref<4x128xi32, #tpu.memory_space<vmem>>
        %dma_start3A_88 = arith.constant 2496 : i32
        %dma_start3A_89 = arith.constant 0 : i32
        %dma_start3A_90 = tpu.memref_slice %arg3[%dma_start3A_88, %dma_start3A_89] : memref<2500x128xi32, #tpu.memory_space<hbm>> -> memref<4x128xi32, #tpu.memory_space<hbm>>
        tpu.enqueue_dma source(%dma_start3A_90 : memref<4x128xi32, #tpu.memory_space<hbm>>) target(%dma_start3A_87 : memref<4x128xi32, #tpu.memory_space<vmem>>) target_semaphore(%run_scoped3A : memref<!tpu.dma_semaphore, #tpu.memory_space<semaphore_mem>>)
        %dma_wait3A = arith.constant 0 : i32
        %dma_wait3A_91 = arith.constant 0 : i32
        %dma_wait3A_92 = tpu.memref_slice %arg9[%dma_wait3A, %dma_wait3A_91] : memref<16x128xi32, #tpu.memory_space<vmem>> -> memref<4x128xi32, #tpu.memory_space<vmem>>
        %dma_wait3A_93 = arith.constant 2496 : i32
        %dma_wait3A_94 = arith.constant 0 : i32
        %dma_wait3A_95 = tpu.memref_slice %arg3[%dma_wait3A_93, %dma_wait3A_94] : memref<2500x128xi32, #tpu.memory_space<hbm>> -> memref<4x128xi32, #tpu.memory_space<hbm>>
        %dma_wait3A_96 = arith.constant 0 : i32
        %dma_wait3A_97 = arith.constant 0 : i32
        %dma_wait3A_98 = tpu.memref_slice %arg9[%dma_wait3A_96, %dma_wait3A_97] : memref<16x128xi32, #tpu.memory_space<vmem>> -> memref<4x128xi32, #tpu.memory_space<vmem>>
        %dma_wait3A_99 = arith.constant 2496 : i32
        %dma_wait3A_100 = arith.constant 0 : i32
        %dma_wait3A_101 = tpu.memref_slice %arg3[%dma_wait3A_99, %dma_wait3A_100] : memref<2500x128xi32, #tpu.memory_space<hbm>> -> memref<4x128xi32, #tpu.memory_space<hbm>>
        tpu.wait_dma2 semaphore(%run_scoped3A : memref<!tpu.dma_semaphore, #tpu.memory_space<semaphore_mem>>) src(%dma_wait3A_101 : memref<4x128xi32, #tpu.memory_space<hbm>>) dst(%dma_wait3A_98 : memref<4x128xi32, #tpu.memory_space<vmem>>)
        tpu.yield
      }) : () -> ()
      %scan3A_73 = arith.constant 0 : i32
      %scan3A_74 = arith.constant 0 : i32
      %scan3A_75 = arith.constant 4 : i32
      %scan3A_76 = arith.addi %scan3A_74, %scan3A_75 : i32
      %scan3A_77 = arith.constant 1 : i32
      %scan3A_78 = scf.for %scan3A_80 = %scan3A_74 to %scan3A_76 step %scan3A_77 iter_args(%scan3A_81 = %scan3A_73) -> (i32)  : i32 {
        %scan3A_82 = arith.constant 0 : i32
        %scan3A_83 = arith.constant 0 : i32
        %scan3A_84 = arith.constant 8 : i32
        %scan3A_85 = arith.addi %scan3A_83, %scan3A_84 : i32
        %scan3A_86 = arith.constant 1 : i32
        %scan3A_87 = scf.for %scan3A_105 = %scan3A_83 to %scan3A_85 step %scan3A_86 iter_args(%scan3A_106 = %scan3A_82) -> (i32)  : i32 {
          %mul3A_107 = arith.constant 16 : i32
          %mul3A_108 = arith.muli %scan3A_105, %mul3A_107 : i32
          %get3A = arith.index_cast %scan3A_80 : i32 to index
          %get3A_109 = arith.index_cast %mul3A_108 : i32 to index
          %get3A_110 = tpu.vector_load %arg9[%get3A, %get3A_109] {strides = array<i32>} : memref<16x128xi32, #tpu.memory_space<vmem>>, vector<1x16xi32>,
          %get3A_111 = vector.shape_cast %get3A_110 : vector<1x16xi32> to vector<16xi32>
          %sub3A = vector.broadcast %mul3A_0 : i32 to vector<16xi32>
          %sub3A_112 = arith.subi %get3A_111, %sub3A : vector<16xi32>
          %ge3A = arith.constant 0 : i32
          %ge3A_113 = vector.broadcast %ge3A : i32 to vector<16xi32>
          %ge3A_114 = arith.cmpi sge, %sub3A_112, %ge3A_113 : vector<16xi32>
          %lt3A = arith.constant 5120 : i32
          %lt3A_115 = vector.broadcast %lt3A : i32 to vector<16xi32>
          %lt3A_116 = arith.cmpi slt, %sub3A_112, %lt3A_115 : vector<16xi32>
          %and3A = arith.andi %ge3A_114, %lt3A_116 : vector<16xi1>
          %add3A_117 = arith.constant 5120 : i32
          %add3A_118 = vector.broadcast %add3A_117 : i32 to vector<16xi32>
          %add3A_119 = arith.addi %add3A_118, %iota3A : vector<16xi32>
          %select_n3A = arith.select %and3A, %sub3A_112, %add3A_119 : vector<16xi1>, vector<16xi32>
          %mul3A_120 = arith.constant 16 : i32
          %mul3A_121 = arith.muli %scan3A_105, %mul3A_120 : i32
          %swap3A = arith.index_cast %scan3A_80 : i32 to index
          %swap3A_122 = arith.index_cast %mul3A_121 : i32 to index
          %swap3A_123 = tpu.vector_load %arg10[%swap3A, %swap3A_122] {strides = array<i32>} : memref<16x128xi32, #tpu.memory_space<vmem>>, vector<1x16xi32>,
          %swap3A_124 = vector.shape_cast %swap3A_123 : vector<1x16xi32> to vector<16xi32>
          %swap3A_125 = vector.shape_cast %select_n3A : vector<16xi32> to vector<1x16xi32>
          tpu.vector_store %arg10[%swap3A, %swap3A_122], %swap3A_125 {strides = array<i32>} : memref<16x128xi32, #tpu.memory_space<vmem>>, vector<1x16xi32>,
          %scan3A_126 = arith.constant 0 : i32
          scf.yield %scan3A_126 : i32
        }
        %scan3A_88 = arith.constant 8 : i32
        %mul3A_89 = arith.constant 128 : i32
        %mul3A_90 = arith.muli %scan3A_80, %mul3A_89 : i32
        %multiple_of3A_91 = tpu.assume_multiple %mul3A_90, 8 : i32
        "tpu.region"() ({
          %run_scoped3A = tpu.sem_alloc : memref<!tpu.dma_semaphore, #tpu.memory_space<semaphore_mem>>
          %dma_start3A = tpu.memref_slice %arg8[%multiple_of3A_91] : memref<2048xi32, #tpu.memory_space<vmem>> -> memref<128xi32, #tpu.memory_space<vmem>>
          %dma_start3A_105 = arith.constant 0 : i32
          %dma_start3A_106 = arith.constant 0 : i32
          %dma_start3A_107 = tpu.memref_slice %arg4[%dma_start3A_105, %dma_start3A_106] : memref<10000x128xf32, #tpu.memory_space<hbm>> -> memref<10000x128xf32, #tpu.memory_space<hbm>>
          tpu.enqueue_indirect_dma source(%dma_start3A_107 : memref<10000x128xf32, #tpu.memory_space<hbm>>) target(%arg11 : memref<128x128xf32, #tpu.memory_space<vmem>>) offsets(%dma_start3A : memref<128xi32, #tpu.memory_space<vmem>>) semaphore(%run_scoped3A : memref<!tpu.dma_semaphore, #tpu.memory_space<semaphore_mem>>)
          %dma_wait3A = tpu.memref_slice %arg8[%multiple_of3A_91] : memref<2048xi32, #tpu.memory_space<vmem>> -> memref<128xi32, #tpu.memory_space<vmem>>
          %dma_wait3A_108 = arith.constant 0 : i32
          %dma_wait3A_109 = arith.constant 0 : i32
          %dma_wait3A_110 = tpu.memref_slice %arg4[%dma_wait3A_108, %dma_wait3A_109] : memref<10000x128xf32, #tpu.memory_space<hbm>> -> memref<10000x128xf32, #tpu.memory_space<hbm>>
          tpu.wait_indirect_dma semaphore(%run_scoped3A : memref<!tpu.dma_semaphore, #tpu.memory_space<semaphore_mem>>) src(%dma_wait3A_110 : memref<10000x128xf32, #tpu.memory_space<hbm>>) dst(%arg11 : memref<128x128xf32, #tpu.memory_space<vmem>>)
          tpu.yield
        }) : () -> ()
        %scan3A_92 = arith.constant 0 : i32
        %scan3A_93 = arith.constant 0 : i32
        %scan3A_94 = arith.constant 128 : i32
        %scan3A_95 = arith.addi %scan3A_93, %scan3A_94 : i32
        %scan3A_96 = arith.constant 1 : i32
        %scan3A_97 = scf.for %scan3A_105 = %scan3A_93 to %scan3A_95 step %scan3A_96 iter_args(%scan3A_106 = %scan3A_92) -> (i32)  : i32 {
          %get3A = arith.index_cast %scan3A_105 : i32 to index
          %get3A_107 = arith.constant 0 : index
          %get3A_108 = tpu.vector_load %arg11[%get3A, %get3A_107] {strides = array<i32>} : memref<128x128xf32, #tpu.memory_space<vmem>>, vector<1x16xf32>,
          %get3A_109 = vector.shape_cast %get3A_108 : vector<1x16xf32> to vector<16xf32>
          %mul3A_110 = arith.mulf %get3A_109, %get3A_109 : vector<16xf32>
          %swap3A = arith.index_cast %scan3A_105 : i32 to index
          %swap3A_111 = arith.constant 0 : index
          %swap3A_112 = tpu.vector_load %arg12[%swap3A, %swap3A_111] {strides = array<i32>} : memref<128x128xf32, #tpu.memory_space<vmem>>, vector<1x16xf32>,
          %swap3A_113 = vector.shape_cast %swap3A_112 : vector<1x16xf32> to vector<16xf32>
          %swap3A_114 = vector.shape_cast %mul3A_110 : vector<16xf32> to vector<1x16xf32>
          tpu.vector_store %arg12[%swap3A, %swap3A_111], %swap3A_114 {strides = array<i32>} : memref<128x128xf32, #tpu.memory_space<vmem>>, vector<1x16xf32>,
          %get3A_115 = arith.index_cast %scan3A_105 : i32 to index
          %get3A_116 = arith.constant 16 : index
          %get3A_117 = tpu.vector_load %arg11[%get3A_115, %get3A_116] {strides = array<i32>} : memref<128x128xf32, #tpu.memory_space<vmem>>, vector<1x16xf32>,
          %get3A_118 = vector.shape_cast %get3A_117 : vector<1x16xf32> to vector<16xf32>
          %mul3A_119 = arith.mulf %get3A_118, %get3A_118 : vector<16xf32>
          %swap3A_120 = arith.index_cast %scan3A_105 : i32 to index
          %swap3A_121 = arith.constant 16 : index
          %swap3A_122 = tpu.vector_load %arg12[%swap3A_120, %swap3A_121] {strides = array<i32>} : memref<128x128xf32, #tpu.memory_space<vmem>>, vector<1x16xf32>,
          %swap3A_123 = vector.shape_cast %swap3A_122 : vector<1x16xf32> to vector<16xf32>
          %swap3A_124 = vector.shape_cast %mul3A_119 : vector<16xf32> to vector<1x16xf32>
          tpu.vector_store %arg12[%swap3A_120, %swap3A_121], %swap3A_124 {strides = array<i32>} : memref<128x128xf32, #tpu.memory_space<vmem>>, vector<1x16xf32>,
          %get3A_125 = arith.index_cast %scan3A_105 : i32 to index
          %get3A_126 = arith.constant 32 : index
          %get3A_127 = tpu.vector_load %arg11[%get3A_125, %get3A_126] {strides = array<i32>} : memref<128x128xf32, #tpu.memory_space<vmem>>, vector<1x16xf32>,
          %get3A_128 = vector.shape_cast %get3A_127 : vector<1x16xf32> to vector<16xf32>
          %mul3A_129 = arith.mulf %get3A_128, %get3A_128 : vector<16xf32>
          %swap3A_130 = arith.index_cast %scan3A_105 : i32 to index
          %swap3A_131 = arith.constant 32 : index
          %swap3A_132 = tpu.vector_load %arg12[%swap3A_130, %swap3A_131] {strides = array<i32>} : memref<128x128xf32, #tpu.memory_space<vmem>>, vector<1x16xf32>,
          %swap3A_133 = vector.shape_cast %swap3A_132 : vector<1x16xf32> to vector<16xf32>
          %swap3A_134 = vector.shape_cast %mul3A_129 : vector<16xf32> to vector<1x16xf32>
          tpu.vector_store %arg12[%swap3A_130, %swap3A_131], %swap3A_134 {strides = array<i32>} : memref<128x128xf32, #tpu.memory_space<vmem>>, vector<1x16xf32>,
          %get3A_135 = arith.index_cast %scan3A_105 : i32 to index
          %get3A_136 = arith.constant 48 : index
          %get3A_137 = tpu.vector_load %arg11[%get3A_135, %get3A_136] {strides = array<i32>} : memref<128x128xf32, #tpu.memory_space<vmem>>, vector<1x16xf32>,
          %get3A_138 = vector.shape_cast %get3A_137 : vector<1x16xf32> to vector<16xf32>
          %mul3A_139 = arith.mulf %get3A_138, %get3A_138 : vector<16xf32>
          %swap3A_140 = arith.index_cast %scan3A_105 : i32 to index
          %swap3A_141 = arith.constant 48 : index
          %swap3A_142 = tpu.vector_load %arg12[%swap3A_140, %swap3A_141] {strides = array<i32>} : memref<128x128xf32, #tpu.memory_space<vmem>>, vector<1x16xf32>,
          %swap3A_143 = vector.shape_cast %swap3A_142 : vector<1x16xf32> to vector<16xf32>
          %swap3A_144 = vector.shape_cast %mul3A_139 : vector<16xf32> to vector<1x16xf32>
          tpu.vector_store %arg12[%swap3A_140, %swap3A_141], %swap3A_144 {strides = array<i32>} : memref<128x128xf32, #tpu.memory_space<vmem>>, vector<1x16xf32>,
          %get3A_145 = arith.index_cast %scan3A_105 : i32 to index
          %get3A_146 = arith.constant 64 : index
          %get3A_147 = tpu.vector_load %arg11[%get3A_145, %get3A_146] {strides = array<i32>} : memref<128x128xf32, #tpu.memory_space<vmem>>, vector<1x16xf32>,
          %get3A_148 = vector.shape_cast %get3A_147 : vector<1x16xf32> to vector<16xf32>
          %mul3A_149 = arith.mulf %get3A_148, %get3A_148 : vector<16xf32>
          %swap3A_150 = arith.index_cast %scan3A_105 : i32 to index
          %swap3A_151 = arith.constant 64 : index
          %swap3A_152 = tpu.vector_load %arg12[%swap3A_150, %swap3A_151] {strides = array<i32>} : memref<128x128xf32, #tpu.memory_space<vmem>>, vector<1x16xf32>,
          %swap3A_153 = vector.shape_cast %swap3A_152 : vector<1x16xf32> to vector<16xf32>
          %swap3A_154 = vector.shape_cast %mul3A_149 : vector<16xf32> to vector<1x16xf32>
          tpu.vector_store %arg12[%swap3A_150, %swap3A_151], %swap3A_154 {strides = array<i32>} : memref<128x128xf32, #tpu.memory_space<vmem>>, vector<1x16xf32>,
          %get3A_155 = arith.index_cast %scan3A_105 : i32 to index
          %get3A_156 = arith.constant 80 : index
          %get3A_157 = tpu.vector_load %arg11[%get3A_155, %get3A_156] {strides = array<i32>} : memref<128x128xf32, #tpu.memory_space<vmem>>, vector<1x16xf32>,
          %get3A_158 = vector.shape_cast %get3A_157 : vector<1x16xf32> to vector<16xf32>
          %mul3A_159 = arith.mulf %get3A_158, %get3A_158 : vector<16xf32>
          %swap3A_160 = arith.index_cast %scan3A_105 : i32 to index
          %swap3A_161 = arith.constant 80 : index
          %swap3A_162 = tpu.vector_load %arg12[%swap3A_160, %swap3A_161] {strides = array<i32>} : memref<128x128xf32, #tpu.memory_space<vmem>>, vector<1x16xf32>,
          %swap3A_163 = vector.shape_cast %swap3A_162 : vector<1x16xf32> to vector<16xf32>
          %swap3A_164 = vector.shape_cast %mul3A_159 : vector<16xf32> to vector<1x16xf32>
          tpu.vector_store %arg12[%swap3A_160, %swap3A_161], %swap3A_164 {strides = array<i32>} : memref<128x128xf32, #tpu.memory_space<vmem>>, vector<1x16xf32>,
          %get3A_165 = arith.index_cast %scan3A_105 : i32 to index
          %get3A_166 = arith.constant 96 : index
          %get3A_167 = tpu.vector_load %arg11[%get3A_165, %get3A_166] {strides = array<i32>} : memref<128x128xf32, #tpu.memory_space<vmem>>, vector<1x16xf32>,
          %get3A_168 = vector.shape_cast %get3A_167 : vector<1x16xf32> to vector<16xf32>
          %mul3A_169 = arith.mulf %get3A_168, %get3A_168 : vector<16xf32>
          %swap3A_170 = arith.index_cast %scan3A_105 : i32 to index
          %swap3A_171 = arith.constant 96 : index
          %swap3A_172 = tpu.vector_load %arg12[%swap3A_170, %swap3A_171] {strides = array<i32>} : memref<128x128xf32, #tpu.memory_space<vmem>>, vector<1x16xf32>,
          %swap3A_173 = vector.shape_cast %swap3A_172 : vector<1x16xf32> to vector<16xf32>
          %swap3A_174 = vector.shape_cast %mul3A_169 : vector<16xf32> to vector<1x16xf32>
          tpu.vector_store %arg12[%swap3A_170, %swap3A_171], %swap3A_174 {strides = array<i32>} : memref<128x128xf32, #tpu.memory_space<vmem>>, vector<1x16xf32>,
          %get3A_175 = arith.index_cast %scan3A_105 : i32 to index
          %get3A_176 = arith.constant 112 : index
          %get3A_177 = tpu.vector_load %arg11[%get3A_175, %get3A_176] {strides = array<i32>} : memref<128x128xf32, #tpu.memory_space<vmem>>, vector<1x16xf32>,
          %get3A_178 = vector.shape_cast %get3A_177 : vector<1x16xf32> to vector<16xf32>
          %mul3A_179 = arith.mulf %get3A_178, %get3A_178 : vector<16xf32>
          %swap3A_180 = arith.index_cast %scan3A_105 : i32 to index
          %swap3A_181 = arith.constant 112 : index
          %swap3A_182 = tpu.vector_load %arg12[%swap3A_180, %swap3A_181] {strides = array<i32>} : memref<128x128xf32, #tpu.memory_space<vmem>>, vector<1x16xf32>,
          %swap3A_183 = vector.shape_cast %swap3A_182 : vector<1x16xf32> to vector<16xf32>
          %swap3A_184 = vector.shape_cast %mul3A_179 : vector<16xf32> to vector<1x16xf32>
          tpu.vector_store %arg12[%swap3A_180, %swap3A_181], %swap3A_184 {strides = array<i32>} : memref<128x128xf32, #tpu.memory_space<vmem>>, vector<1x16xf32>,
          %scan3A_185 = arith.constant 0 : i32
          scf.yield %scan3A_185 : i32
        }
        %scan3A_98 = arith.constant 128 : i32
        "tpu.region"() ({
          %run_scoped3A = tpu.sem_alloc : memref<!tpu.dma_semaphore, #tpu.memory_space<semaphore_mem>>
          %dma_start3A = arith.constant 0 : i32
          %dma_start3A_105 = tpu.memref_slice %arg10[%scan3A_80, %dma_start3A] : memref<16x128xi32, #tpu.memory_space<vmem>> -> memref<1x128xi32, #tpu.memory_space<vmem>>
          %dma_start3A_106 = tpu.memref_squeeze %dma_start3A_105 : memref<1x128xi32, #tpu.memory_space<vmem>> -> memref<128xi32, #tpu.memory_space<vmem>>
          %dma_start3A_107 = arith.constant 0 : i32
          %dma_start3A_108 = arith.constant 0 : i32
          %dma_start3A_109 = tpu.memref_slice %arg14[%dma_start3A_107, %dma_start3A_108] : memref<5248x128xf32, #tpu.memory_space<vmem_shared>> -> memref<5248x128xf32, #tpu.memory_space<vmem_shared>>
          tpu.enqueue_indirect_dma source(%arg11 : memref<128x128xf32, #tpu.memory_space<vmem>>) target(%dma_start3A_109 : memref<5248x128xf32, #tpu.memory_space<vmem_shared>>) offsets(%dma_start3A_106 : memref<128xi32, #tpu.memory_space<vmem>>) semaphore(%run_scoped3A : memref<!tpu.dma_semaphore, #tpu.memory_space<semaphore_mem>>) {add = true}
          %dma_wait3A = arith.constant 0 : i32
          %dma_wait3A_110 = tpu.memref_slice %arg10[%scan3A_80, %dma_wait3A] : memref<16x128xi32, #tpu.memory_space<vmem>> -> memref<1x128xi32, #tpu.memory_space<vmem>>
          %dma_wait3A_111 = tpu.memref_squeeze %dma_wait3A_110 : memref<1x128xi32, #tpu.memory_space<vmem>> -> memref<128xi32, #tpu.memory_space<vmem>>
          %dma_wait3A_112 = arith.constant 0 : i32
          %dma_wait3A_113 = arith.constant 0 : i32
          %dma_wait3A_114 = tpu.memref_slice %arg14[%dma_wait3A_112, %dma_wait3A_113] : memref<5248x128xf32, #tpu.memory_space<vmem_shared>> -> memref<5248x128xf32, #tpu.memory_space<vmem_shared>>
          tpu.wait_indirect_dma semaphore(%run_scoped3A : memref<!tpu.dma_semaphore, #tpu.memory_space<semaphore_mem>>) src(%arg11 : memref<128x128xf32, #tpu.memory_space<vmem>>) dst(%dma_wait3A_114 : memref<5248x128xf32, #tpu.memory_space<vmem_shared>>)
          tpu.yield
        }) : () -> ()
        "tpu.region"() ({
          %run_scoped3A = tpu.sem_alloc : memref<!tpu.dma_semaphore, #tpu.memory_space<semaphore_mem>>
          %dma_start3A = arith.constant 0 : i32
          %dma_start3A_105 = tpu.memref_slice %arg10[%scan3A_80, %dma_start3A] : memref<16x128xi32, #tpu.memory_space<vmem>> -> memref<1x128xi32, #tpu.memory_space<vmem>>
          %dma_start3A_106 = tpu.memref_squeeze %dma_start3A_105 : memref<1x128xi32, #tpu.memory_space<vmem>> -> memref<128xi32, #tpu.memory_space<vmem>>
          %dma_start3A_107 = arith.constant 0 : i32
          %dma_start3A_108 = arith.constant 0 : i32
          %dma_start3A_109 = tpu.memref_slice %arg15[%dma_start3A_107, %dma_start3A_108] : memref<5248x128xf32, #tpu.memory_space<vmem_shared>> -> memref<5248x128xf32, #tpu.memory_space<vmem_shared>>
          tpu.enqueue_indirect_dma source(%arg12 : memref<128x128xf32, #tpu.memory_space<vmem>>) target(%dma_start3A_109 : memref<5248x128xf32, #tpu.memory_space<vmem_shared>>) offsets(%dma_start3A_106 : memref<128xi32, #tpu.memory_space<vmem>>) semaphore(%run_scoped3A : memref<!tpu.dma_semaphore, #tpu.memory_space<semaphore_mem>>) {add = true}
          %dma_wait3A = arith.constant 0 : i32
          %dma_wait3A_110 = tpu.memref_slice %arg10[%scan3A_80, %dma_wait3A] : memref<16x128xi32, #tpu.memory_space<vmem>> -> memref<1x128xi32, #tpu.memory_space<vmem>>
          %dma_wait3A_111 = tpu.memref_squeeze %dma_wait3A_110 : memref<1x128xi32, #tpu.memory_space<vmem>> -> memref<128xi32, #tpu.memory_space<vmem>>
          %dma_wait3A_112 = arith.constant 0 : i32
          %dma_wait3A_113 = arith.constant 0 : i32
          %dma_wait3A_114 = tpu.memref_slice %arg15[%dma_wait3A_112, %dma_wait3A_113] : memref<5248x128xf32, #tpu.memory_space<vmem_shared>> -> memref<5248x128xf32, #tpu.memory_space<vmem_shared>>
          tpu.wait_indirect_dma semaphore(%run_scoped3A : memref<!tpu.dma_semaphore, #tpu.memory_space<semaphore_mem>>) src(%arg12 : memref<128x128xf32, #tpu.memory_space<vmem>>) dst(%dma_wait3A_114 : memref<5248x128xf32, #tpu.memory_space<vmem_shared>>)
          tpu.yield
        }) : () -> ()
        %eq3A_99 = arith.constant 0 : i32
        %eq3A_100 = arith.cmpi eq, %arg0, %eq3A_99 : i32
        %convert_element_type3A_101 = arith.extui %eq3A_100 : i1 to i32
        %cond3A_102 = arith.constant 0 : i32
        %cond3A_103 = arith.cmpi ne, %convert_element_type3A_101, %cond3A_102 : i32
        scf.if %cond3A_103 {
          "tpu.region"() ({
            %run_scoped3A = tpu.sem_alloc : memref<!tpu.dma_semaphore, #tpu.memory_space<semaphore_mem>>
            %dma_start3A = arith.constant 0 : i32
            %dma_start3A_105 = tpu.memref_slice %arg13[%dma_start3A] : memref<656xf32, #tpu.memory_space<vmem>> -> memref<128xf32, #tpu.memory_space<vmem>>
            %dma_start3A_106 = arith.constant 0 : i32
            %dma_start3A_107 = tpu.memref_slice %arg9[%scan3A_80, %dma_start3A_106] : memref<16x128xi32, #tpu.memory_space<vmem>> -> memref<1x128xi32, #tpu.memory_space<vmem>>
            %dma_start3A_108 = tpu.memref_squeeze %dma_start3A_107 : memref<1x128xi32, #tpu.memory_space<vmem>> -> memref<128xi32, #tpu.memory_space<vmem>>
            %dma_start3A_109 = arith.constant 0 : i32
            %dma_start3A_110 = tpu.memref_slice %arg16[%dma_start3A_109] : memref<10496xf32, #tpu.memory_space<vmem_shared>> -> memref<10496xf32, #tpu.memory_space<vmem_shared>>
            tpu.enqueue_indirect_dma source(%dma_start3A_105 : memref<128xf32, #tpu.memory_space<vmem>>) target(%dma_start3A_110 : memref<10496xf32, #tpu.memory_space<vmem_shared>>) offsets(%dma_start3A_108 : memref<128xi32, #tpu.memory_space<vmem>>) semaphore(%run_scoped3A : memref<!tpu.dma_semaphore, #tpu.memory_space<semaphore_mem>>) {add = true}
            %dma_wait3A = arith.constant 0 : i32
            %dma_wait3A_111 = tpu.memref_slice %arg13[%dma_wait3A] : memref<656xf32, #tpu.memory_space<vmem>> -> memref<128xf32, #tpu.memory_space<vmem>>
            %dma_wait3A_112 = arith.constant 0 : i32
            %dma_wait3A_113 = tpu.memref_slice %arg9[%scan3A_80, %dma_wait3A_112] : memref<16x128xi32, #tpu.memory_space<vmem>> -> memref<1x128xi32, #tpu.memory_space<vmem>>
            %dma_wait3A_114 = tpu.memref_squeeze %dma_wait3A_113 : memref<1x128xi32, #tpu.memory_space<vmem>> -> memref<128xi32, #tpu.memory_space<vmem>>
            %dma_wait3A_115 = arith.constant 0 : i32
            %dma_wait3A_116 = tpu.memref_slice %arg16[%dma_wait3A_115] : memref<10496xf32, #tpu.memory_space<vmem_shared>> -> memref<10496xf32, #tpu.memory_space<vmem_shared>>
            tpu.wait_indirect_dma semaphore(%run_scoped3A : memref<!tpu.dma_semaphore, #tpu.memory_space<semaphore_mem>>) src(%dma_wait3A_111 : memref<128xf32, #tpu.memory_space<vmem>>) dst(%dma_wait3A_116 : memref<10496xf32, #tpu.memory_space<vmem_shared>>)
            tpu.yield
          }) : () -> ()
        } else {
        }
        %scan3A_104 = arith.constant 0 : i32
        scf.yield %scan3A_104 : i32
      }
      %scan3A_79 = arith.constant 4 : i32
    } else {
    }
    %barrier3A_58 = arith.constant 0 : index
    tpu.barrier barrier_id(%barrier3A_58)
    %mul3A_59 = arith.constant 320 : i32
    %mul3A_60 = arith.muli %arg1, %mul3A_59 : i32
    %multiple_of3A_61 = tpu.assume_multiple %mul3A_60, 8 : i32
    %mul3A_62 = arith.constant 5120 : i32
    %mul3A_63 = arith.muli %arg0, %mul3A_62 : i32
    %mul3A_64 = arith.constant 320 : i32
    %mul3A_65 = arith.muli %arg1, %mul3A_64 : i32
    %add3A_66 = arith.addi %mul3A_63, %mul3A_65 : i32
    %multiple_of3A_67 = tpu.assume_multiple %add3A_66, 8 : i32
    "tpu.region"() ({
      %run_scoped3A = tpu.sem_alloc : memref<!tpu.dma_semaphore, #tpu.memory_space<semaphore_mem>>
      %dma_start3A = arith.constant 0 : i32
      %dma_start3A_73 = tpu.memref_slice %arg5[%multiple_of3A_67, %dma_start3A] : memref<10240x128xf32, #tpu.memory_space<hbm>> -> memref<320x128xf32, #tpu.memory_space<hbm>>
      %dma_start3A_74 = arith.constant 0 : i32
      %dma_start3A_75 = tpu.memref_slice %arg14[%multiple_of3A_61, %dma_start3A_74] : memref<5248x128xf32, #tpu.memory_space<vmem_shared>> -> memref<320x128xf32, #tpu.memory_space<vmem_shared>>
      tpu.enqueue_dma source(%dma_start3A_75 : memref<320x128xf32, #tpu.memory_space<vmem_shared>>) target(%dma_start3A_73 : memref<320x128xf32, #tpu.memory_space<hbm>>) target_semaphore(%run_scoped3A : memref<!tpu.dma_semaphore, #tpu.memory_space<semaphore_mem>>)
      %dma_wait3A = arith.constant 0 : i32
      %dma_wait3A_76 = tpu.memref_slice %arg5[%multiple_of3A_67, %dma_wait3A] : memref<10240x128xf32, #tpu.memory_space<hbm>> -> memref<320x128xf32, #tpu.memory_space<hbm>>
      %dma_wait3A_77 = arith.constant 0 : i32
      %dma_wait3A_78 = tpu.memref_slice %arg14[%multiple_of3A_61, %dma_wait3A_77] : memref<5248x128xf32, #tpu.memory_space<vmem_shared>> -> memref<320x128xf32, #tpu.memory_space<vmem_shared>>
      tpu.wait_dma2 semaphore(%run_scoped3A : memref<!tpu.dma_semaphore, #tpu.memory_space<semaphore_mem>>) src(%dma_wait3A_78 : memref<320x128xf32, #tpu.memory_space<vmem_shared>>) dst(%dma_wait3A_76 : memref<320x128xf32, #tpu.memory_space<hbm>>)
      tpu.yield
    }) : () -> ()
    "tpu.region"() ({
      %run_scoped3A = tpu.sem_alloc : memref<!tpu.dma_semaphore, #tpu.memory_space<semaphore_mem>>
      %dma_start3A = arith.constant 0 : i32
      %dma_start3A_73 = tpu.memref_slice %arg6[%multiple_of3A_67, %dma_start3A] : memref<10240x128xf32, #tpu.memory_space<hbm>> -> memref<320x128xf32, #tpu.memory_space<hbm>>
      %dma_start3A_74 = arith.constant 0 : i32
      %dma_start3A_75 = tpu.memref_slice %arg15[%multiple_of3A_61, %dma_start3A_74] : memref<5248x128xf32, #tpu.memory_space<vmem_shared>> -> memref<320x128xf32, #tpu.memory_space<vmem_shared>>
      tpu.enqueue_dma source(%dma_start3A_75 : memref<320x128xf32, #tpu.memory_space<vmem_shared>>) target(%dma_start3A_73 : memref<320x128xf32, #tpu.memory_space<hbm>>) target_semaphore(%run_scoped3A : memref<!tpu.dma_semaphore, #tpu.memory_space<semaphore_mem>>)
      %dma_wait3A = arith.constant 0 : i32
      %dma_wait3A_76 = tpu.memref_slice %arg6[%multiple_of3A_67, %dma_wait3A] : memref<10240x128xf32, #tpu.memory_space<hbm>> -> memref<320x128xf32, #tpu.memory_space<hbm>>
      %dma_wait3A_77 = arith.constant 0 : i32
      %dma_wait3A_78 = tpu.memref_slice %arg15[%multiple_of3A_61, %dma_wait3A_77] : memref<5248x128xf32, #tpu.memory_space<vmem_shared>> -> memref<320x128xf32, #tpu.memory_space<vmem_shared>>
      tpu.wait_dma2 semaphore(%run_scoped3A : memref<!tpu.dma_semaphore, #tpu.memory_space<semaphore_mem>>) src(%dma_wait3A_78 : memref<320x128xf32, #tpu.memory_space<vmem_shared>>) dst(%dma_wait3A_76 : memref<320x128xf32, #tpu.memory_space<hbm>>)
      tpu.yield
    }) : () -> ()
    %eq3A_68 = arith.constant 0 : i32
    %eq3A_69 = arith.cmpi eq, %arg0, %eq3A_68 : i32
    %convert_element_type3A_70 = arith.extui %eq3A_69 : i1 to i32
    %cond3A_71 = arith.constant 0 : i32
    %cond3A_72 = arith.cmpi ne, %convert_element_type3A_70, %cond3A_71 : i32
    scf.if %cond3A_72 {
      %mul3A_73 = arith.constant 640 : i32
      %mul3A_74 = arith.muli %arg1, %mul3A_73 : i32
      %multiple_of3A_75 = tpu.assume_multiple %mul3A_74, 8 : i32
      "tpu.region"() ({
        %run_scoped3A = tpu.sem_alloc : memref<!tpu.dma_semaphore, #tpu.memory_space<semaphore_mem>>
        %dma_start3A = tpu.memref_slice %arg7[%multiple_of3A_75] : memref<10240xf32, #tpu.memory_space<hbm>> -> memref<640xf32, #tpu.memory_space<hbm>>
        %dma_start3A_76 = tpu.memref_slice %arg16[%multiple_of3A_75] : memref<10496xf32, #tpu.memory_space<vmem_shared>> -> memref<640xf32, #tpu.memory_space<vmem_shared>>
        tpu.enqueue_dma source(%dma_start3A_76 : memref<640xf32, #tpu.memory_space<vmem_shared>>) target(%dma_start3A : memref<640xf32, #tpu.memory_space<hbm>>) target_semaphore(%run_scoped3A : memref<!tpu.dma_semaphore, #tpu.memory_space<semaphore_mem>>)
        %dma_wait3A = tpu.memref_slice %arg7[%multiple_of3A_75] : memref<10240xf32, #tpu.memory_space<hbm>> -> memref<640xf32, #tpu.memory_space<hbm>>
        %dma_wait3A_77 = tpu.memref_slice %arg16[%multiple_of3A_75] : memref<10496xf32, #tpu.memory_space<vmem_shared>> -> memref<640xf32, #tpu.memory_space<vmem_shared>>
        tpu.wait_dma2 semaphore(%run_scoped3A : memref<!tpu.dma_semaphore, #tpu.memory_space<semaphore_mem>>) src(%dma_wait3A_77 : memref<640xf32, #tpu.memory_space<vmem_shared>>) dst(%dma_wait3A : memref<640xf32, #tpu.memory_space<hbm>>)
        tpu.yield
      }) : () -> ()
    } else {
    }
    return
  }
}

module attributes {stable_mosaic.version = 14 : i64} {
  func.func @_bn_kernel(%arg0: memref<10000x128xf32, #tpu.memory_space<vmem>>, %arg1: memref<1x128xf32, #tpu.memory_space<vmem>>, %arg2: memref<1x128xf32, #tpu.memory_space<vmem>>, %arg3: memref<10000x128xf32, #tpu.memory_space<vmem>>) attributes {dimension_semantics = [], scalar_prefetch = 0 : i64, scratch_operands = 0 : i64, tpu.core_type = #tpu.core_type<tc>} {
    %get3A = arith.constant 0 : index
    %get3A_0 = arith.constant 0 : index
    %get3A_1 = vector.load %arg0[%get3A, %get3A_0] : memref<10000x128xf32, #tpu.memory_space<vmem>>, vector<10000x128xf32>
    %reduce_sum3A = arith.constant dense<0.000000e+00> : vector<128xf32>
    %reduce_sum3A_2 = vector.multi_reduction <add>, %get3A_1, %reduce_sum3A [0] : vector<10000x128xf32> to vector<128xf32>
    %broadcast_in_dim3A = vector.shape_cast %reduce_sum3A_2 : vector<128xf32> to vector<1x128xf32>
    %div3A = arith.constant 1.000000e+04 : f32
    %div3A_3 = vector.broadcast %div3A : f32 to vector<1x128xf32>
    %div3A_4 = arith.divf %broadcast_in_dim3A, %div3A_3 : vector<1x128xf32>
    %mul3A = arith.mulf %get3A_1, %get3A_1 : vector<10000x128xf32>
    %reduce_sum3A_5 = arith.constant dense<0.000000e+00> : vector<128xf32>
    %reduce_sum3A_6 = vector.multi_reduction <add>, %mul3A, %reduce_sum3A_5 [0] : vector<10000x128xf32> to vector<128xf32>
    %broadcast_in_dim3A_7 = vector.shape_cast %reduce_sum3A_6 : vector<128xf32> to vector<1x128xf32>
    %div3A_8 = arith.constant 1.000000e+04 : f32
    %div3A_9 = vector.broadcast %div3A_8 : f32 to vector<1x128xf32>
    %div3A_10 = arith.divf %broadcast_in_dim3A_7, %div3A_9 : vector<1x128xf32>
    %mul3A_11 = arith.mulf %div3A_4, %div3A_4 : vector<1x128xf32>
    %sub3A = arith.subf %div3A_10, %mul3A_11 : vector<1x128xf32>
    %sub3A_12 = vector.broadcast %div3A_4 : vector<1x128xf32> to vector<10000x128xf32>
    %sub3A_13 = arith.subf %get3A_1, %sub3A_12 : vector<10000x128xf32>
    %add3A = arith.constant 9.99999974E-6 : f32
    %add3A_14 = vector.broadcast %add3A : f32 to vector<1x128xf32>
    %add3A_15 = arith.addf %sub3A, %add3A_14 : vector<1x128xf32>
    %rsqrt3A = math.rsqrt %add3A_15 : vector<1x128xf32>
    %mul3A_16 = vector.broadcast %rsqrt3A : vector<1x128xf32> to vector<10000x128xf32>
    %mul3A_17 = arith.mulf %sub3A_13, %mul3A_16 : vector<10000x128xf32>
    %get3A_18 = arith.constant 0 : index
    %get3A_19 = arith.constant 0 : index
    %get3A_20 = vector.load %arg1[%get3A_18, %get3A_19] : memref<1x128xf32, #tpu.memory_space<vmem>>, vector<1x128xf32>
    %mul3A_21 = vector.broadcast %get3A_20 : vector<1x128xf32> to vector<10000x128xf32>
    %mul3A_22 = arith.mulf %mul3A_17, %mul3A_21 : vector<10000x128xf32>
    %get3A_23 = arith.constant 0 : index
    %get3A_24 = arith.constant 0 : index
    %get3A_25 = vector.load %arg2[%get3A_23, %get3A_24] : memref<1x128xf32, #tpu.memory_space<vmem>>, vector<1x128xf32>
    %add3A_26 = vector.broadcast %get3A_25 : vector<1x128xf32> to vector<10000x128xf32>
    %add3A_27 = arith.addf %mul3A_22, %add3A_26 : vector<10000x128xf32>
    %swap3A = arith.constant 0 : index
    %swap3A_28 = arith.constant 0 : index
    %swap3A_29 = vector.load %arg3[%swap3A, %swap3A_28] : memref<10000x128xf32, #tpu.memory_space<vmem>>, vector<10000x128xf32>
    tpu.vector_store %arg3[%swap3A, %swap3A_28], %add3A_27 {strides = array<i32>} : memref<10000x128xf32, #tpu.memory_space<vmem>>, vector<10000x128xf32>,
    return
  }
}

module attributes {stable_mosaic.version = 14 : i64} {
  func.func @_mm_kernel(%arg0: i32, %arg1: memref<2000x128xf32, #tpu.memory_space<vmem>>, %arg2: memref<128x768xf32, #tpu.memory_space<vmem>>, %arg3: memref<1x768xf32, #tpu.memory_space<vmem>>, %arg4: memref<2000x768xf32, #tpu.memory_space<vmem>>) attributes {dimension_semantics = [#tpu.dimension_semantics<arbitrary>], iteration_bounds = array<i64: 5>, scalar_prefetch = 0 : i64, scratch_operands = 0 : i64, tpu.core_type = #tpu.core_type<tc>, window_params = [{transform_indices = @transform_0, window_bounds = array<i64: 2000, 128>}, {pipeline_mode = #tpu.pipeline_mode<synchronous>, transform_indices = @transform_1, window_bounds = array<i64: 128, 768>}, {pipeline_mode = #tpu.pipeline_mode<synchronous>, transform_indices = @transform_2, window_bounds = array<i64: 1, 768>}, {transform_indices = @transform_3, window_bounds = array<i64: 2000, 768>}]} {
    %get3A = arith.constant 0 : index
    %get3A_0 = arith.constant 0 : index
    %get3A_1 = vector.load %arg1[%get3A, %get3A_0] : memref<2000x128xf32, #tpu.memory_space<vmem>>, vector<2000x128xf32>
    %get3A_2 = arith.constant 0 : index
    %get3A_3 = arith.constant 0 : index
    %get3A_4 = vector.load %arg2[%get3A_2, %get3A_3] : memref<128x768xf32, #tpu.memory_space<vmem>>, vector<128x768xf32>
    %dot_general3A = arith.constant dense<0.000000e+00> : vector<2000x768xf32>
    %dot_general3A_5 = tpu.matmul %get3A_1, %get3A_4, %dot_general3A {dimension_numbers = #tpu.dot_dimension_numbers<[1], [0], [0], [1], [0, 0, 1, 1], [], []>, transpose_lhs_hint = false} : vector<2000x128xf32>, vector<128x768xf32>, vector<2000x768xf32> -> vector<2000x768xf32>
    %get3A_6 = arith.constant 0 : index
    %get3A_7 = arith.constant 0 : index
    %get3A_8 = vector.load %arg3[%get3A_6, %get3A_7] : memref<1x768xf32, #tpu.memory_space<vmem>>, vector<1x768xf32>
    %add3A = vector.broadcast %get3A_8 : vector<1x768xf32> to vector<2000x768xf32>
    %add3A_9 = arith.addf %dot_general3A_5, %add3A : vector<2000x768xf32>
    %swap3A = arith.constant 0 : index
    %swap3A_10 = arith.constant 0 : index
    %swap3A_11 = vector.load %arg4[%swap3A, %swap3A_10] : memref<2000x768xf32, #tpu.memory_space<vmem>>, vector<2000x768xf32>
    tpu.vector_store %arg4[%swap3A, %swap3A_10], %add3A_9 {strides = array<i32>} : memref<2000x768xf32, #tpu.memory_space<vmem>>, vector<2000x768xf32>,
    return
  }
  func.func @transform_0(%arg0: i32) -> (i32, i32) {
    %c0_i32 = arith.constant 0 : i32
    %c0_i32_0 = arith.constant 0 : i32
    return %arg0, %c0_i32 : i32, i32
  }
  func.func @transform_1(%arg0: i32) -> (i32, i32) {
    %c0_i32 = arith.constant 0 : i32
    %c0_i32_0 = arith.constant 0 : i32
    %c0_i32_1 = arith.constant 0 : i32
    return %c0_i32, %c0_i32_0 : i32, i32
  }
  func.func @transform_2(%arg0: i32) -> (i32, i32) {
    %c0_i32 = arith.constant 0 : i32
    %c0_i32_0 = arith.constant 0 : i32
    %c0_i32_1 = arith.constant 0 : i32
    return %c0_i32, %c0_i32_0 : i32, i32
  }
  func.func @transform_3(%arg0: i32) -> (i32, i32) {
    %c0_i32 = arith.constant 0 : i32
    %c0_i32_0 = arith.constant 0 : i32
    return %arg0, %c0_i32 : i32, i32
  }
}

module attributes {stable_mosaic.version = 14 : i64} {
  func.func @_segmax_kernel(%arg0: i32, %arg1: memref<1x2x8000xi32, #tpu.memory_space<smem>>, %arg2: memref<10000x128xf32, #tpu.memory_space<vmem>>, %arg3: memref<10000x128xf32, #tpu.memory_space<vmem>>, %arg4: memref<10000x128xf32, #tpu.memory_space<vmem>>, %arg5: memref<10000x128xf32, #tpu.memory_space<vmem>>, %arg6: memref<10000x128xf32, #tpu.memory_space<vmem>>) attributes {dimension_semantics = [#tpu.dimension_semantics<arbitrary>], iteration_bounds = array<i64: 40>, scalar_prefetch = 0 : i64, scratch_operands = 3 : i64, tpu.core_type = #tpu.core_type<tc>, window_params = [{transform_indices = @transform_0, window_bounds = array<i64: 1, 2, 8000>}, {pipeline_mode = #tpu.pipeline_mode<synchronous>, transform_indices = @transform_1, window_bounds = array<i64: 10000, 128>}, {pipeline_mode = #tpu.pipeline_mode<synchronous>, transform_indices = @transform_2, window_bounds = array<i64: 10000, 128>}]} {
    %eq3A = arith.constant 0 : i32
    %eq3A_0 = arith.cmpi eq, %arg0, %eq3A : i32
    %convert_element_type3A = arith.extui %eq3A_0 : i1 to i32
    %cond3A = arith.constant 0 : i32
    %cond3A_1 = arith.cmpi ne, %convert_element_type3A, %cond3A : i32
    scf.if %cond3A_1 {
      %broadcast_in_dim3A = arith.constant -3.000000e+38 : f32
      %broadcast_in_dim3A_11 = vector.broadcast %broadcast_in_dim3A : f32 to vector<10000x128xf32>
      %swap3A = arith.constant 0 : index
      %swap3A_12 = arith.constant 0 : index
      %swap3A_13 = vector.load %arg3[%swap3A, %swap3A_12] : memref<10000x128xf32, #tpu.memory_space<vmem>>, vector<10000x128xf32>
      tpu.vector_store %arg3[%swap3A, %swap3A_12], %broadcast_in_dim3A_11 {strides = array<i32>} : memref<10000x128xf32, #tpu.memory_space<vmem>>, vector<10000x128xf32>,
      %broadcast_in_dim3A_14 = arith.constant -3.000000e+38 : f32
      %broadcast_in_dim3A_15 = vector.broadcast %broadcast_in_dim3A_14 : f32 to vector<10000x128xf32>
      %swap3A_16 = arith.constant 0 : index
      %swap3A_17 = arith.constant 0 : index
      %swap3A_18 = vector.load %arg4[%swap3A_16, %swap3A_17] : memref<10000x128xf32, #tpu.memory_space<vmem>>, vector<10000x128xf32>
      tpu.vector_store %arg4[%swap3A_16, %swap3A_17], %broadcast_in_dim3A_15 {strides = array<i32>} : memref<10000x128xf32, #tpu.memory_space<vmem>>, vector<10000x128xf32>,
      %broadcast_in_dim3A_19 = arith.constant -3.000000e+38 : f32
      %broadcast_in_dim3A_20 = vector.broadcast %broadcast_in_dim3A_19 : f32 to vector<10000x128xf32>
      %swap3A_21 = arith.constant 0 : index
      %swap3A_22 = arith.constant 0 : index
      %swap3A_23 = vector.load %arg5[%swap3A_21, %swap3A_22] : memref<10000x128xf32, #tpu.memory_space<vmem>>, vector<10000x128xf32>
      tpu.vector_store %arg5[%swap3A_21, %swap3A_22], %broadcast_in_dim3A_20 {strides = array<i32>} : memref<10000x128xf32, #tpu.memory_space<vmem>>, vector<10000x128xf32>,
      %broadcast_in_dim3A_24 = arith.constant -3.000000e+38 : f32
      %broadcast_in_dim3A_25 = vector.broadcast %broadcast_in_dim3A_24 : f32 to vector<10000x128xf32>
      %swap3A_26 = arith.constant 0 : index
      %swap3A_27 = arith.constant 0 : index
      %swap3A_28 = vector.load %arg6[%swap3A_26, %swap3A_27] : memref<10000x128xf32, #tpu.memory_space<vmem>>, vector<10000x128xf32>
      tpu.vector_store %arg6[%swap3A_26, %swap3A_27], %broadcast_in_dim3A_25 {strides = array<i32>} : memref<10000x128xf32, #tpu.memory_space<vmem>>, vector<10000x128xf32>,
    } else {
    }
    %scan3A = arith.constant 0 : i32
    %scan3A_2 = arith.constant 1000 : i32
    %scan3A_3 = arith.addi %scan3A, %scan3A_2 : i32
    %scan3A_4 = arith.constant 1 : i32
    scf.for %scan3A_11 = %scan3A to %scan3A_3 step %scan3A_4  : i32 {
      %mul3A = arith.constant 8 : i32
      %mul3A_12 = arith.muli %scan3A_11, %mul3A : i32
      %add3A = arith.constant 0 : i32
      %add3A_13 = arith.addi %mul3A_12, %add3A : i32
      %get3A = arith.constant 0 : index
      %get3A_14 = arith.constant 0 : index
      %get3A_15 = arith.index_cast %add3A_13 : i32 to index
      %get3A_16 = memref.load %arg1[%get3A, %get3A_14, %get3A_15] : memref<1x2x8000xi32, #tpu.memory_space<smem>>
      %mul3A_17 = arith.constant 8 : i32
      %mul3A_18 = arith.muli %scan3A_11, %mul3A_17 : i32
      %add3A_19 = arith.constant 0 : i32
      %add3A_20 = arith.addi %mul3A_18, %add3A_19 : i32
      %get3A_21 = arith.constant 0 : index
      %get3A_22 = arith.constant 1 : index
      %get3A_23 = arith.index_cast %add3A_20 : i32 to index
      %get3A_24 = memref.load %arg1[%get3A_21, %get3A_22, %get3A_23] : memref<1x2x8000xi32, #tpu.memory_space<smem>>
      %get3A_25 = arith.index_cast %get3A_16 : i32 to index
      %get3A_26 = arith.constant 0 : index
      %get3A_27 = vector.load %arg2[%get3A_25, %get3A_26] : memref<10000x128xf32, #tpu.memory_space<vmem>>, vector<1x128xf32>
      %get3A_28 = arith.index_cast %get3A_24 : i32 to index
      %get3A_29 = arith.constant 0 : index
      %get3A_30 = vector.load %arg3[%get3A_28, %get3A_29] : memref<10000x128xf32, #tpu.memory_space<vmem>>, vector<1x128xf32>
      %max3A = arith.maximumf %get3A_30, %get3A_27 : vector<1x128xf32>
      %swap3A = arith.index_cast %get3A_24 : i32 to index
      %swap3A_31 = arith.constant 0 : index
      %swap3A_32 = vector.load %arg3[%swap3A, %swap3A_31] : memref<10000x128xf32, #tpu.memory_space<vmem>>, vector<1x128xf32>
      tpu.vector_store %arg3[%swap3A, %swap3A_31], %max3A {strides = array<i32>} : memref<10000x128xf32, #tpu.memory_space<vmem>>, vector<1x128xf32>,
      %mul3A_33 = arith.constant 8 : i32
      %mul3A_34 = arith.muli %scan3A_11, %mul3A_33 : i32
      %add3A_35 = arith.constant 1 : i32
      %add3A_36 = arith.addi %mul3A_34, %add3A_35 : i32
      %get3A_37 = arith.constant 0 : index
      %get3A_38 = arith.constant 0 : index
      %get3A_39 = arith.index_cast %add3A_36 : i32 to index
      %get3A_40 = memref.load %arg1[%get3A_37, %get3A_38, %get3A_39] : memref<1x2x8000xi32, #tpu.memory_space<smem>>
      %mul3A_41 = arith.constant 8 : i32
      %mul3A_42 = arith.muli %scan3A_11, %mul3A_41 : i32
      %add3A_43 = arith.constant 1 : i32
      %add3A_44 = arith.addi %mul3A_42, %add3A_43 : i32
      %get3A_45 = arith.constant 0 : index
      %get3A_46 = arith.constant 1 : index
      %get3A_47 = arith.index_cast %add3A_44 : i32 to index
      %get3A_48 = memref.load %arg1[%get3A_45, %get3A_46, %get3A_47] : memref<1x2x8000xi32, #tpu.memory_space<smem>>
      %get3A_49 = arith.index_cast %get3A_40 : i32 to index
      %get3A_50 = arith.constant 0 : index
      %get3A_51 = vector.load %arg2[%get3A_49, %get3A_50] : memref<10000x128xf32, #tpu.memory_space<vmem>>, vector<1x128xf32>
      %get3A_52 = arith.index_cast %get3A_48 : i32 to index
      %get3A_53 = arith.constant 0 : index
      %get3A_54 = vector.load %arg4[%get3A_52, %get3A_53] : memref<10000x128xf32, #tpu.memory_space<vmem>>, vector<1x128xf32>
      %max3A_55 = arith.maximumf %get3A_54, %get3A_51 : vector<1x128xf32>
      %swap3A_56 = arith.index_cast %get3A_48 : i32 to index
      %swap3A_57 = arith.constant 0 : index
      %swap3A_58 = vector.load %arg4[%swap3A_56, %swap3A_57] : memref<10000x128xf32, #tpu.memory_space<vmem>>, vector<1x128xf32>
      tpu.vector_store %arg4[%swap3A_56, %swap3A_57], %max3A_55 {strides = array<i32>} : memref<10000x128xf32, #tpu.memory_space<vmem>>, vector<1x128xf32>,
      %mul3A_59 = arith.constant 8 : i32
      %mul3A_60 = arith.muli %scan3A_11, %mul3A_59 : i32
      %add3A_61 = arith.constant 2 : i32
      %add3A_62 = arith.addi %mul3A_60, %add3A_61 : i32
      %get3A_63 = arith.constant 0 : index
      %get3A_64 = arith.constant 0 : index
      %get3A_65 = arith.index_cast %add3A_62 : i32 to index
      %get3A_66 = memref.load %arg1[%get3A_63, %get3A_64, %get3A_65] : memref<1x2x8000xi32, #tpu.memory_space<smem>>
      %mul3A_67 = arith.constant 8 : i32
      %mul3A_68 = arith.muli %scan3A_11, %mul3A_67 : i32
      %add3A_69 = arith.constant 2 : i32
      %add3A_70 = arith.addi %mul3A_68, %add3A_69 : i32
      %get3A_71 = arith.constant 0 : index
      %get3A_72 = arith.constant 1 : index
      %get3A_73 = arith.index_cast %add3A_70 : i32 to index
      %get3A_74 = memref.load %arg1[%get3A_71, %get3A_72, %get3A_73] : memref<1x2x8000xi32, #tpu.memory_space<smem>>
      %get3A_75 = arith.index_cast %get3A_66 : i32 to index
      %get3A_76 = arith.constant 0 : index
      %get3A_77 = vector.load %arg2[%get3A_75, %get3A_76] : memref<10000x128xf32, #tpu.memory_space<vmem>>, vector<1x128xf32>
      %get3A_78 = arith.index_cast %get3A_74 : i32 to index
      %get3A_79 = arith.constant 0 : index
      %get3A_80 = vector.load %arg5[%get3A_78, %get3A_79] : memref<10000x128xf32, #tpu.memory_space<vmem>>, vector<1x128xf32>
      %max3A_81 = arith.maximumf %get3A_80, %get3A_77 : vector<1x128xf32>
      %swap3A_82 = arith.index_cast %get3A_74 : i32 to index
      %swap3A_83 = arith.constant 0 : index
      %swap3A_84 = vector.load %arg5[%swap3A_82, %swap3A_83] : memref<10000x128xf32, #tpu.memory_space<vmem>>, vector<1x128xf32>
      tpu.vector_store %arg5[%swap3A_82, %swap3A_83], %max3A_81 {strides = array<i32>} : memref<10000x128xf32, #tpu.memory_space<vmem>>, vector<1x128xf32>,
      %mul3A_85 = arith.constant 8 : i32
      %mul3A_86 = arith.muli %scan3A_11, %mul3A_85 : i32
      %add3A_87 = arith.constant 3 : i32
      %add3A_88 = arith.addi %mul3A_86, %add3A_87 : i32
      %get3A_89 = arith.constant 0 : index
      %get3A_90 = arith.constant 0 : index
      %get3A_91 = arith.index_cast %add3A_88 : i32 to index
      %get3A_92 = memref.load %arg1[%get3A_89, %get3A_90, %get3A_91] : memref<1x2x8000xi32, #tpu.memory_space<smem>>
      %mul3A_93 = arith.constant 8 : i32
      %mul3A_94 = arith.muli %scan3A_11, %mul3A_93 : i32
      %add3A_95 = arith.constant 3 : i32
      %add3A_96 = arith.addi %mul3A_94, %add3A_95 : i32
      %get3A_97 = arith.constant 0 : index
      %get3A_98 = arith.constant 1 : index
      %get3A_99 = arith.index_cast %add3A_96 : i32 to index
      %get3A_100 = memref.load %arg1[%get3A_97, %get3A_98, %get3A_99] : memref<1x2x8000xi32, #tpu.memory_space<smem>>
      %get3A_101 = arith.index_cast %get3A_92 : i32 to index
      %get3A_102 = arith.constant 0 : index
      %get3A_103 = vector.load %arg2[%get3A_101, %get3A_102] : memref<10000x128xf32, #tpu.memory_space<vmem>>, vector<1x128xf32>
      %get3A_104 = arith.index_cast %get3A_100 : i32 to index
      %get3A_105 = arith.constant 0 : index
      %get3A_106 = vector.load %arg6[%get3A_104, %get3A_105] : memref<10000x128xf32, #tpu.memory_space<vmem>>, vector<1x128xf32>
      %max3A_107 = arith.maximumf %get3A_106, %get3A_103 : vector<1x128xf32>
      %swap3A_108 = arith.index_cast %get3A_100 : i32 to index
      %swap3A_109 = arith.constant 0 : index
      %swap3A_110 = vector.load %arg6[%swap3A_108, %swap3A_109] : memref<10000x128xf32, #tpu.memory_space<vmem>>, vector<1x128xf32>
      tpu.vector_store %arg6[%swap3A_108, %swap3A_109], %max3A_107 {strides = array<i32>} : memref<10000x128xf32, #tpu.memory_space<vmem>>, vector<1x128xf32>,
      %mul3A_111 = arith.constant 8 : i32
      %mul3A_112 = arith.muli %scan3A_11, %mul3A_111 : i32
      %add3A_113 = arith.constant 4 : i32
      %add3A_114 = arith.addi %mul3A_112, %add3A_113 : i32
      %get3A_115 = arith.constant 0 : index
      %get3A_116 = arith.constant 0 : index
      %get3A_117 = arith.index_cast %add3A_114 : i32 to index
      %get3A_118 = memref.load %arg1[%get3A_115, %get3A_116, %get3A_117] : memref<1x2x8000xi32, #tpu.memory_space<smem>>
      %mul3A_119 = arith.constant 8 : i32
      %mul3A_120 = arith.muli %scan3A_11, %mul3A_119 : i32
      %add3A_121 = arith.constant 4 : i32
      %add3A_122 = arith.addi %mul3A_120, %add3A_121 : i32
      %get3A_123 = arith.constant 0 : index
      %get3A_124 = arith.constant 1 : index
      %get3A_125 = arith.index_cast %add3A_122 : i32 to index
      %get3A_126 = memref.load %arg1[%get3A_123, %get3A_124, %get3A_125] : memref<1x2x8000xi32, #tpu.memory_space<smem>>
      %get3A_127 = arith.index_cast %get3A_118 : i32 to index
      %get3A_128 = arith.constant 0 : index
      %get3A_129 = vector.load %arg2[%get3A_127, %get3A_128] : memref<10000x128xf32, #tpu.memory_space<vmem>>, vector<1x128xf32>
      %get3A_130 = arith.index_cast %get3A_126 : i32 to index
      %get3A_131 = arith.constant 0 : index
      %get3A_132 = vector.load %arg3[%get3A_130, %get3A_131] : memref<10000x128xf32, #tpu.memory_space<vmem>>, vector<1x128xf32>
      %max3A_133 = arith.maximumf %get3A_132, %get3A_129 : vector<1x128xf32>
      %swap3A_134 = arith.index_cast %get3A_126 : i32 to index
      %swap3A_135 = arith.constant 0 : index
      %swap3A_136 = vector.load %arg3[%swap3A_134, %swap3A_135] : memref<10000x128xf32, #tpu.memory_space<vmem>>, vector<1x128xf32>
      tpu.vector_store %arg3[%swap3A_134, %swap3A_135], %max3A_133 {strides = array<i32>} : memref<10000x128xf32, #tpu.memory_space<vmem>>, vector<1x128xf32>,
      %mul3A_137 = arith.constant 8 : i32
      %mul3A_138 = arith.muli %scan3A_11, %mul3A_137 : i32
      %add3A_139 = arith.constant 5 : i32
      %add3A_140 = arith.addi %mul3A_138, %add3A_139 : i32
      %get3A_141 = arith.constant 0 : index
      %get3A_142 = arith.constant 0 : index
      %get3A_143 = arith.index_cast %add3A_140 : i32 to index
      %get3A_144 = memref.load %arg1[%get3A_141, %get3A_142, %get3A_143] : memref<1x2x8000xi32, #tpu.memory_space<smem>>
      %mul3A_145 = arith.constant 8 : i32
      %mul3A_146 = arith.muli %scan3A_11, %mul3A_145 : i32
      %add3A_147 = arith.constant 5 : i32
      %add3A_148 = arith.addi %mul3A_146, %add3A_147 : i32
      %get3A_149 = arith.constant 0 : index
      %get3A_150 = arith.constant 1 : index
      %get3A_151 = arith.index_cast %add3A_148 : i32 to index
      %get3A_152 = memref.load %arg1[%get3A_149, %get3A_150, %get3A_151] : memref<1x2x8000xi32, #tpu.memory_space<smem>>
      %get3A_153 = arith.index_cast %get3A_144 : i32 to index
      %get3A_154 = arith.constant 0 : index
      %get3A_155 = vector.load %arg2[%get3A_153, %get3A_154] : memref<10000x128xf32, #tpu.memory_space<vmem>>, vector<1x128xf32>
      %get3A_156 = arith.index_cast %get3A_152 : i32 to index
      %get3A_157 = arith.constant 0 : index
      %get3A_158 = vector.load %arg4[%get3A_156, %get3A_157] : memref<10000x128xf32, #tpu.memory_space<vmem>>, vector<1x128xf32>
      %max3A_159 = arith.maximumf %get3A_158, %get3A_155 : vector<1x128xf32>
      %swap3A_160 = arith.index_cast %get3A_152 : i32 to index
      %swap3A_161 = arith.constant 0 : index
      %swap3A_162 = vector.load %arg4[%swap3A_160, %swap3A_161] : memref<10000x128xf32, #tpu.memory_space<vmem>>, vector<1x128xf32>
      tpu.vector_store %arg4[%swap3A_160, %swap3A_161], %max3A_159 {strides = array<i32>} : memref<10000x128xf32, #tpu.memory_space<vmem>>, vector<1x128xf32>,
      %mul3A_163 = arith.constant 8 : i32
      %mul3A_164 = arith.muli %scan3A_11, %mul3A_163 : i32
      %add3A_165 = arith.constant 6 : i32
      %add3A_166 = arith.addi %mul3A_164, %add3A_165 : i32
      %get3A_167 = arith.constant 0 : index
      %get3A_168 = arith.constant 0 : index
      %get3A_169 = arith.index_cast %add3A_166 : i32 to index
      %get3A_170 = memref.load %arg1[%get3A_167, %get3A_168, %get3A_169] : memref<1x2x8000xi32, #tpu.memory_space<smem>>
      %mul3A_171 = arith.constant 8 : i32
      %mul3A_172 = arith.muli %scan3A_11, %mul3A_171 : i32
      %add3A_173 = arith.constant 6 : i32
      %add3A_174 = arith.addi %mul3A_172, %add3A_173 : i32
      %get3A_175 = arith.constant 0 : index
      %get3A_176 = arith.constant 1 : index
      %get3A_177 = arith.index_cast %add3A_174 : i32 to index
      %get3A_178 = memref.load %arg1[%get3A_175, %get3A_176, %get3A_177] : memref<1x2x8000xi32, #tpu.memory_space<smem>>
      %get3A_179 = arith.index_cast %get3A_170 : i32 to index
      %get3A_180 = arith.constant 0 : index
      %get3A_181 = vector.load %arg2[%get3A_179, %get3A_180] : memref<10000x128xf32, #tpu.memory_space<vmem>>, vector<1x128xf32>
      %get3A_182 = arith.index_cast %get3A_178 : i32 to index
      %get3A_183 = arith.constant 0 : index
      %get3A_184 = vector.load %arg5[%get3A_182, %get3A_183] : memref<10000x128xf32, #tpu.memory_space<vmem>>, vector<1x128xf32>
      %max3A_185 = arith.maximumf %get3A_184, %get3A_181 : vector<1x128xf32>
      %swap3A_186 = arith.index_cast %get3A_178 : i32 to index
      %swap3A_187 = arith.constant 0 : index
      %swap3A_188 = vector.load %arg5[%swap3A_186, %swap3A_187] : memref<10000x128xf32, #tpu.memory_space<vmem>>, vector<1x128xf32>
      tpu.vector_store %arg5[%swap3A_186, %swap3A_187], %max3A_185 {strides = array<i32>} : memref<10000x128xf32, #tpu.memory_space<vmem>>, vector<1x128xf32>,
      %mul3A_189 = arith.constant 8 : i32
      %mul3A_190 = arith.muli %scan3A_11, %mul3A_189 : i32
      %add3A_191 = arith.constant 7 : i32
      %add3A_192 = arith.addi %mul3A_190, %add3A_191 : i32
      %get3A_193 = arith.constant 0 : index
      %get3A_194 = arith.constant 0 : index
      %get3A_195 = arith.index_cast %add3A_192 : i32 to index
      %get3A_196 = memref.load %arg1[%get3A_193, %get3A_194, %get3A_195] : memref<1x2x8000xi32, #tpu.memory_space<smem>>
      %mul3A_197 = arith.constant 8 : i32
      %mul3A_198 = arith.muli %scan3A_11, %mul3A_197 : i32
      %add3A_199 = arith.constant 7 : i32
      %add3A_200 = arith.addi %mul3A_198, %add3A_199 : i32
      %get3A_201 = arith.constant 0 : index
      %get3A_202 = arith.constant 1 : index
      %get3A_203 = arith.index_cast %add3A_200 : i32 to index
      %get3A_204 = memref.load %arg1[%get3A_201, %get3A_202, %get3A_203] : memref<1x2x8000xi32, #tpu.memory_space<smem>>
      %get3A_205 = arith.index_cast %get3A_196 : i32 to index
      %get3A_206 = arith.constant 0 : index
      %get3A_207 = vector.load %arg2[%get3A_205, %get3A_206] : memref<10000x128xf32, #tpu.memory_space<vmem>>, vector<1x128xf32>
      %get3A_208 = arith.index_cast %get3A_204 : i32 to index
      %get3A_209 = arith.constant 0 : index
      %get3A_210 = vector.load %arg6[%get3A_208, %get3A_209] : memref<10000x128xf32, #tpu.memory_space<vmem>>, vector<1x128xf32>
      %max3A_211 = arith.maximumf %get3A_210, %get3A_207 : vector<1x128xf32>
      %swap3A_212 = arith.index_cast %get3A_204 : i32 to index
      %swap3A_213 = arith.constant 0 : index
      %swap3A_214 = vector.load %arg6[%swap3A_212, %swap3A_213] : memref<10000x128xf32, #tpu.memory_space<vmem>>, vector<1x128xf32>
      tpu.vector_store %arg6[%swap3A_212, %swap3A_213], %max3A_211 {strides = array<i32>} : memref<10000x128xf32, #tpu.memory_space<vmem>>, vector<1x128xf32>,
    }
    %scan3A_5 = arith.constant 1000 : i32
    %eq3A_6 = arith.constant 39 : i32
    %eq3A_7 = arith.cmpi eq, %arg0, %eq3A_6 : i32
    %convert_element_type3A_8 = arith.extui %eq3A_7 : i1 to i32
    %cond3A_9 = arith.constant 0 : i32
    %cond3A_10 = arith.cmpi ne, %convert_element_type3A_8, %cond3A_9 : i32
    scf.if %cond3A_10 {
      %get3A = arith.constant 0 : index
      %get3A_11 = arith.constant 0 : index
      %get3A_12 = vector.load %arg3[%get3A, %get3A_11] : memref<10000x128xf32, #tpu.memory_space<vmem>>, vector<10000x128xf32>
      %get3A_13 = arith.constant 0 : index
      %get3A_14 = arith.constant 0 : index
      %get3A_15 = vector.load %arg4[%get3A_13, %get3A_14] : memref<10000x128xf32, #tpu.memory_space<vmem>>, vector<10000x128xf32>
      %max3A = arith.maximumf %get3A_12, %get3A_15 : vector<10000x128xf32>
      %get3A_16 = arith.constant 0 : index
      %get3A_17 = arith.constant 0 : index
      %get3A_18 = vector.load %arg5[%get3A_16, %get3A_17] : memref<10000x128xf32, #tpu.memory_space<vmem>>, vector<10000x128xf32>
      %get3A_19 = arith.constant 0 : index
      %get3A_20 = arith.constant 0 : index
      %get3A_21 = vector.load %arg6[%get3A_19, %get3A_20] : memref<10000x128xf32, #tpu.memory_space<vmem>>, vector<10000x128xf32>
      %max3A_22 = arith.maximumf %get3A_18, %get3A_21 : vector<10000x128xf32>
      %max3A_23 = arith.maximumf %max3A, %max3A_22 : vector<10000x128xf32>
      %swap3A = arith.constant 0 : index
      %swap3A_24 = arith.constant 0 : index
      %swap3A_25 = vector.load %arg3[%swap3A, %swap3A_24] : memref<10000x128xf32, #tpu.memory_space<vmem>>, vector<10000x128xf32>
      tpu.vector_store %arg3[%swap3A, %swap3A_24], %max3A_23 {strides = array<i32>} : memref<10000x128xf32, #tpu.memory_space<vmem>>, vector<10000x128xf32>,
    } else {
    }
    return
  }
  func.func @transform_0(%arg0: i32) -> (i32, i32, i32) {
    %c0_i32 = arith.constant 0 : i32
    %c0_i32_0 = arith.constant 0 : i32
    %c0_i32_1 = arith.constant 0 : i32
    return %arg0, %c0_i32, %c0_i32_0 : i32, i32, i32
  }
  func.func @transform_1(%arg0: i32) -> (i32, i32) {
    %c0_i32 = arith.constant 0 : i32
    %c0_i32_0 = arith.constant 0 : i32
    %c0_i32_1 = arith.constant 0 : i32
    return %c0_i32, %c0_i32_0 : i32, i32
  }
  func.func @transform_2(%arg0: i32) -> (i32, i32) {
    %c0_i32 = arith.constant 0 : i32
    %c0_i32_0 = arith.constant 0 : i32
    %c0_i32_1 = arith.constant 0 : i32
    return %c0_i32, %c0_i32_0 : i32, i32
  }
}

module attributes {stable_mosaic.version = 14 : i64} {
  func.func @_tail_kernel(%arg0: i32, %arg1: memref<2000x128xf32, #tpu.memory_space<vmem>>, %arg2: memref<2000x128xf32, #tpu.memory_space<vmem>>, %arg3: memref<2000x128xf32, #tpu.memory_space<vmem>>, %arg4: memref<2000x128xf32, #tpu.memory_space<vmem>>, %arg5: memref<2000x128xf32, #tpu.memory_space<vmem>>, %arg6: memref<2000x1xf32, #tpu.memory_space<vmem>>, %arg7: memref<896x64xf32, #tpu.memory_space<vmem>>, %arg8: memref<1x64xf32, #tpu.memory_space<vmem>>, %arg9: memref<2000x64xf32, #tpu.memory_space<vmem>>) attributes {dimension_semantics = [#tpu.dimension_semantics<arbitrary>], iteration_bounds = array<i64: 5>, scalar_prefetch = 0 : i64, scratch_operands = 0 : i64, tpu.core_type = #tpu.core_type<tc>, window_params = [{transform_indices = @transform_0, window_bounds = array<i64: 2000, 128>}, {transform_indices = @transform_1, window_bounds = array<i64: 2000, 128>}, {transform_indices = @transform_2, window_bounds = array<i64: 2000, 128>}, {transform_indices = @transform_3, window_bounds = array<i64: 2000, 128>}, {transform_indices = @transform_4, window_bounds = array<i64: 2000, 128>}, {transform_indices = @transform_5, window_bounds = array<i64: 2000, 1>}, {pipeline_mode = #tpu.pipeline_mode<synchronous>, transform_indices = @transform_6, window_bounds = array<i64: 896, 64>}, {pipeline_mode = #tpu.pipeline_mode<synchronous>, transform_indices = @transform_7, window_bounds = array<i64: 1, 64>}, {transform_indices = @transform_8, window_bounds = array<i64: 2000, 64>}]} {
    %get3A = arith.constant 0 : index
    %get3A_0 = arith.constant 0 : index
    %get3A_1 = vector.load %arg6[%get3A, %get3A_0] : memref<2000x1xf32, #tpu.memory_space<vmem>>, vector<2000x1xf32>
    %max3A = arith.constant 1.000000e+00 : f32
    %max3A_2 = vector.broadcast %max3A : f32 to vector<2000x1xf32>
    %max3A_3 = arith.maximumf %get3A_1, %max3A_2 : vector<2000x1xf32>
    %div3A = arith.constant 1.000000e+00 : f32
    %div3A_4 = vector.broadcast %div3A : f32 to vector<2000x1xf32>
    %div3A_5 = arith.divf %div3A_4, %max3A_3 : vector<2000x1xf32>
    %gt3A = arith.constant 0.000000e+00 : f32
    %gt3A_6 = vector.broadcast %gt3A : f32 to vector<2000x1xf32>
    %gt3A_7 = arith.cmpf ogt, %get3A_1, %gt3A_6 : vector<2000x1xf32>
    %convert_element_type3A = arith.extui %gt3A_7 : vector<2000x1xi1> to vector<2000x1xi32>
    %convert_element_type3A_8 = arith.sitofp %convert_element_type3A : vector<2000x1xi32> to vector<2000x1xf32>
    %get3A_9 = arith.constant 0 : index
    %get3A_10 = arith.constant 0 : index
    %get3A_11 = vector.load %arg2[%get3A_9, %get3A_10] : memref<2000x128xf32, #tpu.memory_space<vmem>>, vector<2000x128xf32>
    %get3A_12 = arith.constant 0 : index
    %get3A_13 = arith.constant 0 : index
    %get3A_14 = vector.load %arg3[%get3A_12, %get3A_13] : memref<2000x128xf32, #tpu.memory_space<vmem>>, vector<2000x128xf32>
    %mul3A = vector.broadcast %div3A_5 : vector<2000x1xf32> to vector<2000x128xf32>
    %mul3A_15 = arith.mulf %get3A_14, %mul3A : vector<2000x128xf32>
    %mul3A_16 = vector.broadcast %convert_element_type3A_8 : vector<2000x1xf32> to vector<2000x128xf32>
    %mul3A_17 = arith.mulf %mul3A_16, %get3A_11 : vector<2000x128xf32>
    %add3A = arith.addf %mul3A_17, %mul3A_15 : vector<2000x128xf32>
    %get3A_18 = arith.constant 0 : index
    %get3A_19 = arith.constant 0 : index
    %get3A_20 = vector.load %arg4[%get3A_18, %get3A_19] : memref<2000x128xf32, #tpu.memory_space<vmem>>, vector<2000x128xf32>
    %mul3A_21 = vector.broadcast %div3A_5 : vector<2000x1xf32> to vector<2000x128xf32>
    %mul3A_22 = arith.mulf %get3A_20, %mul3A_21 : vector<2000x128xf32>
    %mul3A_23 = arith.mulf %mul3A_15, %mul3A_15 : vector<2000x128xf32>
    %sub3A = arith.subf %mul3A_22, %mul3A_23 : vector<2000x128xf32>
    %max3A_24 = arith.constant 0.000000e+00 : f32
    %max3A_25 = vector.broadcast %max3A_24 : f32 to vector<2000x128xf32>
    %max3A_26 = arith.maximumf %sub3A, %max3A_25 : vector<2000x128xf32>
    %add3A_27 = arith.constant 9.99999974E-6 : f32
    %add3A_28 = vector.broadcast %add3A_27 : f32 to vector<2000x128xf32>
    %add3A_29 = arith.addf %max3A_26, %add3A_28 : vector<2000x128xf32>
    %sqrt3A = math.sqrt %add3A_29 : vector<2000x128xf32>
    %gt3A_30 = arith.constant 0.000000e+00 : f32
    %gt3A_31 = vector.broadcast %gt3A_30 : f32 to vector<2000x1xf32>
    %gt3A_32 = arith.cmpf ogt, %get3A_1, %gt3A_31 : vector<2000x1xf32>
    %get3A_33 = arith.constant 0 : index
    %get3A_34 = arith.constant 0 : index
    %get3A_35 = vector.load %arg5[%get3A_33, %get3A_34] : memref<2000x128xf32, #tpu.memory_space<vmem>>, vector<2000x128xf32>
    %add3A_36 = arith.addf %get3A_11, %get3A_35 : vector<2000x128xf32>
    %jit3A = arith.constant 0.000000e+00 : f32
    %broadcast_in_dim3A = vector.shape_cast %gt3A_32 : vector<2000x1xi1> to vector<2000x1xi1>
    %broadcast_in_dim3A_37 = vector.broadcast %broadcast_in_dim3A : vector<2000x1xi1> to vector<2000x128xi1>
    %broadcast_in_dim3A_38 = vector.broadcast %jit3A : f32 to vector<2000x128xf32>
    %select_n3A = arith.select %broadcast_in_dim3A_37, %add3A_36, %broadcast_in_dim3A_38 : vector<2000x128xi1>, vector<2000x128xf32>
    %add3A_39 = arith.constant 1.000000e+00 : f32
    %add3A_40 = vector.broadcast %add3A_39 : f32 to vector<2000x1xf32>
    %add3A_41 = arith.addf %max3A_3, %add3A_40 : vector<2000x1xf32>
    %log3A = math.log %add3A_41 : vector<2000x1xf32>
    %mul3A_42 = arith.constant 1.25863194 : f32
    %mul3A_43 = vector.broadcast %mul3A_42 : f32 to vector<2000x1xf32>
    %mul3A_44 = arith.mulf %log3A, %mul3A_43 : vector<2000x1xf32>
    %get3A_45 = arith.constant 0 : index
    %get3A_46 = arith.constant 0 : index
    %get3A_47 = vector.load %arg1[%get3A_45, %get3A_46] : memref<2000x128xf32, #tpu.memory_space<vmem>>, vector<2000x128xf32>
    %mul3A_48 = vector.broadcast %mul3A_44 : vector<2000x1xf32> to vector<2000x128xf32>
    %mul3A_49 = arith.mulf %mul3A_48, %add3A : vector<2000x128xf32>
    %mul3A_50 = vector.broadcast %mul3A_44 : vector<2000x1xf32> to vector<2000x128xf32>
    %mul3A_51 = arith.mulf %mul3A_50, %sqrt3A : vector<2000x128xf32>
    %mul3A_52 = vector.broadcast %mul3A_44 : vector<2000x1xf32> to vector<2000x128xf32>
    %mul3A_53 = arith.mulf %mul3A_52, %select_n3A : vector<2000x128xf32>
    %concatenate3A = tpu.concatenate %get3A_47, %mul3A_49, %mul3A_51, %mul3A_53, %add3A, %sqrt3A, %select_n3A in 1 : vector<2000x128xf32>, vector<2000x128xf32>, vector<2000x128xf32>, vector<2000x128xf32>, vector<2000x128xf32>, vector<2000x128xf32>, vector<2000x128xf32> -> vector<2000x896xf32>
    %get3A_54 = arith.constant 0 : index
    %get3A_55 = arith.constant 0 : index
    %get3A_56 = vector.load %arg7[%get3A_54, %get3A_55] : memref<896x64xf32, #tpu.memory_space<vmem>>, vector<896x64xf32>
    %dot_general3A = arith.constant dense<0.000000e+00> : vector<2000x64xf32>
    %dot_general3A_57 = tpu.matmul %concatenate3A, %get3A_56, %dot_general3A {dimension_numbers = #tpu.dot_dimension_numbers<[1], [0], [0], [1], [0, 0, 1, 1], [], []>, transpose_lhs_hint = false} : vector<2000x896xf32>, vector<896x64xf32>, vector<2000x64xf32> -> vector<2000x64xf32>
    %get3A_58 = arith.constant 0 : index
    %get3A_59 = arith.constant 0 : index
    %get3A_60 = vector.load %arg8[%get3A_58, %get3A_59] : memref<1x64xf32, #tpu.memory_space<vmem>>, vector<1x64xf32>
    %add3A_61 = vector.broadcast %get3A_60 : vector<1x64xf32> to vector<2000x64xf32>
    %add3A_62 = arith.addf %dot_general3A_57, %add3A_61 : vector<2000x64xf32>
    %swap3A = arith.constant 0 : index
    %swap3A_63 = arith.constant 0 : index
    %swap3A_64 = vector.load %arg9[%swap3A, %swap3A_63] : memref<2000x64xf32, #tpu.memory_space<vmem>>, vector<2000x64xf32>
    tpu.vector_store %arg9[%swap3A, %swap3A_63], %add3A_62 {strides = array<i32>} : memref<2000x64xf32, #tpu.memory_space<vmem>>, vector<2000x64xf32>,
    return
  }
  func.func @transform_0(%arg0: i32) -> (i32, i32) {
    %c0_i32 = arith.constant 0 : i32
    %c0_i32_0 = arith.constant 0 : i32
    return %arg0, %c0_i32 : i32, i32
  }
  func.func @transform_1(%arg0: i32) -> (i32, i32) {
    %c0_i32 = arith.constant 0 : i32
    %c0_i32_0 = arith.constant 0 : i32
    return %arg0, %c0_i32 : i32, i32
  }
  func.func @transform_2(%arg0: i32) -> (i32, i32) {
    %c0_i32 = arith.constant 0 : i32
    %c0_i32_0 = arith.constant 0 : i32
    return %arg0, %c0_i32 : i32, i32
  }
  func.func @transform_3(%arg0: i32) -> (i32, i32) {
    %c0_i32 = arith.constant 0 : i32
    %c0_i32_0 = arith.constant 0 : i32
    return %arg0, %c0_i32 : i32, i32
  }
  func.func @transform_4(%arg0: i32) -> (i32, i32) {
    %c0_i32 = arith.constant 0 : i32
    %c0_i32_0 = arith.constant 0 : i32
    return %arg0, %c0_i32 : i32, i32
  }
  func.func @transform_5(%arg0: i32) -> (i32, i32) {
    %c0_i32 = arith.constant 0 : i32
    %c0_i32_0 = arith.constant 0 : i32
    return %arg0, %c0_i32 : i32, i32
  }
  func.func @transform_6(%arg0: i32) -> (i32, i32) {
    %c0_i32 = arith.constant 0 : i32
    %c0_i32_0 = arith.constant 0 : i32
    %c0_i32_1 = arith.constant 0 : i32
    return %c0_i32, %c0_i32_0 : i32, i32
  }
  func.func @transform_7(%arg0: i32) -> (i32, i32) {
    %c0_i32 = arith.constant 0 : i32
    %c0_i32_0 = arith.constant 0 : i32
    %c0_i32_1 = arith.constant 0 : i32
    return %c0_i32, %c0_i32_0 : i32, i32
  }
  func.func @transform_8(%arg0: i32) -> (i32, i32) {
    %c0_i32 = arith.constant 0 : i32
    %c0_i32_0 = arith.constant 0 : i32
    return %arg0, %c0_i32 : i32, i32
  }
}

module attributes {stable_mosaic.version = 14 : i64} {
  func.func @_bn_kernel(%arg0: memref<10000x64xf32, #tpu.memory_space<vmem>>, %arg1: memref<1x64xf32, #tpu.memory_space<vmem>>, %arg2: memref<1x64xf32, #tpu.memory_space<vmem>>, %arg3: memref<10000x64xf32, #tpu.memory_space<vmem>>) attributes {dimension_semantics = [], scalar_prefetch = 0 : i64, scratch_operands = 0 : i64, tpu.core_type = #tpu.core_type<tc>} {
    %get3A = arith.constant 0 : index
    %get3A_0 = arith.constant 0 : index
    %get3A_1 = vector.load %arg0[%get3A, %get3A_0] : memref<10000x64xf32, #tpu.memory_space<vmem>>, vector<10000x64xf32>
    %reduce_sum3A = arith.constant dense<0.000000e+00> : vector<64xf32>
    %reduce_sum3A_2 = vector.multi_reduction <add>, %get3A_1, %reduce_sum3A [0] : vector<10000x64xf32> to vector<64xf32>
    %broadcast_in_dim3A = vector.shape_cast %reduce_sum3A_2 : vector<64xf32> to vector<1x64xf32>
    %div3A = arith.constant 1.000000e+04 : f32
    %div3A_3 = vector.broadcast %div3A : f32 to vector<1x64xf32>
    %div3A_4 = arith.divf %broadcast_in_dim3A, %div3A_3 : vector<1x64xf32>
    %mul3A = arith.mulf %get3A_1, %get3A_1 : vector<10000x64xf32>
    %reduce_sum3A_5 = arith.constant dense<0.000000e+00> : vector<64xf32>
    %reduce_sum3A_6 = vector.multi_reduction <add>, %mul3A, %reduce_sum3A_5 [0] : vector<10000x64xf32> to vector<64xf32>
    %broadcast_in_dim3A_7 = vector.shape_cast %reduce_sum3A_6 : vector<64xf32> to vector<1x64xf32>
    %div3A_8 = arith.constant 1.000000e+04 : f32
    %div3A_9 = vector.broadcast %div3A_8 : f32 to vector<1x64xf32>
    %div3A_10 = arith.divf %broadcast_in_dim3A_7, %div3A_9 : vector<1x64xf32>
    %mul3A_11 = arith.mulf %div3A_4, %div3A_4 : vector<1x64xf32>
    %sub3A = arith.subf %div3A_10, %mul3A_11 : vector<1x64xf32>
    %sub3A_12 = vector.broadcast %div3A_4 : vector<1x64xf32> to vector<10000x64xf32>
    %sub3A_13 = arith.subf %get3A_1, %sub3A_12 : vector<10000x64xf32>
    %add3A = arith.constant 9.99999974E-6 : f32
    %add3A_14 = vector.broadcast %add3A : f32 to vector<1x64xf32>
    %add3A_15 = arith.addf %sub3A, %add3A_14 : vector<1x64xf32>
    %rsqrt3A = math.rsqrt %add3A_15 : vector<1x64xf32>
    %mul3A_16 = vector.broadcast %rsqrt3A : vector<1x64xf32> to vector<10000x64xf32>
    %mul3A_17 = arith.mulf %sub3A_13, %mul3A_16 : vector<10000x64xf32>
    %get3A_18 = arith.constant 0 : index
    %get3A_19 = arith.constant 0 : index
    %get3A_20 = vector.load %arg1[%get3A_18, %get3A_19] : memref<1x64xf32, #tpu.memory_space<vmem>>, vector<1x64xf32>
    %mul3A_21 = vector.broadcast %get3A_20 : vector<1x64xf32> to vector<10000x64xf32>
    %mul3A_22 = arith.mulf %mul3A_17, %mul3A_21 : vector<10000x64xf32>
    %get3A_23 = arith.constant 0 : index
    %get3A_24 = arith.constant 0 : index
    %get3A_25 = vector.load %arg2[%get3A_23, %get3A_24] : memref<1x64xf32, #tpu.memory_space<vmem>>, vector<1x64xf32>
    %add3A_26 = vector.broadcast %get3A_25 : vector<1x64xf32> to vector<10000x64xf32>
    %add3A_27 = arith.addf %mul3A_22, %add3A_26 : vector<10000x64xf32>
    %tanh3A = math.tanh %add3A_27 : vector<10000x64xf32>
    %swap3A = arith.constant 0 : index
    %swap3A_28 = arith.constant 0 : index
    %swap3A_29 = vector.load %arg3[%swap3A, %swap3A_28] : memref<10000x64xf32, #tpu.memory_space<vmem>>, vector<10000x64xf32>
    tpu.vector_store %arg3[%swap3A, %swap3A_28], %tanh3A {strides = array<i32>} : memref<10000x64xf32, #tpu.memory_space<vmem>>, vector<10000x64xf32>,
    return
  }
}

</mosaic_0001>

<sc_bundles>
// kernel: kernel.16.cloned.1.call-start
scs
__scs_entry_jumppad:
0x0: {  	(pc) =	sbr.rel $0x88, $3  }
0x1: {  	(tag) =	ssettag $0x0;
	lr =	simm.s32 $0x1  }
0x2: {  	[smem:$0x3F83] =	sst lr;
	_ =	strace $0xD0000000  }
0x3: {  	_ = 	snop  }
0x4: {  	_ = 	snop  }
0x5: {  	_ = 	snop  }
0x6: {  	_ = 	snop  }
0x7: {  	_ = 	snop  }
__scs_overlays_trampoline_lowered:
0x8: {  	[smem:$0x3F92] =	sst s0  }
0x9: {  	[smem:$0x3F93] =	sst s1  }
0xa: {  	[smem:$0x3F94] =	sst s2  }
0xb: {  	[smem:$0x3F95] =	sst s3  }
0xc: {  	[smem:$0x3F96] =	sst s4  }
0xd: {  	[smem:$0x3F97] =	sst s5  }
0xe: {  	[smem:$0x3F98] =	sst s6  }
0xf: {  	[smem:$0x3F99] =	sst s7  }
0x10: {  	[smem:$0x3F9A] =	sst s8  }
0x11: {  	[smem:$0x3F9B] =	sst s9;
	s0 =	simm.s32 @!p0 $0x0  }
0x12: {  	s1 =	sld [smem:$0x3F81];
	s0 =	simm.s32 @p0 $0x1  }
0x13: {  	[smem:$0x3F9C] =	sst s0;
	s0 =	simm.s32 @!p1 $0x0  }
0x14: {  	s2 =	sld [smem:$0x3F80];
	s0 =	simm.s32 @p1 $0x1  }
0x15: {  	[smem:$0x3F9D] =	sst s0;
	s0 =	simm.s32 @!p2 $0x0  }
0x16: {  	s3 =	sld [smem:$0x3FDB];
	s0 =	simm.s32 @p2 $0x1  }
0x17: {  	s4 =	simm.s32 $0x1BF5;
	[smem:$0x3F9F] =	sst s0  }
0x18: {  	s0 =	sld [smem:$0x3F82];
	_ =	swait.ge [sflag:s4], $0x0  }
0x19: {  	s7 =	sld [smem:$0x3F83]  }
0x1a: {  	s8 =	sadd.s32 $0xFFFFE003, lr  }
0x1b: {  	s9 =	sadd.s32 $0xFFFFFEF7, lr;
	s5 =	simm.s32 $0xFFFFFFFF;
	p2 =	slt.u32 s8, $0xFFFFF086  }
0x1c: {  	p1 =	slt.u32 s9, $0xF7A;
	s5 =	simm.s32 @!p2 $0x0  }
0x1d: {  	s5 =	simm.s32 @p1 $0x1;
	p0 =	seq.s32 s7, s2  }
0x1e: {  	s7 =	smul.u32 @!p0 $0xF7A, s2;
	p2 =	seq.s32 @!p0 s5, $0x0  }
0x1f: {  	s9 =	smul.u32 $0xF7A, s1;
	s8 =	simm.s32 @!p0 $0x1BF5;
	p2 =	por !p2, p0  }
0x20: {  	[sflag:s8] =	ssyncset.s32 @!p0 $0xFFFFF086;
	s6 =	sadd.s32 @!p0 s3, s7;
	s7 =	simm.s32 @!p0 $0x108  }
0x21: {  	s3 =	sadd.s32 s3, s9;
	s6 =	sadd.s32 @!p0 $0x88, s6;
	s7 =	simm.s32 @p2 $0x1082  }
0x22: {  	[simem:s7], [sflag:s8] =	dma.local @!p0 [hbm:s6], $0xF7A  }
0x23: {  	s9 =	sor.u32 $0xD0000000, s2;
	s6 =	simm.s32 $0x108;
	_ =	swait.ge @!p0 [sflag:s8], $0x0  }
0x24: {  	s3 =	sadd.s32 $0x88, s3;
	s6 =	simm.s32 @!p1 $0x1082;
	[sflag:s4] =	ssyncset.s32 $0xFFFFF086  }
0x25: {  	[simem:s6], [sflag:s4] =	dma.local [hbm:s3], $0xF7A  }
0x26: {  	[smem:$0x3F83] =	sst s1;
	(tag) =	ssettag s2;
	_ =	strace s9  }
0x27: {  	s1 =	sld [smem:$0x3F93]  }
0x28: {  	s2 =	sld [smem:$0x3F94]  }
0x29: {  	s4 =	sld [smem:$0x3F96]  }
0x2a: {  	p0 =	seq.s32 s5, $0x0;
	s5 =	sld [smem:$0x3F97]  }
0x2b: {  	s6 =	sld [smem:$0x3F98]  }
0x2c: {  	s7 =	sld [smem:$0x3F99]  }
0x2d: {  	s3 =	simm.s32 $0x108;
	s8 =	sld [smem:$0x3F9A]  }
0x2e: {  	s3 =	simm.s32 @!p0 $0x1082;
	s9 =	sld [smem:$0x3F9B]  }
0x2f: {  	lr =	sadd.s32 s0, s3;
	s0 =	sld [smem:$0x3F92]  }
0x30: {  	s3 =	sld [smem:$0x3F95]  }
0x31: {  	[smem:$0x3F9E] =	sst s10  }
0x32: {  	s10 =	sld [smem:$0x3F9C];
	_ =	sdelay $0x3  }
0x33: {  	p0 =	seq.s32 s10, $0x1;
	s10 =	sld [smem:$0x3F9E];
	_ =	sdelay $0x3  }
0x34: {  	[smem:$0x3F9E] =	sst s10  }
0x35: {  	s10 =	sld [smem:$0x3F9D];
	_ =	sdelay $0x3  }
0x36: {  	p1 =	seq.s32 s10, $0x1;
	s10 =	sld [smem:$0x3F9E];
	_ =	sdelay $0x3  }
0x37: {  	[smem:$0x3F9E] =	sst s10  }
0x38: {  	s10 =	sld [smem:$0x3F9F]  }
0x39: {  	_ = 	snop;
	(pc) =	sbr.ind lr, $3  }
0x3a: {  	_ = 	snop  }
0x3b: {  	_ = 	snop  }
0x3c: {  	p2 =	seq.s32 s10, $0x1;
	s10 =	sld [smem:$0x3F9E]  }
0x3d: {  	_ =	shalt  }
0x3e: {  	_ =	shalt  }
0x3f: {  	_ =	shalt  }
0x40: {  	_ =	shalt  }
0x41: {  	_ =	shalt  }
0x42: {  	_ =	shalt  }
0x43: {  	_ =	shalt  }
0x44: {  	_ =	shalt  }
0x45: {  	_ =	shalt  }
0x46: {  	_ =	shalt  }
0x47: {  	_ =	shalt  }
0x48: {  	_ =	shalt  }
0x49: {  	_ =	shalt  }
0x4a: {  	_ =	shalt  }
0x4b: {  	_ =	shalt  }
0x4c: {  	_ =	shalt  }
0x4d: {  	_ =	shalt  }
0x4e: {  	_ =	shalt  }
0x4f: {  	_ =	shalt  }
0x50: {  	_ =	shalt  }
0x51: {  	_ =	shalt  }
0x52: {  	_ =	shalt  }
0x53: {  	_ =	shalt  }
0x54: {  	_ =	shalt  }
0x55: {  	_ =	shalt  }
0x56: {  	_ =	shalt  }
0x57: {  	_ =	shalt  }
0x58: {  	_ =	shalt  }
0x59: {  	_ =	shalt  }
0x5a: {  	_ =	shalt  }
0x5b: {  	_ =	shalt  }
0x5c: {  	_ =	shalt  }
0x5d: {  	_ =	shalt  }
0x5e: {  	_ =	shalt  }
0x5f: {  	_ =	shalt  }
0x60: {  	_ =	shalt  }
0x61: {  	_ =	shalt  }
0x62: {  	_ =	shalt  }
0x63: {  	_ =	shalt  }
0x64: {  	_ =	shalt  }
0x65: {  	_ =	shalt  }
0x66: {  	_ =	shalt  }
0x67: {  	_ =	shalt  }
0x68: {  	_ =	shalt  }
0x69: {  	_ =	shalt  }
0x6a: {  	_ =	shalt  }
0x6b: {  	_ =	shalt  }
0x6c: {  	_ =	shalt  }
0x6d: {  	_ =	shalt  }
0x6e: {  	_ =	shalt  }
0x6f: {  	_ =	shalt  }
0x70: {  	_ =	shalt  }
0x71: {  	_ =	shalt  }
0x72: {  	_ =	shalt  }
0x73: {  	_ =	shalt  }
0x74: {  	_ =	shalt  }
0x75: {  	_ =	shalt  }
0x76: {  	_ =	shalt  }
0x77: {  	_ =	shalt  }
0x78: {  	_ =	shalt  }
0x79: {  	_ =	shalt  }
0x7a: {  	_ =	shalt  }
0x7b: {  	_ =	shalt  }
0x7c: {  	_ =	shalt  }
0x7d: {  	_ =	shalt  }
0x7e: {  	_ =	shalt  }
0x7f: {  	_ =	shalt  }
0x80: {  	_ =	shalt  }
0x81: {  	_ =	shalt  }
0x82: {  	_ =	shalt  }
0x83: {  	_ =	shalt  }
0x84: {  	_ =	shalt  }
0x85: {  	_ =	shalt  }
0x86: {  	_ =	shalt  }
0x87: {  	_ =	shalt  }
.Lfunc_end0:
.L_simem_size_0:
called_computation_lowered:
.L_overlay_start_0:
0x88: {  	s2 =	sld [smem:$0x3FD9]  }
0x89: {  	s3 =	sld [smem:$0x3FFE];
	_ =	sdelay $0x1  }
0x8a: {  	s1 =	srdreg.scid  }
0x8b: {  	s0 =	sand.u32 $0x1, s1  }
0x8c: {  	s15 =	sshll.u32 s0, $0xA;
	s2 =	sadd.s32 s3, s2  }
0x8d: {  	s2 =	sadd.s32 s2, s15  }
0x8e: {  	[smem:$0x3FAA] =	sst s2  }
0x8f: {  	_ = 	snop  }
0x90: {  	s2 =	sld [smem:$0x3FD0];
	_ =	sdelay $0x2  }
0x91: {  	s16 =	simm.s32 $0xC;
	s4 =	simm.s32 $0x10  }
0x92: {  	[smem:s4], [sflag:s16] =	dma.local [hbm:s2], $0x1  }
0x93: {  	_ =	swait.eq [sflag:s16], $0x1  }
0x94: {  	[sflag:s16] =	ssyncset.done $0x0  }
0x95: {  	[sflag:s16] =	ssyncadd.s32 $0xFFFFFFFF  }
0x96: {  	s17 =	sld [smem:$0x10];
	(tm) =	ssettm $0x1  }
0x97: {  	s18 =	sld [smem:$0x3FFB];
	_ =	sdelay $0x3  }
0x98: {  	_ =	strace s18  }
0x99: {  	s2 =	sld [smem:$0x3FFC];
	_ =	sdelay $0x3  }
0x9a: {  	_ =	strace s2  }
0x9b: {  	s2 =	sld [smem:$0x3FFD];
	_ =	sdelay $0x3  }
0x9c: {  	_ =	strace s2  }
0x9d: {  	_ =	strace $0x8FFFFFFF  }
0x9e: {  	s19 =	sld [smem:$0x3FDB];
	_ =	sdelay $0x1  }
0x9f: {  	s20 =	simm.s32 $_scs_section_size  }
0xa0: {  	s5 =	simm.s32 $_size__tile_overlayer_lowered;
	s6 =	simm.s32 $_tile_overlayer_lowered  }
0xa1: {  	s7 =	simm.s32 $0x1BFF;
	s21 =	sshll.u32 s6, $0x1;
	s4 =	sadd.s32 s20, s19  }
0xa2: {  	s22 =	simm.s32 $0x0;
	s5 =	sshll.u32 s5, $0x1;
	s6 =	sadd.s32 s21, s4  }
0xa3: {  	[timem:s22], [sflag:s7] =	dma.local [hbm:s6], s5  }
0xa4: {  	_ =	swait.ge [sflag:s7], s5  }
0xa5: {  	s5 =	ssub.s32 $0x0, s5;
	[sflag:s7] =	ssyncset.done $0x0  }
0xa6: {  	[sflag:s7] =	ssyncadd.s32 s5;
	_ =	sdelay $0x1  }
0xa7: {  	s23 =	simm.s32 $0x1B8B  }
0xa8: {  	_ =	swait.ge [sflag:s23], $0x1  }
0xa9: {  	[sflag:s23] =	ssyncset.done $0x0  }
0xaa: {  	[sflag:s23] =	ssyncadd.s32 $0xFFFFFFFF  }
0xab: {  	s5 =	sld [smem:$0x0]  }
0xac: {  	s6 =	sand.u32 $0xFFFFFFFE, s1  }
0xad: {  	p0 =	sne.s32 s1, s6  }
0xae: {  	s6 =	sshll.u32 @p0 s6, $0xE  }
0xaf: {  	s6 =	sadd.s32 @p0 $0x11B8D, s6;
	s7 =	sshll.u32 @p0 s5, $0x11  }
0xb0: {  	s6 =	sor.u32 @p0 s7, s6  }
0xb1: {  	[sflag:s6] =	ssyncadd.remote.s32 @p0 $0x1;
	_ =	sdelay $0x1  }
0xb2: {  	s6 =	simm.s32 @p0 $0x1B8D  }
0xb3: {  	_ =	swait.eq @p0 [sflag:s6], $0x1  }
0xb4: {  	[sflag:s6] =	ssyncadd.s32 @p0 $0xFFFFFFFF  }
0xb5: {  	s7 =	sshll.u32 @!p0 s1, $0xE  }
0xb6: {  	s7 =	sor.u32 @!p0 $0x4000, s7;
	s6 =	simm.s32 @!p0 $0x1B8D  }
0xb7: {  	s5 =	sshll.u32 @!p0 s5, $0x11;
	s7 =	sadd.s32 @!p0 $0x11B8D, s7;
	_ =	swait.eq @!p0 [sflag:s6], $0x1  }
0xb8: {  	s5 =	sor.u32 @!p0 s5, s7;
	[sflag:s6] =	ssyncadd.s32 @!p0 $0xFFFFFFFF  }
0xb9: {  	s25 =	simm.s32 $0x1B8E;
	s24 =	sld [smem:$0x3FFE];
	[sflag:s5] =	ssyncadd.remote.s32 @!p0 $0x1  }
0xba: {  	s26 =	simm.s32 $execute0_lowered;
	[smem:$0x3FD2] =	sst s25  }
0xbb: {  	s6 =	sshll.u32 s26, $0x1;
	_ =	strace $0x8000004C;
	[dreg:$0x1] =	wrdreg $0xFFFFFFFF  }
0xbc: {  	s28 =	simm.s32 $_size_execute0_lowered;
	s4 =	sadd.s32 s4, s6;
	[dreg:$0x0] =	wrdreg $0x0  }
0xbd: {  	s6 =	sshll.u32 s28, $0x1;
	[dreg:$0x2] =	wrdreg s4  }
0xbe: {  	[dreg:$0x3] =	wrdreg s6  }
0xbf: {  	[dreg:$0x4] =	wrdreg $0xC0  }
0xc0: {  	_ =	task [dreg:s22], $0x5FFFF  }
0xc1: {  	[dreg:$0x1] =	wrdreg $0xFFFFFFFF  }
0xc2: {  	[dreg:$0x0] =	wrdreg $0x60  }
0xc3: {  	[dreg:$0x2] =	wrdreg s24  }
0xc4: {  	[dreg:$0x3] =	wrdreg s17  }
0xc5: {  	[dreg:$0x4] =	wrdreg $0x9B000  }
0xc6: {  	[dreg:$0x5] =	wrdreg $0x13F000  }
0xc7: {  	[dreg:$0x6] =	wrdreg $0x1E3000  }
0xc8: {  	[dreg:$0x7] =	wrdreg $0x9  }
0xc9: {  	_ =	task.clear_ibuf [dreg:s22], $0x8FFFF;
	_ =	strace $0x9000004C  }
0xca: {  	s29 =	simm.s32 $0x9;
	_ =	strace $0x8000004E  }
0xcb: {  	_ =	swait.ge [sflag:s29], $0x1  }
0xcc: {  	[sflag:s29] =	ssyncadd.s32 $0xFFFFFFFF  }
0xcd: {  	_ =	strace $0x9000004E  }
0xce: {  	_ =	sfence  }
0xcf: {  	s30 =	sld [smem:$0x0];
	_ =	sdelay $0x2  }
0xd0: {  	s31 =	sshll.u32 s1, $0xD;
	s1 =	sshrl.u32 s1, $0x2  }
0xd1: {  	s4 =	sand.u32 $0x4000, s31;
	s1 =	sadd.s32 s1, s30  }
0xd2: {  	s0 =	sor.u32 s4, s0;
	s1 =	sshll.u32 s1, $0x11  }
0xd3: {  	s0 =	sor.u32 s1, s0  }
0xd4: {  	s0 =	sadd.s32 $0x8F2B, s0  }
0xd5: {  	[sflag:s0] =	ssyncadd.remote.s32 $0x1  }
0xd6: {  	_ =	sfence.sel $0xFFFF  }
0xd7: {  	[dreg:$0x0] =	wrdreg $0xFFFFFFFF;
	(pc) =	sbr.abs _section_cstart, $3  }
0xd8: {  	[dreg:$0x1] =	wrdreg $0xFFFFFFFF  }
0xd9: {  	_ =	task.clear_ibuf [dreg:s22], $0x2FFFF;
	_ =	strace $0x9FFFFFFF  }
0xda: {  	(tm) =	ssettm $0x7FFFFFFF  }
0xdb: {  	_ =	shalt  }
tec
execute0_lowered:
.L_overlay_start_1:
0x0: {  	(tag) =	ssettag $0x1  }
0x1: {  	s0 =	rddreg [dreg:$0x0]  }
0x2: {  	s1 =	rddreg [dreg:$0x1]  }
0x3: {  	s2 =	rddreg [dreg:$0x2];
	s5 =	srdreg.scid  }
0x4: {  	s3 =	rddreg [dreg:$0x3];
	s6 =	sand.u32 $0x1, s5  }
0x5: {  	s5 =	stileid.u32;
	s9 =	smul.u32 $0x1400, s6  }
0x6: {  	s4 =	rddreg [dreg:$0x4];
	s7 =	simm.s32 $0x0;
	s8 =	smul.u32 $0x140, s5  }
0x7: {  	s31 =	simm.s32 $0x5800;
	s30 =	simm.s32 $0x800;
	s11 =	smul.u32 $0x280, s5  }
0x8: {  	[smem:$0x7FF] =	sst s7;
	s7 =	sadd.s32 $0xBB600, s0;
	s15 =	smul.u32 $0xA400, s5  }
0x9: {  	_ =	strace $0x8000004D;
	s12 =	ssub.s32 $0x2, s6;
	s16 =	smul.u32 $0xA40, s5  }
0xa: {  	s24 =	smul.u32 $0xA000, s5;
	p0 =	sne.s32 s6, $0x0;
	p1 =	sne.s32 s5, $0xF  }
0xb: {  	s6 =	simm.s32 $0x80;
	s14 =	sshrl.u32 s12, $0x1;
	s10 =	sadd.s32 s8, s9  }
0xc: {  	s8 =	sadd.s32 $0x18DC00, s0;
	s13 =	sshrl.u32 s11, $0x3;
	s12 =	ssub.s32 s12, s14  }
0xd: {  	s19 =	sadd.s32 s15, s2;
	s20 =	sadd.s32 $0x4000, s15;
	s17 =	sadd.s32 s15, s3  }
0xe: {  	s22 =	sadd.s32 $0x8000, s15;
	s23 =	sshrl.u32 s16, $0x2;
	s18 =	sadd.s32 s24, s3  }
0xf: {  	v0 =	vmov s9;
	s9 =	simm.s32 $0x1800;
	s10 =	sshll.u32 s10, $0x4;
	[dreg:$0x6] =	wrdreg s19  }
0x10: {  	s13 =	sadd.s32 s13, s0;
	[dreg:$0x7] =	wrdreg s17;
	s21 =	sadd.s32 s20, s2  }
0x11: {  	s14 =	sadd.s32 s20, s3;
	s25 =	sadd.s32 s22, s2;
	[dreg:$0x8] =	wrdreg s21  }
0x12: {  	s15 =	sadd.s32 s23, s4;
	s23 =	sshrl.u32 s18, $0x3;
	[dreg:$0x9] =	wrdreg s14  }
0x13: {  	s20 =	sadd.s32 $0x9C00, s1;
	s10 =	sadd.s32 s10, s0;
	[dreg:$0xa] =	wrdreg s25  }
0x14: {  	s14 =	sadd.s32 s22, s3;
	s26 =	sadd.s32 $0x80, s15;
	[dreg:$0x11] =	wrdreg s20  }
0x15: {  	s0 =	sadd.s32 $0xC5200, s0;
	s19 =	sadd.s32 $0xC5400, s13;
	[dreg:$0xb] =	wrdreg s14  }
0x16: {  	s21 =	smax.u32 s12, $0x1;
	s25 =	sadd.s32 $0x100, s15;
	[dreg:$0xc] =	wrdreg s26  }
0x17: {  	s28 =	sadd.s32 $0x200, s15;
	s29 =	sadd.s32 $0x280, s15;
	[dreg:$0xd] =	wrdreg s0  }
.Ltmp0:
0x18: {  	s17 =	sadd.s32 $0xC5A00, s10;
	[dreg:$0x10] =	wrdreg s19;
	(pc) =	sbr.rel .LBB2_1-.Ltmp0, $4  }
0x19: {  	s14 =	sadd.s32 s24, s2;
	s10 =	sadd.s32 $0x1DC000, s10;
	[dreg:$0xe] =	wrdreg s17  }
0x1a: {  	s26 =	sadd.s32 $0x180, s15;
	s0 =	simm.s32 $0x1;
	[dreg:$0xf] =	wrdreg s10  }
0x1b: {  	v3 =	vlaneseq.u32;
	s10 =	sadd.s32 s11, s4;
	s22 =	sshrl.u32 s14, $0x3;
	s17 =	simm.s32 $0x9800  }
0x1c: {  	v1 =	vimm.f32 $0.0e+00;
	v2 =	vimm.f32 $1.000000000e+00;
	v3 =	vor.u32 $0x1400, v3;
	s11 =	simm.s32 $0x0;
	s24 =	sshrl.u32 @!p0 s10, $0x3;
	s10 =	simm.s32 $0x2  }
.LBB2_15:
0x1d: {  	s12 =	sshll.u32 s5, $0x6;
	[bflag:$0x0] =	sbarrier.arrive $0xFFFF  }
0x1e: {  	s12 =	sor.u32 $0x1C01, s12;
	s13 =	rddreg [dreg:$0xe]  }
0x1f: {  	[hbm:s13], [sflag:s12] =	dma.local [spmem:s22], $0x1400  }
0x20: {  	_ =	swait.ge [sflag:s0], $0x1400  }
0x21: {  	[sflag:s0] =	ssyncset.done $0x0  }
0x22: {  	s20 =	rddreg [dreg:$0xf];
	[sflag:s0] =	ssyncadd.s32 $0xFFFFEC00  }
0x23: {  	[hbm:s20], [sflag:s12] =	dma.local [spmem:s23], $0x1400  }
0x24: {  	_ =	swait.ge [sflag:s0], $0x1400  }
0x25: {  	s11 =	sadd.s32 $0x1, s11;
	[sflag:s0] =	ssyncset.done $0x0  }
0x26: {  	p2 =	sne.s32 s11, s21;
	s13 =	rddreg [dreg:$0x10];
	[sflag:s0] =	ssyncadd.s32 $0xFFFFEC00  }
0x27: {  	[hbm:s13], [sflag:s12] =	dma.local @!p0 [spmem:s24], $0x50  }
.Ltmp1:
0x28: {  	_ = 	snop;
	(pc) =	sbr.rel @!p2 .LBB2_16-.Ltmp1, $4  }
0x29: {  	s12 =	simm.s32 @!p0 $0x1  }
0x2a: {  	_ =	swait.ge @!p0 [sflag:s12], $0x50  }
0x2b: {  	[sflag:s12] =	ssyncset.done @!p0 $0x0  }
0x2c: {  	[sflag:s12] =	ssyncadd.s32 @!p0 $0xFFFFFFB0  }
.LBB2_1:
0x2d: {  	s13 =	simm.s32 $0x0  }
0x2e: {  	s12 =	sand.u32 $0xFE00, s13  }
0x2f: {  	s13 =	sand.u32 $0x70, s13;
	s14 =	sshrl.u32 s12, $0x2  }
0x30: {  	s12 =	simm.s32 $0x40;
	s14 =	sor.u32 s13, s14;
	s13 =	simm.s32 $0x0  }
.LBB2_2:
0x31: {  	p2 =	sne.s32 s12, $0xFFC0  }
0x32: {  	[tilespmem:s14+$0x5800] =	vst v1;
	s13 =	sadd.s32 $0x10, s13;
	s14 =	smov.u32 s12;
	s12 =	sadd.s32 $0x40, s12  }
.Ltmp2:
0x33: {  	(pc) =	sbr.rel @p2 .LBB2_2-.Ltmp2, $4  }
0x34: {  	_ = 	snop  }
0x35: {  	s14 =	sand.u32 $0xFE00, s14  }
0x36: {  	s16 =	sand.u32 $0x70, s13;
	s14 =	sshrl.u32 s14, $0x2  }
0x37: {  	s14 =	sor.u32 s16, s14  }
0x38: {  	[tilespmem:s14+$0x5800] =	vst v1  }
0x39: {  	[tilespmem:$0x9800] =	vst v1  }
0x3a: {  	[tilespmem:$0x9810] =	vst v1  }
0x3b: {  	[tilespmem:$0x9820] =	vst v1  }
0x3c: {  	[tilespmem:$0x9830] =	vst v1  }
0x3d: {  	[tilespmem:$0x9840] =	vst v1  }
0x3e: {  	[tilespmem:$0x9850] =	vst v1  }
0x3f: {  	[tilespmem:$0x9860] =	vst v1  }
0x40: {  	[tilespmem:$0x9870] =	vst v1  }
0x41: {  	[tilespmem:$0x9880] =	vst v1  }
0x42: {  	[tilespmem:$0x9890] =	vst v1  }
0x43: {  	[tilespmem:$0x98A0] =	vst v1  }
0x44: {  	[tilespmem:$0x98B0] =	vst v1  }
0x45: {  	[tilespmem:$0x98C0] =	vst v1  }
0x46: {  	[tilespmem:$0x98D0] =	vst v1  }
0x47: {  	[tilespmem:$0x98E0] =	vst v1  }
0x48: {  	[tilespmem:$0x98F0] =	vst v1  }
0x49: {  	[tilespmem:$0x9900] =	vst v1  }
0x4a: {  	[tilespmem:$0x9910] =	vst v1  }
0x4b: {  	[tilespmem:$0x9920] =	vst v1  }
0x4c: {  	[tilespmem:$0x9930] =	vst v1  }
0x4d: {  	[tilespmem:$0x9940] =	vst v1  }
0x4e: {  	[tilespmem:$0x9950] =	vst v1  }
0x4f: {  	[tilespmem:$0x9960] =	vst v1  }
0x50: {  	[tilespmem:$0x9970] =	vst v1  }
0x51: {  	[tilespmem:$0x9980] =	vst v1  }
0x52: {  	[tilespmem:$0x9990] =	vst v1  }
0x53: {  	[tilespmem:$0x99A0] =	vst v1  }
0x54: {  	[tilespmem:$0x99B0] =	vst v1  }
0x55: {  	[tilespmem:$0x99C0] =	vst v1  }
0x56: {  	[tilespmem:$0x99D0] =	vst v1  }
0x57: {  	[tilespmem:$0x99E0] =	vst v1  }
0x58: {  	[tilespmem:$0x99F0] =	vst v1  }
0x59: {  	[tilespmem:$0x9A00] =	vst v1  }
0x5a: {  	[tilespmem:$0x9A10] =	vst v1  }
0x5b: {  	[tilespmem:$0x9A20] =	vst v1  }
0x5c: {  	[tilespmem:$0x9A30] =	vst v1  }
0x5d: {  	[tilespmem:$0x9A40] =	vst v1  }
0x5e: {  	[tilespmem:$0x9A50] =	vst v1  }
0x5f: {  	[tilespmem:$0x9A60] =	vst v1  }
0x60: {  	[tilespmem:$0x9A70] =	vst v1  }
0x61: {  	s12 =	rddreg [dreg:$0x6];
	[tilespmem:$0x9A80] =	vst v1  }
0x62: {  	[spmem:s12] =	stream.linear.scatter [tilespmem:s31], [sflag:$0x1], $0x4000, $0x38;
	[tilespmem:$0x1E590] =	vst v63  }
0x63: {  	_ =	swait.ge [sflag:s0], $0x4000  }
0x64: {  	[sflag:s0] =	ssyncset.done $0x0  }
0x65: {  	s13 =	rddreg [dreg:$0x7];
	[sflag:s0] =	ssyncadd.s32 $0xFFFFC000  }
0x66: {  	[spmem:s13] =	stream.linear.scatter [tilespmem:s31], [sflag:$0x1], $0x4000, $0x38;
	[tilespmem:$0x1E590] =	vst v63  }
0x67: {  	_ =	swait.ge [sflag:s0], $0x4000  }
0x68: {  	[sflag:s0] =	ssyncset.done $0x0  }
0x69: {  	s14 =	rddreg [dreg:$0x8];
	[sflag:s0] =	ssyncadd.s32 $0xFFFFC000  }
0x6a: {  	[spmem:s14] =	stream.linear.scatter [tilespmem:s31], [sflag:$0x1], $0x4000, $0x38;
	[tilespmem:$0x1E590] =	vst v63  }
0x6b: {  	_ =	swait.ge [sflag:s0], $0x4000  }
0x6c: {  	[sflag:s0] =	ssyncset.done $0x0  }
0x6d: {  	s16 =	rddreg [dreg:$0x9];
	[sflag:s0] =	ssyncadd.s32 $0xFFFFC000  }
0x6e: {  	[spmem:s16] =	stream.linear.scatter [tilespmem:s31], [sflag:$0x1], $0x4000, $0x38;
	[tilespmem:$0x1E590] =	vst v63  }
0x6f: {  	_ =	swait.ge [sflag:s0], $0x4000  }
0x70: {  	[sflag:s0] =	ssyncset.done $0x0  }
0x71: {  	s18 =	rddreg [dreg:$0xa];
	[sflag:s0] =	ssyncadd.s32 $0xFFFFC000  }
0x72: {  	[spmem:s18] =	stream.linear.scatter [tilespmem:s31], [sflag:$0x1], $0x2400, $0x38;
	[tilespmem:$0x1E590] =	vst v63  }
0x73: {  	_ =	swait.ge [sflag:s0], $0x2400  }
0x74: {  	[sflag:s0] =	ssyncset.done $0x0  }
0x75: {  	s19 =	rddreg [dreg:$0xb];
	[sflag:s0] =	ssyncadd.s32 $0xFFFFDC00  }
0x76: {  	[spmem:s19] =	stream.linear.scatter [tilespmem:s31], [sflag:$0x1], $0x2400, $0x38;
	[tilespmem:$0x1E590] =	vst v63  }
0x77: {  	_ =	swait.ge [sflag:s0], $0x2400  }
0x78: {  	[sflag:s0] =	ssyncset.done $0x0  }
0x79: {  	[sflag:s0] =	ssyncadd.s32 $0xFFFFDC00  }
0x7a: {  	[spmem:s15] =	stream.linear.scatter [tilespmem:s17], [sflag:$0x1], $0x80, $0x38;
	[tilespmem:$0x1E590] =	vst v63  }
0x7b: {  	_ =	swait.ge [sflag:s0], $0x80  }
0x7c: {  	[sflag:s0] =	ssyncset.done $0x0  }
0x7d: {  	s20 =	rddreg [dreg:$0xc];
	[sflag:s0] =	ssyncadd.s32 $0xFFFFFF80  }
0x7e: {  	[spmem:s20] =	stream.linear.scatter [tilespmem:s17], [sflag:$0x1], $0x80, $0x38;
	[tilespmem:$0x1E590] =	vst v63  }
0x7f: {  	_ =	swait.ge [sflag:s0], $0x80  }
0x80: {  	[sflag:s0] =	ssyncset.done $0x0  }
0x81: {  	[sflag:s0] =	ssyncadd.s32 $0xFFFFFF80  }
0x82: {  	[spmem:s25] =	stream.linear.scatter [tilespmem:s17], [sflag:$0x1], $0x80, $0x38;
	[tilespmem:$0x1E590] =	vst v63  }
0x83: {  	_ =	swait.ge [sflag:s0], $0x80  }
0x84: {  	[sflag:s0] =	ssyncset.done $0x0  }
0x85: {  	[sflag:s0] =	ssyncadd.s32 $0xFFFFFF80  }
0x86: {  	[spmem:s26] =	stream.linear.scatter [tilespmem:s17], [sflag:$0x1], $0x80, $0x38;
	[tilespmem:$0x1E590] =	vst v63  }
0x87: {  	_ =	swait.ge [sflag:s0], $0x80  }
0x88: {  	[sflag:s0] =	ssyncset.done $0x0  }
0x89: {  	[sflag:s0] =	ssyncadd.s32 $0xFFFFFF80  }
0x8a: {  	[spmem:s28] =	stream.linear.scatter [tilespmem:s17], [sflag:$0x1], $0x80, $0x38;
	[tilespmem:$0x1E590] =	vst v63  }
0x8b: {  	_ =	swait.ge [sflag:s0], $0x80  }
0x8c: {  	[sflag:s0] =	ssyncset.done $0x0  }
0x8d: {  	[sflag:s0] =	ssyncadd.s32 $0xFFFFFF80  }
0x8e: {  	[spmem:s29] =	stream.linear.scatter [tilespmem:s17], [sflag:$0x1], $0x10, $0x38;
	[tilespmem:$0x1E590] =	vst v63  }
0x8f: {  	_ =	swait.ge [sflag:s0], $0x10  }
0x90: {  	[sflag:s0] =	ssyncset.done $0x0  }
0x91: {  	[sflag:s0] =	ssyncadd.s32 $0xFFFFFFF0  }
0x92: {  	[tilespmem:$0x9800] =	vst v2  }
0x93: {  	[tilespmem:$0x9810] =	vst v2  }
0x94: {  	[tilespmem:$0x9820] =	vst v2  }
0x95: {  	[tilespmem:$0x9830] =	vst v2  }
0x96: {  	[tilespmem:$0x9840] =	vst v2  }
0x97: {  	[tilespmem:$0x9850] =	vst v2  }
0x98: {  	[tilespmem:$0x9860] =	vst v2  }
0x99: {  	[tilespmem:$0x9870] =	vst v2  }
0x9a: {  	[tilespmem:$0x9880] =	vst v2  }
0x9b: {  	[tilespmem:$0x9890] =	vst v2  }
0x9c: {  	[tilespmem:$0x98A0] =	vst v2  }
0x9d: {  	[tilespmem:$0x98B0] =	vst v2  }
0x9e: {  	[tilespmem:$0x98C0] =	vst v2  }
0x9f: {  	[tilespmem:$0x98D0] =	vst v2  }
0xa0: {  	[tilespmem:$0x98E0] =	vst v2  }
0xa1: {  	[tilespmem:$0x98F0] =	vst v2  }
0xa2: {  	[tilespmem:$0x9900] =	vst v2  }
0xa3: {  	[tilespmem:$0x9910] =	vst v2  }
0xa4: {  	[tilespmem:$0x9920] =	vst v2  }
0xa5: {  	[tilespmem:$0x9930] =	vst v2  }
0xa6: {  	[tilespmem:$0x9940] =	vst v2  }
0xa7: {  	[tilespmem:$0x9950] =	vst v2  }
0xa8: {  	[tilespmem:$0x9960] =	vst v2  }
0xa9: {  	[tilespmem:$0x9970] =	vst v2  }
0xaa: {  	[tilespmem:$0x9980] =	vst v2  }
0xab: {  	[tilespmem:$0x9990] =	vst v2  }
0xac: {  	[tilespmem:$0x99A0] =	vst v2  }
0xad: {  	[tilespmem:$0x99B0] =	vst v2  }
0xae: {  	[tilespmem:$0x99C0] =	vst v2  }
0xaf: {  	[tilespmem:$0x99D0] =	vst v2  }
0xb0: {  	[tilespmem:$0x99E0] =	vst v2  }
0xb1: {  	[tilespmem:$0x99F0] =	vst v2  }
0xb2: {  	[tilespmem:$0x9A00] =	vst v2  }
0xb3: {  	[tilespmem:$0x9A10] =	vst v2  }
0xb4: {  	[tilespmem:$0x9A20] =	vst v2  }
0xb5: {  	[tilespmem:$0x9A30] =	vst v2  }
0xb6: {  	[tilespmem:$0x9A40] =	vst v2  }
0xb7: {  	[tilespmem:$0x9A50] =	vst v2  }
.Ltmp3:
0xb8: {  	[tilespmem:$0x9A60] =	vst v2;
	(pc) =	sbr.rel .LBB2_4-.Ltmp3, $4  }
0xb9: {  	[tilespmem:$0x9A70] =	vst v2  }
0xba: {  	[tilespmem:$0x9A80] =	vst v2  }
0xbb: {  	[bflag:$0x0] =	sbarrier.arrive $0xFFFF  }
0xbc: {  	s12 =	simm.s32 $0x0  }
.LBB2_9:
0xbd: {  	s12 =	sadd.s32 $0x1, s12  }
0xbe: {  	p2 =	sne.s32 s12, $0xA  }
.Ltmp4:
0xbf: {  	_ = 	snop;
	(pc) =	sbr.rel @!p2 .LBB2_10-.Ltmp4, $1  }
0xc0: {  	_ =	sdelay $0x3  }
.LBB2_4:
0xc1: {  	s13 =	sshll.u32 s12, $0x4  }
0xc2: {  	s13 =	sor.u32 s5, s13  }
0xc3: {  	p2 =	sgt.u32 s13, $0x9B  }
.Ltmp5:
0xc4: {  	_ = 	snop;
	(pc) =	sbr.rel @p2 .LBB2_9-.Ltmp5, $1  }
0xc5: {  	_ =	sdelay $0x3  }
0xc6: {  	s14 =	sshll.u32 s13, $0x8  }
0xc7: {  	s13 =	simm.s32 $0x0;
	s16 =	sadd.s32 s7, s14  }
0xc8: {  	[tilespmem:s13], [sflag:$0x1] =	stream.linear.gather [hbm4b:s16+s13], $0x800, $0x38;
	[tilespmem:$0x1E590] =	vst v63  }
0xc9: {  	_ =	swait.ge [sflag:s0], $0x800  }
0xca: {  	[sflag:s0] =	ssyncset.done $0x0  }
0xcb: {  	s14 =	sadd.s32 s1, s14;
	[sflag:s0] =	ssyncadd.s32 $0xFFFFF800  }
0xcc: {  	[tilespmem:s30], [sflag:$0x1] =	stream.linear.gather [hbm4b:s14+s13], $0x800, $0x38;
	[tilespmem:$0x1E590] =	vst v63  }
0xcd: {  	_ =	swait.ge [sflag:s0], $0x800  }
0xce: {  	[sflag:s0] =	ssyncset.done $0x0  }
0xcf: {  	[sflag:s0] =	ssyncadd.s32 $0xFFFFF800  }
.LBB2_6:
0xd0: {  	s16 =	sshll.u32 s13, $0x7  }
0xd1: {  	v4 =	vld [tilespmem:s16+$0x800]  }
0xd2: {  	v5 =	vld [tilespmem:s16+$0x810]  }
0xd3: {  	v6 =	vld [tilespmem:s16+$0x820]  }
0xd4: {  	v7 =	vld [tilespmem:s16+$0x830]  }
0xd5: {  	v8 =	vld [tilespmem:s16+$0x840]  }
0xd6: {  	v9 =	vld [tilespmem:s16+$0x850];
	v4 =	vsub.s32 v4, v0  }
0xd7: {  	v10 =	vld [tilespmem:s16+$0x860];
	v5 =	vsub.s32 v5, v0;
	vm0 =	vlt.u32 v4, $0x1400  }
0xd8: {  	v11 =	vld [tilespmem:s16+$0x870];
	v6 =	vsub.s32 v6, v0;
	vm9 =	vlt.u32 v5, $0x1400;
	v4 =	vsel vm0, v4, v3  }
0xd9: {  	vm10 =	vlt.u32 v6, $0x1400;
	[tilespmem:s16+$0x1000] =	vst v4;
	v4 =	vsel vm9, v5, v3;
	v5 =	vsub.s32 v7, v0  }
0xda: {  	[tilespmem:s16+$0x1010] =	vst v4;
	v4 =	vsel vm10, v6, v3;
	vm11 =	vlt.u32 v5, $0x1400;
	v6 =	vsub.s32 v8, v0  }
0xdb: {  	[tilespmem:s16+$0x1020] =	vst v4;
	v4 =	vsel vm11, v5, v3;
	vm12 =	vlt.u32 v6, $0x1400;
	v5 =	vsub.s32 v9, v0  }
0xdc: {  	[tilespmem:s16+$0x1030] =	vst v4;
	v4 =	vsel vm12, v6, v3;
	vm13 =	vlt.u32 v5, $0x1400;
	v6 =	vsub.s32 v10, v0  }
0xdd: {  	[tilespmem:s16+$0x1040] =	vst v4;
	v4 =	vsel vm13, v5, v3;
	vm14 =	vlt.u32 v6, $0x1400;
	v5 =	vsub.s32 v11, v0  }
0xde: {  	[tilespmem:s16+$0x1050] =	vst v4;
	v4 =	vsel vm14, v6, v3;
	vm15 =	vlt.u32 v5, $0x1400  }
0xdf: {  	[tilespmem:s16+$0x1060] =	vst v4;
	v4 =	vsel vm15, v5, v3  }
0xe0: {  	s14 =	sand.u32 $0x3FFFFF80, s16;
	[tilespmem:s16+$0x1070] =	vst v4  }
0xe1: {  	[tilespmem:s9], [sflag:$0x2] =	stream.indirect.gather [hbm4b:s8+s6], $0x80, s14, s6, $0xb8;
	[tilespmem:$0x1E590] =	vst v63  }
0xe2: {  	_ =	swait.ge [sflag:s10], $0x4000  }
0xe3: {  	[sflag:s10] =	ssyncset.done $0x0  }
0xe4: {  	s19 =	simm.s32 $0x0;
	[sflag:s10] =	ssyncadd.s32 $0xFFFFC000  }
0xe5: {  	v5 =	vld [tilespmem:s19+$0x1870]  }
0xe6: {  	v9 =	vld [tilespmem:s19+$0x1800]  }
0xe7: {  	v10 =	vld [tilespmem:s19+$0x1810]  }
0xe8: {  	v8 =	vld [tilespmem:s19+$0x1820]  }
0xe9: {  	v6 =	vld [tilespmem:s19+$0x1830]  }
0xea: {  	v4 =	vld [tilespmem:s19+$0x1840];
	v11 =	vmul.f32 v5, v5  }
0xeb: {  	s18 =	simm.s32 $0x80;
	v5 =	vld [tilespmem:s19+$0x1850];
	v9 =	vmul.f32 v9, v9  }
0xec: {  	s20 =	simm.s32 $0x400;
	s14 =	sadd.s32 $0x800, s16;
	s16 =	sadd.s32 $0x1000, s16;
	v7 =	vld [tilespmem:s19+$0x1860];
	v10 =	vmul.f32 v10, v10;
	[tilespmem:s19+$0x5870] =	vst v11  }
.LBB2_7:
0xed: {  	p2 =	sne.s32 s20, $0xFE00;
	v11 =	vld [tilespmem:s18+$0x1870];
	[tilespmem:s19+$0x5800] =	vst v9;
	v8 =	vmul.f32 v8, v8  }
0xee: {  	v9 =	vld [tilespmem:s18+$0x1800];
	[tilespmem:s19+$0x5810] =	vst v10;
	v6 =	vmul.f32 v6, v6  }
0xef: {  	v10 =	vld [tilespmem:s18+$0x1810];
	[tilespmem:s19+$0x5820] =	vst v8;
	v4 =	vmul.f32 v4, v4  }
.Ltmp6:
0xf0: {  	v8 =	vld [tilespmem:s18+$0x1820];
	[tilespmem:s19+$0x5830] =	vst v6;
	v5 =	vmul.f32 v5, v5;
	(pc) =	sbr.rel @p2 .LBB2_7-.Ltmp6, $4  }
0xf1: {  	v6 =	vld [tilespmem:s18+$0x1830];
	[tilespmem:s19+$0x5840] =	vst v4;
	v7 =	vmul.f32 v7, v7  }
0xf2: {  	v4 =	vld [tilespmem:s18+$0x1840];
	v11 =	vmul.f32 v11, v11;
	[tilespmem:s19+$0x5850] =	vst v5  }
0xf3: {  	v9 =	vmul.f32 v9, v9;
	v5 =	vld [tilespmem:s18+$0x1850];
	[tilespmem:s19+$0x5860] =	vst v7;
	s19 =	smov.u32 s18  }
0xf4: {  	s18 =	sshra.s32 s20, $0x2;
	s20 =	sadd.s32 $0x200, s20;
	v10 =	vmul.f32 v10, v10;
	v7 =	vld [tilespmem:s19+$0x1860];
	[tilespmem:s19+$0x5870] =	vst v11  }
0xf5: {  	v11 =	vld [tilespmem:s18+$0x1870];
	[tilespmem:s19+$0x5800] =	vst v9;
	v8 =	vmul.f32 v8, v8  }
0xf6: {  	v9 =	vld [tilespmem:s18+$0x1800];
	[tilespmem:s19+$0x5810] =	vst v10;
	v6 =	vmul.f32 v6, v6  }
0xf7: {  	v10 =	vld [tilespmem:s18+$0x1810];
	[tilespmem:s19+$0x5820] =	vst v8;
	v4 =	vmul.f32 v4, v4  }
0xf8: {  	v8 =	vld [tilespmem:s18+$0x1820];
	[tilespmem:s19+$0x5830] =	vst v6;
	v5 =	vmul.f32 v5, v5  }
0xf9: {  	v6 =	vld [tilespmem:s18+$0x1830];
	[tilespmem:s19+$0x5840] =	vst v4;
	v7 =	vmul.f32 v7, v7  }
0xfa: {  	v4 =	vld [tilespmem:s18+$0x1840];
	[tilespmem:s19+$0x5850] =	vst v5;
	v11 =	vmul.f32 v11, v11  }
0xfb: {  	v5 =	vld [tilespmem:s18+$0x1850];
	[tilespmem:s19+$0x5860] =	vst v7;
	v61 =	vmul.f32 v9, v9  }
0xfc: {  	v62 =	vld [tilespmem:s18+$0x1860];
	v10 =	vmul.f32 v10, v10;
	[tilespmem:s18+$0x5870] =	vst v11  }
0xfd: {  	[tilespmem:s18+$0x5800] =	vst v61;
	v63 =	vmul.f32 v8, v8  }
0xfe: {  	[tilespmem:s18+$0x5810] =	vst v10;
	v6 =	vmul.f32 v6, v6  }
0xff: {  	[tilespmem:s18+$0x5820] =	vst v63;
	v4 =	vmul.f32 v4, v4  }
0x100: {  	[tilespmem:s18+$0x5830] =	vst v6;
	v5 =	vmul.f32 v5, v5  }
0x101: {  	[tilespmem:s18+$0x5840] =	vst v4;
	v4 =	vmul.f32 v62, v62  }
0x102: {  	[tilespmem:s18+$0x5850] =	vst v5  }
0x103: {  	[tilespmem:s18+$0x5860] =	vst v4  }
0x104: {  	[spmem:s2] =	stream.indirect.scatter.add.f32 [tilespmem:s9], [sflag:$0x2], $0x80, s16, s6, $0xb8;
	[tilespmem:$0x1E590] =	vst v63  }
0x105: {  	_ =	swait.ge [sflag:s10], $0x4000  }
0x106: {  	[sflag:s10] =	ssyncset.done $0x0  }
0x107: {  	[sflag:s10] =	ssyncadd.s32 $0xFFFFC000  }
0x108: {  	[spmem:s3] =	stream.indirect.scatter.add.f32 [tilespmem:s31], [sflag:$0x2], $0x80, s16, s6, $0xb8;
	[tilespmem:$0x1E590] =	vst v63  }
0x109: {  	s13 =	sadd.s32 $0x1, s13;
	_ =	swait.ge [sflag:s10], $0x4000  }
0x10a: {  	p2 =	sne.s32 s13, $0x10;
	[sflag:s10] =	ssyncset.done $0x0  }
0x10b: {  	s18 =	simm.s32 @!p0 $0x9800;
	s16 =	simm.s32 @!p0 $0x80;
	[sflag:s10] =	ssyncadd.s32 $0xFFFFC000  }
0x10c: {  	[spmem:s4] =	stream.indirect.scatter.add.f32 @!p0 [tilespmem:s18], [sflag:$0x1], $0x1, s14, s16, $0xb8;
	[tilespmem:$0x1E590] =	vst v63  }
.Ltmp7:
0x10d: {  	_ = 	snop;
	(pc) =	sbr.rel @p2 .LBB2_6-.Ltmp7, $4  }
.Ltmp8:
0x10e: {  	s14 =	simm.s32 @!p0 $0x1;
	(pc) =	sbr.rel @!p2 .LBB2_9-.Ltmp8, $4  }
0x10f: {  	_ =	swait.ge @!p0 [sflag:s14], $0x80  }
0x110: {  	[sflag:s14] =	ssyncset.done @!p0 $0x0  }
0x111: {  	[sflag:s14] =	ssyncadd.s32 @!p0 $0xFFFFFF80  }
0x112: {  	_ = 	snop  }
.LBB2_10:
.Ltmp9:
0x113: {  	(pc) =	sbr.rel @p1 .LBB2_15-.Ltmp9, $1  }
0x114: {  	_ =	sdelay $0x3  }
0x115: {  	s12 =	simm.s32 $0x0;
	s13 =	rddreg [dreg:$0xd]  }
0x116: {  	[tilespmem:s12], [sflag:$0x1] =	stream.linear.gather [hbm4b:s13+s12], $0x200, $0x38;
	[tilespmem:$0x1E590] =	vst v63  }
0x117: {  	_ =	swait.ge [sflag:s0], $0x200  }
0x118: {  	[sflag:s0] =	ssyncset.done $0x0  }
0x119: {  	s20 =	rddreg [dreg:$0x11];
	[sflag:s0] =	ssyncadd.s32 $0xFFFFFE00  }
0x11a: {  	[tilespmem:s30], [sflag:$0x1] =	stream.linear.gather [hbm4b:s20+s12], $0x200, $0x38;
	[tilespmem:$0x1E590] =	vst v63  }
0x11b: {  	_ =	swait.ge [sflag:s0], $0x200  }
0x11c: {  	[sflag:s0] =	ssyncset.done $0x0  }
0x11d: {  	[sflag:s0] =	ssyncadd.s32 $0xFFFFFE00  }
.LBB2_12:
0x11e: {  	s14 =	sshll.u32 s12, $0x7  }
0x11f: {  	v4 =	vld [tilespmem:s14+$0x800]  }
0x120: {  	v5 =	vld [tilespmem:s14+$0x810]  }
0x121: {  	v6 =	vld [tilespmem:s14+$0x820]  }
0x122: {  	v7 =	vld [tilespmem:s14+$0x830]  }
0x123: {  	v8 =	vld [tilespmem:s14+$0x840]  }
0x124: {  	v9 =	vld [tilespmem:s14+$0x850];
	v4 =	vsub.s32 v4, v0  }
0x125: {  	v10 =	vld [tilespmem:s14+$0x860];
	v5 =	vsub.s32 v5, v0;
	vm0 =	vlt.u32 v4, $0x1400  }
0x126: {  	v11 =	vld [tilespmem:s14+$0x870];
	v6 =	vsub.s32 v6, v0;
	vm9 =	vlt.u32 v5, $0x1400;
	v4 =	vsel vm0, v4, v3  }
0x127: {  	vm10 =	vlt.u32 v6, $0x1400;
	[tilespmem:s14+$0x1000] =	vst v4;
	v4 =	vsel vm9, v5, v3;
	v5 =	vsub.s32 v7, v0  }
0x128: {  	[tilespmem:s14+$0x1010] =	vst v4;
	v4 =	vsel vm10, v6, v3;
	vm11 =	vlt.u32 v5, $0x1400;
	v6 =	vsub.s32 v8, v0  }
0x129: {  	[tilespmem:s14+$0x1020] =	vst v4;
	v4 =	vsel vm11, v5, v3;
	vm12 =	vlt.u32 v6, $0x1400;
	v5 =	vsub.s32 v9, v0  }
0x12a: {  	[tilespmem:s14+$0x1030] =	vst v4;
	v4 =	vsel vm12, v6, v3;
	vm13 =	vlt.u32 v5, $0x1400;
	v6 =	vsub.s32 v10, v0  }
0x12b: {  	[tilespmem:s14+$0x1040] =	vst v4;
	v4 =	vsel vm13, v5, v3;
	vm14 =	vlt.u32 v6, $0x1400;
	v5 =	vsub.s32 v11, v0  }
0x12c: {  	[tilespmem:s14+$0x1050] =	vst v4;
	v4 =	vsel vm14, v6, v3;
	vm15 =	vlt.u32 v5, $0x1400  }
0x12d: {  	[tilespmem:s14+$0x1060] =	vst v4;
	v4 =	vsel vm15, v5, v3  }
0x12e: {  	s13 =	sand.u32 $0x3FFFFF80, s14;
	[tilespmem:s14+$0x1070] =	vst v4  }
0x12f: {  	[tilespmem:s9], [sflag:$0x2] =	stream.indirect.gather [hbm4b:s8+s6], $0x80, s13, s6, $0xb8;
	[tilespmem:$0x1E590] =	vst v63  }
0x130: {  	_ =	swait.ge [sflag:s10], $0x4000  }
0x131: {  	[sflag:s10] =	ssyncset.done $0x0  }
0x132: {  	s18 =	simm.s32 $0x0;
	[sflag:s10] =	ssyncadd.s32 $0xFFFFC000  }
0x133: {  	v5 =	vld [tilespmem:s18+$0x1870]  }
0x134: {  	v9 =	vld [tilespmem:s18+$0x1800]  }
0x135: {  	v10 =	vld [tilespmem:s18+$0x1810]  }
0x136: {  	v8 =	vld [tilespmem:s18+$0x1820]  }
0x137: {  	v6 =	vld [tilespmem:s18+$0x1830]  }
0x138: {  	v4 =	vld [tilespmem:s18+$0x1840];
	v11 =	vmul.f32 v5, v5  }
0x139: {  	s16 =	simm.s32 $0x80;
	v5 =	vld [tilespmem:s18+$0x1850];
	v9 =	vmul.f32 v9, v9  }
0x13a: {  	s19 =	simm.s32 $0x400;
	s13 =	sadd.s32 $0x800, s14;
	s14 =	sadd.s32 $0x1000, s14;
	v7 =	vld [tilespmem:s18+$0x1860];
	v10 =	vmul.f32 v10, v10;
	[tilespmem:s18+$0x5870] =	vst v11  }
.LBB2_13:
0x13b: {  	p2 =	sne.s32 s19, $0xFE00;
	v11 =	vld [tilespmem:s16+$0x1870];
	[tilespmem:s18+$0x5800] =	vst v9;
	v8 =	vmul.f32 v8, v8  }
0x13c: {  	v9 =	vld [tilespmem:s16+$0x1800];
	[tilespmem:s18+$0x5810] =	vst v10;
	v6 =	vmul.f32 v6, v6  }
0x13d: {  	v10 =	vld [tilespmem:s16+$0x1810];
	[tilespmem:s18+$0x5820] =	vst v8;
	v4 =	vmul.f32 v4, v4  }
.Ltmp10:
0x13e: {  	v8 =	vld [tilespmem:s16+$0x1820];
	[tilespmem:s18+$0x5830] =	vst v6;
	v5 =	vmul.f32 v5, v5;
	(pc) =	sbr.rel @p2 .LBB2_13-.Ltmp10, $4  }
0x13f: {  	v6 =	vld [tilespmem:s16+$0x1830];
	[tilespmem:s18+$0x5840] =	vst v4;
	v7 =	vmul.f32 v7, v7  }
0x140: {  	v4 =	vld [tilespmem:s16+$0x1840];
	v11 =	vmul.f32 v11, v11;
	[tilespmem:s18+$0x5850] =	vst v5  }
0x141: {  	v9 =	vmul.f32 v9, v9;
	v5 =	vld [tilespmem:s16+$0x1850];
	[tilespmem:s18+$0x5860] =	vst v7;
	s18 =	smov.u32 s16  }
0x142: {  	s16 =	sshra.s32 s19, $0x2;
	s19 =	sadd.s32 $0x200, s19;
	v10 =	vmul.f32 v10, v10;
	v7 =	vld [tilespmem:s18+$0x1860];
	[tilespmem:s18+$0x5870] =	vst v11  }
0x143: {  	v11 =	vld [tilespmem:s16+$0x1870];
	[tilespmem:s18+$0x5800] =	vst v9;
	v8 =	vmul.f32 v8, v8  }
0x144: {  	v9 =	vld [tilespmem:s16+$0x1800];
	[tilespmem:s18+$0x5810] =	vst v10;
	v6 =	vmul.f32 v6, v6  }
0x145: {  	v10 =	vld [tilespmem:s16+$0x1810];
	[tilespmem:s18+$0x5820] =	vst v8;
	v4 =	vmul.f32 v4, v4  }
0x146: {  	v8 =	vld [tilespmem:s16+$0x1820];
	[tilespmem:s18+$0x5830] =	vst v6;
	v5 =	vmul.f32 v5, v5  }
0x147: {  	v6 =	vld [tilespmem:s16+$0x1830];
	[tilespmem:s18+$0x5840] =	vst v4;
	v7 =	vmul.f32 v7, v7  }
0x148: {  	v4 =	vld [tilespmem:s16+$0x1840];
	[tilespmem:s18+$0x5850] =	vst v5;
	v11 =	vmul.f32 v11, v11  }
0x149: {  	v5 =	vld [tilespmem:s16+$0x1850];
	[tilespmem:s18+$0x5860] =	vst v7;
	v61 =	vmul.f32 v9, v9  }
0x14a: {  	v62 =	vld [tilespmem:s16+$0x1860];
	v10 =	vmul.f32 v10, v10;
	[tilespmem:s16+$0x5870] =	vst v11  }
0x14b: {  	[tilespmem:s16+$0x5800] =	vst v61;
	v63 =	vmul.f32 v8, v8  }
0x14c: {  	[tilespmem:s16+$0x5810] =	vst v10;
	v6 =	vmul.f32 v6, v6  }
0x14d: {  	[tilespmem:s16+$0x5820] =	vst v63;
	v4 =	vmul.f32 v4, v4  }
0x14e: {  	[tilespmem:s16+$0x5830] =	vst v6;
	v5 =	vmul.f32 v5, v5  }
0x14f: {  	[tilespmem:s16+$0x5840] =	vst v4;
	v4 =	vmul.f32 v62, v62  }
0x150: {  	[tilespmem:s16+$0x5850] =	vst v5  }
0x151: {  	[tilespmem:s16+$0x5860] =	vst v4  }
0x152: {  	[spmem:s2] =	stream.indirect.scatter.add.f32 [tilespmem:s9], [sflag:$0x2], $0x80, s14, s6, $0xb8;
	[tilespmem:$0x1E590] =	vst v63  }
0x153: {  	_ =	swait.ge [sflag:s10], $0x4000  }
0x154: {  	[sflag:s10] =	ssyncset.done $0x0  }
0x155: {  	[sflag:s10] =	ssyncadd.s32 $0xFFFFC000  }
0x156: {  	[spmem:s3] =	stream.indirect.scatter.add.f32 [tilespmem:s31], [sflag:$0x2], $0x80, s14, s6, $0xb8;
	[tilespmem:$0x1E590] =	vst v63  }
0x157: {  	s12 =	sadd.s32 $0x1, s12;
	_ =	swait.ge [sflag:s10], $0x4000  }
0x158: {  	p2 =	sne.s32 s12, $0x4;
	[sflag:s10] =	ssyncset.done $0x0  }
0x159: {  	s16 =	simm.s32 @!p0 $0x9800;
	s14 =	simm.s32 @!p0 $0x80;
	[sflag:s10] =	ssyncadd.s32 $0xFFFFC000  }
0x15a: {  	[spmem:s4] =	stream.indirect.scatter.add.f32 @!p0 [tilespmem:s16], [sflag:$0x1], $0x1, s13, s14, $0xb8;
	[tilespmem:$0x1E590] =	vst v63  }
.Ltmp11:
0x15b: {  	_ = 	snop;
	(pc) =	sbr.rel @p2 .LBB2_12-.Ltmp11, $4  }
.Ltmp12:
0x15c: {  	s13 =	simm.s32 @!p0 $0x1;
	(pc) =	sbr.rel @!p2 .LBB2_15-.Ltmp12, $4  }
0x15d: {  	_ =	swait.ge @!p0 [sflag:s13], $0x80  }
0x15e: {  	[sflag:s13] =	ssyncset.done @!p0 $0x0  }
0x15f: {  	[sflag:s13] =	ssyncadd.s32 @!p0 $0xFFFFFF80  }
0x160: {  	_ = 	snop  }
.LBB2_16:
0x161: {  	_ =	sfence.sel $0x180000  }
0x162: {  	[bflag:$0x0] =	sbarrier.arrive $0xFFFF  }
0x163: {  	_ =	strace $0x9000004D  }
0x164: {  	[bflag:$0x2] =	sbarrier.arrive $0xFFFF  }
0x165: {  	p0 =	sne.s32 s5, $0x0;
	s0 =	rddreg [dreg:$0x5]  }
0x166: {  	s0 =	sadd.s32 @!p0 $0x100000, s0  }
0x167: {  	[sflag:s0] =	ssyncadd.tile.s32 @!p0 $0x1;
	_ =	shalt  }
.Lfunc_end2:
_tile_overlayer_lowered:
.L_overlay_start_2:
0x168: {  	(tag) =	ssettag $0x2  }
0x169: {  	s0 =	rddreg [dreg:$0x0];
	s2 =	stileid.u32  }
0x16a: {  	s1 =	rddreg [dreg:$0x1];
	p0 =	sne.s32 s2, $0x0  }
0x16b: {  	s3 =	rddreg [dreg:$0x2];
	[bflag:$0x3] =	sbarrier.arrive $0xFFFF;
	s2 =	simm.s32 @!p0 $0x1C01  }
0x16c: {  	[timem:s3], [sflag:s2] =	dma.local @!p0 [hbm:s0], s1  }
0x16d: {  	s0 =	simm.s32 @!p0 $0x1  }
0x16e: {  	_ =	swait.ge @!p0 [sflag:s0], s1  }
0x16f: {  	s1 =	ssub.s32 @!p0 $0x0, s1;
	[sflag:s0] =	ssyncset.done @!p0 $0x0  }
0x170: {  	[sflag:s0] =	ssyncadd.s32 @!p0 s1  }
0x171: {  	[bflag:$0x3] =	sbarrier.arrive $0xFFFF  }
0x172: {  	_ =	shalt  }

// kernel: kernel.19.cloned.1.call-start
scs
__scs_entry_jumppad:
0x0: {  	(pc) =	sbr.rel $0x88, $3  }
0x1: {  	(tag) =	ssettag $0x0;
	lr =	simm.s32 $0x1  }
0x2: {  	[smem:$0x3F83] =	sst lr;
	_ =	strace $0xD0000000  }
0x3: {  	_ = 	snop  }
0x4: {  	_ = 	snop  }
0x5: {  	_ = 	snop  }
0x6: {  	_ = 	snop  }
0x7: {  	_ = 	snop  }
__scs_overlays_trampoline_lowered:
0x8: {  	[smem:$0x3F92] =	sst s0  }
0x9: {  	[smem:$0x3F93] =	sst s1  }
0xa: {  	[smem:$0x3F94] =	sst s2  }
0xb: {  	[smem:$0x3F95] =	sst s3  }
0xc: {  	[smem:$0x3F96] =	sst s4  }
0xd: {  	[smem:$0x3F97] =	sst s5  }
0xe: {  	[smem:$0x3F98] =	sst s6  }
0xf: {  	[smem:$0x3F99] =	sst s7  }
0x10: {  	[smem:$0x3F9A] =	sst s8  }
0x11: {  	[smem:$0x3F9B] =	sst s9;
	s0 =	simm.s32 @!p0 $0x0  }
0x12: {  	s1 =	sld [smem:$0x3F81];
	s0 =	simm.s32 @p0 $0x1  }
0x13: {  	[smem:$0x3F9C] =	sst s0;
	s0 =	simm.s32 @!p1 $0x0  }
0x14: {  	s2 =	sld [smem:$0x3F80];
	s0 =	simm.s32 @p1 $0x1  }
0x15: {  	[smem:$0x3F9D] =	sst s0;
	s0 =	simm.s32 @!p2 $0x0  }
0x16: {  	s3 =	sld [smem:$0x3FDB];
	s0 =	simm.s32 @p2 $0x1  }
0x17: {  	s4 =	simm.s32 $0x1BF5;
	[smem:$0x3F9F] =	sst s0  }
0x18: {  	s0 =	sld [smem:$0x3F82];
	_ =	swait.ge [sflag:s4], $0x0  }
0x19: {  	s7 =	sld [smem:$0x3F83]  }
0x1a: {  	s8 =	sadd.s32 $0xFFFFE003, lr  }
0x1b: {  	s9 =	sadd.s32 $0xFFFFFEF7, lr;
	s5 =	simm.s32 $0xFFFFFFFF;
	p2 =	slt.u32 s8, $0xFFFFF086  }
0x1c: {  	p1 =	slt.u32 s9, $0xF7A;
	s5 =	simm.s32 @!p2 $0x0  }
0x1d: {  	s5 =	simm.s32 @p1 $0x1;
	p0 =	seq.s32 s7, s2  }
0x1e: {  	s7 =	smul.u32 @!p0 $0xF7A, s2;
	p2 =	seq.s32 @!p0 s5, $0x0  }
0x1f: {  	s9 =	smul.u32 $0xF7A, s1;
	s8 =	simm.s32 @!p0 $0x1BF5;
	p2 =	por !p2, p0  }
0x20: {  	[sflag:s8] =	ssyncset.s32 @!p0 $0xFFFFF086;
	s6 =	sadd.s32 @!p0 s3, s7;
	s7 =	simm.s32 @!p0 $0x108  }
0x21: {  	s3 =	sadd.s32 s3, s9;
	s6 =	sadd.s32 @!p0 $0x88, s6;
	s7 =	simm.s32 @p2 $0x1082  }
0x22: {  	[simem:s7], [sflag:s8] =	dma.local @!p0 [hbm:s6], $0xF7A  }
0x23: {  	s9 =	sor.u32 $0xD0000000, s2;
	s6 =	simm.s32 $0x108;
	_ =	swait.ge @!p0 [sflag:s8], $0x0  }
0x24: {  	s3 =	sadd.s32 $0x88, s3;
	s6 =	simm.s32 @!p1 $0x1082;
	[sflag:s4] =	ssyncset.s32 $0xFFFFF086  }
0x25: {  	[simem:s6], [sflag:s4] =	dma.local [hbm:s3], $0xF7A  }
0x26: {  	[smem:$0x3F83] =	sst s1;
	(tag) =	ssettag s2;
	_ =	strace s9  }
0x27: {  	s1 =	sld [smem:$0x3F93]  }
0x28: {  	s2 =	sld [smem:$0x3F94]  }
0x29: {  	s4 =	sld [smem:$0x3F96]  }
0x2a: {  	p0 =	seq.s32 s5, $0x0;
	s5 =	sld [smem:$0x3F97]  }
0x2b: {  	s6 =	sld [smem:$0x3F98]  }
0x2c: {  	s7 =	sld [smem:$0x3F99]  }
0x2d: {  	s3 =	simm.s32 $0x108;
	s8 =	sld [smem:$0x3F9A]  }
0x2e: {  	s3 =	simm.s32 @!p0 $0x1082;
	s9 =	sld [smem:$0x3F9B]  }
0x2f: {  	lr =	sadd.s32 s0, s3;
	s0 =	sld [smem:$0x3F92]  }
0x30: {  	s3 =	sld [smem:$0x3F95]  }
0x31: {  	[smem:$0x3F9E] =	sst s10  }
0x32: {  	s10 =	sld [smem:$0x3F9C];
	_ =	sdelay $0x3  }
0x33: {  	p0 =	seq.s32 s10, $0x1;
	s10 =	sld [smem:$0x3F9E];
	_ =	sdelay $0x3  }
0x34: {  	[smem:$0x3F9E] =	sst s10  }
0x35: {  	s10 =	sld [smem:$0x3F9D];
	_ =	sdelay $0x3  }
0x36: {  	p1 =	seq.s32 s10, $0x1;
	s10 =	sld [smem:$0x3F9E];
	_ =	sdelay $0x3  }
0x37: {  	[smem:$0x3F9E] =	sst s10  }
0x38: {  	s10 =	sld [smem:$0x3F9F]  }
0x39: {  	_ = 	snop;
	(pc) =	sbr.ind lr, $3  }
0x3a: {  	_ = 	snop  }
0x3b: {  	_ = 	snop  }
0x3c: {  	p2 =	seq.s32 s10, $0x1;
	s10 =	sld [smem:$0x3F9E]  }
0x3d: {  	_ =	shalt  }
0x3e: {  	_ =	shalt  }
0x3f: {  	_ =	shalt  }
0x40: {  	_ =	shalt  }
0x41: {  	_ =	shalt  }
0x42: {  	_ =	shalt  }
0x43: {  	_ =	shalt  }
0x44: {  	_ =	shalt  }
0x45: {  	_ =	shalt  }
0x46: {  	_ =	shalt  }
0x47: {  	_ =	shalt  }
0x48: {  	_ =	shalt  }
0x49: {  	_ =	shalt  }
0x4a: {  	_ =	shalt  }
0x4b: {  	_ =	shalt  }
0x4c: {  	_ =	shalt  }
0x4d: {  	_ =	shalt  }
0x4e: {  	_ =	shalt  }
0x4f: {  	_ =	shalt  }
0x50: {  	_ =	shalt  }
0x51: {  	_ =	shalt  }
0x52: {  	_ =	shalt  }
0x53: {  	_ =	shalt  }
0x54: {  	_ =	shalt  }
0x55: {  	_ =	shalt  }
0x56: {  	_ =	shalt  }
0x57: {  	_ =	shalt  }
0x58: {  	_ =	shalt  }
0x59: {  	_ =	shalt  }
0x5a: {  	_ =	shalt  }
0x5b: {  	_ =	shalt  }
0x5c: {  	_ =	shalt  }
0x5d: {  	_ =	shalt  }
0x5e: {  	_ =	shalt  }
0x5f: {  	_ =	shalt  }
0x60: {  	_ =	shalt  }
0x61: {  	_ =	shalt  }
0x62: {  	_ =	shalt  }
0x63: {  	_ =	shalt  }
0x64: {  	_ =	shalt  }
0x65: {  	_ =	shalt  }
0x66: {  	_ =	shalt  }
0x67: {  	_ =	shalt  }
0x68: {  	_ =	shalt  }
0x69: {  	_ =	shalt  }
0x6a: {  	_ =	shalt  }
0x6b: {  	_ =	shalt  }
0x6c: {  	_ =	shalt  }
0x6d: {  	_ =	shalt  }
0x6e: {  	_ =	shalt  }
0x6f: {  	_ =	shalt  }
0x70: {  	_ =	shalt  }
0x71: {  	_ =	shalt  }
0x72: {  	_ =	shalt  }
0x73: {  	_ =	shalt  }
0x74: {  	_ =	shalt  }
0x75: {  	_ =	shalt  }
0x76: {  	_ =	shalt  }
0x77: {  	_ =	shalt  }
0x78: {  	_ =	shalt  }
0x79: {  	_ =	shalt  }
0x7a: {  	_ =	shalt  }
0x7b: {  	_ =	shalt  }
0x7c: {  	_ =	shalt  }
0x7d: {  	_ =	shalt  }
0x7e: {  	_ =	shalt  }
0x7f: {  	_ =	shalt  }
0x80: {  	_ =	shalt  }
0x81: {  	_ =	shalt  }
0x82: {  	_ =	shalt  }
0x83: {  	_ =	shalt  }
0x84: {  	_ =	shalt  }
0x85: {  	_ =	shalt  }
0x86: {  	_ =	shalt  }
0x87: {  	_ =	shalt  }
.Lfunc_end0:
.L_simem_size_0:
called_computation.1_lowered:
.L_overlay_start_0:
0x88: {  	s2 =	sld [smem:$0x3FD9]  }
0x89: {  	s3 =	sld [smem:$0x3FFE];
	_ =	sdelay $0x1  }
0x8a: {  	s1 =	srdreg.scid  }
0x8b: {  	s0 =	sand.u32 $0x1, s1  }
0x8c: {  	s15 =	sshll.u32 s0, $0xA;
	s2 =	sadd.s32 s3, s2  }
0x8d: {  	s2 =	sadd.s32 s2, s15  }
0x8e: {  	[smem:$0x3FAA] =	sst s2  }
0x8f: {  	_ = 	snop  }
0x90: {  	s2 =	sld [smem:$0x3FD0];
	_ =	sdelay $0x2  }
0x91: {  	s16 =	simm.s32 $0xC;
	s4 =	simm.s32 $0x10  }
0x92: {  	[smem:s4], [sflag:s16] =	dma.local [hbm:s2], $0x1  }
0x93: {  	_ =	swait.eq [sflag:s16], $0x1  }
0x94: {  	[sflag:s16] =	ssyncset.done $0x0  }
0x95: {  	[sflag:s16] =	ssyncadd.s32 $0xFFFFFFFF  }
0x96: {  	s17 =	sld [smem:$0x11];
	(tm) =	ssettm $0x1  }
0x97: {  	s18 =	sld [smem:$0x3FFB];
	_ =	sdelay $0x3  }
0x98: {  	_ =	strace s18  }
0x99: {  	s2 =	sld [smem:$0x3FFC];
	_ =	sdelay $0x3  }
0x9a: {  	_ =	strace s2  }
0x9b: {  	s2 =	sld [smem:$0x3FFD];
	_ =	sdelay $0x3  }
0x9c: {  	_ =	strace s2  }
0x9d: {  	_ =	strace $0x8FFFFFFF  }
0x9e: {  	s19 =	sld [smem:$0x3FDB];
	_ =	sdelay $0x1  }
0x9f: {  	s20 =	simm.s32 $_scs_section_size  }
0xa0: {  	s5 =	simm.s32 $_size__tile_overlayer_lowered;
	s6 =	simm.s32 $_tile_overlayer_lowered  }
0xa1: {  	s7 =	simm.s32 $0x1BFF;
	s21 =	sshll.u32 s6, $0x1;
	s4 =	sadd.s32 s20, s19  }
0xa2: {  	s22 =	simm.s32 $0x0;
	s5 =	sshll.u32 s5, $0x1;
	s6 =	sadd.s32 s21, s4  }
0xa3: {  	[timem:s22], [sflag:s7] =	dma.local [hbm:s6], s5  }
0xa4: {  	_ =	swait.ge [sflag:s7], s5  }
0xa5: {  	s5 =	ssub.s32 $0x0, s5;
	[sflag:s7] =	ssyncset.done $0x0  }
0xa6: {  	[sflag:s7] =	ssyncadd.s32 s5;
	_ =	sdelay $0x1  }
0xa7: {  	s23 =	simm.s32 $0x1B8B  }
0xa8: {  	_ =	swait.ge [sflag:s23], $0x1  }
0xa9: {  	[sflag:s23] =	ssyncset.done $0x0  }
0xaa: {  	[sflag:s23] =	ssyncadd.s32 $0xFFFFFFFF  }
0xab: {  	s5 =	sld [smem:$0x0]  }
0xac: {  	s6 =	sand.u32 $0xFFFFFFFE, s1  }
0xad: {  	p0 =	sne.s32 s1, s6  }
0xae: {  	s6 =	sshll.u32 @p0 s6, $0xE  }
0xaf: {  	s6 =	sadd.s32 @p0 $0x11B8D, s6;
	s7 =	sshll.u32 @p0 s5, $0x11  }
0xb0: {  	s6 =	sor.u32 @p0 s7, s6  }
0xb1: {  	[sflag:s6] =	ssyncadd.remote.s32 @p0 $0x1;
	_ =	sdelay $0x1  }
0xb2: {  	s6 =	simm.s32 @p0 $0x1B8D  }
0xb3: {  	_ =	swait.eq @p0 [sflag:s6], $0x1  }
0xb4: {  	[sflag:s6] =	ssyncadd.s32 @p0 $0xFFFFFFFF  }
0xb5: {  	s7 =	sshll.u32 @!p0 s1, $0xE  }
0xb6: {  	s7 =	sor.u32 @!p0 $0x4000, s7;
	s6 =	simm.s32 @!p0 $0x1B8D  }
0xb7: {  	s5 =	sshll.u32 @!p0 s5, $0x11;
	s7 =	sadd.s32 @!p0 $0x11B8D, s7;
	_ =	swait.eq @!p0 [sflag:s6], $0x1  }
0xb8: {  	s5 =	sor.u32 @!p0 s5, s7;
	[sflag:s6] =	ssyncadd.s32 @!p0 $0xFFFFFFFF  }
0xb9: {  	s25 =	simm.s32 $0x1B8E;
	s24 =	sld [smem:$0x3FFE];
	[sflag:s5] =	ssyncadd.remote.s32 @!p0 $0x1  }
0xba: {  	s26 =	simm.s32 $execute0_lowered;
	[smem:$0x3FD2] =	sst s25  }
0xbb: {  	s6 =	sshll.u32 s26, $0x1;
	_ =	strace $0x80000049;
	[dreg:$0x1] =	wrdreg $0xFFFFFFFF  }
0xbc: {  	s28 =	simm.s32 $_size_execute0_lowered;
	s4 =	sadd.s32 s4, s6;
	[dreg:$0x0] =	wrdreg $0x0  }
0xbd: {  	s6 =	sshll.u32 s28, $0x1;
	[dreg:$0x2] =	wrdreg s4  }
0xbe: {  	[dreg:$0x3] =	wrdreg s6  }
0xbf: {  	[dreg:$0x4] =	wrdreg $0xC0  }
0xc0: {  	_ =	task [dreg:s22], $0x5FFFF  }
0xc1: {  	[dreg:$0x1] =	wrdreg $0xFFFFFFFF  }
0xc2: {  	[dreg:$0x0] =	wrdreg $0x60  }
0xc3: {  	[dreg:$0x2] =	wrdreg s24  }
0xc4: {  	[dreg:$0x3] =	wrdreg s17  }
0xc5: {  	[dreg:$0x4] =	wrdreg $0x9B000  }
0xc6: {  	[dreg:$0x5] =	wrdreg $0x13F000  }
0xc7: {  	[dreg:$0x6] =	wrdreg $0x1E3000  }
0xc8: {  	[dreg:$0x7] =	wrdreg $0xA  }
0xc9: {  	_ =	task.clear_ibuf [dreg:s22], $0x8FFFF;
	_ =	strace $0x90000049  }
0xca: {  	s29 =	simm.s32 $0xA;
	_ =	strace $0x8000004B  }
0xcb: {  	_ =	swait.ge [sflag:s29], $0x1  }
0xcc: {  	[sflag:s29] =	ssyncadd.s32 $0xFFFFFFFF  }
0xcd: {  	_ =	strace $0x9000004B  }
0xce: {  	_ =	sfence  }
0xcf: {  	s30 =	sld [smem:$0x0];
	_ =	sdelay $0x2  }
0xd0: {  	s31 =	sshll.u32 s1, $0xD;
	s1 =	sshrl.u32 s1, $0x2  }
0xd1: {  	s4 =	sand.u32 $0x4000, s31;
	s1 =	sadd.s32 s1, s30  }
0xd2: {  	s0 =	sor.u32 s4, s0;
	s1 =	sshll.u32 s1, $0x11  }
0xd3: {  	s0 =	sor.u32 s1, s0  }
0xd4: {  	s0 =	sadd.s32 $0x8F2B, s0  }
0xd5: {  	[sflag:s0] =	ssyncadd.remote.s32 $0x1  }
0xd6: {  	_ =	sfence.sel $0xFFFF  }
0xd7: {  	[dreg:$0x0] =	wrdreg $0xFFFFFFFF;
	(pc) =	sbr.abs _section_cstart, $3  }
0xd8: {  	[dreg:$0x1] =	wrdreg $0xFFFFFFFF  }
0xd9: {  	_ =	task.clear_ibuf [dreg:s22], $0x2FFFF;
	_ =	strace $0x9FFFFFFF  }
0xda: {  	(tm) =	ssettm $0x7FFFFFFF  }
0xdb: {  	_ =	shalt  }
tec
execute0_lowered:
.L_overlay_start_1:
0x0: {  	(tag) =	ssettag $0x1  }
0x1: {  	s0 =	rddreg [dreg:$0x0]  }
0x2: {  	s1 =	rddreg [dreg:$0x1]  }
0x3: {  	s2 =	rddreg [dreg:$0x2];
	s5 =	srdreg.scid  }
0x4: {  	s3 =	rddreg [dreg:$0x3];
	s6 =	sand.u32 $0x1, s5  }
0x5: {  	s5 =	stileid.u32;
	s9 =	smul.u32 $0x1400, s6  }
0x6: {  	s4 =	rddreg [dreg:$0x4];
	s7 =	simm.s32 $0x0;
	s8 =	smul.u32 $0x140, s5  }
0x7: {  	s31 =	simm.s32 $0x5800;
	s30 =	simm.s32 $0x800;
	s11 =	smul.u32 $0x280, s5  }
0x8: {  	[smem:$0x7FF] =	sst s7;
	s7 =	sadd.s32 $0x61200, s0;
	s15 =	smul.u32 $0xA400, s5  }
0x9: {  	_ =	strace $0x8000004A;
	s12 =	ssub.s32 $0x2, s6;
	s16 =	smul.u32 $0xA40, s5  }
0xa: {  	s24 =	smul.u32 $0xA000, s5;
	p0 =	sne.s32 s6, $0x0;
	p1 =	sne.s32 s5, $0xF  }
0xb: {  	s6 =	simm.s32 $0x80;
	s14 =	sshrl.u32 s12, $0x1;
	s10 =	sadd.s32 s8, s9  }
0xc: {  	s8 =	sadd.s32 $0x13F800, s0;
	s13 =	sshrl.u32 s11, $0x3;
	s12 =	ssub.s32 s12, s14  }
0xd: {  	s19 =	sadd.s32 s15, s2;
	s20 =	sadd.s32 $0x4000, s15;
	s17 =	sadd.s32 s15, s3  }
0xe: {  	s22 =	sadd.s32 $0x8000, s15;
	s23 =	sshrl.u32 s16, $0x2;
	s18 =	sadd.s32 s24, s3  }
0xf: {  	v0 =	vmov s9;
	s9 =	simm.s32 $0x1800;
	s10 =	sshll.u32 s10, $0x4;
	[dreg:$0x6] =	wrdreg s19  }
0x10: {  	s13 =	sadd.s32 s13, s0;
	[dreg:$0x7] =	wrdreg s17;
	s21 =	sadd.s32 s20, s2  }
0x11: {  	s14 =	sadd.s32 s20, s3;
	s25 =	sadd.s32 s22, s2;
	[dreg:$0x8] =	wrdreg s21  }
0x12: {  	s15 =	sadd.s32 s23, s4;
	s23 =	sshrl.u32 s18, $0x3;
	[dreg:$0x9] =	wrdreg s14  }
0x13: {  	s20 =	sadd.s32 $0x9C00, s1;
	s10 =	sadd.s32 s10, s0;
	[dreg:$0xa] =	wrdreg s25  }
0x14: {  	s14 =	sadd.s32 s22, s3;
	s26 =	sadd.s32 $0x80, s15;
	[dreg:$0x11] =	wrdreg s20  }
0x15: {  	s0 =	sadd.s32 $0x6AE00, s0;
	s19 =	sadd.s32 $0x6B000, s13;
	[dreg:$0xb] =	wrdreg s14  }
0x16: {  	s21 =	smax.u32 s12, $0x1;
	s25 =	sadd.s32 $0x100, s15;
	[dreg:$0xc] =	wrdreg s26  }
0x17: {  	s28 =	sadd.s32 $0x200, s15;
	s29 =	sadd.s32 $0x280, s15;
	[dreg:$0xd] =	wrdreg s0  }
.Ltmp0:
0x18: {  	s17 =	sadd.s32 $0x6B600, s10;
	[dreg:$0x10] =	wrdreg s19;
	(pc) =	sbr.rel .LBB2_1-.Ltmp0, $4  }
0x19: {  	s14 =	sadd.s32 s24, s2;
	s10 =	sadd.s32 $0x93600, s10;
	[dreg:$0xe] =	wrdreg s17  }
0x1a: {  	s26 =	sadd.s32 $0x180, s15;
	s0 =	simm.s32 $0x1;
	[dreg:$0xf] =	wrdreg s10  }
0x1b: {  	v3 =	vlaneseq.u32;
	s10 =	sadd.s32 s11, s4;
	s22 =	sshrl.u32 s14, $0x3;
	s17 =	simm.s32 $0x9800  }
0x1c: {  	v1 =	vimm.f32 $0.0e+00;
	v2 =	vimm.f32 $1.000000000e+00;
	v3 =	vor.u32 $0x1400, v3;
	s11 =	simm.s32 $0x0;
	s24 =	sshrl.u32 @!p0 s10, $0x3;
	s10 =	simm.s32 $0x2  }
.LBB2_15:
0x1d: {  	s12 =	sshll.u32 s5, $0x6;
	[bflag:$0x0] =	sbarrier.arrive $0xFFFF  }
0x1e: {  	s12 =	sor.u32 $0x1C01, s12;
	s13 =	rddreg [dreg:$0xe]  }
0x1f: {  	[hbm:s13], [sflag:s12] =	dma.local [spmem:s22], $0x1400  }
0x20: {  	_ =	swait.ge [sflag:s0], $0x1400  }
0x21: {  	[sflag:s0] =	ssyncset.done $0x0  }
0x22: {  	s20 =	rddreg [dreg:$0xf];
	[sflag:s0] =	ssyncadd.s32 $0xFFFFEC00  }
0x23: {  	[hbm:s20], [sflag:s12] =	dma.local [spmem:s23], $0x1400  }
0x24: {  	_ =	swait.ge [sflag:s0], $0x1400  }
0x25: {  	s11 =	sadd.s32 $0x1, s11;
	[sflag:s0] =	ssyncset.done $0x0  }
0x26: {  	p2 =	sne.s32 s11, s21;
	s13 =	rddreg [dreg:$0x10];
	[sflag:s0] =	ssyncadd.s32 $0xFFFFEC00  }
0x27: {  	[hbm:s13], [sflag:s12] =	dma.local @!p0 [spmem:s24], $0x50  }
.Ltmp1:
0x28: {  	_ = 	snop;
	(pc) =	sbr.rel @!p2 .LBB2_16-.Ltmp1, $4  }
0x29: {  	s12 =	simm.s32 @!p0 $0x1  }
0x2a: {  	_ =	swait.ge @!p0 [sflag:s12], $0x50  }
0x2b: {  	[sflag:s12] =	ssyncset.done @!p0 $0x0  }
0x2c: {  	[sflag:s12] =	ssyncadd.s32 @!p0 $0xFFFFFFB0  }
.LBB2_1:
0x2d: {  	s13 =	simm.s32 $0x0  }
0x2e: {  	s12 =	sand.u32 $0xFE00, s13  }
0x2f: {  	s13 =	sand.u32 $0x70, s13;
	s14 =	sshrl.u32 s12, $0x2  }
0x30: {  	s12 =	simm.s32 $0x40;
	s14 =	sor.u32 s13, s14;
	s13 =	simm.s32 $0x0  }
.LBB2_2:
0x31: {  	p2 =	sne.s32 s12, $0xFFC0  }
0x32: {  	[tilespmem:s14+$0x5800] =	vst v1;
	s13 =	sadd.s32 $0x10, s13;
	s14 =	smov.u32 s12;
	s12 =	sadd.s32 $0x40, s12  }
.Ltmp2:
0x33: {  	(pc) =	sbr.rel @p2 .LBB2_2-.Ltmp2, $4  }
0x34: {  	_ = 	snop  }
0x35: {  	s14 =	sand.u32 $0xFE00, s14  }
0x36: {  	s16 =	sand.u32 $0x70, s13;
	s14 =	sshrl.u32 s14, $0x2  }
0x37: {  	s14 =	sor.u32 s16, s14  }
0x38: {  	[tilespmem:s14+$0x5800] =	vst v1  }
0x39: {  	[tilespmem:$0x9800] =	vst v1  }
0x3a: {  	[tilespmem:$0x9810] =	vst v1  }
0x3b: {  	[tilespmem:$0x9820] =	vst v1  }
0x3c: {  	[tilespmem:$0x9830] =	vst v1  }
0x3d: {  	[tilespmem:$0x9840] =	vst v1  }
0x3e: {  	[tilespmem:$0x9850] =	vst v1  }
0x3f: {  	[tilespmem:$0x9860] =	vst v1  }
0x40: {  	[tilespmem:$0x9870] =	vst v1  }
0x41: {  	[tilespmem:$0x9880] =	vst v1  }
0x42: {  	[tilespmem:$0x9890] =	vst v1  }
0x43: {  	[tilespmem:$0x98A0] =	vst v1  }
0x44: {  	[tilespmem:$0x98B0] =	vst v1  }
0x45: {  	[tilespmem:$0x98C0] =	vst v1  }
0x46: {  	[tilespmem:$0x98D0] =	vst v1  }
0x47: {  	[tilespmem:$0x98E0] =	vst v1  }
0x48: {  	[tilespmem:$0x98F0] =	vst v1  }
0x49: {  	[tilespmem:$0x9900] =	vst v1  }
0x4a: {  	[tilespmem:$0x9910] =	vst v1  }
0x4b: {  	[tilespmem:$0x9920] =	vst v1  }
0x4c: {  	[tilespmem:$0x9930] =	vst v1  }
0x4d: {  	[tilespmem:$0x9940] =	vst v1  }
0x4e: {  	[tilespmem:$0x9950] =	vst v1  }
0x4f: {  	[tilespmem:$0x9960] =	vst v1  }
0x50: {  	[tilespmem:$0x9970] =	vst v1  }
0x51: {  	[tilespmem:$0x9980] =	vst v1  }
0x52: {  	[tilespmem:$0x9990] =	vst v1  }
0x53: {  	[tilespmem:$0x99A0] =	vst v1  }
0x54: {  	[tilespmem:$0x99B0] =	vst v1  }
0x55: {  	[tilespmem:$0x99C0] =	vst v1  }
0x56: {  	[tilespmem:$0x99D0] =	vst v1  }
0x57: {  	[tilespmem:$0x99E0] =	vst v1  }
0x58: {  	[tilespmem:$0x99F0] =	vst v1  }
0x59: {  	[tilespmem:$0x9A00] =	vst v1  }
0x5a: {  	[tilespmem:$0x9A10] =	vst v1  }
0x5b: {  	[tilespmem:$0x9A20] =	vst v1  }
0x5c: {  	[tilespmem:$0x9A30] =	vst v1  }
0x5d: {  	[tilespmem:$0x9A40] =	vst v1  }
0x5e: {  	[tilespmem:$0x9A50] =	vst v1  }
0x5f: {  	[tilespmem:$0x9A60] =	vst v1  }
0x60: {  	[tilespmem:$0x9A70] =	vst v1  }
0x61: {  	s12 =	rddreg [dreg:$0x6];
	[tilespmem:$0x9A80] =	vst v1  }
0x62: {  	[spmem:s12] =	stream.linear.scatter [tilespmem:s31], [sflag:$0x1], $0x4000, $0x38;
	[tilespmem:$0x1E590] =	vst v63  }
0x63: {  	_ =	swait.ge [sflag:s0], $0x4000  }
0x64: {  	[sflag:s0] =	ssyncset.done $0x0  }
0x65: {  	s13 =	rddreg [dreg:$0x7];
	[sflag:s0] =	ssyncadd.s32 $0xFFFFC000  }
0x66: {  	[spmem:s13] =	stream.linear.scatter [tilespmem:s31], [sflag:$0x1], $0x4000, $0x38;
	[tilespmem:$0x1E590] =	vst v63  }
0x67: {  	_ =	swait.ge [sflag:s0], $0x4000  }
0x68: {  	[sflag:s0] =	ssyncset.done $0x0  }
0x69: {  	s14 =	rddreg [dreg:$0x8];
	[sflag:s0] =	ssyncadd.s32 $0xFFFFC000  }
0x6a: {  	[spmem:s14] =	stream.linear.scatter [tilespmem:s31], [sflag:$0x1], $0x4000, $0x38;
	[tilespmem:$0x1E590] =	vst v63  }
0x6b: {  	_ =	swait.ge [sflag:s0], $0x4000  }
0x6c: {  	[sflag:s0] =	ssyncset.done $0x0  }
0x6d: {  	s16 =	rddreg [dreg:$0x9];
	[sflag:s0] =	ssyncadd.s32 $0xFFFFC000  }
0x6e: {  	[spmem:s16] =	stream.linear.scatter [tilespmem:s31], [sflag:$0x1], $0x4000, $0x38;
	[tilespmem:$0x1E590] =	vst v63  }
0x6f: {  	_ =	swait.ge [sflag:s0], $0x4000  }
0x70: {  	[sflag:s0] =	ssyncset.done $0x0  }
0x71: {  	s18 =	rddreg [dreg:$0xa];
	[sflag:s0] =	ssyncadd.s32 $0xFFFFC000  }
0x72: {  	[spmem:s18] =	stream.linear.scatter [tilespmem:s31], [sflag:$0x1], $0x2400, $0x38;
	[tilespmem:$0x1E590] =	vst v63  }
0x73: {  	_ =	swait.ge [sflag:s0], $0x2400  }
0x74: {  	[sflag:s0] =	ssyncset.done $0x0  }
0x75: {  	s19 =	rddreg [dreg:$0xb];
	[sflag:s0] =	ssyncadd.s32 $0xFFFFDC00  }
0x76: {  	[spmem:s19] =	stream.linear.scatter [tilespmem:s31], [sflag:$0x1], $0x2400, $0x38;
	[tilespmem:$0x1E590] =	vst v63  }
0x77: {  	_ =	swait.ge [sflag:s0], $0x2400  }
0x78: {  	[sflag:s0] =	ssyncset.done $0x0  }
0x79: {  	[sflag:s0] =	ssyncadd.s32 $0xFFFFDC00  }
0x7a: {  	[spmem:s15] =	stream.linear.scatter [tilespmem:s17], [sflag:$0x1], $0x80, $0x38;
	[tilespmem:$0x1E590] =	vst v63  }
0x7b: {  	_ =	swait.ge [sflag:s0], $0x80  }
0x7c: {  	[sflag:s0] =	ssyncset.done $0x0  }
0x7d: {  	s20 =	rddreg [dreg:$0xc];
	[sflag:s0] =	ssyncadd.s32 $0xFFFFFF80  }
0x7e: {  	[spmem:s20] =	stream.linear.scatter [tilespmem:s17], [sflag:$0x1], $0x80, $0x38;
	[tilespmem:$0x1E590] =	vst v63  }
0x7f: {  	_ =	swait.ge [sflag:s0], $0x80  }
0x80: {  	[sflag:s0] =	ssyncset.done $0x0  }
0x81: {  	[sflag:s0] =	ssyncadd.s32 $0xFFFFFF80  }
0x82: {  	[spmem:s25] =	stream.linear.scatter [tilespmem:s17], [sflag:$0x1], $0x80, $0x38;
	[tilespmem:$0x1E590] =	vst v63  }
0x83: {  	_ =	swait.ge [sflag:s0], $0x80  }
0x84: {  	[sflag:s0] =	ssyncset.done $0x0  }
0x85: {  	[sflag:s0] =	ssyncadd.s32 $0xFFFFFF80  }
0x86: {  	[spmem:s26] =	stream.linear.scatter [tilespmem:s17], [sflag:$0x1], $0x80, $0x38;
	[tilespmem:$0x1E590] =	vst v63  }
0x87: {  	_ =	swait.ge [sflag:s0], $0x80  }
0x88: {  	[sflag:s0] =	ssyncset.done $0x0  }
0x89: {  	[sflag:s0] =	ssyncadd.s32 $0xFFFFFF80  }
0x8a: {  	[spmem:s28] =	stream.linear.scatter [tilespmem:s17], [sflag:$0x1], $0x80, $0x38;
	[tilespmem:$0x1E590] =	vst v63  }
0x8b: {  	_ =	swait.ge [sflag:s0], $0x80  }
0x8c: {  	[sflag:s0] =	ssyncset.done $0x0  }
0x8d: {  	[sflag:s0] =	ssyncadd.s32 $0xFFFFFF80  }
0x8e: {  	[spmem:s29] =	stream.linear.scatter [tilespmem:s17], [sflag:$0x1], $0x10, $0x38;
	[tilespmem:$0x1E590] =	vst v63  }
0x8f: {  	_ =	swait.ge [sflag:s0], $0x10  }
0x90: {  	[sflag:s0] =	ssyncset.done $0x0  }
0x91: {  	[sflag:s0] =	ssyncadd.s32 $0xFFFFFFF0  }
0x92: {  	[tilespmem:$0x9800] =	vst v2  }
0x93: {  	[tilespmem:$0x9810] =	vst v2  }
0x94: {  	[tilespmem:$0x9820] =	vst v2  }
0x95: {  	[tilespmem:$0x9830] =	vst v2  }
0x96: {  	[tilespmem:$0x9840] =	vst v2  }
0x97: {  	[tilespmem:$0x9850] =	vst v2  }
0x98: {  	[tilespmem:$0x9860] =	vst v2  }
0x99: {  	[tilespmem:$0x9870] =	vst v2  }
0x9a: {  	[tilespmem:$0x9880] =	vst v2  }
0x9b: {  	[tilespmem:$0x9890] =	vst v2  }
0x9c: {  	[tilespmem:$0x98A0] =	vst v2  }
0x9d: {  	[tilespmem:$0x98B0] =	vst v2  }
0x9e: {  	[tilespmem:$0x98C0] =	vst v2  }
0x9f: {  	[tilespmem:$0x98D0] =	vst v2  }
0xa0: {  	[tilespmem:$0x98E0] =	vst v2  }
0xa1: {  	[tilespmem:$0x98F0] =	vst v2  }
0xa2: {  	[tilespmem:$0x9900] =	vst v2  }
0xa3: {  	[tilespmem:$0x9910] =	vst v2  }
0xa4: {  	[tilespmem:$0x9920] =	vst v2  }
0xa5: {  	[tilespmem:$0x9930] =	vst v2  }
0xa6: {  	[tilespmem:$0x9940] =	vst v2  }
0xa7: {  	[tilespmem:$0x9950] =	vst v2  }
0xa8: {  	[tilespmem:$0x9960] =	vst v2  }
0xa9: {  	[tilespmem:$0x9970] =	vst v2  }
0xaa: {  	[tilespmem:$0x9980] =	vst v2  }
0xab: {  	[tilespmem:$0x9990] =	vst v2  }
0xac: {  	[tilespmem:$0x99A0] =	vst v2  }
0xad: {  	[tilespmem:$0x99B0] =	vst v2  }
0xae: {  	[tilespmem:$0x99C0] =	vst v2  }
0xaf: {  	[tilespmem:$0x99D0] =	vst v2  }
0xb0: {  	[tilespmem:$0x99E0] =	vst v2  }
0xb1: {  	[tilespmem:$0x99F0] =	vst v2  }
0xb2: {  	[tilespmem:$0x9A00] =	vst v2  }
0xb3: {  	[tilespmem:$0x9A10] =	vst v2  }
0xb4: {  	[tilespmem:$0x9A20] =	vst v2  }
0xb5: {  	[tilespmem:$0x9A30] =	vst v2  }
0xb6: {  	[tilespmem:$0x9A40] =	vst v2  }
0xb7: {  	[tilespmem:$0x9A50] =	vst v2  }
.Ltmp3:
0xb8: {  	[tilespmem:$0x9A60] =	vst v2;
	(pc) =	sbr.rel .LBB2_4-.Ltmp3, $4  }
0xb9: {  	[tilespmem:$0x9A70] =	vst v2  }
0xba: {  	[tilespmem:$0x9A80] =	vst v2  }
0xbb: {  	[bflag:$0x0] =	sbarrier.arrive $0xFFFF  }
0xbc: {  	s12 =	simm.s32 $0x0  }
.LBB2_9:
0xbd: {  	s12 =	sadd.s32 $0x1, s12  }
0xbe: {  	p2 =	sne.s32 s12, $0xA  }
.Ltmp4:
0xbf: {  	_ = 	snop;
	(pc) =	sbr.rel @!p2 .LBB2_10-.Ltmp4, $1  }
0xc0: {  	_ =	sdelay $0x3  }
.LBB2_4:
0xc1: {  	s13 =	sshll.u32 s12, $0x4  }
0xc2: {  	s13 =	sor.u32 s5, s13  }
0xc3: {  	p2 =	sgt.u32 s13, $0x9B  }
.Ltmp5:
0xc4: {  	_ = 	snop;
	(pc) =	sbr.rel @p2 .LBB2_9-.Ltmp5, $1  }
0xc5: {  	_ =	sdelay $0x3  }
0xc6: {  	s14 =	sshll.u32 s13, $0x8  }
0xc7: {  	s13 =	simm.s32 $0x0;
	s16 =	sadd.s32 s7, s14  }
0xc8: {  	[tilespmem:s13], [sflag:$0x1] =	stream.linear.gather [hbm4b:s16+s13], $0x800, $0x38;
	[tilespmem:$0x1E590] =	vst v63  }
0xc9: {  	_ =	swait.ge [sflag:s0], $0x800  }
0xca: {  	[sflag:s0] =	ssyncset.done $0x0  }
0xcb: {  	s14 =	sadd.s32 s1, s14;
	[sflag:s0] =	ssyncadd.s32 $0xFFFFF800  }
0xcc: {  	[tilespmem:s30], [sflag:$0x1] =	stream.linear.gather [hbm4b:s14+s13], $0x800, $0x38;
	[tilespmem:$0x1E590] =	vst v63  }
0xcd: {  	_ =	swait.ge [sflag:s0], $0x800  }
0xce: {  	[sflag:s0] =	ssyncset.done $0x0  }
0xcf: {  	[sflag:s0] =	ssyncadd.s32 $0xFFFFF800  }
.LBB2_6:
0xd0: {  	s16 =	sshll.u32 s13, $0x7  }
0xd1: {  	v4 =	vld [tilespmem:s16+$0x800]  }
0xd2: {  	v5 =	vld [tilespmem:s16+$0x810]  }
0xd3: {  	v6 =	vld [tilespmem:s16+$0x820]  }
0xd4: {  	v7 =	vld [tilespmem:s16+$0x830]  }
0xd5: {  	v8 =	vld [tilespmem:s16+$0x840]  }
0xd6: {  	v9 =	vld [tilespmem:s16+$0x850];
	v4 =	vsub.s32 v4, v0  }
0xd7: {  	v10 =	vld [tilespmem:s16+$0x860];
	v5 =	vsub.s32 v5, v0;
	vm0 =	vlt.u32 v4, $0x1400  }
0xd8: {  	v11 =	vld [tilespmem:s16+$0x870];
	v6 =	vsub.s32 v6, v0;
	vm9 =	vlt.u32 v5, $0x1400;
	v4 =	vsel vm0, v4, v3  }
0xd9: {  	vm10 =	vlt.u32 v6, $0x1400;
	[tilespmem:s16+$0x1000] =	vst v4;
	v4 =	vsel vm9, v5, v3;
	v5 =	vsub.s32 v7, v0  }
0xda: {  	[tilespmem:s16+$0x1010] =	vst v4;
	v4 =	vsel vm10, v6, v3;
	vm11 =	vlt.u32 v5, $0x1400;
	v6 =	vsub.s32 v8, v0  }
0xdb: {  	[tilespmem:s16+$0x1020] =	vst v4;
	v4 =	vsel vm11, v5, v3;
	vm12 =	vlt.u32 v6, $0x1400;
	v5 =	vsub.s32 v9, v0  }
0xdc: {  	[tilespmem:s16+$0x1030] =	vst v4;
	v4 =	vsel vm12, v6, v3;
	vm13 =	vlt.u32 v5, $0x1400;
	v6 =	vsub.s32 v10, v0  }
0xdd: {  	[tilespmem:s16+$0x1040] =	vst v4;
	v4 =	vsel vm13, v5, v3;
	vm14 =	vlt.u32 v6, $0x1400;
	v5 =	vsub.s32 v11, v0  }
0xde: {  	[tilespmem:s16+$0x1050] =	vst v4;
	v4 =	vsel vm14, v6, v3;
	vm15 =	vlt.u32 v5, $0x1400  }
0xdf: {  	[tilespmem:s16+$0x1060] =	vst v4;
	v4 =	vsel vm15, v5, v3  }
0xe0: {  	s14 =	sand.u32 $0x3FFFFF80, s16;
	[tilespmem:s16+$0x1070] =	vst v4  }
0xe1: {  	[tilespmem:s9], [sflag:$0x2] =	stream.indirect.gather [hbm4b:s8+s6], $0x80, s14, s6, $0xb8;
	[tilespmem:$0x1E590] =	vst v63  }
0xe2: {  	_ =	swait.ge [sflag:s10], $0x4000  }
0xe3: {  	[sflag:s10] =	ssyncset.done $0x0  }
0xe4: {  	s19 =	simm.s32 $0x0;
	[sflag:s10] =	ssyncadd.s32 $0xFFFFC000  }
0xe5: {  	v5 =	vld [tilespmem:s19+$0x1870]  }
0xe6: {  	v9 =	vld [tilespmem:s19+$0x1800]  }
0xe7: {  	v10 =	vld [tilespmem:s19+$0x1810]  }
0xe8: {  	v8 =	vld [tilespmem:s19+$0x1820]  }
0xe9: {  	v6 =	vld [tilespmem:s19+$0x1830]  }
0xea: {  	v4 =	vld [tilespmem:s19+$0x1840];
	v11 =	vmul.f32 v5, v5  }
0xeb: {  	s18 =	simm.s32 $0x80;
	v5 =	vld [tilespmem:s19+$0x1850];
	v9 =	vmul.f32 v9, v9  }
0xec: {  	s20 =	simm.s32 $0x400;
	s14 =	sadd.s32 $0x800, s16;
	s16 =	sadd.s32 $0x1000, s16;
	v7 =	vld [tilespmem:s19+$0x1860];
	v10 =	vmul.f32 v10, v10;
	[tilespmem:s19+$0x5870] =	vst v11  }
.LBB2_7:
0xed: {  	p2 =	sne.s32 s20, $0xFE00;
	v11 =	vld [tilespmem:s18+$0x1870];
	[tilespmem:s19+$0x5800] =	vst v9;
	v8 =	vmul.f32 v8, v8  }
0xee: {  	v9 =	vld [tilespmem:s18+$0x1800];
	[tilespmem:s19+$0x5810] =	vst v10;
	v6 =	vmul.f32 v6, v6  }
0xef: {  	v10 =	vld [tilespmem:s18+$0x1810];
	[tilespmem:s19+$0x5820] =	vst v8;
	v4 =	vmul.f32 v4, v4  }
.Ltmp6:
0xf0: {  	v8 =	vld [tilespmem:s18+$0x1820];
	[tilespmem:s19+$0x5830] =	vst v6;
	v5 =	vmul.f32 v5, v5;
	(pc) =	sbr.rel @p2 .LBB2_7-.Ltmp6, $4  }
0xf1: {  	v6 =	vld [tilespmem:s18+$0x1830];
	[tilespmem:s19+$0x5840] =	vst v4;
	v7 =	vmul.f32 v7, v7  }
0xf2: {  	v4 =	vld [tilespmem:s18+$0x1840];
	v11 =	vmul.f32 v11, v11;
	[tilespmem:s19+$0x5850] =	vst v5  }
0xf3: {  	v9 =	vmul.f32 v9, v9;
	v5 =	vld [tilespmem:s18+$0x1850];
	[tilespmem:s19+$0x5860] =	vst v7;
	s19 =	smov.u32 s18  }
0xf4: {  	s18 =	sshra.s32 s20, $0x2;
	s20 =	sadd.s32 $0x200, s20;
	v10 =	vmul.f32 v10, v10;
	v7 =	vld [tilespmem:s19+$0x1860];
	[tilespmem:s19+$0x5870] =	vst v11  }
0xf5: {  	v11 =	vld [tilespmem:s18+$0x1870];
	[tilespmem:s19+$0x5800] =	vst v9;
	v8 =	vmul.f32 v8, v8  }
0xf6: {  	v9 =	vld [tilespmem:s18+$0x1800];
	[tilespmem:s19+$0x5810] =	vst v10;
	v6 =	vmul.f32 v6, v6  }
0xf7: {  	v10 =	vld [tilespmem:s18+$0x1810];
	[tilespmem:s19+$0x5820] =	vst v8;
	v4 =	vmul.f32 v4, v4  }
0xf8: {  	v8 =	vld [tilespmem:s18+$0x1820];
	[tilespmem:s19+$0x5830] =	vst v6;
	v5 =	vmul.f32 v5, v5  }
0xf9: {  	v6 =	vld [tilespmem:s18+$0x1830];
	[tilespmem:s19+$0x5840] =	vst v4;
	v7 =	vmul.f32 v7, v7  }
0xfa: {  	v4 =	vld [tilespmem:s18+$0x1840];
	[tilespmem:s19+$0x5850] =	vst v5;
	v11 =	vmul.f32 v11, v11  }
0xfb: {  	v5 =	vld [tilespmem:s18+$0x1850];
	[tilespmem:s19+$0x5860] =	vst v7;
	v61 =	vmul.f32 v9, v9  }
0xfc: {  	v62 =	vld [tilespmem:s18+$0x1860];
	v10 =	vmul.f32 v10, v10;
	[tilespmem:s18+$0x5870] =	vst v11  }
0xfd: {  	[tilespmem:s18+$0x5800] =	vst v61;
	v63 =	vmul.f32 v8, v8  }
0xfe: {  	[tilespmem:s18+$0x5810] =	vst v10;
	v6 =	vmul.f32 v6, v6  }
0xff: {  	[tilespmem:s18+$0x5820] =	vst v63;
	v4 =	vmul.f32 v4, v4  }
0x100: {  	[tilespmem:s18+$0x5830] =	vst v6;
	v5 =	vmul.f32 v5, v5  }
0x101: {  	[tilespmem:s18+$0x5840] =	vst v4;
	v4 =	vmul.f32 v62, v62  }
0x102: {  	[tilespmem:s18+$0x5850] =	vst v5  }
0x103: {  	[tilespmem:s18+$0x5860] =	vst v4  }
0x104: {  	[spmem:s2] =	stream.indirect.scatter.add.f32 [tilespmem:s9], [sflag:$0x2], $0x80, s16, s6, $0xb8;
	[tilespmem:$0x1E590] =	vst v63  }
0x105: {  	_ =	swait.ge [sflag:s10], $0x4000  }
0x106: {  	[sflag:s10] =	ssyncset.done $0x0  }
0x107: {  	[sflag:s10] =	ssyncadd.s32 $0xFFFFC000  }
0x108: {  	[spmem:s3] =	stream.indirect.scatter.add.f32 [tilespmem:s31], [sflag:$0x2], $0x80, s16, s6, $0xb8;
	[tilespmem:$0x1E590] =	vst v63  }
0x109: {  	s13 =	sadd.s32 $0x1, s13;
	_ =	swait.ge [sflag:s10], $0x4000  }
0x10a: {  	p2 =	sne.s32 s13, $0x10;
	[sflag:s10] =	ssyncset.done $0x0  }
0x10b: {  	s18 =	simm.s32 @!p0 $0x9800;
	s16 =	simm.s32 @!p0 $0x80;
	[sflag:s10] =	ssyncadd.s32 $0xFFFFC000  }
0x10c: {  	[spmem:s4] =	stream.indirect.scatter.add.f32 @!p0 [tilespmem:s18], [sflag:$0x1], $0x1, s14, s16, $0xb8;
	[tilespmem:$0x1E590] =	vst v63  }
.Ltmp7:
0x10d: {  	_ = 	snop;
	(pc) =	sbr.rel @p2 .LBB2_6-.Ltmp7, $4  }
.Ltmp8:
0x10e: {  	s14 =	simm.s32 @!p0 $0x1;
	(pc) =	sbr.rel @!p2 .LBB2_9-.Ltmp8, $4  }
0x10f: {  	_ =	swait.ge @!p0 [sflag:s14], $0x80  }
0x110: {  	[sflag:s14] =	ssyncset.done @!p0 $0x0  }
0x111: {  	[sflag:s14] =	ssyncadd.s32 @!p0 $0xFFFFFF80  }
0x112: {  	_ = 	snop  }
.LBB2_10:
.Ltmp9:
0x113: {  	(pc) =	sbr.rel @p1 .LBB2_15-.Ltmp9, $1  }
0x114: {  	_ =	sdelay $0x3  }
0x115: {  	s12 =	simm.s32 $0x0;
	s13 =	rddreg [dreg:$0xd]  }
0x116: {  	[tilespmem:s12], [sflag:$0x1] =	stream.linear.gather [hbm4b:s13+s12], $0x200, $0x38;
	[tilespmem:$0x1E590] =	vst v63  }
0x117: {  	_ =	swait.ge [sflag:s0], $0x200  }
0x118: {  	[sflag:s0] =	ssyncset.done $0x0  }
0x119: {  	s20 =	rddreg [dreg:$0x11];
	[sflag:s0] =	ssyncadd.s32 $0xFFFFFE00  }
0x11a: {  	[tilespmem:s30], [sflag:$0x1] =	stream.linear.gather [hbm4b:s20+s12], $0x200, $0x38;
	[tilespmem:$0x1E590] =	vst v63  }
0x11b: {  	_ =	swait.ge [sflag:s0], $0x200  }
0x11c: {  	[sflag:s0] =	ssyncset.done $0x0  }
0x11d: {  	[sflag:s0] =	ssyncadd.s32 $0xFFFFFE00  }
.LBB2_12:
0x11e: {  	s14 =	sshll.u32 s12, $0x7  }
0x11f: {  	v4 =	vld [tilespmem:s14+$0x800]  }
0x120: {  	v5 =	vld [tilespmem:s14+$0x810]  }
0x121: {  	v6 =	vld [tilespmem:s14+$0x820]  }
0x122: {  	v7 =	vld [tilespmem:s14+$0x830]  }
0x123: {  	v8 =	vld [tilespmem:s14+$0x840]  }
0x124: {  	v9 =	vld [tilespmem:s14+$0x850];
	v4 =	vsub.s32 v4, v0  }
0x125: {  	v10 =	vld [tilespmem:s14+$0x860];
	v5 =	vsub.s32 v5, v0;
	vm0 =	vlt.u32 v4, $0x1400  }
0x126: {  	v11 =	vld [tilespmem:s14+$0x870];
	v6 =	vsub.s32 v6, v0;
	vm9 =	vlt.u32 v5, $0x1400;
	v4 =	vsel vm0, v4, v3  }
0x127: {  	vm10 =	vlt.u32 v6, $0x1400;
	[tilespmem:s14+$0x1000] =	vst v4;
	v4 =	vsel vm9, v5, v3;
	v5 =	vsub.s32 v7, v0  }
0x128: {  	[tilespmem:s14+$0x1010] =	vst v4;
	v4 =	vsel vm10, v6, v3;
	vm11 =	vlt.u32 v5, $0x1400;
	v6 =	vsub.s32 v8, v0  }
0x129: {  	[tilespmem:s14+$0x1020] =	vst v4;
	v4 =	vsel vm11, v5, v3;
	vm12 =	vlt.u32 v6, $0x1400;
	v5 =	vsub.s32 v9, v0  }
0x12a: {  	[tilespmem:s14+$0x1030] =	vst v4;
	v4 =	vsel vm12, v6, v3;
	vm13 =	vlt.u32 v5, $0x1400;
	v6 =	vsub.s32 v10, v0  }
0x12b: {  	[tilespmem:s14+$0x1040] =	vst v4;
	v4 =	vsel vm13, v5, v3;
	vm14 =	vlt.u32 v6, $0x1400;
	v5 =	vsub.s32 v11, v0  }
0x12c: {  	[tilespmem:s14+$0x1050] =	vst v4;
	v4 =	vsel vm14, v6, v3;
	vm15 =	vlt.u32 v5, $0x1400  }
0x12d: {  	[tilespmem:s14+$0x1060] =	vst v4;
	v4 =	vsel vm15, v5, v3  }
0x12e: {  	s13 =	sand.u32 $0x3FFFFF80, s14;
	[tilespmem:s14+$0x1070] =	vst v4  }
0x12f: {  	[tilespmem:s9], [sflag:$0x2] =	stream.indirect.gather [hbm4b:s8+s6], $0x80, s13, s6, $0xb8;
	[tilespmem:$0x1E590] =	vst v63  }
0x130: {  	_ =	swait.ge [sflag:s10], $0x4000  }
0x131: {  	[sflag:s10] =	ssyncset.done $0x0  }
0x132: {  	s18 =	simm.s32 $0x0;
	[sflag:s10] =	ssyncadd.s32 $0xFFFFC000  }
0x133: {  	v5 =	vld [tilespmem:s18+$0x1870]  }
0x134: {  	v9 =	vld [tilespmem:s18+$0x1800]  }
0x135: {  	v10 =	vld [tilespmem:s18+$0x1810]  }
0x136: {  	v8 =	vld [tilespmem:s18+$0x1820]  }
0x137: {  	v6 =	vld [tilespmem:s18+$0x1830]  }
0x138: {  	v4 =	vld [tilespmem:s18+$0x1840];
	v11 =	vmul.f32 v5, v5  }
0x139: {  	s16 =	simm.s32 $0x80;
	v5 =	vld [tilespmem:s18+$0x1850];
	v9 =	vmul.f32 v9, v9  }
0x13a: {  	s19 =	simm.s32 $0x400;
	s13 =	sadd.s32 $0x800, s14;
	s14 =	sadd.s32 $0x1000, s14;
	v7 =	vld [tilespmem:s18+$0x1860];
	v10 =	vmul.f32 v10, v10;
	[tilespmem:s18+$0x5870] =	vst v11  }
.LBB2_13:
0x13b: {  	p2 =	sne.s32 s19, $0xFE00;
	v11 =	vld [tilespmem:s16+$0x1870];
	[tilespmem:s18+$0x5800] =	vst v9;
	v8 =	vmul.f32 v8, v8  }
0x13c: {  	v9 =	vld [tilespmem:s16+$0x1800];
	[tilespmem:s18+$0x5810] =	vst v10;
	v6 =	vmul.f32 v6, v6  }
0x13d: {  	v10 =	vld [tilespmem:s16+$0x1810];
	[tilespmem:s18+$0x5820] =	vst v8;
	v4 =	vmul.f32 v4, v4  }
.Ltmp10:
0x13e: {  	v8 =	vld [tilespmem:s16+$0x1820];
	[tilespmem:s18+$0x5830] =	vst v6;
	v5 =	vmul.f32 v5, v5;
	(pc) =	sbr.rel @p2 .LBB2_13-.Ltmp10, $4  }
0x13f: {  	v6 =	vld [tilespmem:s16+$0x1830];
	[tilespmem:s18+$0x5840] =	vst v4;
	v7 =	vmul.f32 v7, v7  }
0x140: {  	v4 =	vld [tilespmem:s16+$0x1840];
	v11 =	vmul.f32 v11, v11;
	[tilespmem:s18+$0x5850] =	vst v5  }
0x141: {  	v9 =	vmul.f32 v9, v9;
	v5 =	vld [tilespmem:s16+$0x1850];
	[tilespmem:s18+$0x5860] =	vst v7;
	s18 =	smov.u32 s16  }
0x142: {  	s16 =	sshra.s32 s19, $0x2;
	s19 =	sadd.s32 $0x200, s19;
	v10 =	vmul.f32 v10, v10;
	v7 =	vld [tilespmem:s18+$0x1860];
	[tilespmem:s18+$0x5870] =	vst v11  }
0x143: {  	v11 =	vld [tilespmem:s16+$0x1870];
	[tilespmem:s18+$0x5800] =	vst v9;
	v8 =	vmul.f32 v8, v8  }
0x144: {  	v9 =	vld [tilespmem:s16+$0x1800];
	[tilespmem:s18+$0x5810] =	vst v10;
	v6 =	vmul.f32 v6, v6  }
0x145: {  	v10 =	vld [tilespmem:s16+$0x1810];
	[tilespmem:s18+$0x5820] =	vst v8;
	v4 =	vmul.f32 v4, v4  }
0x146: {  	v8 =	vld [tilespmem:s16+$0x1820];
	[tilespmem:s18+$0x5830] =	vst v6;
	v5 =	vmul.f32 v5, v5  }
0x147: {  	v6 =	vld [tilespmem:s16+$0x1830];
	[tilespmem:s18+$0x5840] =	vst v4;
	v7 =	vmul.f32 v7, v7  }
0x148: {  	v4 =	vld [tilespmem:s16+$0x1840];
	[tilespmem:s18+$0x5850] =	vst v5;
	v11 =	vmul.f32 v11, v11  }
0x149: {  	v5 =	vld [tilespmem:s16+$0x1850];
	[tilespmem:s18+$0x5860] =	vst v7;
	v61 =	vmul.f32 v9, v9  }
0x14a: {  	v62 =	vld [tilespmem:s16+$0x1860];
	v10 =	vmul.f32 v10, v10;
	[tilespmem:s16+$0x5870] =	vst v11  }
0x14b: {  	[tilespmem:s16+$0x5800] =	vst v61;
	v63 =	vmul.f32 v8, v8  }
0x14c: {  	[tilespmem:s16+$0x5810] =	vst v10;
	v6 =	vmul.f32 v6, v6  }
0x14d: {  	[tilespmem:s16+$0x5820] =	vst v63;
	v4 =	vmul.f32 v4, v4  }
0x14e: {  	[tilespmem:s16+$0x5830] =	vst v6;
	v5 =	vmul.f32 v5, v5  }
0x14f: {  	[tilespmem:s16+$0x5840] =	vst v4;
	v4 =	vmul.f32 v62, v62  }
0x150: {  	[tilespmem:s16+$0x5850] =	vst v5  }
0x151: {  	[tilespmem:s16+$0x5860] =	vst v4  }
0x152: {  	[spmem:s2] =	stream.indirect.scatter.add.f32 [tilespmem:s9], [sflag:$0x2], $0x80, s14, s6, $0xb8;
	[tilespmem:$0x1E590] =	vst v63  }
0x153: {  	_ =	swait.ge [sflag:s10], $0x4000  }
0x154: {  	[sflag:s10] =	ssyncset.done $0x0  }
0x155: {  	[sflag:s10] =	ssyncadd.s32 $0xFFFFC000  }
0x156: {  	[spmem:s3] =	stream.indirect.scatter.add.f32 [tilespmem:s31], [sflag:$0x2], $0x80, s14, s6, $0xb8;
	[tilespmem:$0x1E590] =	vst v63  }
0x157: {  	s12 =	sadd.s32 $0x1, s12;
	_ =	swait.ge [sflag:s10], $0x4000  }
0x158: {  	p2 =	sne.s32 s12, $0x4;
	[sflag:s10] =	ssyncset.done $0x0  }
0x159: {  	s16 =	simm.s32 @!p0 $0x9800;
	s14 =	simm.s32 @!p0 $0x80;
	[sflag:s10] =	ssyncadd.s32 $0xFFFFC000  }
0x15a: {  	[spmem:s4] =	stream.indirect.scatter.add.f32 @!p0 [tilespmem:s16], [sflag:$0x1], $0x1, s13, s14, $0xb8;
	[tilespmem:$0x1E590] =	vst v63  }
.Ltmp11:
0x15b: {  	_ = 	snop;
	(pc) =	sbr.rel @p2 .LBB2_12-.Ltmp11, $4  }
.Ltmp12:
0x15c: {  	s13 =	simm.s32 @!p0 $0x1;
	(pc) =	sbr.rel @!p2 .LBB2_15-.Ltmp12, $4  }
0x15d: {  	_ =	swait.ge @!p0 [sflag:s13], $0x80  }
0x15e: {  	[sflag:s13] =	ssyncset.done @!p0 $0x0  }
0x15f: {  	[sflag:s13] =	ssyncadd.s32 @!p0 $0xFFFFFF80  }
0x160: {  	_ = 	snop  }
.LBB2_16:
0x161: {  	_ =	sfence.sel $0x180000  }
0x162: {  	[bflag:$0x0] =	sbarrier.arrive $0xFFFF  }
0x163: {  	_ =	strace $0x9000004A  }
0x164: {  	[bflag:$0x2] =	sbarrier.arrive $0xFFFF  }
0x165: {  	p0 =	sne.s32 s5, $0x0;
	s0 =	rddreg [dreg:$0x5]  }
0x166: {  	s0 =	sadd.s32 @!p0 $0x100000, s0  }
0x167: {  	[sflag:s0] =	ssyncadd.tile.s32 @!p0 $0x1;
	_ =	shalt  }
.Lfunc_end2:
_tile_overlayer_lowered:
.L_overlay_start_2:
0x168: {  	(tag) =	ssettag $0x2  }
0x169: {  	s0 =	rddreg [dreg:$0x0];
	s2 =	stileid.u32  }
0x16a: {  	s1 =	rddreg [dreg:$0x1];
	p0 =	sne.s32 s2, $0x0  }
0x16b: {  	s3 =	rddreg [dreg:$0x2];
	[bflag:$0x3] =	sbarrier.arrive $0xFFFF;
	s2 =	simm.s32 @!p0 $0x1C01  }
0x16c: {  	[timem:s3], [sflag:s2] =	dma.local @!p0 [hbm:s0], s1  }
0x16d: {  	s0 =	simm.s32 @!p0 $0x1  }
0x16e: {  	_ =	swait.ge @!p0 [sflag:s0], s1  }
0x16f: {  	s1 =	ssub.s32 @!p0 $0x0, s1;
	[sflag:s0] =	ssyncset.done @!p0 $0x0  }
0x170: {  	[sflag:s0] =	ssyncadd.s32 @!p0 s1  }
0x171: {  	[bflag:$0x3] =	sbarrier.arrive $0xFFFF  }
0x172: {  	_ =	shalt  }

// kernel: kernel.22.cloned.1.call-start
scs
__scs_entry_jumppad:
0x0: {  	(pc) =	sbr.rel $0x88, $3  }
0x1: {  	(tag) =	ssettag $0x0;
	lr =	simm.s32 $0x1  }
0x2: {  	[smem:$0x3F83] =	sst lr;
	_ =	strace $0xD0000000  }
0x3: {  	_ = 	snop  }
0x4: {  	_ = 	snop  }
0x5: {  	_ = 	snop  }
0x6: {  	_ = 	snop  }
0x7: {  	_ = 	snop  }
__scs_overlays_trampoline_lowered:
0x8: {  	[smem:$0x3F92] =	sst s0  }
0x9: {  	[smem:$0x3F93] =	sst s1  }
0xa: {  	[smem:$0x3F94] =	sst s2  }
0xb: {  	[smem:$0x3F95] =	sst s3  }
0xc: {  	[smem:$0x3F96] =	sst s4  }
0xd: {  	[smem:$0x3F97] =	sst s5  }
0xe: {  	[smem:$0x3F98] =	sst s6  }
0xf: {  	[smem:$0x3F99] =	sst s7  }
0x10: {  	[smem:$0x3F9A] =	sst s8  }
0x11: {  	[smem:$0x3F9B] =	sst s9;
	s0 =	simm.s32 @!p0 $0x0  }
0x12: {  	s1 =	sld [smem:$0x3F81];
	s0 =	simm.s32 @p0 $0x1  }
0x13: {  	[smem:$0x3F9C] =	sst s0;
	s0 =	simm.s32 @!p1 $0x0  }
0x14: {  	s2 =	sld [smem:$0x3F80];
	s0 =	simm.s32 @p1 $0x1  }
0x15: {  	[smem:$0x3F9D] =	sst s0;
	s0 =	simm.s32 @!p2 $0x0  }
0x16: {  	s3 =	sld [smem:$0x3FDB];
	s0 =	simm.s32 @p2 $0x1  }
0x17: {  	s4 =	simm.s32 $0x1BF5;
	[smem:$0x3F9F] =	sst s0  }
0x18: {  	s0 =	sld [smem:$0x3F82];
	_ =	swait.ge [sflag:s4], $0x0  }
0x19: {  	s7 =	sld [smem:$0x3F83]  }
0x1a: {  	s8 =	sadd.s32 $0xFFFFE003, lr  }
0x1b: {  	s9 =	sadd.s32 $0xFFFFFEF7, lr;
	s5 =	simm.s32 $0xFFFFFFFF;
	p2 =	slt.u32 s8, $0xFFFFF086  }
0x1c: {  	p1 =	slt.u32 s9, $0xF7A;
	s5 =	simm.s32 @!p2 $0x0  }
0x1d: {  	s5 =	simm.s32 @p1 $0x1;
	p0 =	seq.s32 s7, s2  }
0x1e: {  	s7 =	smul.u32 @!p0 $0xF7A, s2;
	p2 =	seq.s32 @!p0 s5, $0x0  }
0x1f: {  	s9 =	smul.u32 $0xF7A, s1;
	s8 =	simm.s32 @!p0 $0x1BF5;
	p2 =	por !p2, p0  }
0x20: {  	[sflag:s8] =	ssyncset.s32 @!p0 $0xFFFFF086;
	s6 =	sadd.s32 @!p0 s3, s7;
	s7 =	simm.s32 @!p0 $0x108  }
0x21: {  	s3 =	sadd.s32 s3, s9;
	s6 =	sadd.s32 @!p0 $0x88, s6;
	s7 =	simm.s32 @p2 $0x1082  }
0x22: {  	[simem:s7], [sflag:s8] =	dma.local @!p0 [hbm:s6], $0xF7A  }
0x23: {  	s9 =	sor.u32 $0xD0000000, s2;
	s6 =	simm.s32 $0x108;
	_ =	swait.ge @!p0 [sflag:s8], $0x0  }
0x24: {  	s3 =	sadd.s32 $0x88, s3;
	s6 =	simm.s32 @!p1 $0x1082;
	[sflag:s4] =	ssyncset.s32 $0xFFFFF086  }
0x25: {  	[simem:s6], [sflag:s4] =	dma.local [hbm:s3], $0xF7A  }
0x26: {  	[smem:$0x3F83] =	sst s1;
	(tag) =	ssettag s2;
	_ =	strace s9  }
0x27: {  	s1 =	sld [smem:$0x3F93]  }
0x28: {  	s2 =	sld [smem:$0x3F94]  }
0x29: {  	s4 =	sld [smem:$0x3F96]  }
0x2a: {  	p0 =	seq.s32 s5, $0x0;
	s5 =	sld [smem:$0x3F97]  }
0x2b: {  	s6 =	sld [smem:$0x3F98]  }
0x2c: {  	s7 =	sld [smem:$0x3F99]  }
0x2d: {  	s3 =	simm.s32 $0x108;
	s8 =	sld [smem:$0x3F9A]  }
0x2e: {  	s3 =	simm.s32 @!p0 $0x1082;
	s9 =	sld [smem:$0x3F9B]  }
0x2f: {  	lr =	sadd.s32 s0, s3;
	s0 =	sld [smem:$0x3F92]  }
0x30: {  	s3 =	sld [smem:$0x3F95]  }
0x31: {  	[smem:$0x3F9E] =	sst s10  }
0x32: {  	s10 =	sld [smem:$0x3F9C];
	_ =	sdelay $0x3  }
0x33: {  	p0 =	seq.s32 s10, $0x1;
	s10 =	sld [smem:$0x3F9E];
	_ =	sdelay $0x3  }
0x34: {  	[smem:$0x3F9E] =	sst s10  }
0x35: {  	s10 =	sld [smem:$0x3F9D];
	_ =	sdelay $0x3  }
0x36: {  	p1 =	seq.s32 s10, $0x1;
	s10 =	sld [smem:$0x3F9E];
	_ =	sdelay $0x3  }
0x37: {  	[smem:$0x3F9E] =	sst s10  }
0x38: {  	s10 =	sld [smem:$0x3F9F]  }
0x39: {  	_ = 	snop;
	(pc) =	sbr.ind lr, $3  }
0x3a: {  	_ = 	snop  }
0x3b: {  	_ = 	snop  }
0x3c: {  	p2 =	seq.s32 s10, $0x1;
	s10 =	sld [smem:$0x3F9E]  }
0x3d: {  	_ =	shalt  }
0x3e: {  	_ =	shalt  }
0x3f: {  	_ =	shalt  }
0x40: {  	_ =	shalt  }
0x41: {  	_ =	shalt  }
0x42: {  	_ =	shalt  }
0x43: {  	_ =	shalt  }
0x44: {  	_ =	shalt  }
0x45: {  	_ =	shalt  }
0x46: {  	_ =	shalt  }
0x47: {  	_ =	shalt  }
0x48: {  	_ =	shalt  }
0x49: {  	_ =	shalt  }
0x4a: {  	_ =	shalt  }
0x4b: {  	_ =	shalt  }
0x4c: {  	_ =	shalt  }
0x4d: {  	_ =	shalt  }
0x4e: {  	_ =	shalt  }
0x4f: {  	_ =	shalt  }
0x50: {  	_ =	shalt  }
0x51: {  	_ =	shalt  }
0x52: {  	_ =	shalt  }
0x53: {  	_ =	shalt  }
0x54: {  	_ =	shalt  }
0x55: {  	_ =	shalt  }
0x56: {  	_ =	shalt  }
0x57: {  	_ =	shalt  }
0x58: {  	_ =	shalt  }
0x59: {  	_ =	shalt  }
0x5a: {  	_ =	shalt  }
0x5b: {  	_ =	shalt  }
0x5c: {  	_ =	shalt  }
0x5d: {  	_ =	shalt  }
0x5e: {  	_ =	shalt  }
0x5f: {  	_ =	shalt  }
0x60: {  	_ =	shalt  }
0x61: {  	_ =	shalt  }
0x62: {  	_ =	shalt  }
0x63: {  	_ =	shalt  }
0x64: {  	_ =	shalt  }
0x65: {  	_ =	shalt  }
0x66: {  	_ =	shalt  }
0x67: {  	_ =	shalt  }
0x68: {  	_ =	shalt  }
0x69: {  	_ =	shalt  }
0x6a: {  	_ =	shalt  }
0x6b: {  	_ =	shalt  }
0x6c: {  	_ =	shalt  }
0x6d: {  	_ =	shalt  }
0x6e: {  	_ =	shalt  }
0x6f: {  	_ =	shalt  }
0x70: {  	_ =	shalt  }
0x71: {  	_ =	shalt  }
0x72: {  	_ =	shalt  }
0x73: {  	_ =	shalt  }
0x74: {  	_ =	shalt  }
0x75: {  	_ =	shalt  }
0x76: {  	_ =	shalt  }
0x77: {  	_ =	shalt  }
0x78: {  	_ =	shalt  }
0x79: {  	_ =	shalt  }
0x7a: {  	_ =	shalt  }
0x7b: {  	_ =	shalt  }
0x7c: {  	_ =	shalt  }
0x7d: {  	_ =	shalt  }
0x7e: {  	_ =	shalt  }
0x7f: {  	_ =	shalt  }
0x80: {  	_ =	shalt  }
0x81: {  	_ =	shalt  }
0x82: {  	_ =	shalt  }
0x83: {  	_ =	shalt  }
0x84: {  	_ =	shalt  }
0x85: {  	_ =	shalt  }
0x86: {  	_ =	shalt  }
0x87: {  	_ =	shalt  }
.Lfunc_end0:
.L_simem_size_0:
called_computation.2_lowered:
.L_overlay_start_0:
0x88: {  	s2 =	sld [smem:$0x3FD9]  }
0x89: {  	s3 =	sld [smem:$0x3FFE];
	_ =	sdelay $0x1  }
0x8a: {  	s1 =	srdreg.scid  }
0x8b: {  	s0 =	sand.u32 $0x1, s1  }
0x8c: {  	s14 =	sshll.u32 s0, $0xA;
	s2 =	sadd.s32 s3, s2  }
0x8d: {  	s2 =	sadd.s32 s2, s14  }
0x8e: {  	[smem:$0x3FAA] =	sst s2  }
0x8f: {  	_ = 	snop  }
0x90: {  	s2 =	sld [smem:$0x3FD0];
	_ =	sdelay $0x2  }
0x91: {  	s15 =	simm.s32 $0xC;
	s4 =	simm.s32 $0x10  }
0x92: {  	[smem:s4], [sflag:s15] =	dma.local [hbm:s2], $0x1  }
0x93: {  	_ =	swait.eq [sflag:s15], $0x1  }
0x94: {  	[sflag:s15] =	ssyncset.done $0x0  }
0x95: {  	[sflag:s15] =	ssyncadd.s32 $0xFFFFFFFF  }
0x96: {  	s16 =	sld [smem:$0x12];
	(tm) =	ssettm $0x1  }
0x97: {  	s17 =	sld [smem:$0x3FFB];
	_ =	sdelay $0x3  }
0x98: {  	_ =	strace s17  }
0x99: {  	s3 =	sld [smem:$0x3FFC];
	_ =	sdelay $0x3  }
0x9a: {  	_ =	strace s3  }
0x9b: {  	s3 =	sld [smem:$0x3FFD];
	_ =	sdelay $0x3  }
0x9c: {  	_ =	strace s3  }
0x9d: {  	_ =	strace $0x8FFFFFFF  }
0x9e: {  	s18 =	sld [smem:$0x3FDB];
	_ =	sdelay $0x1  }
0x9f: {  	s19 =	simm.s32 $_scs_section_size  }
0xa0: {  	s5 =	simm.s32 $_size__tile_overlayer_lowered;
	s6 =	simm.s32 $_tile_overlayer_lowered  }
0xa1: {  	s22 =	simm.s32 $0x1BFF;
	s21 =	sshll.u32 s6, $0x1;
	s3 =	sadd.s32 s19, s18  }
0xa2: {  	s7 =	simm.s32 $0x0;
	s20 =	sshll.u32 s5, $0x1;
	s5 =	sadd.s32 s21, s3  }
0xa3: {  	[timem:s7], [sflag:s22] =	dma.local [hbm:s5], s20  }
0xa4: {  	_ =	swait.ge [sflag:s22], s20  }
0xa5: {  	s4 =	ssub.s32 $0x0, s20;
	[sflag:s22] =	ssyncset.done $0x0  }
0xa6: {  	[sflag:s22] =	ssyncadd.s32 s4;
	_ =	sdelay $0x1  }
0xa7: {  	s23 =	simm.s32 $0x1B8B  }
0xa8: {  	_ =	swait.ge [sflag:s23], $0x1  }
0xa9: {  	[sflag:s23] =	ssyncset.done $0x0  }
0xaa: {  	s25 =	simm.s32 $0x1B8E;
	s24 =	sld [smem:$0x3FFE];
	[sflag:s23] =	ssyncadd.s32 $0xFFFFFFFF  }
0xab: {  	s26 =	simm.s32 $execute0_lowered;
	[smem:$0x3FD2] =	sst s25  }
0xac: {  	s5 =	sshll.u32 s26, $0x1;
	_ =	strace $0x80000046;
	[dreg:$0x1] =	wrdreg $0xFFFFFFFF  }
0xad: {  	s28 =	simm.s32 $_size_execute0_lowered;
	s3 =	sadd.s32 s3, s5;
	[dreg:$0x0] =	wrdreg $0x0  }
0xae: {  	s5 =	sshll.u32 s28, $0x1;
	[dreg:$0x2] =	wrdreg s3  }
0xaf: {  	[dreg:$0x3] =	wrdreg s5  }
0xb0: {  	[dreg:$0x4] =	wrdreg $0xC0  }
0xb1: {  	_ =	task [dreg:s7], $0x5FFFF  }
0xb2: {  	[dreg:$0x1] =	wrdreg $0xFFFFFFFF  }
0xb3: {  	[dreg:$0x0] =	wrdreg $0x60  }
0xb4: {  	[dreg:$0x2] =	wrdreg s24  }
0xb5: {  	[dreg:$0x3] =	wrdreg s16  }
0xb6: {  	[dreg:$0x4] =	wrdreg $0x9B000  }
0xb7: {  	[dreg:$0x5] =	wrdreg $0x13F000  }
0xb8: {  	[dreg:$0x6] =	wrdreg $0x1E3000  }
0xb9: {  	[dreg:$0x7] =	wrdreg $0xB  }
0xba: {  	_ =	task.clear_ibuf [dreg:s7], $0x8FFFF;
	_ =	strace $0x90000046  }
0xbb: {  	s29 =	simm.s32 $0xB;
	_ =	strace $0x80000048  }
0xbc: {  	_ =	swait.ge [sflag:s29], $0x1  }
0xbd: {  	[sflag:s29] =	ssyncadd.s32 $0xFFFFFFFF  }
0xbe: {  	_ =	strace $0x90000048  }
0xbf: {  	_ =	sfence  }
0xc0: {  	s30 =	sld [smem:$0x0];
	_ =	sdelay $0x2  }
0xc1: {  	s31 =	sshll.u32 s1, $0xD;
	s1 =	sshrl.u32 s1, $0x2  }
0xc2: {  	s3 =	sand.u32 $0x4000, s31;
	s1 =	sadd.s32 s1, s30  }
0xc3: {  	s0 =	sor.u32 s3, s0;
	s1 =	sshll.u32 s1, $0x11  }
0xc4: {  	s0 =	sor.u32 s1, s0  }
0xc5: {  	s0 =	sadd.s32 $0x8F2B, s0  }
0xc6: {  	[sflag:s0] =	ssyncadd.remote.s32 $0x1  }
0xc7: {  	_ =	sfence.sel $0xFFFF  }
0xc8: {  	[dreg:$0x0] =	wrdreg $0xFFFFFFFF;
	(pc) =	sbr.abs _section_cstart, $3  }
0xc9: {  	[dreg:$0x1] =	wrdreg $0xFFFFFFFF  }
0xca: {  	_ =	task.clear_ibuf [dreg:s7], $0x2FFFF;
	_ =	strace $0x9FFFFFFF  }
0xcb: {  	(tm) =	ssettm $0x7FFFFFFF  }
tec
execute0_lowered:
.L_overlay_start_1:
0x0: {  	(tag) =	ssettag $0x1  }
0x1: {  	s0 =	rddreg [dreg:$0x0]  }
0x2: {  	s1 =	rddreg [dreg:$0x1]  }
0x3: {  	s2 =	rddreg [dreg:$0x2];
	s5 =	srdreg.scid  }
0x4: {  	s3 =	rddreg [dreg:$0x3];
	s6 =	sand.u32 $0x1, s5  }
0x5: {  	s5 =	stileid.u32;
	s9 =	smul.u32 $0x1400, s6  }
0x6: {  	s4 =	rddreg [dreg:$0x4];
	s7 =	simm.s32 $0x0;
	s8 =	smul.u32 $0x140, s5  }
0x7: {  	s31 =	simm.s32 $0x5800;
	s30 =	simm.s32 $0x800;
	s11 =	smul.u32 $0x280, s5  }
0x8: {  	[smem:$0x7FF] =	sst s7;
	s7 =	sadd.s32 $0x6E00, s0;
	s15 =	smul.u32 $0xA400, s5  }
0x9: {  	_ =	strace $0x80000047;
	s12 =	ssub.s32 $0x2, s6;
	s16 =	smul.u32 $0xA40, s5  }
0xa: {  	s24 =	smul.u32 $0xA000, s5;
	p0 =	sne.s32 s6, $0x0;
	p1 =	sne.s32 s5, $0xF  }
0xb: {  	s6 =	simm.s32 $0x80;
	s14 =	sshrl.u32 s12, $0x1;
	s10 =	sadd.s32 s8, s9  }
0xc: {  	s8 =	sadd.s32 $0xF1400, s0;
	s13 =	sshrl.u32 s11, $0x3;
	s12 =	ssub.s32 s12, s14  }
0xd: {  	s19 =	sadd.s32 s15, s2;
	s20 =	sadd.s32 $0x4000, s15;
	s17 =	sadd.s32 s15, s3  }
0xe: {  	s22 =	sadd.s32 $0x8000, s15;
	s23 =	sshrl.u32 s16, $0x2;
	s18 =	sadd.s32 s24, s3  }
0xf: {  	v0 =	vmov s9;
	s9 =	simm.s32 $0x1800;
	s10 =	sshll.u32 s10, $0x4;
	[dreg:$0x6] =	wrdreg s19  }
0x10: {  	s13 =	sadd.s32 s13, s0;
	[dreg:$0x7] =	wrdreg s17;
	s21 =	sadd.s32 s20, s2  }
0x11: {  	s14 =	sadd.s32 s20, s3;
	s25 =	sadd.s32 s22, s2;
	[dreg:$0x8] =	wrdreg s21  }
0x12: {  	s15 =	sadd.s32 s23, s4;
	s23 =	sshrl.u32 s18, $0x3;
	[dreg:$0x9] =	wrdreg s14  }
0x13: {  	s20 =	sadd.s32 $0x9C00, s1;
	s10 =	sadd.s32 s10, s0;
	[dreg:$0xa] =	wrdreg s25  }
0x14: {  	s14 =	sadd.s32 s22, s3;
	s26 =	sadd.s32 $0x80, s15;
	[dreg:$0x11] =	wrdreg s20  }
0x15: {  	s0 =	sadd.s32 $0x10A00, s0;
	s19 =	sadd.s32 $0x10C00, s13;
	[dreg:$0xb] =	wrdreg s14  }
0x16: {  	s21 =	smax.u32 s12, $0x1;
	s25 =	sadd.s32 $0x100, s15;
	[dreg:$0xc] =	wrdreg s26  }
0x17: {  	s28 =	sadd.s32 $0x200, s15;
	s29 =	sadd.s32 $0x280, s15;
	[dreg:$0xd] =	wrdreg s0  }
.Ltmp0:
0x18: {  	s17 =	sadd.s32 $0x11200, s10;
	[dreg:$0x10] =	wrdreg s19;
	(pc) =	sbr.rel .LBB2_1-.Ltmp0, $4  }
0x19: {  	s14 =	sadd.s32 s24, s2;
	s10 =	sadd.s32 $0x39200, s10;
	[dreg:$0xe] =	wrdreg s17  }
0x1a: {  	s26 =	sadd.s32 $0x180, s15;
	s0 =	simm.s32 $0x1;
	[dreg:$0xf] =	wrdreg s10  }
0x1b: {  	v3 =	vlaneseq.u32;
	s10 =	sadd.s32 s11, s4;
	s22 =	sshrl.u32 s14, $0x3;
	s17 =	simm.s32 $0x9800  }
0x1c: {  	v1 =	vimm.f32 $0.0e+00;
	v2 =	vimm.f32 $1.000000000e+00;
	v3 =	vor.u32 $0x1400, v3;
	s11 =	simm.s32 $0x0;
	s24 =	sshrl.u32 @!p0 s10, $0x3;
	s10 =	simm.s32 $0x2  }
.LBB2_15:
0x1d: {  	s12 =	sshll.u32 s5, $0x6;
	[bflag:$0x0] =	sbarrier.arrive $0xFFFF  }
0x1e: {  	s12 =	sor.u32 $0x1C01, s12;
	s13 =	rddreg [dreg:$0xe]  }
0x1f: {  	[hbm:s13], [sflag:s12] =	dma.local [spmem:s22], $0x1400  }
0x20: {  	_ =	swait.ge [sflag:s0], $0x1400  }
0x21: {  	[sflag:s0] =	ssyncset.done $0x0  }
0x22: {  	s20 =	rddreg [dreg:$0xf];
	[sflag:s0] =	ssyncadd.s32 $0xFFFFEC00  }
0x23: {  	[hbm:s20], [sflag:s12] =	dma.local [spmem:s23], $0x1400  }
0x24: {  	_ =	swait.ge [sflag:s0], $0x1400  }
0x25: {  	s11 =	sadd.s32 $0x1, s11;
	[sflag:s0] =	ssyncset.done $0x0  }
0x26: {  	p2 =	sne.s32 s11, s21;
	s13 =	rddreg [dreg:$0x10];
	[sflag:s0] =	ssyncadd.s32 $0xFFFFEC00  }
0x27: {  	[hbm:s13], [sflag:s12] =	dma.local @!p0 [spmem:s24], $0x50  }
.Ltmp1:
0x28: {  	_ = 	snop;
	(pc) =	sbr.rel @!p2 .LBB2_16-.Ltmp1, $4  }
0x29: {  	s12 =	simm.s32 @!p0 $0x1  }
0x2a: {  	_ =	swait.ge @!p0 [sflag:s12], $0x50  }
0x2b: {  	[sflag:s12] =	ssyncset.done @!p0 $0x0  }
0x2c: {  	[sflag:s12] =	ssyncadd.s32 @!p0 $0xFFFFFFB0  }
.LBB2_1:
0x2d: {  	s13 =	simm.s32 $0x0  }
0x2e: {  	s12 =	sand.u32 $0xFE00, s13  }
0x2f: {  	s13 =	sand.u32 $0x70, s13;
	s14 =	sshrl.u32 s12, $0x2  }
0x30: {  	s12 =	simm.s32 $0x40;
	s14 =	sor.u32 s13, s14;
	s13 =	simm.s32 $0x0  }
.LBB2_2:
0x31: {  	p2 =	sne.s32 s12, $0xFFC0  }
0x32: {  	[tilespmem:s14+$0x5800] =	vst v1;
	s13 =	sadd.s32 $0x10, s13;
	s14 =	smov.u32 s12;
	s12 =	sadd.s32 $0x40, s12  }
.Ltmp2:
0x33: {  	(pc) =	sbr.rel @p2 .LBB2_2-.Ltmp2, $4  }
0x34: {  	_ = 	snop  }
0x35: {  	s14 =	sand.u32 $0xFE00, s14  }
0x36: {  	s16 =	sand.u32 $0x70, s13;
	s14 =	sshrl.u32 s14, $0x2  }
0x37: {  	s14 =	sor.u32 s16, s14  }
0x38: {  	[tilespmem:s14+$0x5800] =	vst v1  }
0x39: {  	[tilespmem:$0x9800] =	vst v1  }
0x3a: {  	[tilespmem:$0x9810] =	vst v1  }
0x3b: {  	[tilespmem:$0x9820] =	vst v1  }
0x3c: {  	[tilespmem:$0x9830] =	vst v1  }
0x3d: {  	[tilespmem:$0x9840] =	vst v1  }
0x3e: {  	[tilespmem:$0x9850] =	vst v1  }
0x3f: {  	[tilespmem:$0x9860] =	vst v1  }
0x40: {  	[tilespmem:$0x9870] =	vst v1  }
0x41: {  	[tilespmem:$0x9880] =	vst v1  }
0x42: {  	[tilespmem:$0x9890] =	vst v1  }
0x43: {  	[tilespmem:$0x98A0] =	vst v1  }
0x44: {  	[tilespmem:$0x98B0] =	vst v1  }
0x45: {  	[tilespmem:$0x98C0] =	vst v1  }
0x46: {  	[tilespmem:$0x98D0] =	vst v1  }
0x47: {  	[tilespmem:$0x98E0] =	vst v1  }
0x48: {  	[tilespmem:$0x98F0] =	vst v1  }
0x49: {  	[tilespmem:$0x9900] =	vst v1  }
0x4a: {  	[tilespmem:$0x9910] =	vst v1  }
0x4b: {  	[tilespmem:$0x9920] =	vst v1  }
0x4c: {  	[tilespmem:$0x9930] =	vst v1  }
0x4d: {  	[tilespmem:$0x9940] =	vst v1  }
0x4e: {  	[tilespmem:$0x9950] =	vst v1  }
0x4f: {  	[tilespmem:$0x9960] =	vst v1  }
0x50: {  	[tilespmem:$0x9970] =	vst v1  }
0x51: {  	[tilespmem:$0x9980] =	vst v1  }
0x52: {  	[tilespmem:$0x9990] =	vst v1  }
0x53: {  	[tilespmem:$0x99A0] =	vst v1  }
0x54: {  	[tilespmem:$0x99B0] =	vst v1  }
0x55: {  	[tilespmem:$0x99C0] =	vst v1  }
0x56: {  	[tilespmem:$0x99D0] =	vst v1  }
0x57: {  	[tilespmem:$0x99E0] =	vst v1  }
0x58: {  	[tilespmem:$0x99F0] =	vst v1  }
0x59: {  	[tilespmem:$0x9A00] =	vst v1  }
0x5a: {  	[tilespmem:$0x9A10] =	vst v1  }
0x5b: {  	[tilespmem:$0x9A20] =	vst v1  }
0x5c: {  	[tilespmem:$0x9A30] =	vst v1  }
0x5d: {  	[tilespmem:$0x9A40] =	vst v1  }
0x5e: {  	[tilespmem:$0x9A50] =	vst v1  }
0x5f: {  	[tilespmem:$0x9A60] =	vst v1  }
0x60: {  	[tilespmem:$0x9A70] =	vst v1  }
0x61: {  	s12 =	rddreg [dreg:$0x6];
	[tilespmem:$0x9A80] =	vst v1  }
0x62: {  	[spmem:s12] =	stream.linear.scatter [tilespmem:s31], [sflag:$0x1], $0x4000, $0x38;
	[tilespmem:$0x1E590] =	vst v63  }
0x63: {  	_ =	swait.ge [sflag:s0], $0x4000  }
0x64: {  	[sflag:s0] =	ssyncset.done $0x0  }
0x65: {  	s13 =	rddreg [dreg:$0x7];
	[sflag:s0] =	ssyncadd.s32 $0xFFFFC000  }
0x66: {  	[spmem:s13] =	stream.linear.scatter [tilespmem:s31], [sflag:$0x1], $0x4000, $0x38;
	[tilespmem:$0x1E590] =	vst v63  }
0x67: {  	_ =	swait.ge [sflag:s0], $0x4000  }
0x68: {  	[sflag:s0] =	ssyncset.done $0x0  }
0x69: {  	s14 =	rddreg [dreg:$0x8];
	[sflag:s0] =	ssyncadd.s32 $0xFFFFC000  }
0x6a: {  	[spmem:s14] =	stream.linear.scatter [tilespmem:s31], [sflag:$0x1], $0x4000, $0x38;
	[tilespmem:$0x1E590] =	vst v63  }
0x6b: {  	_ =	swait.ge [sflag:s0], $0x4000  }
0x6c: {  	[sflag:s0] =	ssyncset.done $0x0  }
0x6d: {  	s16 =	rddreg [dreg:$0x9];
	[sflag:s0] =	ssyncadd.s32 $0xFFFFC000  }
0x6e: {  	[spmem:s16] =	stream.linear.scatter [tilespmem:s31], [sflag:$0x1], $0x4000, $0x38;
	[tilespmem:$0x1E590] =	vst v63  }
0x6f: {  	_ =	swait.ge [sflag:s0], $0x4000  }
0x70: {  	[sflag:s0] =	ssyncset.done $0x0  }
0x71: {  	s18 =	rddreg [dreg:$0xa];
	[sflag:s0] =	ssyncadd.s32 $0xFFFFC000  }
0x72: {  	[spmem:s18] =	stream.linear.scatter [tilespmem:s31], [sflag:$0x1], $0x2400, $0x38;
	[tilespmem:$0x1E590] =	vst v63  }
0x73: {  	_ =	swait.ge [sflag:s0], $0x2400  }
0x74: {  	[sflag:s0] =	ssyncset.done $0x0  }
0x75: {  	s19 =	rddreg [dreg:$0xb];
	[sflag:s0] =	ssyncadd.s32 $0xFFFFDC00  }
0x76: {  	[spmem:s19] =	stream.linear.scatter [tilespmem:s31], [sflag:$0x1], $0x2400, $0x38;
	[tilespmem:$0x1E590] =	vst v63  }
0x77: {  	_ =	swait.ge [sflag:s0], $0x2400  }
0x78: {  	[sflag:s0] =	ssyncset.done $0x0  }
0x79: {  	[sflag:s0] =	ssyncadd.s32 $0xFFFFDC00  }
0x7a: {  	[spmem:s15] =	stream.linear.scatter [tilespmem:s17], [sflag:$0x1], $0x80, $0x38;
	[tilespmem:$0x1E590] =	vst v63  }
0x7b: {  	_ =	swait.ge [sflag:s0], $0x80  }
0x7c: {  	[sflag:s0] =	ssyncset.done $0x0  }
0x7d: {  	s20 =	rddreg [dreg:$0xc];
	[sflag:s0] =	ssyncadd.s32 $0xFFFFFF80  }
0x7e: {  	[spmem:s20] =	stream.linear.scatter [tilespmem:s17], [sflag:$0x1], $0x80, $0x38;
	[tilespmem:$0x1E590] =	vst v63  }
0x7f: {  	_ =	swait.ge [sflag:s0], $0x80  }
0x80: {  	[sflag:s0] =	ssyncset.done $0x0  }
0x81: {  	[sflag:s0] =	ssyncadd.s32 $0xFFFFFF80  }
0x82: {  	[spmem:s25] =	stream.linear.scatter [tilespmem:s17], [sflag:$0x1], $0x80, $0x38;
	[tilespmem:$0x1E590] =	vst v63  }
0x83: {  	_ =	swait.ge [sflag:s0], $0x80  }
0x84: {  	[sflag:s0] =	ssyncset.done $0x0  }
0x85: {  	[sflag:s0] =	ssyncadd.s32 $0xFFFFFF80  }
0x86: {  	[spmem:s26] =	stream.linear.scatter [tilespmem:s17], [sflag:$0x1], $0x80, $0x38;
	[tilespmem:$0x1E590] =	vst v63  }
0x87: {  	_ =	swait.ge [sflag:s0], $0x80  }
0x88: {  	[sflag:s0] =	ssyncset.done $0x0  }
0x89: {  	[sflag:s0] =	ssyncadd.s32 $0xFFFFFF80  }
0x8a: {  	[spmem:s28] =	stream.linear.scatter [tilespmem:s17], [sflag:$0x1], $0x80, $0x38;
	[tilespmem:$0x1E590] =	vst v63  }
0x8b: {  	_ =	swait.ge [sflag:s0], $0x80  }
0x8c: {  	[sflag:s0] =	ssyncset.done $0x0  }
0x8d: {  	[sflag:s0] =	ssyncadd.s32 $0xFFFFFF80  }
0x8e: {  	[spmem:s29] =	stream.linear.scatter [tilespmem:s17], [sflag:$0x1], $0x10, $0x38;
	[tilespmem:$0x1E590] =	vst v63  }
0x8f: {  	_ =	swait.ge [sflag:s0], $0x10  }
0x90: {  	[sflag:s0] =	ssyncset.done $0x0  }
0x91: {  	[sflag:s0] =	ssyncadd.s32 $0xFFFFFFF0  }
0x92: {  	[tilespmem:$0x9800] =	vst v2  }
0x93: {  	[tilespmem:$0x9810] =	vst v2  }
0x94: {  	[tilespmem:$0x9820] =	vst v2  }
0x95: {  	[tilespmem:$0x9830] =	vst v2  }
0x96: {  	[tilespmem:$0x9840] =	vst v2  }
0x97: {  	[tilespmem:$0x9850] =	vst v2  }
0x98: {  	[tilespmem:$0x9860] =	vst v2  }
0x99: {  	[tilespmem:$0x9870] =	vst v2  }
0x9a: {  	[tilespmem:$0x9880] =	vst v2  }
0x9b: {  	[tilespmem:$0x9890] =	vst v2  }
0x9c: {  	[tilespmem:$0x98A0] =	vst v2  }
0x9d: {  	[tilespmem:$0x98B0] =	vst v2  }
0x9e: {  	[tilespmem:$0x98C0] =	vst v2  }
0x9f: {  	[tilespmem:$0x98D0] =	vst v2  }
0xa0: {  	[tilespmem:$0x98E0] =	vst v2  }
0xa1: {  	[tilespmem:$0x98F0] =	vst v2  }
0xa2: {  	[tilespmem:$0x9900] =	vst v2  }
0xa3: {  	[tilespmem:$0x9910] =	vst v2  }
0xa4: {  	[tilespmem:$0x9920] =	vst v2  }
0xa5: {  	[tilespmem:$0x9930] =	vst v2  }
0xa6: {  	[tilespmem:$0x9940] =	vst v2  }
0xa7: {  	[tilespmem:$0x9950] =	vst v2  }
0xa8: {  	[tilespmem:$0x9960] =	vst v2  }
0xa9: {  	[tilespmem:$0x9970] =	vst v2  }
0xaa: {  	[tilespmem:$0x9980] =	vst v2  }
0xab: {  	[tilespmem:$0x9990] =	vst v2  }
0xac: {  	[tilespmem:$0x99A0] =	vst v2  }
0xad: {  	[tilespmem:$0x99B0] =	vst v2  }
0xae: {  	[tilespmem:$0x99C0] =	vst v2  }
0xaf: {  	[tilespmem:$0x99D0] =	vst v2  }
0xb0: {  	[tilespmem:$0x99E0] =	vst v2  }
0xb1: {  	[tilespmem:$0x99F0] =	vst v2  }
0xb2: {  	[tilespmem:$0x9A00] =	vst v2  }
0xb3: {  	[tilespmem:$0x9A10] =	vst v2  }
0xb4: {  	[tilespmem:$0x9A20] =	vst v2  }
0xb5: {  	[tilespmem:$0x9A30] =	vst v2  }
0xb6: {  	[tilespmem:$0x9A40] =	vst v2  }
0xb7: {  	[tilespmem:$0x9A50] =	vst v2  }
.Ltmp3:
0xb8: {  	[tilespmem:$0x9A60] =	vst v2;
	(pc) =	sbr.rel .LBB2_4-.Ltmp3, $4  }
0xb9: {  	[tilespmem:$0x9A70] =	vst v2  }
0xba: {  	[tilespmem:$0x9A80] =	vst v2  }
0xbb: {  	[bflag:$0x0] =	sbarrier.arrive $0xFFFF  }
0xbc: {  	s12 =	simm.s32 $0x0  }
.LBB2_9:
0xbd: {  	s12 =	sadd.s32 $0x1, s12  }
0xbe: {  	p2 =	sne.s32 s12, $0xA  }
.Ltmp4:
0xbf: {  	_ = 	snop;
	(pc) =	sbr.rel @!p2 .LBB2_10-.Ltmp4, $1  }
0xc0: {  	_ =	sdelay $0x3  }
.LBB2_4:
0xc1: {  	s13 =	sshll.u32 s12, $0x4  }
0xc2: {  	s13 =	sor.u32 s5, s13  }
0xc3: {  	p2 =	sgt.u32 s13, $0x9B  }
.Ltmp5:
0xc4: {  	_ = 	snop;
	(pc) =	sbr.rel @p2 .LBB2_9-.Ltmp5, $1  }
0xc5: {  	_ =	sdelay $0x3  }
0xc6: {  	s14 =	sshll.u32 s13, $0x8  }
0xc7: {  	s13 =	simm.s32 $0x0;
	s16 =	sadd.s32 s7, s14  }
0xc8: {  	[tilespmem:s13], [sflag:$0x1] =	stream.linear.gather [hbm4b:s16+s13], $0x800, $0x38;
	[tilespmem:$0x1E590] =	vst v63  }
0xc9: {  	_ =	swait.ge [sflag:s0], $0x800  }
0xca: {  	[sflag:s0] =	ssyncset.done $0x0  }
0xcb: {  	s14 =	sadd.s32 s1, s14;
	[sflag:s0] =	ssyncadd.s32 $0xFFFFF800  }
0xcc: {  	[tilespmem:s30], [sflag:$0x1] =	stream.linear.gather [hbm4b:s14+s13], $0x800, $0x38;
	[tilespmem:$0x1E590] =	vst v63  }
0xcd: {  	_ =	swait.ge [sflag:s0], $0x800  }
0xce: {  	[sflag:s0] =	ssyncset.done $0x0  }
0xcf: {  	[sflag:s0] =	ssyncadd.s32 $0xFFFFF800  }
.LBB2_6:
0xd0: {  	s16 =	sshll.u32 s13, $0x7  }
0xd1: {  	v4 =	vld [tilespmem:s16+$0x800]  }
0xd2: {  	v5 =	vld [tilespmem:s16+$0x810]  }
0xd3: {  	v6 =	vld [tilespmem:s16+$0x820]  }
0xd4: {  	v7 =	vld [tilespmem:s16+$0x830]  }
0xd5: {  	v8 =	vld [tilespmem:s16+$0x840]  }
0xd6: {  	v9 =	vld [tilespmem:s16+$0x850];
	v4 =	vsub.s32 v4, v0  }
0xd7: {  	v10 =	vld [tilespmem:s16+$0x860];
	v5 =	vsub.s32 v5, v0;
	vm0 =	vlt.u32 v4, $0x1400  }
0xd8: {  	v11 =	vld [tilespmem:s16+$0x870];
	v6 =	vsub.s32 v6, v0;
	vm9 =	vlt.u32 v5, $0x1400;
	v4 =	vsel vm0, v4, v3  }
0xd9: {  	vm10 =	vlt.u32 v6, $0x1400;
	[tilespmem:s16+$0x1000] =	vst v4;
	v4 =	vsel vm9, v5, v3;
	v5 =	vsub.s32 v7, v0  }
0xda: {  	[tilespmem:s16+$0x1010] =	vst v4;
	v4 =	vsel vm10, v6, v3;
	vm11 =	vlt.u32 v5, $0x1400;
	v6 =	vsub.s32 v8, v0  }
0xdb: {  	[tilespmem:s16+$0x1020] =	vst v4;
	v4 =	vsel vm11, v5, v3;
	vm12 =	vlt.u32 v6, $0x1400;
	v5 =	vsub.s32 v9, v0  }
0xdc: {  	[tilespmem:s16+$0x1030] =	vst v4;
	v4 =	vsel vm12, v6, v3;
	vm13 =	vlt.u32 v5, $0x1400;
	v6 =	vsub.s32 v10, v0  }
0xdd: {  	[tilespmem:s16+$0x1040] =	vst v4;
	v4 =	vsel vm13, v5, v3;
	vm14 =	vlt.u32 v6, $0x1400;
	v5 =	vsub.s32 v11, v0  }
0xde: {  	[tilespmem:s16+$0x1050] =	vst v4;
	v4 =	vsel vm14, v6, v3;
	vm15 =	vlt.u32 v5, $0x1400  }
0xdf: {  	[tilespmem:s16+$0x1060] =	vst v4;
	v4 =	vsel vm15, v5, v3  }
0xe0: {  	s14 =	sand.u32 $0x3FFFFF80, s16;
	[tilespmem:s16+$0x1070] =	vst v4  }
0xe1: {  	[tilespmem:s9], [sflag:$0x2] =	stream.indirect.gather [hbm4b:s8+s6], $0x80, s14, s6, $0xb8;
	[tilespmem:$0x1E590] =	vst v63  }
0xe2: {  	_ =	swait.ge [sflag:s10], $0x4000  }
0xe3: {  	[sflag:s10] =	ssyncset.done $0x0  }
0xe4: {  	s19 =	simm.s32 $0x0;
	[sflag:s10] =	ssyncadd.s32 $0xFFFFC000  }
0xe5: {  	v5 =	vld [tilespmem:s19+$0x1870]  }
0xe6: {  	v9 =	vld [tilespmem:s19+$0x1800]  }
0xe7: {  	v10 =	vld [tilespmem:s19+$0x1810]  }
0xe8: {  	v8 =	vld [tilespmem:s19+$0x1820]  }
0xe9: {  	v6 =	vld [tilespmem:s19+$0x1830]  }
0xea: {  	v4 =	vld [tilespmem:s19+$0x1840];
	v11 =	vmul.f32 v5, v5  }
0xeb: {  	s18 =	simm.s32 $0x80;
	v5 =	vld [tilespmem:s19+$0x1850];
	v9 =	vmul.f32 v9, v9  }
0xec: {  	s20 =	simm.s32 $0x400;
	s14 =	sadd.s32 $0x800, s16;
	s16 =	sadd.s32 $0x1000, s16;
	v7 =	vld [tilespmem:s19+$0x1860];
	v10 =	vmul.f32 v10, v10;
	[tilespmem:s19+$0x5870] =	vst v11  }
.LBB2_7:
0xed: {  	p2 =	sne.s32 s20, $0xFE00;
	v11 =	vld [tilespmem:s18+$0x1870];
	[tilespmem:s19+$0x5800] =	vst v9;
	v8 =	vmul.f32 v8, v8  }
0xee: {  	v9 =	vld [tilespmem:s18+$0x1800];
	[tilespmem:s19+$0x5810] =	vst v10;
	v6 =	vmul.f32 v6, v6  }
0xef: {  	v10 =	vld [tilespmem:s18+$0x1810];
	[tilespmem:s19+$0x5820] =	vst v8;
	v4 =	vmul.f32 v4, v4  }
.Ltmp6:
0xf0: {  	v8 =	vld [tilespmem:s18+$0x1820];
	[tilespmem:s19+$0x5830] =	vst v6;
	v5 =	vmul.f32 v5, v5;
	(pc) =	sbr.rel @p2 .LBB2_7-.Ltmp6, $4  }
0xf1: {  	v6 =	vld [tilespmem:s18+$0x1830];
	[tilespmem:s19+$0x5840] =	vst v4;
	v7 =	vmul.f32 v7, v7  }
0xf2: {  	v4 =	vld [tilespmem:s18+$0x1840];
	v11 =	vmul.f32 v11, v11;
	[tilespmem:s19+$0x5850] =	vst v5  }
0xf3: {  	v9 =	vmul.f32 v9, v9;
	v5 =	vld [tilespmem:s18+$0x1850];
	[tilespmem:s19+$0x5860] =	vst v7;
	s19 =	smov.u32 s18  }
0xf4: {  	s18 =	sshra.s32 s20, $0x2;
	s20 =	sadd.s32 $0x200, s20;
	v10 =	vmul.f32 v10, v10;
	v7 =	vld [tilespmem:s19+$0x1860];
	[tilespmem:s19+$0x5870] =	vst v11  }
0xf5: {  	v11 =	vld [tilespmem:s18+$0x1870];
	[tilespmem:s19+$0x5800] =	vst v9;
	v8 =	vmul.f32 v8, v8  }
0xf6: {  	v9 =	vld [tilespmem:s18+$0x1800];
	[tilespmem:s19+$0x5810] =	vst v10;
	v6 =	vmul.f32 v6, v6  }
0xf7: {  	v10 =	vld [tilespmem:s18+$0x1810];
	[tilespmem:s19+$0x5820] =	vst v8;
	v4 =	vmul.f32 v4, v4  }
0xf8: {  	v8 =	vld [tilespmem:s18+$0x1820];
	[tilespmem:s19+$0x5830] =	vst v6;
	v5 =	vmul.f32 v5, v5  }
0xf9: {  	v6 =	vld [tilespmem:s18+$0x1830];
	[tilespmem:s19+$0x5840] =	vst v4;
	v7 =	vmul.f32 v7, v7  }
0xfa: {  	v4 =	vld [tilespmem:s18+$0x1840];
	[tilespmem:s19+$0x5850] =	vst v5;
	v11 =	vmul.f32 v11, v11  }
0xfb: {  	v5 =	vld [tilespmem:s18+$0x1850];
	[tilespmem:s19+$0x5860] =	vst v7;
	v61 =	vmul.f32 v9, v9  }
0xfc: {  	v62 =	vld [tilespmem:s18+$0x1860];
	v10 =	vmul.f32 v10, v10;
	[tilespmem:s18+$0x5870] =	vst v11  }
0xfd: {  	[tilespmem:s18+$0x5800] =	vst v61;
	v63 =	vmul.f32 v8, v8  }
0xfe: {  	[tilespmem:s18+$0x5810] =	vst v10;
	v6 =	vmul.f32 v6, v6  }
0xff: {  	[tilespmem:s18+$0x5820] =	vst v63;
	v4 =	vmul.f32 v4, v4  }
0x100: {  	[tilespmem:s18+$0x5830] =	vst v6;
	v5 =	vmul.f32 v5, v5  }
0x101: {  	[tilespmem:s18+$0x5840] =	vst v4;
	v4 =	vmul.f32 v62, v62  }
0x102: {  	[tilespmem:s18+$0x5850] =	vst v5  }
0x103: {  	[tilespmem:s18+$0x5860] =	vst v4  }
0x104: {  	[spmem:s2] =	stream.indirect.scatter.add.f32 [tilespmem:s9], [sflag:$0x2], $0x80, s16, s6, $0xb8;
	[tilespmem:$0x1E590] =	vst v63  }
0x105: {  	_ =	swait.ge [sflag:s10], $0x4000  }
0x106: {  	[sflag:s10] =	ssyncset.done $0x0  }
0x107: {  	[sflag:s10] =	ssyncadd.s32 $0xFFFFC000  }
0x108: {  	[spmem:s3] =	stream.indirect.scatter.add.f32 [tilespmem:s31], [sflag:$0x2], $0x80, s16, s6, $0xb8;
	[tilespmem:$0x1E590] =	vst v63  }
0x109: {  	s13 =	sadd.s32 $0x1, s13;
	_ =	swait.ge [sflag:s10], $0x4000  }
0x10a: {  	p2 =	sne.s32 s13, $0x10;
	[sflag:s10] =	ssyncset.done $0x0  }
0x10b: {  	s18 =	simm.s32 @!p0 $0x9800;
	s16 =	simm.s32 @!p0 $0x80;
	[sflag:s10] =	ssyncadd.s32 $0xFFFFC000  }
0x10c: {  	[spmem:s4] =	stream.indirect.scatter.add.f32 @!p0 [tilespmem:s18], [sflag:$0x1], $0x1, s14, s16, $0xb8;
	[tilespmem:$0x1E590] =	vst v63  }
.Ltmp7:
0x10d: {  	_ = 	snop;
	(pc) =	sbr.rel @p2 .LBB2_6-.Ltmp7, $4  }
.Ltmp8:
0x10e: {  	s14 =	simm.s32 @!p0 $0x1;
	(pc) =	sbr.rel @!p2 .LBB2_9-.Ltmp8, $4  }
0x10f: {  	_ =	swait.ge @!p0 [sflag:s14], $0x80  }
0x110: {  	[sflag:s14] =	ssyncset.done @!p0 $0x0  }
0x111: {  	[sflag:s14] =	ssyncadd.s32 @!p0 $0xFFFFFF80  }
0x112: {  	_ = 	snop  }
.LBB2_10:
.Ltmp9:
0x113: {  	(pc) =	sbr.rel @p1 .LBB2_15-.Ltmp9, $1  }
0x114: {  	_ =	sdelay $0x3  }
0x115: {  	s12 =	simm.s32 $0x0;
	s13 =	rddreg [dreg:$0xd]  }
0x116: {  	[tilespmem:s12], [sflag:$0x1] =	stream.linear.gather [hbm4b:s13+s12], $0x200, $0x38;
	[tilespmem:$0x1E590] =	vst v63  }
0x117: {  	_ =	swait.ge [sflag:s0], $0x200  }
0x118: {  	[sflag:s0] =	ssyncset.done $0x0  }
0x119: {  	s20 =	rddreg [dreg:$0x11];
	[sflag:s0] =	ssyncadd.s32 $0xFFFFFE00  }
0x11a: {  	[tilespmem:s30], [sflag:$0x1] =	stream.linear.gather [hbm4b:s20+s12], $0x200, $0x38;
	[tilespmem:$0x1E590] =	vst v63  }
0x11b: {  	_ =	swait.ge [sflag:s0], $0x200  }
0x11c: {  	[sflag:s0] =	ssyncset.done $0x0  }
0x11d: {  	[sflag:s0] =	ssyncadd.s32 $0xFFFFFE00  }
.LBB2_12:
0x11e: {  	s14 =	sshll.u32 s12, $0x7  }
0x11f: {  	v4 =	vld [tilespmem:s14+$0x800]  }
0x120: {  	v5 =	vld [tilespmem:s14+$0x810]  }
0x121: {  	v6 =	vld [tilespmem:s14+$0x820]  }
0x122: {  	v7 =	vld [tilespmem:s14+$0x830]  }
0x123: {  	v8 =	vld [tilespmem:s14+$0x840]  }
0x124: {  	v9 =	vld [tilespmem:s14+$0x850];
	v4 =	vsub.s32 v4, v0  }
0x125: {  	v10 =	vld [tilespmem:s14+$0x860];
	v5 =	vsub.s32 v5, v0;
	vm0 =	vlt.u32 v4, $0x1400  }
0x126: {  	v11 =	vld [tilespmem:s14+$0x870];
	v6 =	vsub.s32 v6, v0;
	vm9 =	vlt.u32 v5, $0x1400;
	v4 =	vsel vm0, v4, v3  }
0x127: {  	vm10 =	vlt.u32 v6, $0x1400;
	[tilespmem:s14+$0x1000] =	vst v4;
	v4 =	vsel vm9, v5, v3;
	v5 =	vsub.s32 v7, v0  }
0x128: {  	[tilespmem:s14+$0x1010] =	vst v4;
	v4 =	vsel vm10, v6, v3;
	vm11 =	vlt.u32 v5, $0x1400;
	v6 =	vsub.s32 v8, v0  }
0x129: {  	[tilespmem:s14+$0x1020] =	vst v4;
	v4 =	vsel vm11, v5, v3;
	vm12 =	vlt.u32 v6, $0x1400;
	v5 =	vsub.s32 v9, v0  }
0x12a: {  	[tilespmem:s14+$0x1030] =	vst v4;
	v4 =	vsel vm12, v6, v3;
	vm13 =	vlt.u32 v5, $0x1400;
	v6 =	vsub.s32 v10, v0  }
0x12b: {  	[tilespmem:s14+$0x1040] =	vst v4;
	v4 =	vsel vm13, v5, v3;
	vm14 =	vlt.u32 v6, $0x1400;
	v5 =	vsub.s32 v11, v0  }
0x12c: {  	[tilespmem:s14+$0x1050] =	vst v4;
	v4 =	vsel vm14, v6, v3;
	vm15 =	vlt.u32 v5, $0x1400  }
0x12d: {  	[tilespmem:s14+$0x1060] =	vst v4;
	v4 =	vsel vm15, v5, v3  }
0x12e: {  	s13 =	sand.u32 $0x3FFFFF80, s14;
	[tilespmem:s14+$0x1070] =	vst v4  }
0x12f: {  	[tilespmem:s9], [sflag:$0x2] =	stream.indirect.gather [hbm4b:s8+s6], $0x80, s13, s6, $0xb8;
	[tilespmem:$0x1E590] =	vst v63  }
0x130: {  	_ =	swait.ge [sflag:s10], $0x4000  }
0x131: {  	[sflag:s10] =	ssyncset.done $0x0  }
0x132: {  	s18 =	simm.s32 $0x0;
	[sflag:s10] =	ssyncadd.s32 $0xFFFFC000  }
0x133: {  	v5 =	vld [tilespmem:s18+$0x1870]  }
0x134: {  	v9 =	vld [tilespmem:s18+$0x1800]  }
0x135: {  	v10 =	vld [tilespmem:s18+$0x1810]  }
0x136: {  	v8 =	vld [tilespmem:s18+$0x1820]  }
0x137: {  	v6 =	vld [tilespmem:s18+$0x1830]  }
0x138: {  	v4 =	vld [tilespmem:s18+$0x1840];
	v11 =	vmul.f32 v5, v5  }
0x139: {  	s16 =	simm.s32 $0x80;
	v5 =	vld [tilespmem:s18+$0x1850];
	v9 =	vmul.f32 v9, v9  }
0x13a: {  	s19 =	simm.s32 $0x400;
	s13 =	sadd.s32 $0x800, s14;
	s14 =	sadd.s32 $0x1000, s14;
	v7 =	vld [tilespmem:s18+$0x1860];
	v10 =	vmul.f32 v10, v10;
	[tilespmem:s18+$0x5870] =	vst v11  }
.LBB2_13:
0x13b: {  	p2 =	sne.s32 s19, $0xFE00;
	v11 =	vld [tilespmem:s16+$0x1870];
	[tilespmem:s18+$0x5800] =	vst v9;
	v8 =	vmul.f32 v8, v8  }
0x13c: {  	v9 =	vld [tilespmem:s16+$0x1800];
	[tilespmem:s18+$0x5810] =	vst v10;
	v6 =	vmul.f32 v6, v6  }
0x13d: {  	v10 =	vld [tilespmem:s16+$0x1810];
	[tilespmem:s18+$0x5820] =	vst v8;
	v4 =	vmul.f32 v4, v4  }
.Ltmp10:
0x13e: {  	v8 =	vld [tilespmem:s16+$0x1820];
	[tilespmem:s18+$0x5830] =	vst v6;
	v5 =	vmul.f32 v5, v5;
	(pc) =	sbr.rel @p2 .LBB2_13-.Ltmp10, $4  }
0x13f: {  	v6 =	vld [tilespmem:s16+$0x1830];
	[tilespmem:s18+$0x5840] =	vst v4;
	v7 =	vmul.f32 v7, v7  }
0x140: {  	v4 =	vld [tilespmem:s16+$0x1840];
	v11 =	vmul.f32 v11, v11;
	[tilespmem:s18+$0x5850] =	vst v5  }
0x141: {  	v9 =	vmul.f32 v9, v9;
	v5 =	vld [tilespmem:s16+$0x1850];
	[tilespmem:s18+$0x5860] =	vst v7;
	s18 =	smov.u32 s16  }
0x142: {  	s16 =	sshra.s32 s19, $0x2;
	s19 =	sadd.s32 $0x200, s19;
	v10 =	vmul.f32 v10, v10;
	v7 =	vld [tilespmem:s18+$0x1860];
	[tilespmem:s18+$0x5870] =	vst v11  }
0x143: {  	v11 =	vld [tilespmem:s16+$0x1870];
	[tilespmem:s18+$0x5800] =	vst v9;
	v8 =	vmul.f32 v8, v8  }
0x144: {  	v9 =	vld [tilespmem:s16+$0x1800];
	[tilespmem:s18+$0x5810] =	vst v10;
	v6 =	vmul.f32 v6, v6  }
0x145: {  	v10 =	vld [tilespmem:s16+$0x1810];
	[tilespmem:s18+$0x5820] =	vst v8;
	v4 =	vmul.f32 v4, v4  }
0x146: {  	v8 =	vld [tilespmem:s16+$0x1820];
	[tilespmem:s18+$0x5830] =	vst v6;
	v5 =	vmul.f32 v5, v5  }
0x147: {  	v6 =	vld [tilespmem:s16+$0x1830];
	[tilespmem:s18+$0x5840] =	vst v4;
	v7 =	vmul.f32 v7, v7  }
0x148: {  	v4 =	vld [tilespmem:s16+$0x1840];
	[tilespmem:s18+$0x5850] =	vst v5;
	v11 =	vmul.f32 v11, v11  }
0x149: {  	v5 =	vld [tilespmem:s16+$0x1850];
	[tilespmem:s18+$0x5860] =	vst v7;
	v61 =	vmul.f32 v9, v9  }
0x14a: {  	v62 =	vld [tilespmem:s16+$0x1860];
	v10 =	vmul.f32 v10, v10;
	[tilespmem:s16+$0x5870] =	vst v11  }
0x14b: {  	[tilespmem:s16+$0x5800] =	vst v61;
	v63 =	vmul.f32 v8, v8  }
0x14c: {  	[tilespmem:s16+$0x5810] =	vst v10;
	v6 =	vmul.f32 v6, v6  }
0x14d: {  	[tilespmem:s16+$0x5820] =	vst v63;
	v4 =	vmul.f32 v4, v4  }
0x14e: {  	[tilespmem:s16+$0x5830] =	vst v6;
	v5 =	vmul.f32 v5, v5  }
0x14f: {  	[tilespmem:s16+$0x5840] =	vst v4;
	v4 =	vmul.f32 v62, v62  }
0x150: {  	[tilespmem:s16+$0x5850] =	vst v5  }
0x151: {  	[tilespmem:s16+$0x5860] =	vst v4  }
0x152: {  	[spmem:s2] =	stream.indirect.scatter.add.f32 [tilespmem:s9], [sflag:$0x2], $0x80, s14, s6, $0xb8;
	[tilespmem:$0x1E590] =	vst v63  }
0x153: {  	_ =	swait.ge [sflag:s10], $0x4000  }
0x154: {  	[sflag:s10] =	ssyncset.done $0x0  }
0x155: {  	[sflag:s10] =	ssyncadd.s32 $0xFFFFC000  }
0x156: {  	[spmem:s3] =	stream.indirect.scatter.add.f32 [tilespmem:s31], [sflag:$0x2], $0x80, s14, s6, $0xb8;
	[tilespmem:$0x1E590] =	vst v63  }
0x157: {  	s12 =	sadd.s32 $0x1, s12;
	_ =	swait.ge [sflag:s10], $0x4000  }
0x158: {  	p2 =	sne.s32 s12, $0x4;
	[sflag:s10] =	ssyncset.done $0x0  }
0x159: {  	s16 =	simm.s32 @!p0 $0x9800;
	s14 =	simm.s32 @!p0 $0x80;
	[sflag:s10] =	ssyncadd.s32 $0xFFFFC000  }
0x15a: {  	[spmem:s4] =	stream.indirect.scatter.add.f32 @!p0 [tilespmem:s16], [sflag:$0x1], $0x1, s13, s14, $0xb8;
	[tilespmem:$0x1E590] =	vst v63  }
.Ltmp11:
0x15b: {  	_ = 	snop;
	(pc) =	sbr.rel @p2 .LBB2_12-.Ltmp11, $4  }
.Ltmp12:
0x15c: {  	s13 =	simm.s32 @!p0 $0x1;
	(pc) =	sbr.rel @!p2 .LBB2_15-.Ltmp12, $4  }
0x15d: {  	_ =	swait.ge @!p0 [sflag:s13], $0x80  }
0x15e: {  	[sflag:s13] =	ssyncset.done @!p0 $0x0  }
0x15f: {  	[sflag:s13] =	ssyncadd.s32 @!p0 $0xFFFFFF80  }
0x160: {  	_ = 	snop  }
.LBB2_16:
0x161: {  	_ =	sfence.sel $0x180000  }
0x162: {  	[bflag:$0x0] =	sbarrier.arrive $0xFFFF  }
0x163: {  	_ =	strace $0x90000047  }
0x164: {  	[bflag:$0x2] =	sbarrier.arrive $0xFFFF  }
0x165: {  	p0 =	sne.s32 s5, $0x0;
	s0 =	rddreg [dreg:$0x5]  }
0x166: {  	s0 =	sadd.s32 @!p0 $0x100000, s0  }
0x167: {  	[sflag:s0] =	ssyncadd.tile.s32 @!p0 $0x1;
	_ =	shalt  }
.Lfunc_end2:
_tile_overlayer_lowered:
.L_overlay_start_2:
0x168: {  	(tag) =	ssettag $0x2  }
0x169: {  	s0 =	rddreg [dreg:$0x0];
	s2 =	stileid.u32  }
0x16a: {  	s1 =	rddreg [dreg:$0x1];
	p0 =	sne.s32 s2, $0x0  }
0x16b: {  	s3 =	rddreg [dreg:$0x2];
	[bflag:$0x3] =	sbarrier.arrive $0xFFFF;
	s2 =	simm.s32 @!p0 $0x1C01  }
0x16c: {  	[timem:s3], [sflag:s2] =	dma.local @!p0 [hbm:s0], s1  }
0x16d: {  	s0 =	simm.s32 @!p0 $0x1  }
0x16e: {  	_ =	swait.ge @!p0 [sflag:s0], s1  }
0x16f: {  	s1 =	ssub.s32 @!p0 $0x0, s1;
	[sflag:s0] =	ssyncset.done @!p0 $0x0  }
0x170: {  	[sflag:s0] =	ssyncadd.s32 @!p0 s1  }
0x171: {  	[bflag:$0x3] =	sbarrier.arrive $0xFFFF  }
0x172: {  	_ =	shalt  }

</sc_bundles>
